<compile_context>
chip_gen: v7x
topology: tpu7x:2x2x1
jax: 0.10.2.dev20260603
libtpu: 0.0.44.dev20260713+nightly
codegen_flags: <defaults>
</compile_context>

<pallas_src>
import functools

import jax
import jax.numpy as jnp
from jax import lax
from jax.experimental import pallas as pl
from jax.experimental.pallas import tpu as pltpu
from jax.experimental.pallas import tpu_sc as plsc

_B = 4096
_LT = 20
_LG = 8
_DT = 64
_DI = 64
_DG = 32
_VG = 32
_GW = 128
_BB = 512


_HALF = 57344
_TR = 8192


def _eye64():
    r = lax.broadcasted_iota(jnp.int32, (_DT, _DT), 0)
    c = lax.broadcasted_iota(jnp.int32, (_DT, _DT), 1)
    return (r == c).astype(jnp.float32)


def _pack_body(x1_ref, x2_ref, o_ref):
    eye = _eye64().astype(jnp.bfloat16)
    dn = (((0,), (0,)), ((), ()))
    o_ref[:, 0:_DT] = lax.dot_general(
        x1_ref[...].astype(jnp.bfloat16), eye, dn,
        preferred_element_type=jnp.float32)
    o_ref[:, _DT:] = lax.dot_general(
        x2_ref[...].astype(jnp.bfloat16), eye, dn,
        preferred_element_type=jnp.float32)


def _pack_table(table_t):
    return pl.pallas_call(
        _pack_body,
        grid=(_HALF // _TR,),
        in_specs=[
            pl.BlockSpec((_DT, _TR), lambda q: (0, q)),
            pl.BlockSpec(
                (_DT, _TR),
                lambda q: (0, jnp.minimum(q + _HALF // _TR, 100000 // _TR)),
            ),
        ],
        out_specs=pl.BlockSpec((_TR, 128), lambda q: (q, 0)),
        out_shape=jax.ShapeDtypeStruct((_HALF, 128), jnp.float32),
        compiler_params=pltpu.CompilerParams(
            dimension_semantics=("arbitrary",)),
    )(table_t, table_t)


def _sc_gather(table, idx2d):
    n = idx2d.shape[1]
    mesh = plsc.VectorSubcoreMesh(core_axis_name="c", subcore_axis_name="s")

    @functools.partial(
        pl.kernel,
        out_type=jax.ShapeDtypeStruct((n, 128), table.dtype),
        mesh=mesh,
    )
    def k(tab_hbm, idx_hbm, rows_hbm):
        def body(i_vmem, o_vmem):
            pltpu.sync_copy(tab_hbm.at[i_vmem.at[0]], o_vmem)

        pltpu.emit_pipeline(
            body,
            grid=(n // _GW,),
            in_specs=[pl.BlockSpec((1, _GW), lambda i: (0, i))],
            out_specs=[pl.BlockSpec((_GW, 128), lambda i: (i, 0))],
            core_axis_name=("c", "s"),
            dimension_semantics=(pltpu.PARALLEL,),
        )(idx_hbm, rows_hbm)

    return k(table, idx2d)


def _tc_body(tidx_ref, gp_ref, trows_ref, irows_ref, t0_ref,
             gtab_ref, w1_ref, b1_ref, w2_ref, b2_ref, out_ref):
    tidx = tidx_ref[...]
    tsum = jnp.zeros((tidx.shape[0], _DT), jnp.float32)
    for l in range(_LT):
        row = trows_ref[l]
        podd = tidx[:, l:l + 1] >= _HALF
        tsum = tsum + jnp.where(podd, row[:, _DT:], row[:, :_DT])
    tcnt = jnp.sum((tidx != 0).astype(jnp.float32), axis=1)
    n0 = _LT - tcnt
    t0 = t0_ref[0:1, :_DT]
    pooled_t = (tsum - n0[:, None] * t0) / jnp.maximum(tcnt, 1.0)[:, None]

    irows = irows_ref[...]
    iodd = gp_ref[...][:, _LG:_LG + 1] >= _HALF
    id_emb = jnp.where(iodd, irows[:, _DT:], irows[:, :_DT])

    g = gp_ref[...][:, 0:_LG]
    vg_iota = lax.broadcasted_iota(jnp.int32, (1, 1, _VG), 2)
    onehot = ((g[:, :, None] == vg_iota) & (g[:, :, None] != 0)).astype(jnp.float32)
    counts = jnp.sum(onehot, axis=1)
    gcnt = jnp.sum((g != 0).astype(jnp.float32), axis=1)
    gsum = jnp.dot(counts, gtab_ref[...], preferred_element_type=jnp.float32)
    pooled_g = gsum / jnp.maximum(gcnt, 1.0)[:, None]

    w1 = w1_ref[...]
    h = (jnp.dot(pooled_t, w1[0:_DT], preferred_element_type=jnp.float32)
         + jnp.dot(id_emb, w1[_DT:_DT + _DI], preferred_element_type=jnp.float32)
         + jnp.dot(pooled_g, w1[_DT + _DI:], preferred_element_type=jnp.float32)
         + b1_ref[...])
    h = jnp.maximum(h, 0.0)
    out = jnp.dot(h, w2_ref[...], preferred_element_type=jnp.float32) + b2_ref[...]
    out = jnp.maximum(out, 0.0)
    sq = jnp.sum(out * out, axis=-1, keepdims=True)
    out_ref[...] = out * lax.rsqrt(jnp.maximum(sq, 1e-12))


def kernel(movie_id, movie_title, movie_genres, movie_id_table, title_table,
           genre_table, W1, b1, W2, b2):
    tidx = movie_title.astype(jnp.int32)
    tidxT = tidx.T
    iidx = movie_id.astype(jnp.int32)
    gp = jnp.concatenate(
        [movie_genres.astype(jnp.int32), iidx[:, None]], axis=1)
    tg = jnp.where(tidxT >= _HALF, tidxT - _HALF, tidxT)
    ig = jnp.where(iidx >= _HALF, iidx - _HALF, iidx)

    hb = _B // 2
    t2 = _pack_table(title_table.T)
    trows1 = _sc_gather(t2, tg[:, :hb].reshape(1, hb * _LT))
    i2 = _pack_table(movie_id_table.T)
    irows1 = _sc_gather(i2, ig[:hb].reshape(1, hb))
    trows2 = _sc_gather(t2, tg[:, hb:].reshape(1, hb * _LT))
    irows2 = _sc_gather(i2, ig[hb:].reshape(1, hb))


    t0 = t2[0:1]
    b1r = b1.reshape(1, 64)
    b2r = b2.reshape(1, 32)
    out1 = _tc_call(0, tidx, gp, trows1.reshape(_LT, hb, 128),
                    irows1, t0, genre_table, W1, b1r, W2, b2r)
    out2 = _tc_call(hb // _BB, tidx, gp, trows2.reshape(_LT, hb, 128),
                    irows2, t0, genre_table, W1, b1r, W2, b2r)
    return jnp.concatenate([out1, out2], axis=0)


def _tc_call(off, tidx, gp, trows3, irows, t0, genre_table, W1, b1r, W2, b2r):
    nb = trows3.shape[1]
    return pl.pallas_call(
        _tc_body,
        grid=(nb // _BB,),
        in_specs=[
            pl.BlockSpec((_BB, _LT), lambda i: (i + off, 0)),
            pl.BlockSpec((_BB, _LG + 1), lambda i: (i + off, 0)),
            pl.BlockSpec((_LT, _BB, 128), lambda i: (0, i, 0)),
            pl.BlockSpec((_BB, 128), lambda i: (i, 0)),
            pl.BlockSpec((1, 128), lambda i: (0, 0)),
            pl.BlockSpec((_VG, _DG), lambda i: (0, 0)),
            pl.BlockSpec((_DT + _DI + _DG, 64), lambda i: (0, 0)),
            pl.BlockSpec((1, 64), lambda i: (0, 0)),
            pl.BlockSpec((64, 32), lambda i: (0, 0)),
            pl.BlockSpec((1, 32), lambda i: (0, 0)),
        ],
        out_specs=pl.BlockSpec((_BB, 32), lambda i: (i, 0)),
        out_shape=jax.ShapeDtypeStruct((nb, 32), jnp.float32),
        compiler_params=pltpu.CompilerParams(
            dimension_semantics=("arbitrary",)),
    )(tidx, gp, trows3, irows, t0, genre_table, W1, b1r, W2, b2r)

# --- scband reference (transcript-rebuilt; emitter-appended) ---
"""Pipeline reference for scband-movie-model-62182536512407 (READ-ONLY COPY).

The authoritative reference and input builder live on the scoring server;
editing this copy changes nothing except your own understanding.
"""

import jax, jax.numpy as jnp
import numpy as np

B = 4096
L_TITLE = 20
L_GENRE = 8
V_ID = 100000
V_TITLE = 100000
V_GENRE = 32
D_ID = 64
D_TITLE = 64
D_GENRE = 32


def setup_inputs(seed: int = 0) -> dict:
    key = jax.random.key(seed)
    ks = jax.random.split(key, 10)
    movie_id = jax.random.randint(ks[0], (B,), 0, V_ID)
    movie_title = jax.random.randint(ks[1], (B, L_TITLE), 0, V_TITLE)
    movie_genres = jax.random.randint(ks[2], (B, L_GENRE), 0, V_GENRE)
    movie_id_table = jax.random.normal(ks[3], (V_ID, D_ID), dtype=jnp.float32) * 0.05
    title_table = jax.random.normal(ks[4], (V_TITLE, D_TITLE), dtype=jnp.float32) * 0.05
    genre_table = jax.random.normal(ks[5], (V_GENRE, D_GENRE), dtype=jnp.float32) * 0.05
    W1 = jax.random.normal(ks[6], (D_TITLE + D_ID + D_GENRE, 64), dtype=jnp.float32) * (1.0 / np.sqrt(D_TITLE + D_ID + D_GENRE))
    b1 = jnp.zeros((64,), dtype=jnp.float32)
    W2 = jax.random.normal(ks[7], (64, 32), dtype=jnp.float32) * (1.0 / np.sqrt(64))
    b2 = jnp.zeros((32,), dtype=jnp.float32)
    return {
        "movie_id": movie_id,
        "movie_title": movie_title,
        "movie_genres": movie_genres,
        "movie_id_table": movie_id_table,
        "title_table": title_table,
        "genre_table": genre_table,
        "W1": W1,
        "b1": b1,
        "W2": W2,
        "b2": b2,
    }


def _masked_mean(emb, ids):
    # Keras Embedding(mask_zero=True) + GlobalAveragePooling1D: average over non-pad (!=0) steps
    mask = (ids != 0).astype(emb.dtype)[..., None]
    s = jnp.sum(emb * mask, axis=1)
    c = jnp.maximum(jnp.sum(mask, axis=1), 1.0)
    return s / c


def reference(movie_id, movie_title, movie_genres, movie_id_table, title_table, genre_table, W1, b1, W2, b2):
    title_emb = jnp.take(title_table, movie_title, axis=0)   # [B, L_TITLE, 64]
    title_pooled = _masked_mean(title_emb, movie_title)      # [B, 64]
    id_emb = jnp.take(movie_id_table, movie_id, axis=0)      # [B, 64]
    genre_emb = jnp.take(genre_table, movie_genres, axis=0)  # [B, L_GENRE, 32]
    genre_pooled = _masked_mean(genre_emb, movie_genres)     # [B, 32]
    x = jnp.concatenate([title_pooled, id_emb, genre_pooled], axis=-1)  # [B, 160]
    h = jax.nn.relu(jnp.dot(x, W1) + b1)
    out = jax.nn.relu(jnp.dot(h, W2) + b2)
    # tf.math.l2_normalize with default epsilon 1e-12
    sq = jnp.sum(out * out, axis=-1, keepdims=True)
    return out * jax.lax.rsqrt(jnp.maximum(sq, 1e-12))

if __name__ == "__main__":
    import jax
    _d = setup_inputs()
    print(jax.jit(kernel)(*tuple(_d.values())))

</pallas_src>

<mosaic_0001>
#map = affine_map<(d0, d1) -> (0, 0)>
module attributes {stable_mosaic.version = 14 : i64} {
  func.func @k(%arg0: i32, %arg1: i32, %arg2: memref<57344x128xf32, #tpu.memory_space<hbm>>, %arg3: memref<1x2048xi32, #tpu.memory_space<hbm>>, %arg4: memref<2048x128xf32, #tpu.memory_space<hbm>>) attributes {dimension_semantics = [#tpu.dimension_semantics<core_parallel>, #tpu.dimension_semantics<subcore_parallel>], iteration_bounds = array<i64: 2, 16>, scalar_prefetch = 0 : i64, scratch_operands = 0 : i64, tpu.core_type = #tpu.core_type<sc_vector_subcore>, window_params = [{transform_indices = #map}, {transform_indices = #map}, {transform_indices = #map}]} {
    %mul3A = arith.constant 1 : i32
    %mul3A_0 = arith.muli %arg1, %mul3A : i32
    %add3A = arith.constant 0 : i32
    %add3A_1 = arith.addi %add3A, %mul3A_0 : i32
    %mul3A_2 = arith.constant 16 : i32
    %mul3A_3 = arith.muli %arg0, %mul3A_2 : i32
    %add3A_4 = arith.addi %add3A_1, %mul3A_3 : i32
    %lt3A = arith.constant 16 : i32
    %lt3A_5 = arith.cmpi slt, %add3A_4, %lt3A : i32
    %jit3A = arith.constant 1 : i32
    %jit3A_6 = arith.constant 0 : i32
    %select_n3A = arith.select %lt3A_5, %jit3A, %jit3A_6 : i32
    %lt3A_7 = arith.constant 16 : i32
    %lt3A_8 = arith.cmpi slt, %add3A_4, %lt3A_7 : i32
    %mul3A_9 = arith.muli %add3A_4, %select_n3A : i32
    %mul3A_10 = arith.constant 0 : i32
    %mul3A_11 = arith.muli %add3A_4, %mul3A_10 : i32
    %add3A_12 = arith.constant 16 : i32
    %add3A_13 = arith.addi %mul3A_11, %add3A_12 : i32
    %select_n3A_14 = arith.select %lt3A_8, %mul3A_9, %add3A_13 : i32
    %mul3A_15 = arith.constant 1 : i32
    %mul3A_16 = arith.muli %mul3A_15, %select_n3A : i32
    "tpu.region"() ({
      %run_scoped3A = memref.alloca() : memref<2x1x128xi32, #tpu.memory_space<vmem>>
      %run_scoped3A_17 = tpu.sem_alloc : memref<2x!tpu.dma_semaphore, #tpu.memory_space<semaphore_mem>>
      %run_scoped3A_18 = memref.alloca() : memref<2x128x128xf32, #tpu.memory_space<vmem>>
      %run_scoped3A_19 = tpu.sem_alloc : memref<2x!tpu.dma_semaphore, #tpu.memory_space<semaphore_mem>>
      %gt3A = arith.constant 0 : i32
      %gt3A_20 = arith.cmpi sgt, %mul3A_16, %gt3A : i32
      %convert_element_type3A = arith.extui %gt3A_20 : i1 to i32
      %cond3A = arith.constant 0 : i32
      %cond3A_21 = arith.cmpi ne, %convert_element_type3A, %cond3A : i32
      scf.if %cond3A_21 {
        %mul3A_22 = arith.constant 1 : i32
        %mul3A_23 = arith.muli %mul3A_22, %select_n3A : i32
        %sub3A = arith.constant 1 : i32
        %sub3A_24 = arith.subi %mul3A_23, %sub3A : i32
        %eq3A = arith.constant 0 : i32
        %eq3A_25 = arith.cmpi eq, %sub3A_24, %eq3A : i32
        %add3A_26 = arith.constant 0 : i32
        %add3A_27 = arith.addi %add3A_26, %select_n3A_14 : i32
        %select_n3A_28 = arith.constant true
        %select_n3A_29 = arith.constant 0 : i32
        %select_n3A_30 = arith.constant -1 : i32
        %select_n3A_31 = arith.select %select_n3A_28, %select_n3A_30, %select_n3A_29 : i32
        %eq3A_32 = arith.constant -1 : i32
        %eq3A_33 = arith.cmpi eq, %select_n3A_31, %eq3A_32 : i32
        %sub3A_34 = arith.constant 1 : i32
        %sub3A_35 = arith.subi %select_n3A, %sub3A_34 : i32
        %select_n3A_36 = arith.select %eq3A_33, %sub3A_35, %select_n3A_31 : i32
        %add3A_37 = arith.addi %select_n3A_36, %select_n3A_14 : i32
        %select_n3A_38 = arith.constant true
        %select_n3A_39 = arith.constant 0 : i32
        %select_n3A_40 = arith.constant 1 : i32
        %select_n3A_41 = arith.select %select_n3A_38, %select_n3A_40, %select_n3A_39 : i32
        %eq3A_42 = arith.cmpi eq, %select_n3A_41, %select_n3A : i32
        %select_n3A_43 = arith.constant 0 : i32
        %select_n3A_44 = arith.select %eq3A_42, %select_n3A_43, %select_n3A_41 : i32
        %add3A_45 = arith.addi %select_n3A_44, %select_n3A_14 : i32
        %add3A_46 = arith.constant 1 : i32
        %add3A_47 = arith.addi %select_n3A_44, %add3A_46 : i32
        %select_n3A_48 = arith.constant true
        %select_n3A_49 = arith.select %select_n3A_48, %add3A_47, %select_n3A_44 : i32
        %eq3A_50 = arith.cmpi eq, %select_n3A_49, %select_n3A : i32
        %select_n3A_51 = arith.constant 0 : i32
        %select_n3A_52 = arith.select %eq3A_50, %select_n3A_51, %select_n3A_49 : i32
        %add3A_53 = arith.addi %select_n3A_52, %select_n3A_14 : i32
        "tpu.trace_start"() <{level = 10 : i32, message = "ep_initialize_0"}> : () -> ()
        %rem3A = arith.constant 0 : i32
        %rem3A_54 = arith.constant 2 : i32
        %rem3A_55 = arith.remui %rem3A, %rem3A_54 : i32
        %mul3A_56 = arith.constant 128 : i32
        %mul3A_57 = arith.muli %mul3A_56, %add3A_27 : i32
        %dma_start3A = arith.constant 0 : i32
        %dma_start3A_58 = arith.constant 0 : i32
        %dma_start3A_59 = tpu.memref_slice %run_scoped3A[%rem3A_55, %dma_start3A, %dma_start3A_58] : memref<2x1x128xi32, #tpu.memory_space<vmem>> -> memref<1x1x128xi32, #tpu.memory_space<vmem>>
        %dma_start3A_60 = tpu.memref_squeeze %dma_start3A_59 : memref<1x1x128xi32, #tpu.memory_space<vmem>> -> memref<1x128xi32, #tpu.memory_space<vmem>>
        %dma_start3A_61 = arith.constant 0 : i32
        %dma_start3A_62 = tpu.memref_slice %arg3[%dma_start3A_61, %mul3A_57] : memref<1x2048xi32, #tpu.memory_space<hbm>> -> memref<1x128xi32, #tpu.memory_space<hbm>>
        %dma_start3A_63 = tpu.memref_slice %run_scoped3A_17[%rem3A_55] : memref<2x!tpu.dma_semaphore, #tpu.memory_space<semaphore_mem>> -> memref<1x!tpu.dma_semaphore, #tpu.memory_space<semaphore_mem>>
        %dma_start3A_64 = tpu.memref_squeeze %dma_start3A_63 : memref<1x!tpu.dma_semaphore, #tpu.memory_space<semaphore_mem>> -> memref<!tpu.dma_semaphore, #tpu.memory_space<semaphore_mem>>
        %dma_start3A_65 = arith.constant 0 : i32
        %dma_start3A_66 = arith.constant 0 : i32
        %dma_start3A_67 = tpu.memref_slice %run_scoped3A[%rem3A_55, %dma_start3A_65, %dma_start3A_66] : memref<2x1x128xi32, #tpu.memory_space<vmem>> -> memref<1x1x128xi32, #tpu.memory_space<vmem>>
        %dma_start3A_68 = tpu.memref_squeeze %dma_start3A_67 : memref<1x1x128xi32, #tpu.memory_space<vmem>> -> memref<1x128xi32, #tpu.memory_space<vmem>>
        %dma_start3A_69 = arith.constant 0 : i32
        %dma_start3A_70 = tpu.memref_slice %arg3[%dma_start3A_69, %mul3A_57] : memref<1x2048xi32, #tpu.memory_space<hbm>> -> memref<1x128xi32, #tpu.memory_space<hbm>>
        tpu.enqueue_dma source(%dma_start3A_70 : memref<1x128xi32, #tpu.memory_space<hbm>>) target(%dma_start3A_68 : memref<1x128xi32, #tpu.memory_space<vmem>>) target_semaphore(%dma_start3A_64 : memref<!tpu.dma_semaphore, #tpu.memory_space<semaphore_mem>>)
        %add3A_71 = arith.constant 0 : i32
        %add3A_72 = arith.constant 1 : i32
        %add3A_73 = arith.addi %add3A_71, %add3A_72 : i32
        %select_n3A_74 = arith.constant true
        %select_n3A_75 = arith.constant 0 : i32
        %select_n3A_76 = arith.select %select_n3A_74, %add3A_73, %select_n3A_75 : i32
        %while3A = arith.constant 0 : i32
        %while3A_77 = arith.constant 0 : i32
        %while3A_78 = arith.constant 0 : i32
        %while3A_79 = arith.constant 0 : i32
        %while3A_80 = arith.constant 0 : i32
        "tpu.trace_stop"() : () -> ()
        %while3A_81 = arith.subi %mul3A_16, %while3A : i32
        %while3A_82 = arith.addi %while3A, %while3A_81 : i32
        %while3A_83 = arith.constant 1 : i32
        %while3A_84 = arith.divsi %while3A_81, %while3A_83 : i32
        %while3A_85 = arith.muli %while3A_84, %while3A_83 : i32
        %while3A_86 = arith.addi %while3A, %while3A_85 : i32
        %while3A_87 = arith.constant 1 : i32
        %while3A_88:5 = scf.for %while3A_142 = %while3A to %while3A_86 step %while3A_87 iter_args(%while3A_143 = %select_n3A_76, %while3A_144 = %while3A_77, %while3A_145 = %while3A_78, %while3A_146 = %while3A_79, %while3A_147 = %while3A_80) -> (i32, i32, i32, i32, i32)  : i32 {
          %mul3A_148 = arith.constant 1 : i32
          %mul3A_149 = arith.muli %mul3A_148, %select_n3A : i32
          %eq3A_150 = arith.constant 0 : i32
          %eq3A_151 = arith.cmpi eq, %while3A_142, %eq3A_150 : i32
          %sub3A_152 = arith.constant 1 : i32
          %sub3A_153 = arith.subi %mul3A_149, %sub3A_152 : i32
          %eq3A_154 = arith.cmpi eq, %while3A_142, %sub3A_153 : i32
          %add3A_155 = arith.addi %while3A_147, %select_n3A_14 : i32
          %sub3A_156 = arith.constant 1 : i32
          %sub3A_157 = arith.subi %while3A_147, %sub3A_156 : i32
          %select_n3A_158 = arith.constant true
          %select_n3A_159 = arith.select %select_n3A_158, %sub3A_157, %while3A_147 : i32
          %eq3A_160 = arith.constant -1 : i32
          %eq3A_161 = arith.cmpi eq, %select_n3A_159, %eq3A_160 : i32
          %sub3A_162 = arith.constant 1 : i32
          %sub3A_163 = arith.subi %select_n3A, %sub3A_162 : i32
          %select_n3A_164 = arith.select %eq3A_161, %sub3A_163, %select_n3A_159 : i32
          %add3A_165 = arith.addi %select_n3A_164, %select_n3A_14 : i32
          %add3A_166 = arith.constant 1 : i32
          %add3A_167 = arith.addi %while3A_147, %add3A_166 : i32
          %select_n3A_168 = arith.constant true
          %select_n3A_169 = arith.select %select_n3A_168, %add3A_167, %while3A_147 : i32
          %eq3A_170 = arith.cmpi eq, %select_n3A_169, %select_n3A : i32
          %select_n3A_171 = arith.constant 0 : i32
          %select_n3A_172 = arith.select %eq3A_170, %select_n3A_171, %select_n3A_169 : i32
          %add3A_173 = arith.addi %select_n3A_172, %select_n3A_14 : i32
          %add3A_174 = arith.constant 1 : i32
          %add3A_175 = arith.addi %select_n3A_172, %add3A_174 : i32
          %select_n3A_176 = arith.constant true
          %select_n3A_177 = arith.select %select_n3A_176, %add3A_175, %select_n3A_172 : i32
          %eq3A_178 = arith.cmpi eq, %select_n3A_177, %select_n3A : i32
          %select_n3A_179 = arith.constant 0 : i32
          %select_n3A_180 = arith.select %eq3A_178, %select_n3A_179, %select_n3A_177 : i32
          %add3A_181 = arith.addi %select_n3A_180, %select_n3A_14 : i32
          %ne3A = arith.cmpi ne, %add3A_155, %add3A_173 : i32
          %or3A = arith.constant false
          %or3A_182 = arith.ori %or3A, %ne3A : i1
          %sub3A_183 = arith.constant 2 : i32
          %sub3A_184 = arith.subi %mul3A_149, %sub3A_183 : i32
          %add3A_185 = arith.constant 1 : i32
          %add3A_186 = arith.addi %sub3A_184, %add3A_185 : i32
          %ge3A = arith.cmpi sge, %while3A_142, %add3A_186 : i32
          %not3A = arith.constant true
          %not3A_187 = arith.xori %ge3A, %not3A : i1
          %and3A = arith.andi %or3A_182, %not3A_187 : i1
          %convert_element_type3A_188 = arith.extui %and3A : i1 to i32
          %cond3A_189 = arith.constant 0 : i32
          %cond3A_190 = arith.cmpi ne, %convert_element_type3A_188, %cond3A_189 : i32
          scf.if %cond3A_190 {
            "tpu.trace_start"() <{level = 10 : i32, message = "ep_copy_in"}> : () -> ()
            %rem3A_294 = arith.constant 2 : i32
            %rem3A_295 = arith.remui %while3A_143, %rem3A_294 : i32
            %mul3A_296 = arith.constant 128 : i32
            %mul3A_297 = arith.muli %mul3A_296, %add3A_173 : i32
            %dma_start3A_298 = arith.constant 0 : i32
            %dma_start3A_299 = arith.constant 0 : i32
            %dma_start3A_300 = tpu.memref_slice %run_scoped3A[%rem3A_295, %dma_start3A_298, %dma_start3A_299] : memref<2x1x128xi32, #tpu.memory_space<vmem>> -> memref<1x1x128xi32, #tpu.memory_space<vmem>>
            %dma_start3A_301 = tpu.memref_squeeze %dma_start3A_300 : memref<1x1x128xi32, #tpu.memory_space<vmem>> -> memref<1x128xi32, #tpu.memory_space<vmem>>
            %dma_start3A_302 = arith.constant 0 : i32
            %dma_start3A_303 = tpu.memref_slice %arg3[%dma_start3A_302, %mul3A_297] : memref<1x2048xi32, #tpu.memory_space<hbm>> -> memref<1x128xi32, #tpu.memory_space<hbm>>
            %dma_start3A_304 = tpu.memref_slice %run_scoped3A_17[%rem3A_295] : memref<2x!tpu.dma_semaphore, #tpu.memory_space<semaphore_mem>> -> memref<1x!tpu.dma_semaphore, #tpu.memory_space<semaphore_mem>>
            %dma_start3A_305 = tpu.memref_squeeze %dma_start3A_304 : memref<1x!tpu.dma_semaphore, #tpu.memory_space<semaphore_mem>> -> memref<!tpu.dma_semaphore, #tpu.memory_space<semaphore_mem>>
            %dma_start3A_306 = arith.constant 0 : i32
            %dma_start3A_307 = arith.constant 0 : i32
            %dma_start3A_308 = tpu.memref_slice %run_scoped3A[%rem3A_295, %dma_start3A_306, %dma_start3A_307] : memref<2x1x128xi32, #tpu.memory_space<vmem>> -> memref<1x1x128xi32, #tpu.memory_space<vmem>>
            %dma_start3A_309 = tpu.memref_squeeze %dma_start3A_308 : memref<1x1x128xi32, #tpu.memory_space<vmem>> -> memref<1x128xi32, #tpu.memory_space<vmem>>
            %dma_start3A_310 = arith.constant 0 : i32
            %dma_start3A_311 = tpu.memref_slice %arg3[%dma_start3A_310, %mul3A_297] : memref<1x2048xi32, #tpu.memory_space<hbm>> -> memref<1x128xi32, #tpu.memory_space<hbm>>
            tpu.enqueue_dma source(%dma_start3A_311 : memref<1x128xi32, #tpu.memory_space<hbm>>) target(%dma_start3A_309 : memref<1x128xi32, #tpu.memory_space<vmem>>) target_semaphore(%dma_start3A_305 : memref<!tpu.dma_semaphore, #tpu.memory_space<semaphore_mem>>)
            "tpu.trace_stop"() : () -> ()
          } else {
          }
          %and3A_191 = arith.constant true
          %and3A_192 = arith.andi %and3A, %and3A_191 : i1
          %add3A_193 = arith.constant 1 : i32
          %add3A_194 = arith.addi %while3A_143, %add3A_193 : i32
          %select_n3A_195 = arith.select %and3A_192, %add3A_194, %while3A_143 : i32
          %ne3A_196 = arith.cmpi ne, %add3A_155, %add3A_173 : i32
          %or3A_197 = arith.constant false
          %or3A_198 = arith.ori %or3A_197, %ne3A_196 : i1
          %or3A_199 = arith.constant false
          %or3A_200 = arith.ori %or3A_198, %or3A_199 : i1
          %sub3A_201 = arith.constant 2 : i32
          %sub3A_202 = arith.subi %mul3A_149, %sub3A_201 : i32
          %add3A_203 = arith.constant 1 : i32
          %add3A_204 = arith.addi %sub3A_202, %add3A_203 : i32
          %ge3A_205 = arith.cmpi sge, %while3A_142, %add3A_204 : i32
          %not3A_206 = arith.constant true
          %not3A_207 = arith.xori %ge3A_205, %not3A_206 : i1
          %and3A_208 = arith.andi %or3A_200, %not3A_207 : i1
          %ne3A_209 = arith.cmpi ne, %add3A_155, %add3A_165 : i32
          %or3A_210 = arith.constant false
          %or3A_211 = arith.ori %or3A_210, %ne3A_209 : i1
          %or3A_212 = arith.ori %or3A_211, %eq3A_151 : i1
          %convert_element_type3A_213 = arith.extui %or3A_212 : i1 to i32
          %cond3A_214 = arith.constant 0 : i32
          %cond3A_215 = arith.cmpi ne, %convert_element_type3A_213, %cond3A_214 : i32
          scf.if %cond3A_215 {
            "tpu.trace_start"() <{level = 10 : i32, message = "ep_wait_in"}> : () -> ()
            %mul3A_294 = arith.constant 128 : i32
            %mul3A_295 = arith.muli %mul3A_294, %add3A_155 : i32
            %rem3A_296 = arith.constant 2 : i32
            %rem3A_297 = arith.remui %while3A_144, %rem3A_296 : i32
            %dma_wait3A = arith.constant 0 : i32
            %dma_wait3A_298 = arith.constant 0 : i32
            %dma_wait3A_299 = tpu.memref_slice %run_scoped3A[%rem3A_297, %dma_wait3A, %dma_wait3A_298] : memref<2x1x128xi32, #tpu.memory_space<vmem>> -> memref<1x1x128xi32, #tpu.memory_space<vmem>>
            %dma_wait3A_300 = tpu.memref_squeeze %dma_wait3A_299 : memref<1x1x128xi32, #tpu.memory_space<vmem>> -> memref<1x128xi32, #tpu.memory_space<vmem>>
            %dma_wait3A_301 = arith.constant 0 : i32
            %dma_wait3A_302 = tpu.memref_slice %arg3[%dma_wait3A_301, %mul3A_295] : memref<1x2048xi32, #tpu.memory_space<hbm>> -> memref<1x128xi32, #tpu.memory_space<hbm>>
            %dma_wait3A_303 = tpu.memref_slice %run_scoped3A_17[%rem3A_297] : memref<2x!tpu.dma_semaphore, #tpu.memory_space<semaphore_mem>> -> memref<1x!tpu.dma_semaphore, #tpu.memory_space<semaphore_mem>>
            %dma_wait3A_304 = tpu.memref_squeeze %dma_wait3A_303 : memref<1x!tpu.dma_semaphore, #tpu.memory_space<semaphore_mem>> -> memref<!tpu.dma_semaphore, #tpu.memory_space<semaphore_mem>>
            %dma_wait3A_305 = arith.constant 0 : i32
            %dma_wait3A_306 = arith.constant 0 : i32
            %dma_wait3A_307 = tpu.memref_slice %run_scoped3A[%rem3A_297, %dma_wait3A_305, %dma_wait3A_306] : memref<2x1x128xi32, #tpu.memory_space<vmem>> -> memref<1x1x128xi32, #tpu.memory_space<vmem>>
            %dma_wait3A_308 = tpu.memref_squeeze %dma_wait3A_307 : memref<1x1x128xi32, #tpu.memory_space<vmem>> -> memref<1x128xi32, #tpu.memory_space<vmem>>
            %dma_wait3A_309 = arith.constant 0 : i32
            %dma_wait3A_310 = tpu.memref_slice %arg3[%dma_wait3A_309, %mul3A_295] : memref<1x2048xi32, #tpu.memory_space<hbm>> -> memref<1x128xi32, #tpu.memory_space<hbm>>
            tpu.wait_dma2 semaphore(%dma_wait3A_304 : memref<!tpu.dma_semaphore, #tpu.memory_space<semaphore_mem>>) src(%dma_wait3A_310 : memref<1x128xi32, #tpu.memory_space<hbm>>) dst(%dma_wait3A_308 : memref<1x128xi32, #tpu.memory_space<vmem>>)
            "tpu.trace_stop"() : () -> ()
          } else {
          }
          %ne3A_216 = arith.cmpi ne, %add3A_155, %add3A_165 : i32
          %or3A_217 = arith.constant false
          %or3A_218 = arith.ori %or3A_217, %ne3A_216 : i1
          %or3A_219 = arith.constant false
          %or3A_220 = arith.ori %or3A_218, %or3A_219 : i1
          %or3A_221 = arith.ori %or3A_220, %eq3A_151 : i1
          %convert_element_type3A_222 = arith.extui %or3A_221 : i1 to i32
          %cond3A_223 = arith.constant 0 : i32
          %cond3A_224 = arith.cmpi ne, %convert_element_type3A_222, %cond3A_223 : i32
          scf.if %cond3A_224 {
          } else {
          }
          %rem3A_225 = arith.constant 2 : i32
          %rem3A_226 = arith.remui %while3A_144, %rem3A_225 : i32
          %rem3A_227 = arith.constant 2 : i32
          %rem3A_228 = arith.remui %while3A_145, %rem3A_227 : i32
          %run_scoped3A_229 = arith.constant 0 : i32
          "tpu.trace_start"() <{level = 10 : i32, message = "ep_run_kernel"}> : () -> ()
          "tpu.region"() ({
            %run_scoped3A_294 = tpu.sem_alloc : memref<!tpu.dma_semaphore, #tpu.memory_space<semaphore_mem>>
            %dma_start3A_295 = arith.constant 0 : i32
            %dma_start3A_296 = arith.constant 0 : i32
            %dma_start3A_297 = tpu.memref_slice %run_scoped3A_18[%rem3A_228, %dma_start3A_295, %dma_start3A_296] : memref<2x128x128xf32, #tpu.memory_space<vmem>> -> memref<1x128x128xf32, #tpu.memory_space<vmem>>
            %dma_start3A_298 = tpu.memref_squeeze %dma_start3A_297 : memref<1x128x128xf32, #tpu.memory_space<vmem>> -> memref<128x128xf32, #tpu.memory_space<vmem>>
            %dma_start3A_299 = arith.constant 0 : i32
            %dma_start3A_300 = arith.constant 0 : i32
            %dma_start3A_301 = tpu.memref_slice %run_scoped3A[%rem3A_226, %dma_start3A_299, %dma_start3A_300] : memref<2x1x128xi32, #tpu.memory_space<vmem>> -> memref<1x1x128xi32, #tpu.memory_space<vmem>>
            %dma_start3A_302 = tpu.memref_squeeze %dma_start3A_301 : memref<1x1x128xi32, #tpu.memory_space<vmem>> -> memref<1x128xi32, #tpu.memory_space<vmem>>
            %dma_start3A_303 = arith.constant 0 : i32
            %dma_start3A_304 = tpu.memref_slice %dma_start3A_302[%run_scoped3A_229, %dma_start3A_303] : memref<1x128xi32, #tpu.memory_space<vmem>> -> memref<1x128xi32, #tpu.memory_space<vmem>>
            %dma_start3A_305 = tpu.memref_squeeze %dma_start3A_304 : memref<1x128xi32, #tpu.memory_space<vmem>> -> memref<128xi32, #tpu.memory_space<vmem>>
            %dma_start3A_306 = arith.constant 0 : i32
            %dma_start3A_307 = arith.constant 0 : i32
            %dma_start3A_308 = tpu.memref_slice %arg2[%dma_start3A_306, %dma_start3A_307] : memref<57344x128xf32, #tpu.memory_space<hbm>> -> memref<57344x128xf32, #tpu.memory_space<hbm>>
            tpu.enqueue_indirect_dma source(%dma_start3A_308 : memref<57344x128xf32, #tpu.memory_space<hbm>>) target(%dma_start3A_298 : memref<128x128xf32, #tpu.memory_space<vmem>>) offsets(%dma_start3A_305 : memref<128xi32, #tpu.memory_space<vmem>>) semaphore(%run_scoped3A_294 : memref<!tpu.dma_semaphore, #tpu.memory_space<semaphore_mem>>)
            %dma_wait3A = arith.constant 0 : i32
            %dma_wait3A_309 = arith.constant 0 : i32
            %dma_wait3A_310 = tpu.memref_slice %run_scoped3A_18[%rem3A_228, %dma_wait3A, %dma_wait3A_309] : memref<2x128x128xf32, #tpu.memory_space<vmem>> -> memref<1x128x128xf32, #tpu.memory_space<vmem>>
            %dma_wait3A_311 = tpu.memref_squeeze %dma_wait3A_310 : memref<1x128x128xf32, #tpu.memory_space<vmem>> -> memref<128x128xf32, #tpu.memory_space<vmem>>
            %dma_wait3A_312 = arith.constant 0 : i32
            %dma_wait3A_313 = arith.constant 0 : i32
            %dma_wait3A_314 = tpu.memref_slice %run_scoped3A[%rem3A_226, %dma_wait3A_312, %dma_wait3A_313] : memref<2x1x128xi32, #tpu.memory_space<vmem>> -> memref<1x1x128xi32, #tpu.memory_space<vmem>>
            %dma_wait3A_315 = tpu.memref_squeeze %dma_wait3A_314 : memref<1x1x128xi32, #tpu.memory_space<vmem>> -> memref<1x128xi32, #tpu.memory_space<vmem>>
            %dma_wait3A_316 = arith.constant 0 : i32
            %dma_wait3A_317 = tpu.memref_slice %dma_wait3A_315[%run_scoped3A_229, %dma_wait3A_316] : memref<1x128xi32, #tpu.memory_space<vmem>> -> memref<1x128xi32, #tpu.memory_space<vmem>>
            %dma_wait3A_318 = tpu.memref_squeeze %dma_wait3A_317 : memref<1x128xi32, #tpu.memory_space<vmem>> -> memref<128xi32, #tpu.memory_space<vmem>>
            %dma_wait3A_319 = arith.constant 0 : i32
            %dma_wait3A_320 = arith.constant 0 : i32
            %dma_wait3A_321 = tpu.memref_slice %arg2[%dma_wait3A_319, %dma_wait3A_320] : memref<57344x128xf32, #tpu.memory_space<hbm>> -> memref<57344x128xf32, #tpu.memory_space<hbm>>
            tpu.wait_indirect_dma semaphore(%run_scoped3A_294 : memref<!tpu.dma_semaphore, #tpu.memory_space<semaphore_mem>>) src(%dma_wait3A_321 : memref<57344x128xf32, #tpu.memory_space<hbm>>) dst(%dma_wait3A_311 : memref<128x128xf32, #tpu.memory_space<vmem>>)
            tpu.yield
          }) : () -> ()
          "tpu.trace_stop"() : () -> ()
          %ne3A_230 = arith.cmpi ne, %add3A_155, %add3A_173 : i32
          %or3A_231 = arith.constant false
          %or3A_232 = arith.ori %or3A_231, %ne3A_230 : i1
          %or3A_233 = arith.ori %or3A_232, %eq3A_154 : i1
          %convert_element_type3A_234 = arith.extui %or3A_233 : i1 to i32
          %cond3A_235 = arith.constant 0 : i32
          %cond3A_236 = arith.cmpi ne, %convert_element_type3A_234, %cond3A_235 : i32
          scf.if %cond3A_236 {
          } else {
          }
          %and3A_237 = arith.constant false
          %and3A_238 = arith.andi %or3A_233, %and3A_237 : i1
          %ne3A_239 = arith.cmpi ne, %add3A_155, %add3A_173 : i32
          %or3A_240 = arith.constant false
          %or3A_241 = arith.ori %or3A_240, %ne3A_239 : i1
          %or3A_242 = arith.constant false
          %or3A_243 = arith.ori %or3A_241, %or3A_242 : i1
          %or3A_244 = arith.ori %or3A_243, %eq3A_154 : i1
          %convert_element_type3A_245 = arith.extui %or3A_244 : i1 to i32
          %cond3A_246 = arith.constant 0 : i32
          %cond3A_247 = arith.cmpi ne, %convert_element_type3A_245, %cond3A_246 : i32
          scf.if %cond3A_247 {
            "tpu.trace_start"() <{level = 10 : i32, message = "ep_copy_out"}> : () -> ()
            %rem3A_294 = arith.constant 2 : i32
            %rem3A_295 = arith.remui %while3A_145, %rem3A_294 : i32
            %mul3A_296 = arith.constant 128 : i32
            %mul3A_297 = arith.muli %mul3A_296, %add3A_155 : i32
            %dma_start3A_298 = arith.constant 0 : i32
            %dma_start3A_299 = arith.constant 0 : i32
            %dma_start3A_300 = tpu.memref_slice %run_scoped3A_18[%rem3A_295, %dma_start3A_298, %dma_start3A_299] : memref<2x128x128xf32, #tpu.memory_space<vmem>> -> memref<1x128x128xf32, #tpu.memory_space<vmem>>
            %dma_start3A_301 = tpu.memref_squeeze %dma_start3A_300 : memref<1x128x128xf32, #tpu.memory_space<vmem>> -> memref<128x128xf32, #tpu.memory_space<vmem>>
            %dma_start3A_302 = arith.constant 0 : i32
            %dma_start3A_303 = tpu.memref_slice %arg4[%mul3A_297, %dma_start3A_302] : memref<2048x128xf32, #tpu.memory_space<hbm>> -> memref<128x128xf32, #tpu.memory_space<hbm>>
            %dma_start3A_304 = tpu.memref_slice %run_scoped3A_19[%rem3A_295] : memref<2x!tpu.dma_semaphore, #tpu.memory_space<semaphore_mem>> -> memref<1x!tpu.dma_semaphore, #tpu.memory_space<semaphore_mem>>
            %dma_start3A_305 = tpu.memref_squeeze %dma_start3A_304 : memref<1x!tpu.dma_semaphore, #tpu.memory_space<semaphore_mem>> -> memref<!tpu.dma_semaphore, #tpu.memory_space<semaphore_mem>>
            %dma_start3A_306 = arith.constant 0 : i32
            %dma_start3A_307 = tpu.memref_slice %arg4[%mul3A_297, %dma_start3A_306] : memref<2048x128xf32, #tpu.memory_space<hbm>> -> memref<128x128xf32, #tpu.memory_space<hbm>>
            %dma_start3A_308 = arith.constant 0 : i32
            %dma_start3A_309 = arith.constant 0 : i32
            %dma_start3A_310 = tpu.memref_slice %run_scoped3A_18[%rem3A_295, %dma_start3A_308, %dma_start3A_309] : memref<2x128x128xf32, #tpu.memory_space<vmem>> -> memref<1x128x128xf32, #tpu.memory_space<vmem>>
            %dma_start3A_311 = tpu.memref_squeeze %dma_start3A_310 : memref<1x128x128xf32, #tpu.memory_space<vmem>> -> memref<128x128xf32, #tpu.memory_space<vmem>>
            tpu.enqueue_dma source(%dma_start3A_311 : memref<128x128xf32, #tpu.memory_space<vmem>>) target(%dma_start3A_307 : memref<128x128xf32, #tpu.memory_space<hbm>>) target_semaphore(%dma_start3A_305 : memref<!tpu.dma_semaphore, #tpu.memory_space<semaphore_mem>>)
            "tpu.trace_stop"() : () -> ()
          } else {
          }
          %and3A_248 = arith.constant true
          %and3A_249 = arith.andi %or3A_244, %and3A_248 : i1
          %add3A_250 = arith.constant 1 : i32
          %add3A_251 = arith.addi %while3A_145, %add3A_250 : i32
          %select_n3A_252 = arith.select %and3A_249, %add3A_251, %while3A_145 : i32
          %ne3A_253 = arith.cmpi ne, %add3A_155, %add3A_165 : i32
          %or3A_254 = arith.constant false
          %or3A_255 = arith.ori %or3A_254, %ne3A_253 : i1
          %not3A_256 = arith.constant true
          %not3A_257 = arith.xori %eq3A_151, %not3A_256 : i1
          %and3A_258 = arith.andi %or3A_255, %not3A_257 : i1
          %convert_element_type3A_259 = arith.extui %and3A_258 : i1 to i32
          %cond3A_260 = arith.constant 0 : i32
          %cond3A_261 = arith.cmpi ne, %convert_element_type3A_259, %cond3A_260 : i32
          scf.if %cond3A_261 {
          } else {
          }
          %and3A_262 = arith.constant false
          %and3A_263 = arith.andi %and3A_258, %and3A_262 : i1
          %ne3A_264 = arith.cmpi ne, %add3A_155, %add3A_165 : i32
          %or3A_265 = arith.constant false
          %or3A_266 = arith.ori %or3A_265, %ne3A_264 : i1
          %or3A_267 = arith.constant false
          %or3A_268 = arith.ori %or3A_266, %or3A_267 : i1
          %not3A_269 = arith.constant true
          %not3A_270 = arith.xori %eq3A_151, %not3A_269 : i1
          %and3A_271 = arith.andi %or3A_268, %not3A_270 : i1
          %convert_element_type3A_272 = arith.extui %and3A_271 : i1 to i32
          %cond3A_273 = arith.constant 0 : i32
          %cond3A_274 = arith.cmpi ne, %convert_element_type3A_272, %cond3A_273 : i32
          scf.if %cond3A_274 {
            "tpu.trace_start"() <{level = 10 : i32, message = "ep_wait_out"}> : () -> ()
            %rem3A_294 = arith.constant 2 : i32
            %rem3A_295 = arith.remui %while3A_146, %rem3A_294 : i32
            %mul3A_296 = arith.constant 128 : i32
            %mul3A_297 = arith.muli %mul3A_296, %add3A_165 : i32
            %dma_wait3A = arith.constant 0 : i32
            %dma_wait3A_298 = arith.constant 0 : i32
            %dma_wait3A_299 = tpu.memref_slice %run_scoped3A_18[%rem3A_295, %dma_wait3A, %dma_wait3A_298] : memref<2x128x128xf32, #tpu.memory_space<vmem>> -> memref<1x128x128xf32, #tpu.memory_space<vmem>>
            %dma_wait3A_300 = tpu.memref_squeeze %dma_wait3A_299 : memref<1x128x128xf32, #tpu.memory_space<vmem>> -> memref<128x128xf32, #tpu.memory_space<vmem>>
            %dma_wait3A_301 = arith.constant 0 : i32
            %dma_wait3A_302 = tpu.memref_slice %arg4[%mul3A_297, %dma_wait3A_301] : memref<2048x128xf32, #tpu.memory_space<hbm>> -> memref<128x128xf32, #tpu.memory_space<hbm>>
            %dma_wait3A_303 = tpu.memref_slice %run_scoped3A_19[%rem3A_295] : memref<2x!tpu.dma_semaphore, #tpu.memory_space<semaphore_mem>> -> memref<1x!tpu.dma_semaphore, #tpu.memory_space<semaphore_mem>>
            %dma_wait3A_304 = tpu.memref_squeeze %dma_wait3A_303 : memref<1x!tpu.dma_semaphore, #tpu.memory_space<semaphore_mem>> -> memref<!tpu.dma_semaphore, #tpu.memory_space<semaphore_mem>>
            %dma_wait3A_305 = arith.constant 0 : i32
            %dma_wait3A_306 = tpu.memref_slice %arg4[%mul3A_297, %dma_wait3A_305] : memref<2048x128xf32, #tpu.memory_space<hbm>> -> memref<128x128xf32, #tpu.memory_space<hbm>>
            %dma_wait3A_307 = arith.constant 0 : i32
            %dma_wait3A_308 = arith.constant 0 : i32
            %dma_wait3A_309 = tpu.memref_slice %run_scoped3A_18[%rem3A_295, %dma_wait3A_307, %dma_wait3A_308] : memref<2x128x128xf32, #tpu.memory_space<vmem>> -> memref<1x128x128xf32, #tpu.memory_space<vmem>>
            %dma_wait3A_310 = tpu.memref_squeeze %dma_wait3A_309 : memref<1x128x128xf32, #tpu.memory_space<vmem>> -> memref<128x128xf32, #tpu.memory_space<vmem>>
            tpu.wait_dma2 semaphore(%dma_wait3A_304 : memref<!tpu.dma_semaphore, #tpu.memory_space<semaphore_mem>>) src(%dma_wait3A_310 : memref<128x128xf32, #tpu.memory_space<vmem>>) dst(%dma_wait3A_306 : memref<128x128xf32, #tpu.memory_space<hbm>>)
            "tpu.trace_stop"() : () -> ()
          } else {
          }
          %and3A_275 = arith.constant true
          %and3A_276 = arith.andi %and3A_271, %and3A_275 : i1
          %add3A_277 = arith.constant 1 : i32
          %add3A_278 = arith.addi %while3A_146, %add3A_277 : i32
          %select_n3A_279 = arith.select %and3A_276, %add3A_278, %while3A_146 : i32
          %ne3A_280 = arith.cmpi ne, %add3A_155, %add3A_173 : i32
          %or3A_281 = arith.constant false
          %or3A_282 = arith.ori %or3A_281, %ne3A_280 : i1
          %or3A_283 = arith.ori %or3A_282, %eq3A_154 : i1
          %add3A_284 = arith.constant 1 : i32
          %add3A_285 = arith.addi %while3A_144, %add3A_284 : i32
          %select_n3A_286 = arith.select %or3A_283, %add3A_285, %while3A_144 : i32
          %add3A_287 = arith.constant 1 : i32
          %add3A_288 = arith.addi %while3A_147, %add3A_287 : i32
          %select_n3A_289 = arith.constant true
          %select_n3A_290 = arith.select %select_n3A_289, %add3A_288, %while3A_147 : i32
          %eq3A_291 = arith.cmpi eq, %select_n3A_290, %select_n3A : i32
          %select_n3A_292 = arith.constant 0 : i32
          %select_n3A_293 = arith.select %eq3A_291, %select_n3A_292, %select_n3A_290 : i32
          scf.yield %select_n3A_195, %select_n3A_286, %select_n3A_252, %select_n3A_279, %select_n3A_293 : i32, i32, i32, i32, i32
        }
        %while3A_89 = arith.constant 1 : i32
        %while3A_90:5 = scf.for %while3A_142 = %while3A_86 to %while3A_82 step %while3A_89 iter_args(%while3A_143 = %while3A_88#0, %while3A_144 = %while3A_88#1, %while3A_145 = %while3A_88#2, %while3A_146 = %while3A_88#3, %while3A_147 = %while3A_88#4) -> (i32, i32, i32, i32, i32)  : i32 {
          %mul3A_148 = arith.constant 1 : i32
          %mul3A_149 = arith.muli %mul3A_148, %select_n3A : i32
          %eq3A_150 = arith.constant 0 : i32
          %eq3A_151 = arith.cmpi eq, %while3A_142, %eq3A_150 : i32
          %sub3A_152 = arith.constant 1 : i32
          %sub3A_153 = arith.subi %mul3A_149, %sub3A_152 : i32
          %eq3A_154 = arith.cmpi eq, %while3A_142, %sub3A_153 : i32
          %add3A_155 = arith.addi %while3A_147, %select_n3A_14 : i32
          %sub3A_156 = arith.constant 1 : i32
          %sub3A_157 = arith.subi %while3A_147, %sub3A_156 : i32
          %select_n3A_158 = arith.constant true
          %select_n3A_159 = arith.select %select_n3A_158, %sub3A_157, %while3A_147 : i32
          %eq3A_160 = arith.constant -1 : i32
          %eq3A_161 = arith.cmpi eq, %select_n3A_159, %eq3A_160 : i32
          %sub3A_162 = arith.constant 1 : i32
          %sub3A_163 = arith.subi %select_n3A, %sub3A_162 : i32
          %select_n3A_164 = arith.select %eq3A_161, %sub3A_163, %select_n3A_159 : i32
          %add3A_165 = arith.addi %select_n3A_164, %select_n3A_14 : i32
          %add3A_166 = arith.constant 1 : i32
          %add3A_167 = arith.addi %while3A_147, %add3A_166 : i32
          %select_n3A_168 = arith.constant true
          %select_n3A_169 = arith.select %select_n3A_168, %add3A_167, %while3A_147 : i32
          %eq3A_170 = arith.cmpi eq, %select_n3A_169, %select_n3A : i32
          %select_n3A_171 = arith.constant 0 : i32
          %select_n3A_172 = arith.select %eq3A_170, %select_n3A_171, %select_n3A_169 : i32
          %add3A_173 = arith.addi %select_n3A_172, %select_n3A_14 : i32
          %add3A_174 = arith.constant 1 : i32
          %add3A_175 = arith.addi %select_n3A_172, %add3A_174 : i32
          %select_n3A_176 = arith.constant true
          %select_n3A_177 = arith.select %select_n3A_176, %add3A_175, %select_n3A_172 : i32
          %eq3A_178 = arith.cmpi eq, %select_n3A_177, %select_n3A : i32
          %select_n3A_179 = arith.constant 0 : i32
          %select_n3A_180 = arith.select %eq3A_178, %select_n3A_179, %select_n3A_177 : i32
          %add3A_181 = arith.addi %select_n3A_180, %select_n3A_14 : i32
          %ne3A = arith.cmpi ne, %add3A_155, %add3A_173 : i32
          %or3A = arith.constant false
          %or3A_182 = arith.ori %or3A, %ne3A : i1
          %sub3A_183 = arith.constant 2 : i32
          %sub3A_184 = arith.subi %mul3A_149, %sub3A_183 : i32
          %add3A_185 = arith.constant 1 : i32
          %add3A_186 = arith.addi %sub3A_184, %add3A_185 : i32
          %ge3A = arith.cmpi sge, %while3A_142, %add3A_186 : i32
          %not3A = arith.constant true
          %not3A_187 = arith.xori %ge3A, %not3A : i1
          %and3A = arith.andi %or3A_182, %not3A_187 : i1
          %convert_element_type3A_188 = arith.extui %and3A : i1 to i32
          %cond3A_189 = arith.constant 0 : i32
          %cond3A_190 = arith.cmpi ne, %convert_element_type3A_188, %cond3A_189 : i32
          scf.if %cond3A_190 {
            "tpu.trace_start"() <{level = 10 : i32, message = "ep_copy_in"}> : () -> ()
            %rem3A_294 = arith.constant 2 : i32
            %rem3A_295 = arith.remui %while3A_143, %rem3A_294 : i32
            %mul3A_296 = arith.constant 128 : i32
            %mul3A_297 = arith.muli %mul3A_296, %add3A_173 : i32
            %dma_start3A_298 = arith.constant 0 : i32
            %dma_start3A_299 = arith.constant 0 : i32
            %dma_start3A_300 = tpu.memref_slice %run_scoped3A[%rem3A_295, %dma_start3A_298, %dma_start3A_299] : memref<2x1x128xi32, #tpu.memory_space<vmem>> -> memref<1x1x128xi32, #tpu.memory_space<vmem>>
            %dma_start3A_301 = tpu.memref_squeeze %dma_start3A_300 : memref<1x1x128xi32, #tpu.memory_space<vmem>> -> memref<1x128xi32, #tpu.memory_space<vmem>>
            %dma_start3A_302 = arith.constant 0 : i32
            %dma_start3A_303 = tpu.memref_slice %arg3[%dma_start3A_302, %mul3A_297] : memref<1x2048xi32, #tpu.memory_space<hbm>> -> memref<1x128xi32, #tpu.memory_space<hbm>>
            %dma_start3A_304 = tpu.memref_slice %run_scoped3A_17[%rem3A_295] : memref<2x!tpu.dma_semaphore, #tpu.memory_space<semaphore_mem>> -> memref<1x!tpu.dma_semaphore, #tpu.memory_space<semaphore_mem>>
            %dma_start3A_305 = tpu.memref_squeeze %dma_start3A_304 : memref<1x!tpu.dma_semaphore, #tpu.memory_space<semaphore_mem>> -> memref<!tpu.dma_semaphore, #tpu.memory_space<semaphore_mem>>
            %dma_start3A_306 = arith.constant 0 : i32
            %dma_start3A_307 = arith.constant 0 : i32
            %dma_start3A_308 = tpu.memref_slice %run_scoped3A[%rem3A_295, %dma_start3A_306, %dma_start3A_307] : memref<2x1x128xi32, #tpu.memory_space<vmem>> -> memref<1x1x128xi32, #tpu.memory_space<vmem>>
            %dma_start3A_309 = tpu.memref_squeeze %dma_start3A_308 : memref<1x1x128xi32, #tpu.memory_space<vmem>> -> memref<1x128xi32, #tpu.memory_space<vmem>>
            %dma_start3A_310 = arith.constant 0 : i32
            %dma_start3A_311 = tpu.memref_slice %arg3[%dma_start3A_310, %mul3A_297] : memref<1x2048xi32, #tpu.memory_space<hbm>> -> memref<1x128xi32, #tpu.memory_space<hbm>>
            tpu.enqueue_dma source(%dma_start3A_311 : memref<1x128xi32, #tpu.memory_space<hbm>>) target(%dma_start3A_309 : memref<1x128xi32, #tpu.memory_space<vmem>>) target_semaphore(%dma_start3A_305 : memref<!tpu.dma_semaphore, #tpu.memory_space<semaphore_mem>>)
            "tpu.trace_stop"() : () -> ()
          } else {
          }
          %and3A_191 = arith.constant true
          %and3A_192 = arith.andi %and3A, %and3A_191 : i1
          %add3A_193 = arith.constant 1 : i32
          %add3A_194 = arith.addi %while3A_143, %add3A_193 : i32
          %select_n3A_195 = arith.select %and3A_192, %add3A_194, %while3A_143 : i32
          %ne3A_196 = arith.cmpi ne, %add3A_155, %add3A_173 : i32
          %or3A_197 = arith.constant false
          %or3A_198 = arith.ori %or3A_197, %ne3A_196 : i1
          %or3A_199 = arith.constant false
          %or3A_200 = arith.ori %or3A_198, %or3A_199 : i1
          %sub3A_201 = arith.constant 2 : i32
          %sub3A_202 = arith.subi %mul3A_149, %sub3A_201 : i32
          %add3A_203 = arith.constant 1 : i32
          %add3A_204 = arith.addi %sub3A_202, %add3A_203 : i32
          %ge3A_205 = arith.cmpi sge, %while3A_142, %add3A_204 : i32
          %not3A_206 = arith.constant true
          %not3A_207 = arith.xori %ge3A_205, %not3A_206 : i1
          %and3A_208 = arith.andi %or3A_200, %not3A_207 : i1
          %ne3A_209 = arith.cmpi ne, %add3A_155, %add3A_165 : i32
          %or3A_210 = arith.constant false
          %or3A_211 = arith.ori %or3A_210, %ne3A_209 : i1
          %or3A_212 = arith.ori %or3A_211, %eq3A_151 : i1
          %convert_element_type3A_213 = arith.extui %or3A_212 : i1 to i32
          %cond3A_214 = arith.constant 0 : i32
          %cond3A_215 = arith.cmpi ne, %convert_element_type3A_213, %cond3A_214 : i32
          scf.if %cond3A_215 {
            "tpu.trace_start"() <{level = 10 : i32, message = "ep_wait_in"}> : () -> ()
            %mul3A_294 = arith.constant 128 : i32
            %mul3A_295 = arith.muli %mul3A_294, %add3A_155 : i32
            %rem3A_296 = arith.constant 2 : i32
            %rem3A_297 = arith.remui %while3A_144, %rem3A_296 : i32
            %dma_wait3A = arith.constant 0 : i32
            %dma_wait3A_298 = arith.constant 0 : i32
            %dma_wait3A_299 = tpu.memref_slice %run_scoped3A[%rem3A_297, %dma_wait3A, %dma_wait3A_298] : memref<2x1x128xi32, #tpu.memory_space<vmem>> -> memref<1x1x128xi32, #tpu.memory_space<vmem>>
            %dma_wait3A_300 = tpu.memref_squeeze %dma_wait3A_299 : memref<1x1x128xi32, #tpu.memory_space<vmem>> -> memref<1x128xi32, #tpu.memory_space<vmem>>
            %dma_wait3A_301 = arith.constant 0 : i32
            %dma_wait3A_302 = tpu.memref_slice %arg3[%dma_wait3A_301, %mul3A_295] : memref<1x2048xi32, #tpu.memory_space<hbm>> -> memref<1x128xi32, #tpu.memory_space<hbm>>
            %dma_wait3A_303 = tpu.memref_slice %run_scoped3A_17[%rem3A_297] : memref<2x!tpu.dma_semaphore, #tpu.memory_space<semaphore_mem>> -> memref<1x!tpu.dma_semaphore, #tpu.memory_space<semaphore_mem>>
            %dma_wait3A_304 = tpu.memref_squeeze %dma_wait3A_303 : memref<1x!tpu.dma_semaphore, #tpu.memory_space<semaphore_mem>> -> memref<!tpu.dma_semaphore, #tpu.memory_space<semaphore_mem>>
            %dma_wait3A_305 = arith.constant 0 : i32
            %dma_wait3A_306 = arith.constant 0 : i32
            %dma_wait3A_307 = tpu.memref_slice %run_scoped3A[%rem3A_297, %dma_wait3A_305, %dma_wait3A_306] : memref<2x1x128xi32, #tpu.memory_space<vmem>> -> memref<1x1x128xi32, #tpu.memory_space<vmem>>
            %dma_wait3A_308 = tpu.memref_squeeze %dma_wait3A_307 : memref<1x1x128xi32, #tpu.memory_space<vmem>> -> memref<1x128xi32, #tpu.memory_space<vmem>>
            %dma_wait3A_309 = arith.constant 0 : i32
            %dma_wait3A_310 = tpu.memref_slice %arg3[%dma_wait3A_309, %mul3A_295] : memref<1x2048xi32, #tpu.memory_space<hbm>> -> memref<1x128xi32, #tpu.memory_space<hbm>>
            tpu.wait_dma2 semaphore(%dma_wait3A_304 : memref<!tpu.dma_semaphore, #tpu.memory_space<semaphore_mem>>) src(%dma_wait3A_310 : memref<1x128xi32, #tpu.memory_space<hbm>>) dst(%dma_wait3A_308 : memref<1x128xi32, #tpu.memory_space<vmem>>)
            "tpu.trace_stop"() : () -> ()
          } else {
          }
          %ne3A_216 = arith.cmpi ne, %add3A_155, %add3A_165 : i32
          %or3A_217 = arith.constant false
          %or3A_218 = arith.ori %or3A_217, %ne3A_216 : i1
          %or3A_219 = arith.constant false
          %or3A_220 = arith.ori %or3A_218, %or3A_219 : i1
          %or3A_221 = arith.ori %or3A_220, %eq3A_151 : i1
          %convert_element_type3A_222 = arith.extui %or3A_221 : i1 to i32
          %cond3A_223 = arith.constant 0 : i32
          %cond3A_224 = arith.cmpi ne, %convert_element_type3A_222, %cond3A_223 : i32
          scf.if %cond3A_224 {
          } else {
          }
          %rem3A_225 = arith.constant 2 : i32
          %rem3A_226 = arith.remui %while3A_144, %rem3A_225 : i32
          %rem3A_227 = arith.constant 2 : i32
          %rem3A_228 = arith.remui %while3A_145, %rem3A_227 : i32
          %run_scoped3A_229 = arith.constant 0 : i32
          "tpu.trace_start"() <{level = 10 : i32, message = "ep_run_kernel"}> : () -> ()
          "tpu.region"() ({
            %run_scoped3A_294 = tpu.sem_alloc : memref<!tpu.dma_semaphore, #tpu.memory_space<semaphore_mem>>
            %dma_start3A_295 = arith.constant 0 : i32
            %dma_start3A_296 = arith.constant 0 : i32
            %dma_start3A_297 = tpu.memref_slice %run_scoped3A_18[%rem3A_228, %dma_start3A_295, %dma_start3A_296] : memref<2x128x128xf32, #tpu.memory_space<vmem>> -> memref<1x128x128xf32, #tpu.memory_space<vmem>>
            %dma_start3A_298 = tpu.memref_squeeze %dma_start3A_297 : memref<1x128x128xf32, #tpu.memory_space<vmem>> -> memref<128x128xf32, #tpu.memory_space<vmem>>
            %dma_start3A_299 = arith.constant 0 : i32
            %dma_start3A_300 = arith.constant 0 : i32
            %dma_start3A_301 = tpu.memref_slice %run_scoped3A[%rem3A_226, %dma_start3A_299, %dma_start3A_300] : memref<2x1x128xi32, #tpu.memory_space<vmem>> -> memref<1x1x128xi32, #tpu.memory_space<vmem>>
            %dma_start3A_302 = tpu.memref_squeeze %dma_start3A_301 : memref<1x1x128xi32, #tpu.memory_space<vmem>> -> memref<1x128xi32, #tpu.memory_space<vmem>>
            %dma_start3A_303 = arith.constant 0 : i32
            %dma_start3A_304 = tpu.memref_slice %dma_start3A_302[%run_scoped3A_229, %dma_start3A_303] : memref<1x128xi32, #tpu.memory_space<vmem>> -> memref<1x128xi32, #tpu.memory_space<vmem>>
            %dma_start3A_305 = tpu.memref_squeeze %dma_start3A_304 : memref<1x128xi32, #tpu.memory_space<vmem>> -> memref<128xi32, #tpu.memory_space<vmem>>
            %dma_start3A_306 = arith.constant 0 : i32
            %dma_start3A_307 = arith.constant 0 : i32
            %dma_start3A_308 = tpu.memref_slice %arg2[%dma_start3A_306, %dma_start3A_307] : memref<57344x128xf32, #tpu.memory_space<hbm>> -> memref<57344x128xf32, #tpu.memory_space<hbm>>
            tpu.enqueue_indirect_dma source(%dma_start3A_308 : memref<57344x128xf32, #tpu.memory_space<hbm>>) target(%dma_start3A_298 : memref<128x128xf32, #tpu.memory_space<vmem>>) offsets(%dma_start3A_305 : memref<128xi32, #tpu.memory_space<vmem>>) semaphore(%run_scoped3A_294 : memref<!tpu.dma_semaphore, #tpu.memory_space<semaphore_mem>>)
            %dma_wait3A = arith.constant 0 : i32
            %dma_wait3A_309 = arith.constant 0 : i32
            %dma_wait3A_310 = tpu.memref_slice %run_scoped3A_18[%rem3A_228, %dma_wait3A, %dma_wait3A_309] : memref<2x128x128xf32, #tpu.memory_space<vmem>> -> memref<1x128x128xf32, #tpu.memory_space<vmem>>
            %dma_wait3A_311 = tpu.memref_squeeze %dma_wait3A_310 : memref<1x128x128xf32, #tpu.memory_space<vmem>> -> memref<128x128xf32, #tpu.memory_space<vmem>>
            %dma_wait3A_312 = arith.constant 0 : i32
            %dma_wait3A_313 = arith.constant 0 : i32
            %dma_wait3A_314 = tpu.memref_slice %run_scoped3A[%rem3A_226, %dma_wait3A_312, %dma_wait3A_313] : memref<2x1x128xi32, #tpu.memory_space<vmem>> -> memref<1x1x128xi32, #tpu.memory_space<vmem>>
            %dma_wait3A_315 = tpu.memref_squeeze %dma_wait3A_314 : memref<1x1x128xi32, #tpu.memory_space<vmem>> -> memref<1x128xi32, #tpu.memory_space<vmem>>
            %dma_wait3A_316 = arith.constant 0 : i32
            %dma_wait3A_317 = tpu.memref_slice %dma_wait3A_315[%run_scoped3A_229, %dma_wait3A_316] : memref<1x128xi32, #tpu.memory_space<vmem>> -> memref<1x128xi32, #tpu.memory_space<vmem>>
            %dma_wait3A_318 = tpu.memref_squeeze %dma_wait3A_317 : memref<1x128xi32, #tpu.memory_space<vmem>> -> memref<128xi32, #tpu.memory_space<vmem>>
            %dma_wait3A_319 = arith.constant 0 : i32
            %dma_wait3A_320 = arith.constant 0 : i32
            %dma_wait3A_321 = tpu.memref_slice %arg2[%dma_wait3A_319, %dma_wait3A_320] : memref<57344x128xf32, #tpu.memory_space<hbm>> -> memref<57344x128xf32, #tpu.memory_space<hbm>>
            tpu.wait_indirect_dma semaphore(%run_scoped3A_294 : memref<!tpu.dma_semaphore, #tpu.memory_space<semaphore_mem>>) src(%dma_wait3A_321 : memref<57344x128xf32, #tpu.memory_space<hbm>>) dst(%dma_wait3A_311 : memref<128x128xf32, #tpu.memory_space<vmem>>)
            tpu.yield
          }) : () -> ()
          "tpu.trace_stop"() : () -> ()
          %ne3A_230 = arith.cmpi ne, %add3A_155, %add3A_173 : i32
          %or3A_231 = arith.constant false
          %or3A_232 = arith.ori %or3A_231, %ne3A_230 : i1
          %or3A_233 = arith.ori %or3A_232, %eq3A_154 : i1
          %convert_element_type3A_234 = arith.extui %or3A_233 : i1 to i32
          %cond3A_235 = arith.constant 0 : i32
          %cond3A_236 = arith.cmpi ne, %convert_element_type3A_234, %cond3A_235 : i32
          scf.if %cond3A_236 {
          } else {
          }
          %and3A_237 = arith.constant false
          %and3A_238 = arith.andi %or3A_233, %and3A_237 : i1
          %ne3A_239 = arith.cmpi ne, %add3A_155, %add3A_173 : i32
          %or3A_240 = arith.constant false
          %or3A_241 = arith.ori %or3A_240, %ne3A_239 : i1
          %or3A_242 = arith.constant false
          %or3A_243 = arith.ori %or3A_241, %or3A_242 : i1
          %or3A_244 = arith.ori %or3A_243, %eq3A_154 : i1
          %convert_element_type3A_245 = arith.extui %or3A_244 : i1 to i32
          %cond3A_246 = arith.constant 0 : i32
          %cond3A_247 = arith.cmpi ne, %convert_element_type3A_245, %cond3A_246 : i32
          scf.if %cond3A_247 {
            "tpu.trace_start"() <{level = 10 : i32, message = "ep_copy_out"}> : () -> ()
            %rem3A_294 = arith.constant 2 : i32
            %rem3A_295 = arith.remui %while3A_145, %rem3A_294 : i32
            %mul3A_296 = arith.constant 128 : i32
            %mul3A_297 = arith.muli %mul3A_296, %add3A_155 : i32
            %dma_start3A_298 = arith.constant 0 : i32
            %dma_start3A_299 = arith.constant 0 : i32
            %dma_start3A_300 = tpu.memref_slice %run_scoped3A_18[%rem3A_295, %dma_start3A_298, %dma_start3A_299] : memref<2x128x128xf32, #tpu.memory_space<vmem>> -> memref<1x128x128xf32, #tpu.memory_space<vmem>>
            %dma_start3A_301 = tpu.memref_squeeze %dma_start3A_300 : memref<1x128x128xf32, #tpu.memory_space<vmem>> -> memref<128x128xf32, #tpu.memory_space<vmem>>
            %dma_start3A_302 = arith.constant 0 : i32
            %dma_start3A_303 = tpu.memref_slice %arg4[%mul3A_297, %dma_start3A_302] : memref<2048x128xf32, #tpu.memory_space<hbm>> -> memref<128x128xf32, #tpu.memory_space<hbm>>
            %dma_start3A_304 = tpu.memref_slice %run_scoped3A_19[%rem3A_295] : memref<2x!tpu.dma_semaphore, #tpu.memory_space<semaphore_mem>> -> memref<1x!tpu.dma_semaphore, #tpu.memory_space<semaphore_mem>>
            %dma_start3A_305 = tpu.memref_squeeze %dma_start3A_304 : memref<1x!tpu.dma_semaphore, #tpu.memory_space<semaphore_mem>> -> memref<!tpu.dma_semaphore, #tpu.memory_space<semaphore_mem>>
            %dma_start3A_306 = arith.constant 0 : i32
            %dma_start3A_307 = tpu.memref_slice %arg4[%mul3A_297, %dma_start3A_306] : memref<2048x128xf32, #tpu.memory_space<hbm>> -> memref<128x128xf32, #tpu.memory_space<hbm>>
            %dma_start3A_308 = arith.constant 0 : i32
            %dma_start3A_309 = arith.constant 0 : i32
            %dma_start3A_310 = tpu.memref_slice %run_scoped3A_18[%rem3A_295, %dma_start3A_308, %dma_start3A_309] : memref<2x128x128xf32, #tpu.memory_space<vmem>> -> memref<1x128x128xf32, #tpu.memory_space<vmem>>
            %dma_start3A_311 = tpu.memref_squeeze %dma_start3A_310 : memref<1x128x128xf32, #tpu.memory_space<vmem>> -> memref<128x128xf32, #tpu.memory_space<vmem>>
            tpu.enqueue_dma source(%dma_start3A_311 : memref<128x128xf32, #tpu.memory_space<vmem>>) target(%dma_start3A_307 : memref<128x128xf32, #tpu.memory_space<hbm>>) target_semaphore(%dma_start3A_305 : memref<!tpu.dma_semaphore, #tpu.memory_space<semaphore_mem>>)
            "tpu.trace_stop"() : () -> ()
          } else {
          }
          %and3A_248 = arith.constant true
          %and3A_249 = arith.andi %or3A_244, %and3A_248 : i1
          %add3A_250 = arith.constant 1 : i32
          %add3A_251 = arith.addi %while3A_145, %add3A_250 : i32
          %select_n3A_252 = arith.select %and3A_249, %add3A_251, %while3A_145 : i32
          %ne3A_253 = arith.cmpi ne, %add3A_155, %add3A_165 : i32
          %or3A_254 = arith.constant false
          %or3A_255 = arith.ori %or3A_254, %ne3A_253 : i1
          %not3A_256 = arith.constant true
          %not3A_257 = arith.xori %eq3A_151, %not3A_256 : i1
          %and3A_258 = arith.andi %or3A_255, %not3A_257 : i1
          %convert_element_type3A_259 = arith.extui %and3A_258 : i1 to i32
          %cond3A_260 = arith.constant 0 : i32
          %cond3A_261 = arith.cmpi ne, %convert_element_type3A_259, %cond3A_260 : i32
          scf.if %cond3A_261 {
          } else {
          }
          %and3A_262 = arith.constant false
          %and3A_263 = arith.andi %and3A_258, %and3A_262 : i1
          %ne3A_264 = arith.cmpi ne, %add3A_155, %add3A_165 : i32
          %or3A_265 = arith.constant false
          %or3A_266 = arith.ori %or3A_265, %ne3A_264 : i1
          %or3A_267 = arith.constant false
          %or3A_268 = arith.ori %or3A_266, %or3A_267 : i1
          %not3A_269 = arith.constant true
          %not3A_270 = arith.xori %eq3A_151, %not3A_269 : i1
          %and3A_271 = arith.andi %or3A_268, %not3A_270 : i1
          %convert_element_type3A_272 = arith.extui %and3A_271 : i1 to i32
          %cond3A_273 = arith.constant 0 : i32
          %cond3A_274 = arith.cmpi ne, %convert_element_type3A_272, %cond3A_273 : i32
          scf.if %cond3A_274 {
            "tpu.trace_start"() <{level = 10 : i32, message = "ep_wait_out"}> : () -> ()
            %rem3A_294 = arith.constant 2 : i32
            %rem3A_295 = arith.remui %while3A_146, %rem3A_294 : i32
            %mul3A_296 = arith.constant 128 : i32
            %mul3A_297 = arith.muli %mul3A_296, %add3A_165 : i32
            %dma_wait3A = arith.constant 0 : i32
            %dma_wait3A_298 = arith.constant 0 : i32
            %dma_wait3A_299 = tpu.memref_slice %run_scoped3A_18[%rem3A_295, %dma_wait3A, %dma_wait3A_298] : memref<2x128x128xf32, #tpu.memory_space<vmem>> -> memref<1x128x128xf32, #tpu.memory_space<vmem>>
            %dma_wait3A_300 = tpu.memref_squeeze %dma_wait3A_299 : memref<1x128x128xf32, #tpu.memory_space<vmem>> -> memref<128x128xf32, #tpu.memory_space<vmem>>
            %dma_wait3A_301 = arith.constant 0 : i32
            %dma_wait3A_302 = tpu.memref_slice %arg4[%mul3A_297, %dma_wait3A_301] : memref<2048x128xf32, #tpu.memory_space<hbm>> -> memref<128x128xf32, #tpu.memory_space<hbm>>
            %dma_wait3A_303 = tpu.memref_slice %run_scoped3A_19[%rem3A_295] : memref<2x!tpu.dma_semaphore, #tpu.memory_space<semaphore_mem>> -> memref<1x!tpu.dma_semaphore, #tpu.memory_space<semaphore_mem>>
            %dma_wait3A_304 = tpu.memref_squeeze %dma_wait3A_303 : memref<1x!tpu.dma_semaphore, #tpu.memory_space<semaphore_mem>> -> memref<!tpu.dma_semaphore, #tpu.memory_space<semaphore_mem>>
            %dma_wait3A_305 = arith.constant 0 : i32
            %dma_wait3A_306 = tpu.memref_slice %arg4[%mul3A_297, %dma_wait3A_305] : memref<2048x128xf32, #tpu.memory_space<hbm>> -> memref<128x128xf32, #tpu.memory_space<hbm>>
            %dma_wait3A_307 = arith.constant 0 : i32
            %dma_wait3A_308 = arith.constant 0 : i32
            %dma_wait3A_309 = tpu.memref_slice %run_scoped3A_18[%rem3A_295, %dma_wait3A_307, %dma_wait3A_308] : memref<2x128x128xf32, #tpu.memory_space<vmem>> -> memref<1x128x128xf32, #tpu.memory_space<vmem>>
            %dma_wait3A_310 = tpu.memref_squeeze %dma_wait3A_309 : memref<1x128x128xf32, #tpu.memory_space<vmem>> -> memref<128x128xf32, #tpu.memory_space<vmem>>
            tpu.wait_dma2 semaphore(%dma_wait3A_304 : memref<!tpu.dma_semaphore, #tpu.memory_space<semaphore_mem>>) src(%dma_wait3A_310 : memref<128x128xf32, #tpu.memory_space<vmem>>) dst(%dma_wait3A_306 : memref<128x128xf32, #tpu.memory_space<hbm>>)
            "tpu.trace_stop"() : () -> ()
          } else {
          }
          %and3A_275 = arith.constant true
          %and3A_276 = arith.andi %and3A_271, %and3A_275 : i1
          %add3A_277 = arith.constant 1 : i32
          %add3A_278 = arith.addi %while3A_146, %add3A_277 : i32
          %select_n3A_279 = arith.select %and3A_276, %add3A_278, %while3A_146 : i32
          %ne3A_280 = arith.cmpi ne, %add3A_155, %add3A_173 : i32
          %or3A_281 = arith.constant false
          %or3A_282 = arith.ori %or3A_281, %ne3A_280 : i1
          %or3A_283 = arith.ori %or3A_282, %eq3A_154 : i1
          %add3A_284 = arith.constant 1 : i32
          %add3A_285 = arith.addi %while3A_144, %add3A_284 : i32
          %select_n3A_286 = arith.select %or3A_283, %add3A_285, %while3A_144 : i32
          %add3A_287 = arith.constant 1 : i32
          %add3A_288 = arith.addi %while3A_147, %add3A_287 : i32
          %select_n3A_289 = arith.constant true
          %select_n3A_290 = arith.select %select_n3A_289, %add3A_288, %while3A_147 : i32
          %eq3A_291 = arith.cmpi eq, %select_n3A_290, %select_n3A : i32
          %select_n3A_292 = arith.constant 0 : i32
          %select_n3A_293 = arith.select %eq3A_291, %select_n3A_292, %select_n3A_290 : i32
          scf.yield %select_n3A_195, %select_n3A_286, %select_n3A_252, %select_n3A_279, %select_n3A_293 : i32, i32, i32, i32, i32
        }
        %sub3A_91 = arith.constant 1 : i32
        %sub3A_92 = arith.subi %while3A_90#4, %sub3A_91 : i32
        %select_n3A_93 = arith.constant true
        %select_n3A_94 = arith.select %select_n3A_93, %sub3A_92, %while3A_90#4 : i32
        %eq3A_95 = arith.constant -1 : i32
        %eq3A_96 = arith.cmpi eq, %select_n3A_94, %eq3A_95 : i32
        %sub3A_97 = arith.constant 1 : i32
        %sub3A_98 = arith.subi %select_n3A, %sub3A_97 : i32
        %select_n3A_99 = arith.select %eq3A_96, %sub3A_98, %select_n3A_94 : i32
        %sub3A_100 = arith.constant 1 : i32
        %sub3A_101 = arith.subi %mul3A_16, %sub3A_100 : i32
        %mul3A_102 = arith.constant 1 : i32
        %mul3A_103 = arith.muli %mul3A_102, %select_n3A : i32
        %eq3A_104 = arith.constant 0 : i32
        %eq3A_105 = arith.cmpi eq, %sub3A_101, %eq3A_104 : i32
        %sub3A_106 = arith.constant 1 : i32
        %sub3A_107 = arith.subi %mul3A_103, %sub3A_106 : i32
        %eq3A_108 = arith.cmpi eq, %sub3A_101, %sub3A_107 : i32
        %add3A_109 = arith.addi %select_n3A_99, %select_n3A_14 : i32
        %sub3A_110 = arith.constant 1 : i32
        %sub3A_111 = arith.subi %select_n3A_99, %sub3A_110 : i32
        %select_n3A_112 = arith.constant true
        %select_n3A_113 = arith.select %select_n3A_112, %sub3A_111, %select_n3A_99 : i32
        %eq3A_114 = arith.constant -1 : i32
        %eq3A_115 = arith.cmpi eq, %select_n3A_113, %eq3A_114 : i32
        %sub3A_116 = arith.constant 1 : i32
        %sub3A_117 = arith.subi %select_n3A, %sub3A_116 : i32
        %select_n3A_118 = arith.select %eq3A_115, %sub3A_117, %select_n3A_113 : i32
        %add3A_119 = arith.addi %select_n3A_118, %select_n3A_14 : i32
        %add3A_120 = arith.constant 1 : i32
        %add3A_121 = arith.addi %select_n3A_99, %add3A_120 : i32
        %select_n3A_122 = arith.constant true
        %select_n3A_123 = arith.select %select_n3A_122, %add3A_121, %select_n3A_99 : i32
        %eq3A_124 = arith.cmpi eq, %select_n3A_123, %select_n3A : i32
        %select_n3A_125 = arith.constant 0 : i32
        %select_n3A_126 = arith.select %eq3A_124, %select_n3A_125, %select_n3A_123 : i32
        %add3A_127 = arith.addi %select_n3A_126, %select_n3A_14 : i32
        %add3A_128 = arith.constant 1 : i32
        %add3A_129 = arith.addi %select_n3A_126, %add3A_128 : i32
        %select_n3A_130 = arith.constant true
        %select_n3A_131 = arith.select %select_n3A_130, %add3A_129, %select_n3A_126 : i32
        %eq3A_132 = arith.cmpi eq, %select_n3A_131, %select_n3A : i32
        %select_n3A_133 = arith.constant 0 : i32
        %select_n3A_134 = arith.select %eq3A_132, %select_n3A_133, %select_n3A_131 : i32
        %add3A_135 = arith.addi %select_n3A_134, %select_n3A_14 : i32
        %convert_element_type3A_136 = arith.extui %eq3A_108 : i1 to i32
        %cond3A_137 = arith.constant 0 : i32
        %cond3A_138 = arith.cmpi ne, %convert_element_type3A_136, %cond3A_137 : i32
        scf.if %cond3A_138 {
        } else {
        }
        %convert_element_type3A_139 = arith.extui %eq3A_108 : i1 to i32
        %cond3A_140 = arith.constant 0 : i32
        %cond3A_141 = arith.cmpi ne, %convert_element_type3A_139, %cond3A_140 : i32
        scf.if %cond3A_141 {
          "tpu.trace_start"() <{level = 10 : i32, message = "ep_finalize"}> : () -> ()
          %rem3A_142 = arith.constant 2 : i32
          %rem3A_143 = arith.remui %while3A_90#3, %rem3A_142 : i32
          %mul3A_144 = arith.constant 128 : i32
          %mul3A_145 = arith.muli %mul3A_144, %add3A_109 : i32
          %dma_wait3A = arith.constant 0 : i32
          %dma_wait3A_146 = arith.constant 0 : i32
          %dma_wait3A_147 = tpu.memref_slice %run_scoped3A_18[%rem3A_143, %dma_wait3A, %dma_wait3A_146] : memref<2x128x128xf32, #tpu.memory_space<vmem>> -> memref<1x128x128xf32, #tpu.memory_space<vmem>>
          %dma_wait3A_148 = tpu.memref_squeeze %dma_wait3A_147 : memref<1x128x128xf32, #tpu.memory_space<vmem>> -> memref<128x128xf32, #tpu.memory_space<vmem>>
          %dma_wait3A_149 = arith.constant 0 : i32
          %dma_wait3A_150 = tpu.memref_slice %arg4[%mul3A_145, %dma_wait3A_149] : memref<2048x128xf32, #tpu.memory_space<hbm>> -> memref<128x128xf32, #tpu.memory_space<hbm>>
          %dma_wait3A_151 = tpu.memref_slice %run_scoped3A_19[%rem3A_143] : memref<2x!tpu.dma_semaphore, #tpu.memory_space<semaphore_mem>> -> memref<1x!tpu.dma_semaphore, #tpu.memory_space<semaphore_mem>>
          %dma_wait3A_152 = tpu.memref_squeeze %dma_wait3A_151 : memref<1x!tpu.dma_semaphore, #tpu.memory_space<semaphore_mem>> -> memref<!tpu.dma_semaphore, #tpu.memory_space<semaphore_mem>>
          %dma_wait3A_153 = arith.constant 0 : i32
          %dma_wait3A_154 = tpu.memref_slice %arg4[%mul3A_145, %dma_wait3A_153] : memref<2048x128xf32, #tpu.memory_space<hbm>> -> memref<128x128xf32, #tpu.memory_space<hbm>>
          %dma_wait3A_155 = arith.constant 0 : i32
          %dma_wait3A_156 = arith.constant 0 : i32
          %dma_wait3A_157 = tpu.memref_slice %run_scoped3A_18[%rem3A_143, %dma_wait3A_155, %dma_wait3A_156] : memref<2x128x128xf32, #tpu.memory_space<vmem>> -> memref<1x128x128xf32, #tpu.memory_space<vmem>>
          %dma_wait3A_158 = tpu.memref_squeeze %dma_wait3A_157 : memref<1x128x128xf32, #tpu.memory_space<vmem>> -> memref<128x128xf32, #tpu.memory_space<vmem>>
          tpu.wait_dma2 semaphore(%dma_wait3A_152 : memref<!tpu.dma_semaphore, #tpu.memory_space<semaphore_mem>>) src(%dma_wait3A_158 : memref<128x128xf32, #tpu.memory_space<vmem>>) dst(%dma_wait3A_154 : memref<128x128xf32, #tpu.memory_space<hbm>>)
          "tpu.trace_stop"() : () -> ()
        } else {
        }
      } else {
      }
      tpu.yield
    }) : () -> ()
    return
  }
}

#map = affine_map<(d0, d1) -> (0, 0)>
module attributes {stable_mosaic.version = 14 : i64} {
  func.func @k(%arg0: i32, %arg1: i32, %arg2: memref<57344x128xf32, #tpu.memory_space<hbm>>, %arg3: memref<1x40960xi32, #tpu.memory_space<hbm>>, %arg4: memref<40960x128xf32, #tpu.memory_space<hbm>>) attributes {dimension_semantics = [#tpu.dimension_semantics<core_parallel>, #tpu.dimension_semantics<subcore_parallel>], iteration_bounds = array<i64: 2, 16>, scalar_prefetch = 0 : i64, scratch_operands = 0 : i64, tpu.core_type = #tpu.core_type<sc_vector_subcore>, window_params = [{transform_indices = #map}, {transform_indices = #map}, {transform_indices = #map}]} {
    %mul3A = arith.constant 1 : i32
    %mul3A_0 = arith.muli %arg1, %mul3A : i32
    %add3A = arith.constant 0 : i32
    %add3A_1 = arith.addi %add3A, %mul3A_0 : i32
    %mul3A_2 = arith.constant 16 : i32
    %mul3A_3 = arith.muli %arg0, %mul3A_2 : i32
    %add3A_4 = arith.addi %add3A_1, %mul3A_3 : i32
    %mul3A_5 = arith.constant 10 : i32
    %mul3A_6 = arith.muli %add3A_4, %mul3A_5 : i32
    "tpu.region"() ({
      %run_scoped3A = memref.alloca() : memref<2x1x128xi32, #tpu.memory_space<vmem>>
      %run_scoped3A_7 = tpu.sem_alloc : memref<2x!tpu.dma_semaphore, #tpu.memory_space<semaphore_mem>>
      %run_scoped3A_8 = memref.alloca() : memref<2x128x128xf32, #tpu.memory_space<vmem>>
      %run_scoped3A_9 = tpu.sem_alloc : memref<2x!tpu.dma_semaphore, #tpu.memory_space<semaphore_mem>>
      %add3A_10 = arith.constant 0 : i32
      %add3A_11 = arith.addi %add3A_10, %mul3A_6 : i32
      %select_n3A = arith.constant true
      %select_n3A_12 = arith.constant 0 : i32
      %select_n3A_13 = arith.constant -1 : i32
      %select_n3A_14 = arith.select %select_n3A, %select_n3A_13, %select_n3A_12 : i32
      %eq3A = arith.constant -1 : i32
      %eq3A_15 = arith.cmpi eq, %select_n3A_14, %eq3A : i32
      %select_n3A_16 = arith.constant 9 : i32
      %select_n3A_17 = arith.select %eq3A_15, %select_n3A_16, %select_n3A_14 : i32
      %add3A_18 = arith.addi %select_n3A_17, %mul3A_6 : i32
      %select_n3A_19 = arith.constant true
      %select_n3A_20 = arith.constant 0 : i32
      %select_n3A_21 = arith.constant 1 : i32
      %select_n3A_22 = arith.select %select_n3A_19, %select_n3A_21, %select_n3A_20 : i32
      %eq3A_23 = arith.constant 10 : i32
      %eq3A_24 = arith.cmpi eq, %select_n3A_22, %eq3A_23 : i32
      %select_n3A_25 = arith.constant 0 : i32
      %select_n3A_26 = arith.select %eq3A_24, %select_n3A_25, %select_n3A_22 : i32
      %add3A_27 = arith.addi %select_n3A_26, %mul3A_6 : i32
      %add3A_28 = arith.constant 1 : i32
      %add3A_29 = arith.addi %select_n3A_26, %add3A_28 : i32
      %select_n3A_30 = arith.constant true
      %select_n3A_31 = arith.select %select_n3A_30, %add3A_29, %select_n3A_26 : i32
      %eq3A_32 = arith.constant 10 : i32
      %eq3A_33 = arith.cmpi eq, %select_n3A_31, %eq3A_32 : i32
      %select_n3A_34 = arith.constant 0 : i32
      %select_n3A_35 = arith.select %eq3A_33, %select_n3A_34, %select_n3A_31 : i32
      %add3A_36 = arith.addi %select_n3A_35, %mul3A_6 : i32
      "tpu.trace_start"() <{level = 10 : i32, message = "ep_initialize_0"}> : () -> ()
      %rem3A = arith.constant 0 : i32
      %rem3A_37 = arith.constant 2 : i32
      %rem3A_38 = arith.remui %rem3A, %rem3A_37 : i32
      %mul3A_39 = arith.constant 128 : i32
      %mul3A_40 = arith.muli %mul3A_39, %add3A_11 : i32
      %dma_start3A = arith.constant 0 : i32
      %dma_start3A_41 = arith.constant 0 : i32
      %dma_start3A_42 = tpu.memref_slice %run_scoped3A[%rem3A_38, %dma_start3A, %dma_start3A_41] : memref<2x1x128xi32, #tpu.memory_space<vmem>> -> memref<1x1x128xi32, #tpu.memory_space<vmem>>
      %dma_start3A_43 = tpu.memref_squeeze %dma_start3A_42 : memref<1x1x128xi32, #tpu.memory_space<vmem>> -> memref<1x128xi32, #tpu.memory_space<vmem>>
      %dma_start3A_44 = arith.constant 0 : i32
      %dma_start3A_45 = tpu.memref_slice %arg3[%dma_start3A_44, %mul3A_40] : memref<1x40960xi32, #tpu.memory_space<hbm>> -> memref<1x128xi32, #tpu.memory_space<hbm>>
      %dma_start3A_46 = tpu.memref_slice %run_scoped3A_7[%rem3A_38] : memref<2x!tpu.dma_semaphore, #tpu.memory_space<semaphore_mem>> -> memref<1x!tpu.dma_semaphore, #tpu.memory_space<semaphore_mem>>
      %dma_start3A_47 = tpu.memref_squeeze %dma_start3A_46 : memref<1x!tpu.dma_semaphore, #tpu.memory_space<semaphore_mem>> -> memref<!tpu.dma_semaphore, #tpu.memory_space<semaphore_mem>>
      %dma_start3A_48 = arith.constant 0 : i32
      %dma_start3A_49 = arith.constant 0 : i32
      %dma_start3A_50 = tpu.memref_slice %run_scoped3A[%rem3A_38, %dma_start3A_48, %dma_start3A_49] : memref<2x1x128xi32, #tpu.memory_space<vmem>> -> memref<1x1x128xi32, #tpu.memory_space<vmem>>
      %dma_start3A_51 = tpu.memref_squeeze %dma_start3A_50 : memref<1x1x128xi32, #tpu.memory_space<vmem>> -> memref<1x128xi32, #tpu.memory_space<vmem>>
      %dma_start3A_52 = arith.constant 0 : i32
      %dma_start3A_53 = tpu.memref_slice %arg3[%dma_start3A_52, %mul3A_40] : memref<1x40960xi32, #tpu.memory_space<hbm>> -> memref<1x128xi32, #tpu.memory_space<hbm>>
      tpu.enqueue_dma source(%dma_start3A_53 : memref<1x128xi32, #tpu.memory_space<hbm>>) target(%dma_start3A_51 : memref<1x128xi32, #tpu.memory_space<vmem>>) target_semaphore(%dma_start3A_47 : memref<!tpu.dma_semaphore, #tpu.memory_space<semaphore_mem>>)
      %add3A_54 = arith.constant 0 : i32
      %add3A_55 = arith.constant 1 : i32
      %add3A_56 = arith.addi %add3A_54, %add3A_55 : i32
      %select_n3A_57 = arith.constant true
      %select_n3A_58 = arith.constant 0 : i32
      %select_n3A_59 = arith.select %select_n3A_57, %add3A_56, %select_n3A_58 : i32
      "tpu.trace_stop"() : () -> ()
      %scan3A = arith.constant 0 : i32
      %scan3A_60 = arith.constant 0 : i32
      %scan3A_61 = arith.constant 0 : i32
      %scan3A_62 = arith.constant 0 : i32
      %scan3A_63 = arith.constant 0 : i32
      %scan3A_64 = arith.constant 10 : i32
      %scan3A_65 = arith.addi %scan3A_63, %scan3A_64 : i32
      %scan3A_66 = arith.constant 1 : i32
      %scan3A_67:5 = scf.for %scan3A_121 = %scan3A_63 to %scan3A_65 step %scan3A_66 iter_args(%scan3A_122 = %select_n3A_59, %scan3A_123 = %scan3A, %scan3A_124 = %scan3A_60, %scan3A_125 = %scan3A_61, %scan3A_126 = %scan3A_62) -> (i32, i32, i32, i32, i32)  : i32 {
        %eq3A_127 = arith.constant 0 : i32
        %eq3A_128 = arith.cmpi eq, %scan3A_121, %eq3A_127 : i32
        %eq3A_129 = arith.constant 9 : i32
        %eq3A_130 = arith.cmpi eq, %scan3A_121, %eq3A_129 : i32
        %add3A_131 = arith.addi %scan3A_126, %mul3A_6 : i32
        %sub3A_132 = arith.constant 1 : i32
        %sub3A_133 = arith.subi %scan3A_126, %sub3A_132 : i32
        %select_n3A_134 = arith.constant true
        %select_n3A_135 = arith.select %select_n3A_134, %sub3A_133, %scan3A_126 : i32
        %eq3A_136 = arith.constant -1 : i32
        %eq3A_137 = arith.cmpi eq, %select_n3A_135, %eq3A_136 : i32
        %select_n3A_138 = arith.constant 9 : i32
        %select_n3A_139 = arith.select %eq3A_137, %select_n3A_138, %select_n3A_135 : i32
        %add3A_140 = arith.addi %select_n3A_139, %mul3A_6 : i32
        %add3A_141 = arith.constant 1 : i32
        %add3A_142 = arith.addi %scan3A_126, %add3A_141 : i32
        %select_n3A_143 = arith.constant true
        %select_n3A_144 = arith.select %select_n3A_143, %add3A_142, %scan3A_126 : i32
        %eq3A_145 = arith.constant 10 : i32
        %eq3A_146 = arith.cmpi eq, %select_n3A_144, %eq3A_145 : i32
        %select_n3A_147 = arith.constant 0 : i32
        %select_n3A_148 = arith.select %eq3A_146, %select_n3A_147, %select_n3A_144 : i32
        %add3A_149 = arith.addi %select_n3A_148, %mul3A_6 : i32
        %add3A_150 = arith.constant 1 : i32
        %add3A_151 = arith.addi %select_n3A_148, %add3A_150 : i32
        %select_n3A_152 = arith.constant true
        %select_n3A_153 = arith.select %select_n3A_152, %add3A_151, %select_n3A_148 : i32
        %eq3A_154 = arith.constant 10 : i32
        %eq3A_155 = arith.cmpi eq, %select_n3A_153, %eq3A_154 : i32
        %select_n3A_156 = arith.constant 0 : i32
        %select_n3A_157 = arith.select %eq3A_155, %select_n3A_156, %select_n3A_153 : i32
        %add3A_158 = arith.addi %select_n3A_157, %mul3A_6 : i32
        %ne3A = arith.cmpi ne, %add3A_131, %add3A_149 : i32
        %or3A = arith.constant false
        %or3A_159 = arith.ori %or3A, %ne3A : i1
        %ge3A = arith.constant 9 : i32
        %ge3A_160 = arith.cmpi sge, %scan3A_121, %ge3A : i32
        %not3A = arith.constant true
        %not3A_161 = arith.xori %ge3A_160, %not3A : i1
        %and3A = arith.andi %or3A_159, %not3A_161 : i1
        %convert_element_type3A = arith.extui %and3A : i1 to i32
        %cond3A = arith.constant 0 : i32
        %cond3A_162 = arith.cmpi ne, %convert_element_type3A, %cond3A : i32
        scf.if %cond3A_162 {
          "tpu.trace_start"() <{level = 10 : i32, message = "ep_copy_in"}> : () -> ()
          %rem3A_264 = arith.constant 2 : i32
          %rem3A_265 = arith.remui %scan3A_122, %rem3A_264 : i32
          %mul3A_266 = arith.constant 128 : i32
          %mul3A_267 = arith.muli %mul3A_266, %add3A_149 : i32
          %dma_start3A_268 = arith.constant 0 : i32
          %dma_start3A_269 = arith.constant 0 : i32
          %dma_start3A_270 = tpu.memref_slice %run_scoped3A[%rem3A_265, %dma_start3A_268, %dma_start3A_269] : memref<2x1x128xi32, #tpu.memory_space<vmem>> -> memref<1x1x128xi32, #tpu.memory_space<vmem>>
          %dma_start3A_271 = tpu.memref_squeeze %dma_start3A_270 : memref<1x1x128xi32, #tpu.memory_space<vmem>> -> memref<1x128xi32, #tpu.memory_space<vmem>>
          %dma_start3A_272 = arith.constant 0 : i32
          %dma_start3A_273 = tpu.memref_slice %arg3[%dma_start3A_272, %mul3A_267] : memref<1x40960xi32, #tpu.memory_space<hbm>> -> memref<1x128xi32, #tpu.memory_space<hbm>>
          %dma_start3A_274 = tpu.memref_slice %run_scoped3A_7[%rem3A_265] : memref<2x!tpu.dma_semaphore, #tpu.memory_space<semaphore_mem>> -> memref<1x!tpu.dma_semaphore, #tpu.memory_space<semaphore_mem>>
          %dma_start3A_275 = tpu.memref_squeeze %dma_start3A_274 : memref<1x!tpu.dma_semaphore, #tpu.memory_space<semaphore_mem>> -> memref<!tpu.dma_semaphore, #tpu.memory_space<semaphore_mem>>
          %dma_start3A_276 = arith.constant 0 : i32
          %dma_start3A_277 = arith.constant 0 : i32
          %dma_start3A_278 = tpu.memref_slice %run_scoped3A[%rem3A_265, %dma_start3A_276, %dma_start3A_277] : memref<2x1x128xi32, #tpu.memory_space<vmem>> -> memref<1x1x128xi32, #tpu.memory_space<vmem>>
          %dma_start3A_279 = tpu.memref_squeeze %dma_start3A_278 : memref<1x1x128xi32, #tpu.memory_space<vmem>> -> memref<1x128xi32, #tpu.memory_space<vmem>>
          %dma_start3A_280 = arith.constant 0 : i32
          %dma_start3A_281 = tpu.memref_slice %arg3[%dma_start3A_280, %mul3A_267] : memref<1x40960xi32, #tpu.memory_space<hbm>> -> memref<1x128xi32, #tpu.memory_space<hbm>>
          tpu.enqueue_dma source(%dma_start3A_281 : memref<1x128xi32, #tpu.memory_space<hbm>>) target(%dma_start3A_279 : memref<1x128xi32, #tpu.memory_space<vmem>>) target_semaphore(%dma_start3A_275 : memref<!tpu.dma_semaphore, #tpu.memory_space<semaphore_mem>>)
          "tpu.trace_stop"() : () -> ()
        } else {
        }
        %and3A_163 = arith.constant true
        %and3A_164 = arith.andi %and3A, %and3A_163 : i1
        %add3A_165 = arith.constant 1 : i32
        %add3A_166 = arith.addi %scan3A_122, %add3A_165 : i32
        %select_n3A_167 = arith.select %and3A_164, %add3A_166, %scan3A_122 : i32
        %ne3A_168 = arith.cmpi ne, %add3A_131, %add3A_149 : i32
        %or3A_169 = arith.constant false
        %or3A_170 = arith.ori %or3A_169, %ne3A_168 : i1
        %or3A_171 = arith.constant false
        %or3A_172 = arith.ori %or3A_170, %or3A_171 : i1
        %ge3A_173 = arith.constant 9 : i32
        %ge3A_174 = arith.cmpi sge, %scan3A_121, %ge3A_173 : i32
        %not3A_175 = arith.constant true
        %not3A_176 = arith.xori %ge3A_174, %not3A_175 : i1
        %and3A_177 = arith.andi %or3A_172, %not3A_176 : i1
        %ne3A_178 = arith.cmpi ne, %add3A_131, %add3A_140 : i32
        %or3A_179 = arith.constant false
        %or3A_180 = arith.ori %or3A_179, %ne3A_178 : i1
        %or3A_181 = arith.ori %or3A_180, %eq3A_128 : i1
        %convert_element_type3A_182 = arith.extui %or3A_181 : i1 to i32
        %cond3A_183 = arith.constant 0 : i32
        %cond3A_184 = arith.cmpi ne, %convert_element_type3A_182, %cond3A_183 : i32
        scf.if %cond3A_184 {
          "tpu.trace_start"() <{level = 10 : i32, message = "ep_wait_in"}> : () -> ()
          %mul3A_264 = arith.constant 128 : i32
          %mul3A_265 = arith.muli %mul3A_264, %add3A_131 : i32
          %rem3A_266 = arith.constant 2 : i32
          %rem3A_267 = arith.remui %scan3A_123, %rem3A_266 : i32
          %dma_wait3A_268 = arith.constant 0 : i32
          %dma_wait3A_269 = arith.constant 0 : i32
          %dma_wait3A_270 = tpu.memref_slice %run_scoped3A[%rem3A_267, %dma_wait3A_268, %dma_wait3A_269] : memref<2x1x128xi32, #tpu.memory_space<vmem>> -> memref<1x1x128xi32, #tpu.memory_space<vmem>>
          %dma_wait3A_271 = tpu.memref_squeeze %dma_wait3A_270 : memref<1x1x128xi32, #tpu.memory_space<vmem>> -> memref<1x128xi32, #tpu.memory_space<vmem>>
          %dma_wait3A_272 = arith.constant 0 : i32
          %dma_wait3A_273 = tpu.memref_slice %arg3[%dma_wait3A_272, %mul3A_265] : memref<1x40960xi32, #tpu.memory_space<hbm>> -> memref<1x128xi32, #tpu.memory_space<hbm>>
          %dma_wait3A_274 = tpu.memref_slice %run_scoped3A_7[%rem3A_267] : memref<2x!tpu.dma_semaphore, #tpu.memory_space<semaphore_mem>> -> memref<1x!tpu.dma_semaphore, #tpu.memory_space<semaphore_mem>>
          %dma_wait3A_275 = tpu.memref_squeeze %dma_wait3A_274 : memref<1x!tpu.dma_semaphore, #tpu.memory_space<semaphore_mem>> -> memref<!tpu.dma_semaphore, #tpu.memory_space<semaphore_mem>>
          %dma_wait3A_276 = arith.constant 0 : i32
          %dma_wait3A_277 = arith.constant 0 : i32
          %dma_wait3A_278 = tpu.memref_slice %run_scoped3A[%rem3A_267, %dma_wait3A_276, %dma_wait3A_277] : memref<2x1x128xi32, #tpu.memory_space<vmem>> -> memref<1x1x128xi32, #tpu.memory_space<vmem>>
          %dma_wait3A_279 = tpu.memref_squeeze %dma_wait3A_278 : memref<1x1x128xi32, #tpu.memory_space<vmem>> -> memref<1x128xi32, #tpu.memory_space<vmem>>
          %dma_wait3A_280 = arith.constant 0 : i32
          %dma_wait3A_281 = tpu.memref_slice %arg3[%dma_wait3A_280, %mul3A_265] : memref<1x40960xi32, #tpu.memory_space<hbm>> -> memref<1x128xi32, #tpu.memory_space<hbm>>
          tpu.wait_dma2 semaphore(%dma_wait3A_275 : memref<!tpu.dma_semaphore, #tpu.memory_space<semaphore_mem>>) src(%dma_wait3A_281 : memref<1x128xi32, #tpu.memory_space<hbm>>) dst(%dma_wait3A_279 : memref<1x128xi32, #tpu.memory_space<vmem>>)
          "tpu.trace_stop"() : () -> ()
        } else {
        }
        %ne3A_185 = arith.cmpi ne, %add3A_131, %add3A_140 : i32
        %or3A_186 = arith.constant false
        %or3A_187 = arith.ori %or3A_186, %ne3A_185 : i1
        %or3A_188 = arith.constant false
        %or3A_189 = arith.ori %or3A_187, %or3A_188 : i1
        %or3A_190 = arith.ori %or3A_189, %eq3A_128 : i1
        %convert_element_type3A_191 = arith.extui %or3A_190 : i1 to i32
        %cond3A_192 = arith.constant 0 : i32
        %cond3A_193 = arith.cmpi ne, %convert_element_type3A_191, %cond3A_192 : i32
        scf.if %cond3A_193 {
        } else {
        }
        %rem3A_194 = arith.constant 2 : i32
        %rem3A_195 = arith.remui %scan3A_123, %rem3A_194 : i32
        %rem3A_196 = arith.constant 2 : i32
        %rem3A_197 = arith.remui %scan3A_124, %rem3A_196 : i32
        %run_scoped3A_198 = arith.constant 0 : i32
        "tpu.trace_start"() <{level = 10 : i32, message = "ep_run_kernel"}> : () -> ()
        "tpu.region"() ({
          %run_scoped3A_264 = tpu.sem_alloc : memref<!tpu.dma_semaphore, #tpu.memory_space<semaphore_mem>>
          %dma_start3A_265 = arith.constant 0 : i32
          %dma_start3A_266 = arith.constant 0 : i32
          %dma_start3A_267 = tpu.memref_slice %run_scoped3A_8[%rem3A_197, %dma_start3A_265, %dma_start3A_266] : memref<2x128x128xf32, #tpu.memory_space<vmem>> -> memref<1x128x128xf32, #tpu.memory_space<vmem>>
          %dma_start3A_268 = tpu.memref_squeeze %dma_start3A_267 : memref<1x128x128xf32, #tpu.memory_space<vmem>> -> memref<128x128xf32, #tpu.memory_space<vmem>>
          %dma_start3A_269 = arith.constant 0 : i32
          %dma_start3A_270 = arith.constant 0 : i32
          %dma_start3A_271 = tpu.memref_slice %run_scoped3A[%rem3A_195, %dma_start3A_269, %dma_start3A_270] : memref<2x1x128xi32, #tpu.memory_space<vmem>> -> memref<1x1x128xi32, #tpu.memory_space<vmem>>
          %dma_start3A_272 = tpu.memref_squeeze %dma_start3A_271 : memref<1x1x128xi32, #tpu.memory_space<vmem>> -> memref<1x128xi32, #tpu.memory_space<vmem>>
          %dma_start3A_273 = arith.constant 0 : i32
          %dma_start3A_274 = tpu.memref_slice %dma_start3A_272[%run_scoped3A_198, %dma_start3A_273] : memref<1x128xi32, #tpu.memory_space<vmem>> -> memref<1x128xi32, #tpu.memory_space<vmem>>
          %dma_start3A_275 = tpu.memref_squeeze %dma_start3A_274 : memref<1x128xi32, #tpu.memory_space<vmem>> -> memref<128xi32, #tpu.memory_space<vmem>>
          %dma_start3A_276 = arith.constant 0 : i32
          %dma_start3A_277 = arith.constant 0 : i32
          %dma_start3A_278 = tpu.memref_slice %arg2[%dma_start3A_276, %dma_start3A_277] : memref<57344x128xf32, #tpu.memory_space<hbm>> -> memref<57344x128xf32, #tpu.memory_space<hbm>>
          tpu.enqueue_indirect_dma source(%dma_start3A_278 : memref<57344x128xf32, #tpu.memory_space<hbm>>) target(%dma_start3A_268 : memref<128x128xf32, #tpu.memory_space<vmem>>) offsets(%dma_start3A_275 : memref<128xi32, #tpu.memory_space<vmem>>) semaphore(%run_scoped3A_264 : memref<!tpu.dma_semaphore, #tpu.memory_space<semaphore_mem>>)
          %dma_wait3A_279 = arith.constant 0 : i32
          %dma_wait3A_280 = arith.constant 0 : i32
          %dma_wait3A_281 = tpu.memref_slice %run_scoped3A_8[%rem3A_197, %dma_wait3A_279, %dma_wait3A_280] : memref<2x128x128xf32, #tpu.memory_space<vmem>> -> memref<1x128x128xf32, #tpu.memory_space<vmem>>
          %dma_wait3A_282 = tpu.memref_squeeze %dma_wait3A_281 : memref<1x128x128xf32, #tpu.memory_space<vmem>> -> memref<128x128xf32, #tpu.memory_space<vmem>>
          %dma_wait3A_283 = arith.constant 0 : i32
          %dma_wait3A_284 = arith.constant 0 : i32
          %dma_wait3A_285 = tpu.memref_slice %run_scoped3A[%rem3A_195, %dma_wait3A_283, %dma_wait3A_284] : memref<2x1x128xi32, #tpu.memory_space<vmem>> -> memref<1x1x128xi32, #tpu.memory_space<vmem>>
          %dma_wait3A_286 = tpu.memref_squeeze %dma_wait3A_285 : memref<1x1x128xi32, #tpu.memory_space<vmem>> -> memref<1x128xi32, #tpu.memory_space<vmem>>
          %dma_wait3A_287 = arith.constant 0 : i32
          %dma_wait3A_288 = tpu.memref_slice %dma_wait3A_286[%run_scoped3A_198, %dma_wait3A_287] : memref<1x128xi32, #tpu.memory_space<vmem>> -> memref<1x128xi32, #tpu.memory_space<vmem>>
          %dma_wait3A_289 = tpu.memref_squeeze %dma_wait3A_288 : memref<1x128xi32, #tpu.memory_space<vmem>> -> memref<128xi32, #tpu.memory_space<vmem>>
          %dma_wait3A_290 = arith.constant 0 : i32
          %dma_wait3A_291 = arith.constant 0 : i32
          %dma_wait3A_292 = tpu.memref_slice %arg2[%dma_wait3A_290, %dma_wait3A_291] : memref<57344x128xf32, #tpu.memory_space<hbm>> -> memref<57344x128xf32, #tpu.memory_space<hbm>>
          tpu.wait_indirect_dma semaphore(%run_scoped3A_264 : memref<!tpu.dma_semaphore, #tpu.memory_space<semaphore_mem>>) src(%dma_wait3A_292 : memref<57344x128xf32, #tpu.memory_space<hbm>>) dst(%dma_wait3A_282 : memref<128x128xf32, #tpu.memory_space<vmem>>)
          tpu.yield
        }) : () -> ()
        "tpu.trace_stop"() : () -> ()
        %ne3A_199 = arith.cmpi ne, %add3A_131, %add3A_149 : i32
        %or3A_200 = arith.constant false
        %or3A_201 = arith.ori %or3A_200, %ne3A_199 : i1
        %or3A_202 = arith.ori %or3A_201, %eq3A_130 : i1
        %convert_element_type3A_203 = arith.extui %or3A_202 : i1 to i32
        %cond3A_204 = arith.constant 0 : i32
        %cond3A_205 = arith.cmpi ne, %convert_element_type3A_203, %cond3A_204 : i32
        scf.if %cond3A_205 {
        } else {
        }
        %and3A_206 = arith.constant false
        %and3A_207 = arith.andi %or3A_202, %and3A_206 : i1
        %ne3A_208 = arith.cmpi ne, %add3A_131, %add3A_149 : i32
        %or3A_209 = arith.constant false
        %or3A_210 = arith.ori %or3A_209, %ne3A_208 : i1
        %or3A_211 = arith.constant false
        %or3A_212 = arith.ori %or3A_210, %or3A_211 : i1
        %or3A_213 = arith.ori %or3A_212, %eq3A_130 : i1
        %convert_element_type3A_214 = arith.extui %or3A_213 : i1 to i32
        %cond3A_215 = arith.constant 0 : i32
        %cond3A_216 = arith.cmpi ne, %convert_element_type3A_214, %cond3A_215 : i32
        scf.if %cond3A_216 {
          "tpu.trace_start"() <{level = 10 : i32, message = "ep_copy_out"}> : () -> ()
          %rem3A_264 = arith.constant 2 : i32
          %rem3A_265 = arith.remui %scan3A_124, %rem3A_264 : i32
          %mul3A_266 = arith.constant 128 : i32
          %mul3A_267 = arith.muli %mul3A_266, %add3A_131 : i32
          %dma_start3A_268 = arith.constant 0 : i32
          %dma_start3A_269 = arith.constant 0 : i32
          %dma_start3A_270 = tpu.memref_slice %run_scoped3A_8[%rem3A_265, %dma_start3A_268, %dma_start3A_269] : memref<2x128x128xf32, #tpu.memory_space<vmem>> -> memref<1x128x128xf32, #tpu.memory_space<vmem>>
          %dma_start3A_271 = tpu.memref_squeeze %dma_start3A_270 : memref<1x128x128xf32, #tpu.memory_space<vmem>> -> memref<128x128xf32, #tpu.memory_space<vmem>>
          %dma_start3A_272 = arith.constant 0 : i32
          %dma_start3A_273 = tpu.memref_slice %arg4[%mul3A_267, %dma_start3A_272] : memref<40960x128xf32, #tpu.memory_space<hbm>> -> memref<128x128xf32, #tpu.memory_space<hbm>>
          %dma_start3A_274 = tpu.memref_slice %run_scoped3A_9[%rem3A_265] : memref<2x!tpu.dma_semaphore, #tpu.memory_space<semaphore_mem>> -> memref<1x!tpu.dma_semaphore, #tpu.memory_space<semaphore_mem>>
          %dma_start3A_275 = tpu.memref_squeeze %dma_start3A_274 : memref<1x!tpu.dma_semaphore, #tpu.memory_space<semaphore_mem>> -> memref<!tpu.dma_semaphore, #tpu.memory_space<semaphore_mem>>
          %dma_start3A_276 = arith.constant 0 : i32
          %dma_start3A_277 = tpu.memref_slice %arg4[%mul3A_267, %dma_start3A_276] : memref<40960x128xf32, #tpu.memory_space<hbm>> -> memref<128x128xf32, #tpu.memory_space<hbm>>
          %dma_start3A_278 = arith.constant 0 : i32
          %dma_start3A_279 = arith.constant 0 : i32
          %dma_start3A_280 = tpu.memref_slice %run_scoped3A_8[%rem3A_265, %dma_start3A_278, %dma_start3A_279] : memref<2x128x128xf32, #tpu.memory_space<vmem>> -> memref<1x128x128xf32, #tpu.memory_space<vmem>>
          %dma_start3A_281 = tpu.memref_squeeze %dma_start3A_280 : memref<1x128x128xf32, #tpu.memory_space<vmem>> -> memref<128x128xf32, #tpu.memory_space<vmem>>
          tpu.enqueue_dma source(%dma_start3A_281 : memref<128x128xf32, #tpu.memory_space<vmem>>) target(%dma_start3A_277 : memref<128x128xf32, #tpu.memory_space<hbm>>) target_semaphore(%dma_start3A_275 : memref<!tpu.dma_semaphore, #tpu.memory_space<semaphore_mem>>)
          "tpu.trace_stop"() : () -> ()
        } else {
        }
        %and3A_217 = arith.constant true
        %and3A_218 = arith.andi %or3A_213, %and3A_217 : i1
        %add3A_219 = arith.constant 1 : i32
        %add3A_220 = arith.addi %scan3A_124, %add3A_219 : i32
        %select_n3A_221 = arith.select %and3A_218, %add3A_220, %scan3A_124 : i32
        %ne3A_222 = arith.cmpi ne, %add3A_131, %add3A_140 : i32
        %or3A_223 = arith.constant false
        %or3A_224 = arith.ori %or3A_223, %ne3A_222 : i1
        %not3A_225 = arith.constant true
        %not3A_226 = arith.xori %eq3A_128, %not3A_225 : i1
        %and3A_227 = arith.andi %or3A_224, %not3A_226 : i1
        %convert_element_type3A_228 = arith.extui %and3A_227 : i1 to i32
        %cond3A_229 = arith.constant 0 : i32
        %cond3A_230 = arith.cmpi ne, %convert_element_type3A_228, %cond3A_229 : i32
        scf.if %cond3A_230 {
        } else {
        }
        %and3A_231 = arith.constant false
        %and3A_232 = arith.andi %and3A_227, %and3A_231 : i1
        %ne3A_233 = arith.cmpi ne, %add3A_131, %add3A_140 : i32
        %or3A_234 = arith.constant false
        %or3A_235 = arith.ori %or3A_234, %ne3A_233 : i1
        %or3A_236 = arith.constant false
        %or3A_237 = arith.ori %or3A_235, %or3A_236 : i1
        %not3A_238 = arith.constant true
        %not3A_239 = arith.xori %eq3A_128, %not3A_238 : i1
        %and3A_240 = arith.andi %or3A_237, %not3A_239 : i1
        %convert_element_type3A_241 = arith.extui %and3A_240 : i1 to i32
        %cond3A_242 = arith.constant 0 : i32
        %cond3A_243 = arith.cmpi ne, %convert_element_type3A_241, %cond3A_242 : i32
        scf.if %cond3A_243 {
          "tpu.trace_start"() <{level = 10 : i32, message = "ep_wait_out"}> : () -> ()
          %rem3A_264 = arith.constant 2 : i32
          %rem3A_265 = arith.remui %scan3A_125, %rem3A_264 : i32
          %mul3A_266 = arith.constant 128 : i32
          %mul3A_267 = arith.muli %mul3A_266, %add3A_140 : i32
          %dma_wait3A_268 = arith.constant 0 : i32
          %dma_wait3A_269 = arith.constant 0 : i32
          %dma_wait3A_270 = tpu.memref_slice %run_scoped3A_8[%rem3A_265, %dma_wait3A_268, %dma_wait3A_269] : memref<2x128x128xf32, #tpu.memory_space<vmem>> -> memref<1x128x128xf32, #tpu.memory_space<vmem>>
          %dma_wait3A_271 = tpu.memref_squeeze %dma_wait3A_270 : memref<1x128x128xf32, #tpu.memory_space<vmem>> -> memref<128x128xf32, #tpu.memory_space<vmem>>
          %dma_wait3A_272 = arith.constant 0 : i32
          %dma_wait3A_273 = tpu.memref_slice %arg4[%mul3A_267, %dma_wait3A_272] : memref<40960x128xf32, #tpu.memory_space<hbm>> -> memref<128x128xf32, #tpu.memory_space<hbm>>
          %dma_wait3A_274 = tpu.memref_slice %run_scoped3A_9[%rem3A_265] : memref<2x!tpu.dma_semaphore, #tpu.memory_space<semaphore_mem>> -> memref<1x!tpu.dma_semaphore, #tpu.memory_space<semaphore_mem>>
          %dma_wait3A_275 = tpu.memref_squeeze %dma_wait3A_274 : memref<1x!tpu.dma_semaphore, #tpu.memory_space<semaphore_mem>> -> memref<!tpu.dma_semaphore, #tpu.memory_space<semaphore_mem>>
          %dma_wait3A_276 = arith.constant 0 : i32
          %dma_wait3A_277 = tpu.memref_slice %arg4[%mul3A_267, %dma_wait3A_276] : memref<40960x128xf32, #tpu.memory_space<hbm>> -> memref<128x128xf32, #tpu.memory_space<hbm>>
          %dma_wait3A_278 = arith.constant 0 : i32
          %dma_wait3A_279 = arith.constant 0 : i32
          %dma_wait3A_280 = tpu.memref_slice %run_scoped3A_8[%rem3A_265, %dma_wait3A_278, %dma_wait3A_279] : memref<2x128x128xf32, #tpu.memory_space<vmem>> -> memref<1x128x128xf32, #tpu.memory_space<vmem>>
          %dma_wait3A_281 = tpu.memref_squeeze %dma_wait3A_280 : memref<1x128x128xf32, #tpu.memory_space<vmem>> -> memref<128x128xf32, #tpu.memory_space<vmem>>
          tpu.wait_dma2 semaphore(%dma_wait3A_275 : memref<!tpu.dma_semaphore, #tpu.memory_space<semaphore_mem>>) src(%dma_wait3A_281 : memref<128x128xf32, #tpu.memory_space<vmem>>) dst(%dma_wait3A_277 : memref<128x128xf32, #tpu.memory_space<hbm>>)
          "tpu.trace_stop"() : () -> ()
        } else {
        }
        %and3A_244 = arith.constant true
        %and3A_245 = arith.andi %and3A_240, %and3A_244 : i1
        %add3A_246 = arith.constant 1 : i32
        %add3A_247 = arith.addi %scan3A_125, %add3A_246 : i32
        %select_n3A_248 = arith.select %and3A_245, %add3A_247, %scan3A_125 : i32
        %ne3A_249 = arith.cmpi ne, %add3A_131, %add3A_149 : i32
        %or3A_250 = arith.constant false
        %or3A_251 = arith.ori %or3A_250, %ne3A_249 : i1
        %or3A_252 = arith.ori %or3A_251, %eq3A_130 : i1
        %add3A_253 = arith.constant 1 : i32
        %add3A_254 = arith.addi %scan3A_123, %add3A_253 : i32
        %select_n3A_255 = arith.select %or3A_252, %add3A_254, %scan3A_123 : i32
        %add3A_256 = arith.constant 1 : i32
        %add3A_257 = arith.addi %scan3A_126, %add3A_256 : i32
        %select_n3A_258 = arith.constant true
        %select_n3A_259 = arith.select %select_n3A_258, %add3A_257, %scan3A_126 : i32
        %eq3A_260 = arith.constant 10 : i32
        %eq3A_261 = arith.cmpi eq, %select_n3A_259, %eq3A_260 : i32
        %select_n3A_262 = arith.constant 0 : i32
        %select_n3A_263 = arith.select %eq3A_261, %select_n3A_262, %select_n3A_259 : i32
        scf.yield %select_n3A_167, %select_n3A_255, %select_n3A_221, %select_n3A_248, %select_n3A_263 : i32, i32, i32, i32, i32
      }
      %scan3A_68 = arith.constant 10 : i32
      %sub3A = arith.constant 1 : i32
      %sub3A_69 = arith.subi %scan3A_67#4, %sub3A : i32
      %select_n3A_70 = arith.constant true
      %select_n3A_71 = arith.select %select_n3A_70, %sub3A_69, %scan3A_67#4 : i32
      %eq3A_72 = arith.constant -1 : i32
      %eq3A_73 = arith.cmpi eq, %select_n3A_71, %eq3A_72 : i32
      %select_n3A_74 = arith.constant 9 : i32
      %select_n3A_75 = arith.select %eq3A_73, %select_n3A_74, %select_n3A_71 : i32
      %add3A_76 = arith.addi %select_n3A_75, %mul3A_6 : i32
      %sub3A_77 = arith.constant 1 : i32
      %sub3A_78 = arith.subi %select_n3A_75, %sub3A_77 : i32
      %select_n3A_79 = arith.constant true
      %select_n3A_80 = arith.select %select_n3A_79, %sub3A_78, %select_n3A_75 : i32
      %eq3A_81 = arith.constant -1 : i32
      %eq3A_82 = arith.cmpi eq, %select_n3A_80, %eq3A_81 : i32
      %select_n3A_83 = arith.constant 9 : i32
      %select_n3A_84 = arith.select %eq3A_82, %select_n3A_83, %select_n3A_80 : i32
      %add3A_85 = arith.addi %select_n3A_84, %mul3A_6 : i32
      %add3A_86 = arith.constant 1 : i32
      %add3A_87 = arith.addi %select_n3A_75, %add3A_86 : i32
      %select_n3A_88 = arith.constant true
      %select_n3A_89 = arith.select %select_n3A_88, %add3A_87, %select_n3A_75 : i32
      %eq3A_90 = arith.constant 10 : i32
      %eq3A_91 = arith.cmpi eq, %select_n3A_89, %eq3A_90 : i32
      %select_n3A_92 = arith.constant 0 : i32
      %select_n3A_93 = arith.select %eq3A_91, %select_n3A_92, %select_n3A_89 : i32
      %add3A_94 = arith.addi %select_n3A_93, %mul3A_6 : i32
      %add3A_95 = arith.constant 1 : i32
      %add3A_96 = arith.addi %select_n3A_93, %add3A_95 : i32
      %select_n3A_97 = arith.constant true
      %select_n3A_98 = arith.select %select_n3A_97, %add3A_96, %select_n3A_93 : i32
      %eq3A_99 = arith.constant 10 : i32
      %eq3A_100 = arith.cmpi eq, %select_n3A_98, %eq3A_99 : i32
      %select_n3A_101 = arith.constant 0 : i32
      %select_n3A_102 = arith.select %eq3A_100, %select_n3A_101, %select_n3A_98 : i32
      %add3A_103 = arith.addi %select_n3A_102, %mul3A_6 : i32
      "tpu.trace_start"() <{level = 10 : i32, message = "ep_finalize"}> : () -> ()
      %rem3A_104 = arith.constant 2 : i32
      %rem3A_105 = arith.remui %scan3A_67#3, %rem3A_104 : i32
      %mul3A_106 = arith.constant 128 : i32
      %mul3A_107 = arith.muli %mul3A_106, %add3A_76 : i32
      %dma_wait3A = arith.constant 0 : i32
      %dma_wait3A_108 = arith.constant 0 : i32
      %dma_wait3A_109 = tpu.memref_slice %run_scoped3A_8[%rem3A_105, %dma_wait3A, %dma_wait3A_108] : memref<2x128x128xf32, #tpu.memory_space<vmem>> -> memref<1x128x128xf32, #tpu.memory_space<vmem>>
      %dma_wait3A_110 = tpu.memref_squeeze %dma_wait3A_109 : memref<1x128x128xf32, #tpu.memory_space<vmem>> -> memref<128x128xf32, #tpu.memory_space<vmem>>
      %dma_wait3A_111 = arith.constant 0 : i32
      %dma_wait3A_112 = tpu.memref_slice %arg4[%mul3A_107, %dma_wait3A_111] : memref<40960x128xf32, #tpu.memory_space<hbm>> -> memref<128x128xf32, #tpu.memory_space<hbm>>
      %dma_wait3A_113 = tpu.memref_slice %run_scoped3A_9[%rem3A_105] : memref<2x!tpu.dma_semaphore, #tpu.memory_space<semaphore_mem>> -> memref<1x!tpu.dma_semaphore, #tpu.memory_space<semaphore_mem>>
      %dma_wait3A_114 = tpu.memref_squeeze %dma_wait3A_113 : memref<1x!tpu.dma_semaphore, #tpu.memory_space<semaphore_mem>> -> memref<!tpu.dma_semaphore, #tpu.memory_space<semaphore_mem>>
      %dma_wait3A_115 = arith.constant 0 : i32
      %dma_wait3A_116 = tpu.memref_slice %arg4[%mul3A_107, %dma_wait3A_115] : memref<40960x128xf32, #tpu.memory_space<hbm>> -> memref<128x128xf32, #tpu.memory_space<hbm>>
      %dma_wait3A_117 = arith.constant 0 : i32
      %dma_wait3A_118 = arith.constant 0 : i32
      %dma_wait3A_119 = tpu.memref_slice %run_scoped3A_8[%rem3A_105, %dma_wait3A_117, %dma_wait3A_118] : memref<2x128x128xf32, #tpu.memory_space<vmem>> -> memref<1x128x128xf32, #tpu.memory_space<vmem>>
      %dma_wait3A_120 = tpu.memref_squeeze %dma_wait3A_119 : memref<1x128x128xf32, #tpu.memory_space<vmem>> -> memref<128x128xf32, #tpu.memory_space<vmem>>
      tpu.wait_dma2 semaphore(%dma_wait3A_114 : memref<!tpu.dma_semaphore, #tpu.memory_space<semaphore_mem>>) src(%dma_wait3A_120 : memref<128x128xf32, #tpu.memory_space<vmem>>) dst(%dma_wait3A_116 : memref<128x128xf32, #tpu.memory_space<hbm>>)
      "tpu.trace_stop"() : () -> ()
      tpu.yield
    }) : () -> ()
    return
  }
}

#map = affine_map<(d0, d1) -> (0, 0)>
module attributes {stable_mosaic.version = 14 : i64} {
  func.func @k(%arg0: i32, %arg1: i32, %arg2: memref<57344x128xf32, #tpu.memory_space<hbm>>, %arg3: memref<1x40960xi32, #tpu.memory_space<hbm>>, %arg4: memref<40960x128xf32, #tpu.memory_space<hbm>>) attributes {dimension_semantics = [#tpu.dimension_semantics<core_parallel>, #tpu.dimension_semantics<subcore_parallel>], iteration_bounds = array<i64: 2, 16>, scalar_prefetch = 0 : i64, scratch_operands = 0 : i64, tpu.core_type = #tpu.core_type<sc_vector_subcore>, window_params = [{transform_indices = #map}, {transform_indices = #map}, {transform_indices = #map}]} {
    %mul3A = arith.constant 1 : i32
    %mul3A_0 = arith.muli %arg1, %mul3A : i32
    %add3A = arith.constant 0 : i32
    %add3A_1 = arith.addi %add3A, %mul3A_0 : i32
    %mul3A_2 = arith.constant 16 : i32
    %mul3A_3 = arith.muli %arg0, %mul3A_2 : i32
    %add3A_4 = arith.addi %add3A_1, %mul3A_3 : i32
    %mul3A_5 = arith.constant 10 : i32
    %mul3A_6 = arith.muli %add3A_4, %mul3A_5 : i32
    "tpu.region"() ({
      %run_scoped3A = memref.alloca() : memref<2x1x128xi32, #tpu.memory_space<vmem>>
      %run_scoped3A_7 = tpu.sem_alloc : memref<2x!tpu.dma_semaphore, #tpu.memory_space<semaphore_mem>>
      %run_scoped3A_8 = memref.alloca() : memref<2x128x128xf32, #tpu.memory_space<vmem>>
      %run_scoped3A_9 = tpu.sem_alloc : memref<2x!tpu.dma_semaphore, #tpu.memory_space<semaphore_mem>>
      %add3A_10 = arith.constant 0 : i32
      %add3A_11 = arith.addi %add3A_10, %mul3A_6 : i32
      %select_n3A = arith.constant true
      %select_n3A_12 = arith.constant 0 : i32
      %select_n3A_13 = arith.constant -1 : i32
      %select_n3A_14 = arith.select %select_n3A, %select_n3A_13, %select_n3A_12 : i32
      %eq3A = arith.constant -1 : i32
      %eq3A_15 = arith.cmpi eq, %select_n3A_14, %eq3A : i32
      %select_n3A_16 = arith.constant 9 : i32
      %select_n3A_17 = arith.select %eq3A_15, %select_n3A_16, %select_n3A_14 : i32
      %add3A_18 = arith.addi %select_n3A_17, %mul3A_6 : i32
      %select_n3A_19 = arith.constant true
      %select_n3A_20 = arith.constant 0 : i32
      %select_n3A_21 = arith.constant 1 : i32
      %select_n3A_22 = arith.select %select_n3A_19, %select_n3A_21, %select_n3A_20 : i32
      %eq3A_23 = arith.constant 10 : i32
      %eq3A_24 = arith.cmpi eq, %select_n3A_22, %eq3A_23 : i32
      %select_n3A_25 = arith.constant 0 : i32
      %select_n3A_26 = arith.select %eq3A_24, %select_n3A_25, %select_n3A_22 : i32
      %add3A_27 = arith.addi %select_n3A_26, %mul3A_6 : i32
      %add3A_28 = arith.constant 1 : i32
      %add3A_29 = arith.addi %select_n3A_26, %add3A_28 : i32
      %select_n3A_30 = arith.constant true
      %select_n3A_31 = arith.select %select_n3A_30, %add3A_29, %select_n3A_26 : i32
      %eq3A_32 = arith.constant 10 : i32
      %eq3A_33 = arith.cmpi eq, %select_n3A_31, %eq3A_32 : i32
      %select_n3A_34 = arith.constant 0 : i32
      %select_n3A_35 = arith.select %eq3A_33, %select_n3A_34, %select_n3A_31 : i32
      %add3A_36 = arith.addi %select_n3A_35, %mul3A_6 : i32
      "tpu.trace_start"() <{level = 10 : i32, message = "ep_initialize_0"}> : () -> ()
      %rem3A = arith.constant 0 : i32
      %rem3A_37 = arith.constant 2 : i32
      %rem3A_38 = arith.remui %rem3A, %rem3A_37 : i32
      %mul3A_39 = arith.constant 128 : i32
      %mul3A_40 = arith.muli %mul3A_39, %add3A_11 : i32
      %dma_start3A = arith.constant 0 : i32
      %dma_start3A_41 = arith.constant 0 : i32
      %dma_start3A_42 = tpu.memref_slice %run_scoped3A[%rem3A_38, %dma_start3A, %dma_start3A_41] : memref<2x1x128xi32, #tpu.memory_space<vmem>> -> memref<1x1x128xi32, #tpu.memory_space<vmem>>
      %dma_start3A_43 = tpu.memref_squeeze %dma_start3A_42 : memref<1x1x128xi32, #tpu.memory_space<vmem>> -> memref<1x128xi32, #tpu.memory_space<vmem>>
      %dma_start3A_44 = arith.constant 0 : i32
      %dma_start3A_45 = tpu.memref_slice %arg3[%dma_start3A_44, %mul3A_40] : memref<1x40960xi32, #tpu.memory_space<hbm>> -> memref<1x128xi32, #tpu.memory_space<hbm>>
      %dma_start3A_46 = tpu.memref_slice %run_scoped3A_7[%rem3A_38] : memref<2x!tpu.dma_semaphore, #tpu.memory_space<semaphore_mem>> -> memref<1x!tpu.dma_semaphore, #tpu.memory_space<semaphore_mem>>
      %dma_start3A_47 = tpu.memref_squeeze %dma_start3A_46 : memref<1x!tpu.dma_semaphore, #tpu.memory_space<semaphore_mem>> -> memref<!tpu.dma_semaphore, #tpu.memory_space<semaphore_mem>>
      %dma_start3A_48 = arith.constant 0 : i32
      %dma_start3A_49 = arith.constant 0 : i32
      %dma_start3A_50 = tpu.memref_slice %run_scoped3A[%rem3A_38, %dma_start3A_48, %dma_start3A_49] : memref<2x1x128xi32, #tpu.memory_space<vmem>> -> memref<1x1x128xi32, #tpu.memory_space<vmem>>
      %dma_start3A_51 = tpu.memref_squeeze %dma_start3A_50 : memref<1x1x128xi32, #tpu.memory_space<vmem>> -> memref<1x128xi32, #tpu.memory_space<vmem>>
      %dma_start3A_52 = arith.constant 0 : i32
      %dma_start3A_53 = tpu.memref_slice %arg3[%dma_start3A_52, %mul3A_40] : memref<1x40960xi32, #tpu.memory_space<hbm>> -> memref<1x128xi32, #tpu.memory_space<hbm>>
      tpu.enqueue_dma source(%dma_start3A_53 : memref<1x128xi32, #tpu.memory_space<hbm>>) target(%dma_start3A_51 : memref<1x128xi32, #tpu.memory_space<vmem>>) target_semaphore(%dma_start3A_47 : memref<!tpu.dma_semaphore, #tpu.memory_space<semaphore_mem>>)
      %add3A_54 = arith.constant 0 : i32
      %add3A_55 = arith.constant 1 : i32
      %add3A_56 = arith.addi %add3A_54, %add3A_55 : i32
      %select_n3A_57 = arith.constant true
      %select_n3A_58 = arith.constant 0 : i32
      %select_n3A_59 = arith.select %select_n3A_57, %add3A_56, %select_n3A_58 : i32
      "tpu.trace_stop"() : () -> ()
      %scan3A = arith.constant 0 : i32
      %scan3A_60 = arith.constant 0 : i32
      %scan3A_61 = arith.constant 0 : i32
      %scan3A_62 = arith.constant 0 : i32
      %scan3A_63 = arith.constant 0 : i32
      %scan3A_64 = arith.constant 10 : i32
      %scan3A_65 = arith.addi %scan3A_63, %scan3A_64 : i32
      %scan3A_66 = arith.constant 1 : i32
      %scan3A_67:5 = scf.for %scan3A_121 = %scan3A_63 to %scan3A_65 step %scan3A_66 iter_args(%scan3A_122 = %select_n3A_59, %scan3A_123 = %scan3A, %scan3A_124 = %scan3A_60, %scan3A_125 = %scan3A_61, %scan3A_126 = %scan3A_62) -> (i32, i32, i32, i32, i32)  : i32 {
        %eq3A_127 = arith.constant 0 : i32
        %eq3A_128 = arith.cmpi eq, %scan3A_121, %eq3A_127 : i32
        %eq3A_129 = arith.constant 9 : i32
        %eq3A_130 = arith.cmpi eq, %scan3A_121, %eq3A_129 : i32
        %add3A_131 = arith.addi %scan3A_126, %mul3A_6 : i32
        %sub3A_132 = arith.constant 1 : i32
        %sub3A_133 = arith.subi %scan3A_126, %sub3A_132 : i32
        %select_n3A_134 = arith.constant true
        %select_n3A_135 = arith.select %select_n3A_134, %sub3A_133, %scan3A_126 : i32
        %eq3A_136 = arith.constant -1 : i32
        %eq3A_137 = arith.cmpi eq, %select_n3A_135, %eq3A_136 : i32
        %select_n3A_138 = arith.constant 9 : i32
        %select_n3A_139 = arith.select %eq3A_137, %select_n3A_138, %select_n3A_135 : i32
        %add3A_140 = arith.addi %select_n3A_139, %mul3A_6 : i32
        %add3A_141 = arith.constant 1 : i32
        %add3A_142 = arith.addi %scan3A_126, %add3A_141 : i32
        %select_n3A_143 = arith.constant true
        %select_n3A_144 = arith.select %select_n3A_143, %add3A_142, %scan3A_126 : i32
        %eq3A_145 = arith.constant 10 : i32
        %eq3A_146 = arith.cmpi eq, %select_n3A_144, %eq3A_145 : i32
        %select_n3A_147 = arith.constant 0 : i32
        %select_n3A_148 = arith.select %eq3A_146, %select_n3A_147, %select_n3A_144 : i32
        %add3A_149 = arith.addi %select_n3A_148, %mul3A_6 : i32
        %add3A_150 = arith.constant 1 : i32
        %add3A_151 = arith.addi %select_n3A_148, %add3A_150 : i32
        %select_n3A_152 = arith.constant true
        %select_n3A_153 = arith.select %select_n3A_152, %add3A_151, %select_n3A_148 : i32
        %eq3A_154 = arith.constant 10 : i32
        %eq3A_155 = arith.cmpi eq, %select_n3A_153, %eq3A_154 : i32
        %select_n3A_156 = arith.constant 0 : i32
        %select_n3A_157 = arith.select %eq3A_155, %select_n3A_156, %select_n3A_153 : i32
        %add3A_158 = arith.addi %select_n3A_157, %mul3A_6 : i32
        %ne3A = arith.cmpi ne, %add3A_131, %add3A_149 : i32
        %or3A = arith.constant false
        %or3A_159 = arith.ori %or3A, %ne3A : i1
        %ge3A = arith.constant 9 : i32
        %ge3A_160 = arith.cmpi sge, %scan3A_121, %ge3A : i32
        %not3A = arith.constant true
        %not3A_161 = arith.xori %ge3A_160, %not3A : i1
        %and3A = arith.andi %or3A_159, %not3A_161 : i1
        %convert_element_type3A = arith.extui %and3A : i1 to i32
        %cond3A = arith.constant 0 : i32
        %cond3A_162 = arith.cmpi ne, %convert_element_type3A, %cond3A : i32
        scf.if %cond3A_162 {
          "tpu.trace_start"() <{level = 10 : i32, message = "ep_copy_in"}> : () -> ()
          %rem3A_264 = arith.constant 2 : i32
          %rem3A_265 = arith.remui %scan3A_122, %rem3A_264 : i32
          %mul3A_266 = arith.constant 128 : i32
          %mul3A_267 = arith.muli %mul3A_266, %add3A_149 : i32
          %dma_start3A_268 = arith.constant 0 : i32
          %dma_start3A_269 = arith.constant 0 : i32
          %dma_start3A_270 = tpu.memref_slice %run_scoped3A[%rem3A_265, %dma_start3A_268, %dma_start3A_269] : memref<2x1x128xi32, #tpu.memory_space<vmem>> -> memref<1x1x128xi32, #tpu.memory_space<vmem>>
          %dma_start3A_271 = tpu.memref_squeeze %dma_start3A_270 : memref<1x1x128xi32, #tpu.memory_space<vmem>> -> memref<1x128xi32, #tpu.memory_space<vmem>>
          %dma_start3A_272 = arith.constant 0 : i32
          %dma_start3A_273 = tpu.memref_slice %arg3[%dma_start3A_272, %mul3A_267] : memref<1x40960xi32, #tpu.memory_space<hbm>> -> memref<1x128xi32, #tpu.memory_space<hbm>>
          %dma_start3A_274 = tpu.memref_slice %run_scoped3A_7[%rem3A_265] : memref<2x!tpu.dma_semaphore, #tpu.memory_space<semaphore_mem>> -> memref<1x!tpu.dma_semaphore, #tpu.memory_space<semaphore_mem>>
          %dma_start3A_275 = tpu.memref_squeeze %dma_start3A_274 : memref<1x!tpu.dma_semaphore, #tpu.memory_space<semaphore_mem>> -> memref<!tpu.dma_semaphore, #tpu.memory_space<semaphore_mem>>
          %dma_start3A_276 = arith.constant 0 : i32
          %dma_start3A_277 = arith.constant 0 : i32
          %dma_start3A_278 = tpu.memref_slice %run_scoped3A[%rem3A_265, %dma_start3A_276, %dma_start3A_277] : memref<2x1x128xi32, #tpu.memory_space<vmem>> -> memref<1x1x128xi32, #tpu.memory_space<vmem>>
          %dma_start3A_279 = tpu.memref_squeeze %dma_start3A_278 : memref<1x1x128xi32, #tpu.memory_space<vmem>> -> memref<1x128xi32, #tpu.memory_space<vmem>>
          %dma_start3A_280 = arith.constant 0 : i32
          %dma_start3A_281 = tpu.memref_slice %arg3[%dma_start3A_280, %mul3A_267] : memref<1x40960xi32, #tpu.memory_space<hbm>> -> memref<1x128xi32, #tpu.memory_space<hbm>>
          tpu.enqueue_dma source(%dma_start3A_281 : memref<1x128xi32, #tpu.memory_space<hbm>>) target(%dma_start3A_279 : memref<1x128xi32, #tpu.memory_space<vmem>>) target_semaphore(%dma_start3A_275 : memref<!tpu.dma_semaphore, #tpu.memory_space<semaphore_mem>>)
          "tpu.trace_stop"() : () -> ()
        } else {
        }
        %and3A_163 = arith.constant true
        %and3A_164 = arith.andi %and3A, %and3A_163 : i1
        %add3A_165 = arith.constant 1 : i32
        %add3A_166 = arith.addi %scan3A_122, %add3A_165 : i32
        %select_n3A_167 = arith.select %and3A_164, %add3A_166, %scan3A_122 : i32
        %ne3A_168 = arith.cmpi ne, %add3A_131, %add3A_149 : i32
        %or3A_169 = arith.constant false
        %or3A_170 = arith.ori %or3A_169, %ne3A_168 : i1
        %or3A_171 = arith.constant false
        %or3A_172 = arith.ori %or3A_170, %or3A_171 : i1
        %ge3A_173 = arith.constant 9 : i32
        %ge3A_174 = arith.cmpi sge, %scan3A_121, %ge3A_173 : i32
        %not3A_175 = arith.constant true
        %not3A_176 = arith.xori %ge3A_174, %not3A_175 : i1
        %and3A_177 = arith.andi %or3A_172, %not3A_176 : i1
        %ne3A_178 = arith.cmpi ne, %add3A_131, %add3A_140 : i32
        %or3A_179 = arith.constant false
        %or3A_180 = arith.ori %or3A_179, %ne3A_178 : i1
        %or3A_181 = arith.ori %or3A_180, %eq3A_128 : i1
        %convert_element_type3A_182 = arith.extui %or3A_181 : i1 to i32
        %cond3A_183 = arith.constant 0 : i32
        %cond3A_184 = arith.cmpi ne, %convert_element_type3A_182, %cond3A_183 : i32
        scf.if %cond3A_184 {
          "tpu.trace_start"() <{level = 10 : i32, message = "ep_wait_in"}> : () -> ()
          %mul3A_264 = arith.constant 128 : i32
          %mul3A_265 = arith.muli %mul3A_264, %add3A_131 : i32
          %rem3A_266 = arith.constant 2 : i32
          %rem3A_267 = arith.remui %scan3A_123, %rem3A_266 : i32
          %dma_wait3A_268 = arith.constant 0 : i32
          %dma_wait3A_269 = arith.constant 0 : i32
          %dma_wait3A_270 = tpu.memref_slice %run_scoped3A[%rem3A_267, %dma_wait3A_268, %dma_wait3A_269] : memref<2x1x128xi32, #tpu.memory_space<vmem>> -> memref<1x1x128xi32, #tpu.memory_space<vmem>>
          %dma_wait3A_271 = tpu.memref_squeeze %dma_wait3A_270 : memref<1x1x128xi32, #tpu.memory_space<vmem>> -> memref<1x128xi32, #tpu.memory_space<vmem>>
          %dma_wait3A_272 = arith.constant 0 : i32
          %dma_wait3A_273 = tpu.memref_slice %arg3[%dma_wait3A_272, %mul3A_265] : memref<1x40960xi32, #tpu.memory_space<hbm>> -> memref<1x128xi32, #tpu.memory_space<hbm>>
          %dma_wait3A_274 = tpu.memref_slice %run_scoped3A_7[%rem3A_267] : memref<2x!tpu.dma_semaphore, #tpu.memory_space<semaphore_mem>> -> memref<1x!tpu.dma_semaphore, #tpu.memory_space<semaphore_mem>>
          %dma_wait3A_275 = tpu.memref_squeeze %dma_wait3A_274 : memref<1x!tpu.dma_semaphore, #tpu.memory_space<semaphore_mem>> -> memref<!tpu.dma_semaphore, #tpu.memory_space<semaphore_mem>>
          %dma_wait3A_276 = arith.constant 0 : i32
          %dma_wait3A_277 = arith.constant 0 : i32
          %dma_wait3A_278 = tpu.memref_slice %run_scoped3A[%rem3A_267, %dma_wait3A_276, %dma_wait3A_277] : memref<2x1x128xi32, #tpu.memory_space<vmem>> -> memref<1x1x128xi32, #tpu.memory_space<vmem>>
          %dma_wait3A_279 = tpu.memref_squeeze %dma_wait3A_278 : memref<1x1x128xi32, #tpu.memory_space<vmem>> -> memref<1x128xi32, #tpu.memory_space<vmem>>
          %dma_wait3A_280 = arith.constant 0 : i32
          %dma_wait3A_281 = tpu.memref_slice %arg3[%dma_wait3A_280, %mul3A_265] : memref<1x40960xi32, #tpu.memory_space<hbm>> -> memref<1x128xi32, #tpu.memory_space<hbm>>
          tpu.wait_dma2 semaphore(%dma_wait3A_275 : memref<!tpu.dma_semaphore, #tpu.memory_space<semaphore_mem>>) src(%dma_wait3A_281 : memref<1x128xi32, #tpu.memory_space<hbm>>) dst(%dma_wait3A_279 : memref<1x128xi32, #tpu.memory_space<vmem>>)
          "tpu.trace_stop"() : () -> ()
        } else {
        }
        %ne3A_185 = arith.cmpi ne, %add3A_131, %add3A_140 : i32
        %or3A_186 = arith.constant false
        %or3A_187 = arith.ori %or3A_186, %ne3A_185 : i1
        %or3A_188 = arith.constant false
        %or3A_189 = arith.ori %or3A_187, %or3A_188 : i1
        %or3A_190 = arith.ori %or3A_189, %eq3A_128 : i1
        %convert_element_type3A_191 = arith.extui %or3A_190 : i1 to i32
        %cond3A_192 = arith.constant 0 : i32
        %cond3A_193 = arith.cmpi ne, %convert_element_type3A_191, %cond3A_192 : i32
        scf.if %cond3A_193 {
        } else {
        }
        %rem3A_194 = arith.constant 2 : i32
        %rem3A_195 = arith.remui %scan3A_123, %rem3A_194 : i32
        %rem3A_196 = arith.constant 2 : i32
        %rem3A_197 = arith.remui %scan3A_124, %rem3A_196 : i32
        %run_scoped3A_198 = arith.constant 0 : i32
        "tpu.trace_start"() <{level = 10 : i32, message = "ep_run_kernel"}> : () -> ()
        "tpu.region"() ({
          %run_scoped3A_264 = tpu.sem_alloc : memref<!tpu.dma_semaphore, #tpu.memory_space<semaphore_mem>>
          %dma_start3A_265 = arith.constant 0 : i32
          %dma_start3A_266 = arith.constant 0 : i32
          %dma_start3A_267 = tpu.memref_slice %run_scoped3A_8[%rem3A_197, %dma_start3A_265, %dma_start3A_266] : memref<2x128x128xf32, #tpu.memory_space<vmem>> -> memref<1x128x128xf32, #tpu.memory_space<vmem>>
          %dma_start3A_268 = tpu.memref_squeeze %dma_start3A_267 : memref<1x128x128xf32, #tpu.memory_space<vmem>> -> memref<128x128xf32, #tpu.memory_space<vmem>>
          %dma_start3A_269 = arith.constant 0 : i32
          %dma_start3A_270 = arith.constant 0 : i32
          %dma_start3A_271 = tpu.memref_slice %run_scoped3A[%rem3A_195, %dma_start3A_269, %dma_start3A_270] : memref<2x1x128xi32, #tpu.memory_space<vmem>> -> memref<1x1x128xi32, #tpu.memory_space<vmem>>
          %dma_start3A_272 = tpu.memref_squeeze %dma_start3A_271 : memref<1x1x128xi32, #tpu.memory_space<vmem>> -> memref<1x128xi32, #tpu.memory_space<vmem>>
          %dma_start3A_273 = arith.constant 0 : i32
          %dma_start3A_274 = tpu.memref_slice %dma_start3A_272[%run_scoped3A_198, %dma_start3A_273] : memref<1x128xi32, #tpu.memory_space<vmem>> -> memref<1x128xi32, #tpu.memory_space<vmem>>
          %dma_start3A_275 = tpu.memref_squeeze %dma_start3A_274 : memref<1x128xi32, #tpu.memory_space<vmem>> -> memref<128xi32, #tpu.memory_space<vmem>>
          %dma_start3A_276 = arith.constant 0 : i32
          %dma_start3A_277 = arith.constant 0 : i32
          %dma_start3A_278 = tpu.memref_slice %arg2[%dma_start3A_276, %dma_start3A_277] : memref<57344x128xf32, #tpu.memory_space<hbm>> -> memref<57344x128xf32, #tpu.memory_space<hbm>>
          tpu.enqueue_indirect_dma source(%dma_start3A_278 : memref<57344x128xf32, #tpu.memory_space<hbm>>) target(%dma_start3A_268 : memref<128x128xf32, #tpu.memory_space<vmem>>) offsets(%dma_start3A_275 : memref<128xi32, #tpu.memory_space<vmem>>) semaphore(%run_scoped3A_264 : memref<!tpu.dma_semaphore, #tpu.memory_space<semaphore_mem>>)
          %dma_wait3A_279 = arith.constant 0 : i32
          %dma_wait3A_280 = arith.constant 0 : i32
          %dma_wait3A_281 = tpu.memref_slice %run_scoped3A_8[%rem3A_197, %dma_wait3A_279, %dma_wait3A_280] : memref<2x128x128xf32, #tpu.memory_space<vmem>> -> memref<1x128x128xf32, #tpu.memory_space<vmem>>
          %dma_wait3A_282 = tpu.memref_squeeze %dma_wait3A_281 : memref<1x128x128xf32, #tpu.memory_space<vmem>> -> memref<128x128xf32, #tpu.memory_space<vmem>>
          %dma_wait3A_283 = arith.constant 0 : i32
          %dma_wait3A_284 = arith.constant 0 : i32
          %dma_wait3A_285 = tpu.memref_slice %run_scoped3A[%rem3A_195, %dma_wait3A_283, %dma_wait3A_284] : memref<2x1x128xi32, #tpu.memory_space<vmem>> -> memref<1x1x128xi32, #tpu.memory_space<vmem>>
          %dma_wait3A_286 = tpu.memref_squeeze %dma_wait3A_285 : memref<1x1x128xi32, #tpu.memory_space<vmem>> -> memref<1x128xi32, #tpu.memory_space<vmem>>
          %dma_wait3A_287 = arith.constant 0 : i32
          %dma_wait3A_288 = tpu.memref_slice %dma_wait3A_286[%run_scoped3A_198, %dma_wait3A_287] : memref<1x128xi32, #tpu.memory_space<vmem>> -> memref<1x128xi32, #tpu.memory_space<vmem>>
          %dma_wait3A_289 = tpu.memref_squeeze %dma_wait3A_288 : memref<1x128xi32, #tpu.memory_space<vmem>> -> memref<128xi32, #tpu.memory_space<vmem>>
          %dma_wait3A_290 = arith.constant 0 : i32
          %dma_wait3A_291 = arith.constant 0 : i32
          %dma_wait3A_292 = tpu.memref_slice %arg2[%dma_wait3A_290, %dma_wait3A_291] : memref<57344x128xf32, #tpu.memory_space<hbm>> -> memref<57344x128xf32, #tpu.memory_space<hbm>>
          tpu.wait_indirect_dma semaphore(%run_scoped3A_264 : memref<!tpu.dma_semaphore, #tpu.memory_space<semaphore_mem>>) src(%dma_wait3A_292 : memref<57344x128xf32, #tpu.memory_space<hbm>>) dst(%dma_wait3A_282 : memref<128x128xf32, #tpu.memory_space<vmem>>)
          tpu.yield
        }) : () -> ()
        "tpu.trace_stop"() : () -> ()
        %ne3A_199 = arith.cmpi ne, %add3A_131, %add3A_149 : i32
        %or3A_200 = arith.constant false
        %or3A_201 = arith.ori %or3A_200, %ne3A_199 : i1
        %or3A_202 = arith.ori %or3A_201, %eq3A_130 : i1
        %convert_element_type3A_203 = arith.extui %or3A_202 : i1 to i32
        %cond3A_204 = arith.constant 0 : i32
        %cond3A_205 = arith.cmpi ne, %convert_element_type3A_203, %cond3A_204 : i32
        scf.if %cond3A_205 {
        } else {
        }
        %and3A_206 = arith.constant false
        %and3A_207 = arith.andi %or3A_202, %and3A_206 : i1
        %ne3A_208 = arith.cmpi ne, %add3A_131, %add3A_149 : i32
        %or3A_209 = arith.constant false
        %or3A_210 = arith.ori %or3A_209, %ne3A_208 : i1
        %or3A_211 = arith.constant false
        %or3A_212 = arith.ori %or3A_210, %or3A_211 : i1
        %or3A_213 = arith.ori %or3A_212, %eq3A_130 : i1
        %convert_element_type3A_214 = arith.extui %or3A_213 : i1 to i32
        %cond3A_215 = arith.constant 0 : i32
        %cond3A_216 = arith.cmpi ne, %convert_element_type3A_214, %cond3A_215 : i32
        scf.if %cond3A_216 {
          "tpu.trace_start"() <{level = 10 : i32, message = "ep_copy_out"}> : () -> ()
          %rem3A_264 = arith.constant 2 : i32
          %rem3A_265 = arith.remui %scan3A_124, %rem3A_264 : i32
          %mul3A_266 = arith.constant 128 : i32
          %mul3A_267 = arith.muli %mul3A_266, %add3A_131 : i32
          %dma_start3A_268 = arith.constant 0 : i32
          %dma_start3A_269 = arith.constant 0 : i32
          %dma_start3A_270 = tpu.memref_slice %run_scoped3A_8[%rem3A_265, %dma_start3A_268, %dma_start3A_269] : memref<2x128x128xf32, #tpu.memory_space<vmem>> -> memref<1x128x128xf32, #tpu.memory_space<vmem>>
          %dma_start3A_271 = tpu.memref_squeeze %dma_start3A_270 : memref<1x128x128xf32, #tpu.memory_space<vmem>> -> memref<128x128xf32, #tpu.memory_space<vmem>>
          %dma_start3A_272 = arith.constant 0 : i32
          %dma_start3A_273 = tpu.memref_slice %arg4[%mul3A_267, %dma_start3A_272] : memref<40960x128xf32, #tpu.memory_space<hbm>> -> memref<128x128xf32, #tpu.memory_space<hbm>>
          %dma_start3A_274 = tpu.memref_slice %run_scoped3A_9[%rem3A_265] : memref<2x!tpu.dma_semaphore, #tpu.memory_space<semaphore_mem>> -> memref<1x!tpu.dma_semaphore, #tpu.memory_space<semaphore_mem>>
          %dma_start3A_275 = tpu.memref_squeeze %dma_start3A_274 : memref<1x!tpu.dma_semaphore, #tpu.memory_space<semaphore_mem>> -> memref<!tpu.dma_semaphore, #tpu.memory_space<semaphore_mem>>
          %dma_start3A_276 = arith.constant 0 : i32
          %dma_start3A_277 = tpu.memref_slice %arg4[%mul3A_267, %dma_start3A_276] : memref<40960x128xf32, #tpu.memory_space<hbm>> -> memref<128x128xf32, #tpu.memory_space<hbm>>
          %dma_start3A_278 = arith.constant 0 : i32
          %dma_start3A_279 = arith.constant 0 : i32
          %dma_start3A_280 = tpu.memref_slice %run_scoped3A_8[%rem3A_265, %dma_start3A_278, %dma_start3A_279] : memref<2x128x128xf32, #tpu.memory_space<vmem>> -> memref<1x128x128xf32, #tpu.memory_space<vmem>>
          %dma_start3A_281 = tpu.memref_squeeze %dma_start3A_280 : memref<1x128x128xf32, #tpu.memory_space<vmem>> -> memref<128x128xf32, #tpu.memory_space<vmem>>
          tpu.enqueue_dma source(%dma_start3A_281 : memref<128x128xf32, #tpu.memory_space<vmem>>) target(%dma_start3A_277 : memref<128x128xf32, #tpu.memory_space<hbm>>) target_semaphore(%dma_start3A_275 : memref<!tpu.dma_semaphore, #tpu.memory_space<semaphore_mem>>)
          "tpu.trace_stop"() : () -> ()
        } else {
        }
        %and3A_217 = arith.constant true
        %and3A_218 = arith.andi %or3A_213, %and3A_217 : i1
        %add3A_219 = arith.constant 1 : i32
        %add3A_220 = arith.addi %scan3A_124, %add3A_219 : i32
        %select_n3A_221 = arith.select %and3A_218, %add3A_220, %scan3A_124 : i32
        %ne3A_222 = arith.cmpi ne, %add3A_131, %add3A_140 : i32
        %or3A_223 = arith.constant false
        %or3A_224 = arith.ori %or3A_223, %ne3A_222 : i1
        %not3A_225 = arith.constant true
        %not3A_226 = arith.xori %eq3A_128, %not3A_225 : i1
        %and3A_227 = arith.andi %or3A_224, %not3A_226 : i1
        %convert_element_type3A_228 = arith.extui %and3A_227 : i1 to i32
        %cond3A_229 = arith.constant 0 : i32
        %cond3A_230 = arith.cmpi ne, %convert_element_type3A_228, %cond3A_229 : i32
        scf.if %cond3A_230 {
        } else {
        }
        %and3A_231 = arith.constant false
        %and3A_232 = arith.andi %and3A_227, %and3A_231 : i1
        %ne3A_233 = arith.cmpi ne, %add3A_131, %add3A_140 : i32
        %or3A_234 = arith.constant false
        %or3A_235 = arith.ori %or3A_234, %ne3A_233 : i1
        %or3A_236 = arith.constant false
        %or3A_237 = arith.ori %or3A_235, %or3A_236 : i1
        %not3A_238 = arith.constant true
        %not3A_239 = arith.xori %eq3A_128, %not3A_238 : i1
        %and3A_240 = arith.andi %or3A_237, %not3A_239 : i1
        %convert_element_type3A_241 = arith.extui %and3A_240 : i1 to i32
        %cond3A_242 = arith.constant 0 : i32
        %cond3A_243 = arith.cmpi ne, %convert_element_type3A_241, %cond3A_242 : i32
        scf.if %cond3A_243 {
          "tpu.trace_start"() <{level = 10 : i32, message = "ep_wait_out"}> : () -> ()
          %rem3A_264 = arith.constant 2 : i32
          %rem3A_265 = arith.remui %scan3A_125, %rem3A_264 : i32
          %mul3A_266 = arith.constant 128 : i32
          %mul3A_267 = arith.muli %mul3A_266, %add3A_140 : i32
          %dma_wait3A_268 = arith.constant 0 : i32
          %dma_wait3A_269 = arith.constant 0 : i32
          %dma_wait3A_270 = tpu.memref_slice %run_scoped3A_8[%rem3A_265, %dma_wait3A_268, %dma_wait3A_269] : memref<2x128x128xf32, #tpu.memory_space<vmem>> -> memref<1x128x128xf32, #tpu.memory_space<vmem>>
          %dma_wait3A_271 = tpu.memref_squeeze %dma_wait3A_270 : memref<1x128x128xf32, #tpu.memory_space<vmem>> -> memref<128x128xf32, #tpu.memory_space<vmem>>
          %dma_wait3A_272 = arith.constant 0 : i32
          %dma_wait3A_273 = tpu.memref_slice %arg4[%mul3A_267, %dma_wait3A_272] : memref<40960x128xf32, #tpu.memory_space<hbm>> -> memref<128x128xf32, #tpu.memory_space<hbm>>
          %dma_wait3A_274 = tpu.memref_slice %run_scoped3A_9[%rem3A_265] : memref<2x!tpu.dma_semaphore, #tpu.memory_space<semaphore_mem>> -> memref<1x!tpu.dma_semaphore, #tpu.memory_space<semaphore_mem>>
          %dma_wait3A_275 = tpu.memref_squeeze %dma_wait3A_274 : memref<1x!tpu.dma_semaphore, #tpu.memory_space<semaphore_mem>> -> memref<!tpu.dma_semaphore, #tpu.memory_space<semaphore_mem>>
          %dma_wait3A_276 = arith.constant 0 : i32
          %dma_wait3A_277 = tpu.memref_slice %arg4[%mul3A_267, %dma_wait3A_276] : memref<40960x128xf32, #tpu.memory_space<hbm>> -> memref<128x128xf32, #tpu.memory_space<hbm>>
          %dma_wait3A_278 = arith.constant 0 : i32
          %dma_wait3A_279 = arith.constant 0 : i32
          %dma_wait3A_280 = tpu.memref_slice %run_scoped3A_8[%rem3A_265, %dma_wait3A_278, %dma_wait3A_279] : memref<2x128x128xf32, #tpu.memory_space<vmem>> -> memref<1x128x128xf32, #tpu.memory_space<vmem>>
          %dma_wait3A_281 = tpu.memref_squeeze %dma_wait3A_280 : memref<1x128x128xf32, #tpu.memory_space<vmem>> -> memref<128x128xf32, #tpu.memory_space<vmem>>
          tpu.wait_dma2 semaphore(%dma_wait3A_275 : memref<!tpu.dma_semaphore, #tpu.memory_space<semaphore_mem>>) src(%dma_wait3A_281 : memref<128x128xf32, #tpu.memory_space<vmem>>) dst(%dma_wait3A_277 : memref<128x128xf32, #tpu.memory_space<hbm>>)
          "tpu.trace_stop"() : () -> ()
        } else {
        }
        %and3A_244 = arith.constant true
        %and3A_245 = arith.andi %and3A_240, %and3A_244 : i1
        %add3A_246 = arith.constant 1 : i32
        %add3A_247 = arith.addi %scan3A_125, %add3A_246 : i32
        %select_n3A_248 = arith.select %and3A_245, %add3A_247, %scan3A_125 : i32
        %ne3A_249 = arith.cmpi ne, %add3A_131, %add3A_149 : i32
        %or3A_250 = arith.constant false
        %or3A_251 = arith.ori %or3A_250, %ne3A_249 : i1
        %or3A_252 = arith.ori %or3A_251, %eq3A_130 : i1
        %add3A_253 = arith.constant 1 : i32
        %add3A_254 = arith.addi %scan3A_123, %add3A_253 : i32
        %select_n3A_255 = arith.select %or3A_252, %add3A_254, %scan3A_123 : i32
        %add3A_256 = arith.constant 1 : i32
        %add3A_257 = arith.addi %scan3A_126, %add3A_256 : i32
        %select_n3A_258 = arith.constant true
        %select_n3A_259 = arith.select %select_n3A_258, %add3A_257, %scan3A_126 : i32
        %eq3A_260 = arith.constant 10 : i32
        %eq3A_261 = arith.cmpi eq, %select_n3A_259, %eq3A_260 : i32
        %select_n3A_262 = arith.constant 0 : i32
        %select_n3A_263 = arith.select %eq3A_261, %select_n3A_262, %select_n3A_259 : i32
        scf.yield %select_n3A_167, %select_n3A_255, %select_n3A_221, %select_n3A_248, %select_n3A_263 : i32, i32, i32, i32, i32
      }
      %scan3A_68 = arith.constant 10 : i32
      %sub3A = arith.constant 1 : i32
      %sub3A_69 = arith.subi %scan3A_67#4, %sub3A : i32
      %select_n3A_70 = arith.constant true
      %select_n3A_71 = arith.select %select_n3A_70, %sub3A_69, %scan3A_67#4 : i32
      %eq3A_72 = arith.constant -1 : i32
      %eq3A_73 = arith.cmpi eq, %select_n3A_71, %eq3A_72 : i32
      %select_n3A_74 = arith.constant 9 : i32
      %select_n3A_75 = arith.select %eq3A_73, %select_n3A_74, %select_n3A_71 : i32
      %add3A_76 = arith.addi %select_n3A_75, %mul3A_6 : i32
      %sub3A_77 = arith.constant 1 : i32
      %sub3A_78 = arith.subi %select_n3A_75, %sub3A_77 : i32
      %select_n3A_79 = arith.constant true
      %select_n3A_80 = arith.select %select_n3A_79, %sub3A_78, %select_n3A_75 : i32
      %eq3A_81 = arith.constant -1 : i32
      %eq3A_82 = arith.cmpi eq, %select_n3A_80, %eq3A_81 : i32
      %select_n3A_83 = arith.constant 9 : i32
      %select_n3A_84 = arith.select %eq3A_82, %select_n3A_83, %select_n3A_80 : i32
      %add3A_85 = arith.addi %select_n3A_84, %mul3A_6 : i32
      %add3A_86 = arith.constant 1 : i32
      %add3A_87 = arith.addi %select_n3A_75, %add3A_86 : i32
      %select_n3A_88 = arith.constant true
      %select_n3A_89 = arith.select %select_n3A_88, %add3A_87, %select_n3A_75 : i32
      %eq3A_90 = arith.constant 10 : i32
      %eq3A_91 = arith.cmpi eq, %select_n3A_89, %eq3A_90 : i32
      %select_n3A_92 = arith.constant 0 : i32
      %select_n3A_93 = arith.select %eq3A_91, %select_n3A_92, %select_n3A_89 : i32
      %add3A_94 = arith.addi %select_n3A_93, %mul3A_6 : i32
      %add3A_95 = arith.constant 1 : i32
      %add3A_96 = arith.addi %select_n3A_93, %add3A_95 : i32
      %select_n3A_97 = arith.constant true
      %select_n3A_98 = arith.select %select_n3A_97, %add3A_96, %select_n3A_93 : i32
      %eq3A_99 = arith.constant 10 : i32
      %eq3A_100 = arith.cmpi eq, %select_n3A_98, %eq3A_99 : i32
      %select_n3A_101 = arith.constant 0 : i32
      %select_n3A_102 = arith.select %eq3A_100, %select_n3A_101, %select_n3A_98 : i32
      %add3A_103 = arith.addi %select_n3A_102, %mul3A_6 : i32
      "tpu.trace_start"() <{level = 10 : i32, message = "ep_finalize"}> : () -> ()
      %rem3A_104 = arith.constant 2 : i32
      %rem3A_105 = arith.remui %scan3A_67#3, %rem3A_104 : i32
      %mul3A_106 = arith.constant 128 : i32
      %mul3A_107 = arith.muli %mul3A_106, %add3A_76 : i32
      %dma_wait3A = arith.constant 0 : i32
      %dma_wait3A_108 = arith.constant 0 : i32
      %dma_wait3A_109 = tpu.memref_slice %run_scoped3A_8[%rem3A_105, %dma_wait3A, %dma_wait3A_108] : memref<2x128x128xf32, #tpu.memory_space<vmem>> -> memref<1x128x128xf32, #tpu.memory_space<vmem>>
      %dma_wait3A_110 = tpu.memref_squeeze %dma_wait3A_109 : memref<1x128x128xf32, #tpu.memory_space<vmem>> -> memref<128x128xf32, #tpu.memory_space<vmem>>
      %dma_wait3A_111 = arith.constant 0 : i32
      %dma_wait3A_112 = tpu.memref_slice %arg4[%mul3A_107, %dma_wait3A_111] : memref<40960x128xf32, #tpu.memory_space<hbm>> -> memref<128x128xf32, #tpu.memory_space<hbm>>
      %dma_wait3A_113 = tpu.memref_slice %run_scoped3A_9[%rem3A_105] : memref<2x!tpu.dma_semaphore, #tpu.memory_space<semaphore_mem>> -> memref<1x!tpu.dma_semaphore, #tpu.memory_space<semaphore_mem>>
      %dma_wait3A_114 = tpu.memref_squeeze %dma_wait3A_113 : memref<1x!tpu.dma_semaphore, #tpu.memory_space<semaphore_mem>> -> memref<!tpu.dma_semaphore, #tpu.memory_space<semaphore_mem>>
      %dma_wait3A_115 = arith.constant 0 : i32
      %dma_wait3A_116 = tpu.memref_slice %arg4[%mul3A_107, %dma_wait3A_115] : memref<40960x128xf32, #tpu.memory_space<hbm>> -> memref<128x128xf32, #tpu.memory_space<hbm>>
      %dma_wait3A_117 = arith.constant 0 : i32
      %dma_wait3A_118 = arith.constant 0 : i32
      %dma_wait3A_119 = tpu.memref_slice %run_scoped3A_8[%rem3A_105, %dma_wait3A_117, %dma_wait3A_118] : memref<2x128x128xf32, #tpu.memory_space<vmem>> -> memref<1x128x128xf32, #tpu.memory_space<vmem>>
      %dma_wait3A_120 = tpu.memref_squeeze %dma_wait3A_119 : memref<1x128x128xf32, #tpu.memory_space<vmem>> -> memref<128x128xf32, #tpu.memory_space<vmem>>
      tpu.wait_dma2 semaphore(%dma_wait3A_114 : memref<!tpu.dma_semaphore, #tpu.memory_space<semaphore_mem>>) src(%dma_wait3A_120 : memref<128x128xf32, #tpu.memory_space<vmem>>) dst(%dma_wait3A_116 : memref<128x128xf32, #tpu.memory_space<hbm>>)
      "tpu.trace_stop"() : () -> ()
      tpu.yield
    }) : () -> ()
    return
  }
}

#map = affine_map<(d0, d1) -> (0, 0)>
module attributes {stable_mosaic.version = 14 : i64} {
  func.func @k(%arg0: i32, %arg1: i32, %arg2: memref<57344x128xf32, #tpu.memory_space<hbm>>, %arg3: memref<1x2048xi32, #tpu.memory_space<hbm>>, %arg4: memref<2048x128xf32, #tpu.memory_space<hbm>>) attributes {dimension_semantics = [#tpu.dimension_semantics<core_parallel>, #tpu.dimension_semantics<subcore_parallel>], iteration_bounds = array<i64: 2, 16>, scalar_prefetch = 0 : i64, scratch_operands = 0 : i64, tpu.core_type = #tpu.core_type<sc_vector_subcore>, window_params = [{transform_indices = #map}, {transform_indices = #map}, {transform_indices = #map}]} {
    %mul3A = arith.constant 1 : i32
    %mul3A_0 = arith.muli %arg1, %mul3A : i32
    %add3A = arith.constant 0 : i32
    %add3A_1 = arith.addi %add3A, %mul3A_0 : i32
    %mul3A_2 = arith.constant 16 : i32
    %mul3A_3 = arith.muli %arg0, %mul3A_2 : i32
    %add3A_4 = arith.addi %add3A_1, %mul3A_3 : i32
    %lt3A = arith.constant 16 : i32
    %lt3A_5 = arith.cmpi slt, %add3A_4, %lt3A : i32
    %jit3A = arith.constant 1 : i32
    %jit3A_6 = arith.constant 0 : i32
    %select_n3A = arith.select %lt3A_5, %jit3A, %jit3A_6 : i32
    %lt3A_7 = arith.constant 16 : i32
    %lt3A_8 = arith.cmpi slt, %add3A_4, %lt3A_7 : i32
    %mul3A_9 = arith.muli %add3A_4, %select_n3A : i32
    %mul3A_10 = arith.constant 0 : i32
    %mul3A_11 = arith.muli %add3A_4, %mul3A_10 : i32
    %add3A_12 = arith.constant 16 : i32
    %add3A_13 = arith.addi %mul3A_11, %add3A_12 : i32
    %select_n3A_14 = arith.select %lt3A_8, %mul3A_9, %add3A_13 : i32
    %mul3A_15 = arith.constant 1 : i32
    %mul3A_16 = arith.muli %mul3A_15, %select_n3A : i32
    "tpu.region"() ({
      %run_scoped3A = memref.alloca() : memref<2x1x128xi32, #tpu.memory_space<vmem>>
      %run_scoped3A_17 = tpu.sem_alloc : memref<2x!tpu.dma_semaphore, #tpu.memory_space<semaphore_mem>>
      %run_scoped3A_18 = memref.alloca() : memref<2x128x128xf32, #tpu.memory_space<vmem>>
      %run_scoped3A_19 = tpu.sem_alloc : memref<2x!tpu.dma_semaphore, #tpu.memory_space<semaphore_mem>>
      %gt3A = arith.constant 0 : i32
      %gt3A_20 = arith.cmpi sgt, %mul3A_16, %gt3A : i32
      %convert_element_type3A = arith.extui %gt3A_20 : i1 to i32
      %cond3A = arith.constant 0 : i32
      %cond3A_21 = arith.cmpi ne, %convert_element_type3A, %cond3A : i32
      scf.if %cond3A_21 {
        %mul3A_22 = arith.constant 1 : i32
        %mul3A_23 = arith.muli %mul3A_22, %select_n3A : i32
        %sub3A = arith.constant 1 : i32
        %sub3A_24 = arith.subi %mul3A_23, %sub3A : i32
        %eq3A = arith.constant 0 : i32
        %eq3A_25 = arith.cmpi eq, %sub3A_24, %eq3A : i32
        %add3A_26 = arith.constant 0 : i32
        %add3A_27 = arith.addi %add3A_26, %select_n3A_14 : i32
        %select_n3A_28 = arith.constant true
        %select_n3A_29 = arith.constant 0 : i32
        %select_n3A_30 = arith.constant -1 : i32
        %select_n3A_31 = arith.select %select_n3A_28, %select_n3A_30, %select_n3A_29 : i32
        %eq3A_32 = arith.constant -1 : i32
        %eq3A_33 = arith.cmpi eq, %select_n3A_31, %eq3A_32 : i32
        %sub3A_34 = arith.constant 1 : i32
        %sub3A_35 = arith.subi %select_n3A, %sub3A_34 : i32
        %select_n3A_36 = arith.select %eq3A_33, %sub3A_35, %select_n3A_31 : i32
        %add3A_37 = arith.addi %select_n3A_36, %select_n3A_14 : i32
        %select_n3A_38 = arith.constant true
        %select_n3A_39 = arith.constant 0 : i32
        %select_n3A_40 = arith.constant 1 : i32
        %select_n3A_41 = arith.select %select_n3A_38, %select_n3A_40, %select_n3A_39 : i32
        %eq3A_42 = arith.cmpi eq, %select_n3A_41, %select_n3A : i32
        %select_n3A_43 = arith.constant 0 : i32
        %select_n3A_44 = arith.select %eq3A_42, %select_n3A_43, %select_n3A_41 : i32
        %add3A_45 = arith.addi %select_n3A_44, %select_n3A_14 : i32
        %add3A_46 = arith.constant 1 : i32
        %add3A_47 = arith.addi %select_n3A_44, %add3A_46 : i32
        %select_n3A_48 = arith.constant true
        %select_n3A_49 = arith.select %select_n3A_48, %add3A_47, %select_n3A_44 : i32
        %eq3A_50 = arith.cmpi eq, %select_n3A_49, %select_n3A : i32
        %select_n3A_51 = arith.constant 0 : i32
        %select_n3A_52 = arith.select %eq3A_50, %select_n3A_51, %select_n3A_49 : i32
        %add3A_53 = arith.addi %select_n3A_52, %select_n3A_14 : i32
        "tpu.trace_start"() <{level = 10 : i32, message = "ep_initialize_0"}> : () -> ()
        %rem3A = arith.constant 0 : i32
        %rem3A_54 = arith.constant 2 : i32
        %rem3A_55 = arith.remui %rem3A, %rem3A_54 : i32
        %mul3A_56 = arith.constant 128 : i32
        %mul3A_57 = arith.muli %mul3A_56, %add3A_27 : i32
        %dma_start3A = arith.constant 0 : i32
        %dma_start3A_58 = arith.constant 0 : i32
        %dma_start3A_59 = tpu.memref_slice %run_scoped3A[%rem3A_55, %dma_start3A, %dma_start3A_58] : memref<2x1x128xi32, #tpu.memory_space<vmem>> -> memref<1x1x128xi32, #tpu.memory_space<vmem>>
        %dma_start3A_60 = tpu.memref_squeeze %dma_start3A_59 : memref<1x1x128xi32, #tpu.memory_space<vmem>> -> memref<1x128xi32, #tpu.memory_space<vmem>>
        %dma_start3A_61 = arith.constant 0 : i32
        %dma_start3A_62 = tpu.memref_slice %arg3[%dma_start3A_61, %mul3A_57] : memref<1x2048xi32, #tpu.memory_space<hbm>> -> memref<1x128xi32, #tpu.memory_space<hbm>>
        %dma_start3A_63 = tpu.memref_slice %run_scoped3A_17[%rem3A_55] : memref<2x!tpu.dma_semaphore, #tpu.memory_space<semaphore_mem>> -> memref<1x!tpu.dma_semaphore, #tpu.memory_space<semaphore_mem>>
        %dma_start3A_64 = tpu.memref_squeeze %dma_start3A_63 : memref<1x!tpu.dma_semaphore, #tpu.memory_space<semaphore_mem>> -> memref<!tpu.dma_semaphore, #tpu.memory_space<semaphore_mem>>
        %dma_start3A_65 = arith.constant 0 : i32
        %dma_start3A_66 = arith.constant 0 : i32
        %dma_start3A_67 = tpu.memref_slice %run_scoped3A[%rem3A_55, %dma_start3A_65, %dma_start3A_66] : memref<2x1x128xi32, #tpu.memory_space<vmem>> -> memref<1x1x128xi32, #tpu.memory_space<vmem>>
        %dma_start3A_68 = tpu.memref_squeeze %dma_start3A_67 : memref<1x1x128xi32, #tpu.memory_space<vmem>> -> memref<1x128xi32, #tpu.memory_space<vmem>>
        %dma_start3A_69 = arith.constant 0 : i32
        %dma_start3A_70 = tpu.memref_slice %arg3[%dma_start3A_69, %mul3A_57] : memref<1x2048xi32, #tpu.memory_space<hbm>> -> memref<1x128xi32, #tpu.memory_space<hbm>>
        tpu.enqueue_dma source(%dma_start3A_70 : memref<1x128xi32, #tpu.memory_space<hbm>>) target(%dma_start3A_68 : memref<1x128xi32, #tpu.memory_space<vmem>>) target_semaphore(%dma_start3A_64 : memref<!tpu.dma_semaphore, #tpu.memory_space<semaphore_mem>>)
        %add3A_71 = arith.constant 0 : i32
        %add3A_72 = arith.constant 1 : i32
        %add3A_73 = arith.addi %add3A_71, %add3A_72 : i32
        %select_n3A_74 = arith.constant true
        %select_n3A_75 = arith.constant 0 : i32
        %select_n3A_76 = arith.select %select_n3A_74, %add3A_73, %select_n3A_75 : i32
        %while3A = arith.constant 0 : i32
        %while3A_77 = arith.constant 0 : i32
        %while3A_78 = arith.constant 0 : i32
        %while3A_79 = arith.constant 0 : i32
        %while3A_80 = arith.constant 0 : i32
        "tpu.trace_stop"() : () -> ()
        %while3A_81 = arith.subi %mul3A_16, %while3A : i32
        %while3A_82 = arith.addi %while3A, %while3A_81 : i32
        %while3A_83 = arith.constant 1 : i32
        %while3A_84 = arith.divsi %while3A_81, %while3A_83 : i32
        %while3A_85 = arith.muli %while3A_84, %while3A_83 : i32
        %while3A_86 = arith.addi %while3A, %while3A_85 : i32
        %while3A_87 = arith.constant 1 : i32
        %while3A_88:5 = scf.for %while3A_142 = %while3A to %while3A_86 step %while3A_87 iter_args(%while3A_143 = %select_n3A_76, %while3A_144 = %while3A_77, %while3A_145 = %while3A_78, %while3A_146 = %while3A_79, %while3A_147 = %while3A_80) -> (i32, i32, i32, i32, i32)  : i32 {
          %mul3A_148 = arith.constant 1 : i32
          %mul3A_149 = arith.muli %mul3A_148, %select_n3A : i32
          %eq3A_150 = arith.constant 0 : i32
          %eq3A_151 = arith.cmpi eq, %while3A_142, %eq3A_150 : i32
          %sub3A_152 = arith.constant 1 : i32
          %sub3A_153 = arith.subi %mul3A_149, %sub3A_152 : i32
          %eq3A_154 = arith.cmpi eq, %while3A_142, %sub3A_153 : i32
          %add3A_155 = arith.addi %while3A_147, %select_n3A_14 : i32
          %sub3A_156 = arith.constant 1 : i32
          %sub3A_157 = arith.subi %while3A_147, %sub3A_156 : i32
          %select_n3A_158 = arith.constant true
          %select_n3A_159 = arith.select %select_n3A_158, %sub3A_157, %while3A_147 : i32
          %eq3A_160 = arith.constant -1 : i32
          %eq3A_161 = arith.cmpi eq, %select_n3A_159, %eq3A_160 : i32
          %sub3A_162 = arith.constant 1 : i32
          %sub3A_163 = arith.subi %select_n3A, %sub3A_162 : i32
          %select_n3A_164 = arith.select %eq3A_161, %sub3A_163, %select_n3A_159 : i32
          %add3A_165 = arith.addi %select_n3A_164, %select_n3A_14 : i32
          %add3A_166 = arith.constant 1 : i32
          %add3A_167 = arith.addi %while3A_147, %add3A_166 : i32
          %select_n3A_168 = arith.constant true
          %select_n3A_169 = arith.select %select_n3A_168, %add3A_167, %while3A_147 : i32
          %eq3A_170 = arith.cmpi eq, %select_n3A_169, %select_n3A : i32
          %select_n3A_171 = arith.constant 0 : i32
          %select_n3A_172 = arith.select %eq3A_170, %select_n3A_171, %select_n3A_169 : i32
          %add3A_173 = arith.addi %select_n3A_172, %select_n3A_14 : i32
          %add3A_174 = arith.constant 1 : i32
          %add3A_175 = arith.addi %select_n3A_172, %add3A_174 : i32
          %select_n3A_176 = arith.constant true
          %select_n3A_177 = arith.select %select_n3A_176, %add3A_175, %select_n3A_172 : i32
          %eq3A_178 = arith.cmpi eq, %select_n3A_177, %select_n3A : i32
          %select_n3A_179 = arith.constant 0 : i32
          %select_n3A_180 = arith.select %eq3A_178, %select_n3A_179, %select_n3A_177 : i32
          %add3A_181 = arith.addi %select_n3A_180, %select_n3A_14 : i32
          %ne3A = arith.cmpi ne, %add3A_155, %add3A_173 : i32
          %or3A = arith.constant false
          %or3A_182 = arith.ori %or3A, %ne3A : i1
          %sub3A_183 = arith.constant 2 : i32
          %sub3A_184 = arith.subi %mul3A_149, %sub3A_183 : i32
          %add3A_185 = arith.constant 1 : i32
          %add3A_186 = arith.addi %sub3A_184, %add3A_185 : i32
          %ge3A = arith.cmpi sge, %while3A_142, %add3A_186 : i32
          %not3A = arith.constant true
          %not3A_187 = arith.xori %ge3A, %not3A : i1
          %and3A = arith.andi %or3A_182, %not3A_187 : i1
          %convert_element_type3A_188 = arith.extui %and3A : i1 to i32
          %cond3A_189 = arith.constant 0 : i32
          %cond3A_190 = arith.cmpi ne, %convert_element_type3A_188, %cond3A_189 : i32
          scf.if %cond3A_190 {
            "tpu.trace_start"() <{level = 10 : i32, message = "ep_copy_in"}> : () -> ()
            %rem3A_294 = arith.constant 2 : i32
            %rem3A_295 = arith.remui %while3A_143, %rem3A_294 : i32
            %mul3A_296 = arith.constant 128 : i32
            %mul3A_297 = arith.muli %mul3A_296, %add3A_173 : i32
            %dma_start3A_298 = arith.constant 0 : i32
            %dma_start3A_299 = arith.constant 0 : i32
            %dma_start3A_300 = tpu.memref_slice %run_scoped3A[%rem3A_295, %dma_start3A_298, %dma_start3A_299] : memref<2x1x128xi32, #tpu.memory_space<vmem>> -> memref<1x1x128xi32, #tpu.memory_space<vmem>>
            %dma_start3A_301 = tpu.memref_squeeze %dma_start3A_300 : memref<1x1x128xi32, #tpu.memory_space<vmem>> -> memref<1x128xi32, #tpu.memory_space<vmem>>
            %dma_start3A_302 = arith.constant 0 : i32
            %dma_start3A_303 = tpu.memref_slice %arg3[%dma_start3A_302, %mul3A_297] : memref<1x2048xi32, #tpu.memory_space<hbm>> -> memref<1x128xi32, #tpu.memory_space<hbm>>
            %dma_start3A_304 = tpu.memref_slice %run_scoped3A_17[%rem3A_295] : memref<2x!tpu.dma_semaphore, #tpu.memory_space<semaphore_mem>> -> memref<1x!tpu.dma_semaphore, #tpu.memory_space<semaphore_mem>>
            %dma_start3A_305 = tpu.memref_squeeze %dma_start3A_304 : memref<1x!tpu.dma_semaphore, #tpu.memory_space<semaphore_mem>> -> memref<!tpu.dma_semaphore, #tpu.memory_space<semaphore_mem>>
            %dma_start3A_306 = arith.constant 0 : i32
            %dma_start3A_307 = arith.constant 0 : i32
            %dma_start3A_308 = tpu.memref_slice %run_scoped3A[%rem3A_295, %dma_start3A_306, %dma_start3A_307] : memref<2x1x128xi32, #tpu.memory_space<vmem>> -> memref<1x1x128xi32, #tpu.memory_space<vmem>>
            %dma_start3A_309 = tpu.memref_squeeze %dma_start3A_308 : memref<1x1x128xi32, #tpu.memory_space<vmem>> -> memref<1x128xi32, #tpu.memory_space<vmem>>
            %dma_start3A_310 = arith.constant 0 : i32
            %dma_start3A_311 = tpu.memref_slice %arg3[%dma_start3A_310, %mul3A_297] : memref<1x2048xi32, #tpu.memory_space<hbm>> -> memref<1x128xi32, #tpu.memory_space<hbm>>
            tpu.enqueue_dma source(%dma_start3A_311 : memref<1x128xi32, #tpu.memory_space<hbm>>) target(%dma_start3A_309 : memref<1x128xi32, #tpu.memory_space<vmem>>) target_semaphore(%dma_start3A_305 : memref<!tpu.dma_semaphore, #tpu.memory_space<semaphore_mem>>)
            "tpu.trace_stop"() : () -> ()
          } else {
          }
          %and3A_191 = arith.constant true
          %and3A_192 = arith.andi %and3A, %and3A_191 : i1
          %add3A_193 = arith.constant 1 : i32
          %add3A_194 = arith.addi %while3A_143, %add3A_193 : i32
          %select_n3A_195 = arith.select %and3A_192, %add3A_194, %while3A_143 : i32
          %ne3A_196 = arith.cmpi ne, %add3A_155, %add3A_173 : i32
          %or3A_197 = arith.constant false
          %or3A_198 = arith.ori %or3A_197, %ne3A_196 : i1
          %or3A_199 = arith.constant false
          %or3A_200 = arith.ori %or3A_198, %or3A_199 : i1
          %sub3A_201 = arith.constant 2 : i32
          %sub3A_202 = arith.subi %mul3A_149, %sub3A_201 : i32
          %add3A_203 = arith.constant 1 : i32
          %add3A_204 = arith.addi %sub3A_202, %add3A_203 : i32
          %ge3A_205 = arith.cmpi sge, %while3A_142, %add3A_204 : i32
          %not3A_206 = arith.constant true
          %not3A_207 = arith.xori %ge3A_205, %not3A_206 : i1
          %and3A_208 = arith.andi %or3A_200, %not3A_207 : i1
          %ne3A_209 = arith.cmpi ne, %add3A_155, %add3A_165 : i32
          %or3A_210 = arith.constant false
          %or3A_211 = arith.ori %or3A_210, %ne3A_209 : i1
          %or3A_212 = arith.ori %or3A_211, %eq3A_151 : i1
          %convert_element_type3A_213 = arith.extui %or3A_212 : i1 to i32
          %cond3A_214 = arith.constant 0 : i32
          %cond3A_215 = arith.cmpi ne, %convert_element_type3A_213, %cond3A_214 : i32
          scf.if %cond3A_215 {
            "tpu.trace_start"() <{level = 10 : i32, message = "ep_wait_in"}> : () -> ()
            %mul3A_294 = arith.constant 128 : i32
            %mul3A_295 = arith.muli %mul3A_294, %add3A_155 : i32
            %rem3A_296 = arith.constant 2 : i32
            %rem3A_297 = arith.remui %while3A_144, %rem3A_296 : i32
            %dma_wait3A = arith.constant 0 : i32
            %dma_wait3A_298 = arith.constant 0 : i32
            %dma_wait3A_299 = tpu.memref_slice %run_scoped3A[%rem3A_297, %dma_wait3A, %dma_wait3A_298] : memref<2x1x128xi32, #tpu.memory_space<vmem>> -> memref<1x1x128xi32, #tpu.memory_space<vmem>>
            %dma_wait3A_300 = tpu.memref_squeeze %dma_wait3A_299 : memref<1x1x128xi32, #tpu.memory_space<vmem>> -> memref<1x128xi32, #tpu.memory_space<vmem>>
            %dma_wait3A_301 = arith.constant 0 : i32
            %dma_wait3A_302 = tpu.memref_slice %arg3[%dma_wait3A_301, %mul3A_295] : memref<1x2048xi32, #tpu.memory_space<hbm>> -> memref<1x128xi32, #tpu.memory_space<hbm>>
            %dma_wait3A_303 = tpu.memref_slice %run_scoped3A_17[%rem3A_297] : memref<2x!tpu.dma_semaphore, #tpu.memory_space<semaphore_mem>> -> memref<1x!tpu.dma_semaphore, #tpu.memory_space<semaphore_mem>>
            %dma_wait3A_304 = tpu.memref_squeeze %dma_wait3A_303 : memref<1x!tpu.dma_semaphore, #tpu.memory_space<semaphore_mem>> -> memref<!tpu.dma_semaphore, #tpu.memory_space<semaphore_mem>>
            %dma_wait3A_305 = arith.constant 0 : i32
            %dma_wait3A_306 = arith.constant 0 : i32
            %dma_wait3A_307 = tpu.memref_slice %run_scoped3A[%rem3A_297, %dma_wait3A_305, %dma_wait3A_306] : memref<2x1x128xi32, #tpu.memory_space<vmem>> -> memref<1x1x128xi32, #tpu.memory_space<vmem>>
            %dma_wait3A_308 = tpu.memref_squeeze %dma_wait3A_307 : memref<1x1x128xi32, #tpu.memory_space<vmem>> -> memref<1x128xi32, #tpu.memory_space<vmem>>
            %dma_wait3A_309 = arith.constant 0 : i32
            %dma_wait3A_310 = tpu.memref_slice %arg3[%dma_wait3A_309, %mul3A_295] : memref<1x2048xi32, #tpu.memory_space<hbm>> -> memref<1x128xi32, #tpu.memory_space<hbm>>
            tpu.wait_dma2 semaphore(%dma_wait3A_304 : memref<!tpu.dma_semaphore, #tpu.memory_space<semaphore_mem>>) src(%dma_wait3A_310 : memref<1x128xi32, #tpu.memory_space<hbm>>) dst(%dma_wait3A_308 : memref<1x128xi32, #tpu.memory_space<vmem>>)
            "tpu.trace_stop"() : () -> ()
          } else {
          }
          %ne3A_216 = arith.cmpi ne, %add3A_155, %add3A_165 : i32
          %or3A_217 = arith.constant false
          %or3A_218 = arith.ori %or3A_217, %ne3A_216 : i1
          %or3A_219 = arith.constant false
          %or3A_220 = arith.ori %or3A_218, %or3A_219 : i1
          %or3A_221 = arith.ori %or3A_220, %eq3A_151 : i1
          %convert_element_type3A_222 = arith.extui %or3A_221 : i1 to i32
          %cond3A_223 = arith.constant 0 : i32
          %cond3A_224 = arith.cmpi ne, %convert_element_type3A_222, %cond3A_223 : i32
          scf.if %cond3A_224 {
          } else {
          }
          %rem3A_225 = arith.constant 2 : i32
          %rem3A_226 = arith.remui %while3A_144, %rem3A_225 : i32
          %rem3A_227 = arith.constant 2 : i32
          %rem3A_228 = arith.remui %while3A_145, %rem3A_227 : i32
          %run_scoped3A_229 = arith.constant 0 : i32
          "tpu.trace_start"() <{level = 10 : i32, message = "ep_run_kernel"}> : () -> ()
          "tpu.region"() ({
            %run_scoped3A_294 = tpu.sem_alloc : memref<!tpu.dma_semaphore, #tpu.memory_space<semaphore_mem>>
            %dma_start3A_295 = arith.constant 0 : i32
            %dma_start3A_296 = arith.constant 0 : i32
            %dma_start3A_297 = tpu.memref_slice %run_scoped3A_18[%rem3A_228, %dma_start3A_295, %dma_start3A_296] : memref<2x128x128xf32, #tpu.memory_space<vmem>> -> memref<1x128x128xf32, #tpu.memory_space<vmem>>
            %dma_start3A_298 = tpu.memref_squeeze %dma_start3A_297 : memref<1x128x128xf32, #tpu.memory_space<vmem>> -> memref<128x128xf32, #tpu.memory_space<vmem>>
            %dma_start3A_299 = arith.constant 0 : i32
            %dma_start3A_300 = arith.constant 0 : i32
            %dma_start3A_301 = tpu.memref_slice %run_scoped3A[%rem3A_226, %dma_start3A_299, %dma_start3A_300] : memref<2x1x128xi32, #tpu.memory_space<vmem>> -> memref<1x1x128xi32, #tpu.memory_space<vmem>>
            %dma_start3A_302 = tpu.memref_squeeze %dma_start3A_301 : memref<1x1x128xi32, #tpu.memory_space<vmem>> -> memref<1x128xi32, #tpu.memory_space<vmem>>
            %dma_start3A_303 = arith.constant 0 : i32
            %dma_start3A_304 = tpu.memref_slice %dma_start3A_302[%run_scoped3A_229, %dma_start3A_303] : memref<1x128xi32, #tpu.memory_space<vmem>> -> memref<1x128xi32, #tpu.memory_space<vmem>>
            %dma_start3A_305 = tpu.memref_squeeze %dma_start3A_304 : memref<1x128xi32, #tpu.memory_space<vmem>> -> memref<128xi32, #tpu.memory_space<vmem>>
            %dma_start3A_306 = arith.constant 0 : i32
            %dma_start3A_307 = arith.constant 0 : i32
            %dma_start3A_308 = tpu.memref_slice %arg2[%dma_start3A_306, %dma_start3A_307] : memref<57344x128xf32, #tpu.memory_space<hbm>> -> memref<57344x128xf32, #tpu.memory_space<hbm>>
            tpu.enqueue_indirect_dma source(%dma_start3A_308 : memref<57344x128xf32, #tpu.memory_space<hbm>>) target(%dma_start3A_298 : memref<128x128xf32, #tpu.memory_space<vmem>>) offsets(%dma_start3A_305 : memref<128xi32, #tpu.memory_space<vmem>>) semaphore(%run_scoped3A_294 : memref<!tpu.dma_semaphore, #tpu.memory_space<semaphore_mem>>)
            %dma_wait3A = arith.constant 0 : i32
            %dma_wait3A_309 = arith.constant 0 : i32
            %dma_wait3A_310 = tpu.memref_slice %run_scoped3A_18[%rem3A_228, %dma_wait3A, %dma_wait3A_309] : memref<2x128x128xf32, #tpu.memory_space<vmem>> -> memref<1x128x128xf32, #tpu.memory_space<vmem>>
            %dma_wait3A_311 = tpu.memref_squeeze %dma_wait3A_310 : memref<1x128x128xf32, #tpu.memory_space<vmem>> -> memref<128x128xf32, #tpu.memory_space<vmem>>
            %dma_wait3A_312 = arith.constant 0 : i32
            %dma_wait3A_313 = arith.constant 0 : i32
            %dma_wait3A_314 = tpu.memref_slice %run_scoped3A[%rem3A_226, %dma_wait3A_312, %dma_wait3A_313] : memref<2x1x128xi32, #tpu.memory_space<vmem>> -> memref<1x1x128xi32, #tpu.memory_space<vmem>>
            %dma_wait3A_315 = tpu.memref_squeeze %dma_wait3A_314 : memref<1x1x128xi32, #tpu.memory_space<vmem>> -> memref<1x128xi32, #tpu.memory_space<vmem>>
            %dma_wait3A_316 = arith.constant 0 : i32
            %dma_wait3A_317 = tpu.memref_slice %dma_wait3A_315[%run_scoped3A_229, %dma_wait3A_316] : memref<1x128xi32, #tpu.memory_space<vmem>> -> memref<1x128xi32, #tpu.memory_space<vmem>>
            %dma_wait3A_318 = tpu.memref_squeeze %dma_wait3A_317 : memref<1x128xi32, #tpu.memory_space<vmem>> -> memref<128xi32, #tpu.memory_space<vmem>>
            %dma_wait3A_319 = arith.constant 0 : i32
            %dma_wait3A_320 = arith.constant 0 : i32
            %dma_wait3A_321 = tpu.memref_slice %arg2[%dma_wait3A_319, %dma_wait3A_320] : memref<57344x128xf32, #tpu.memory_space<hbm>> -> memref<57344x128xf32, #tpu.memory_space<hbm>>
            tpu.wait_indirect_dma semaphore(%run_scoped3A_294 : memref<!tpu.dma_semaphore, #tpu.memory_space<semaphore_mem>>) src(%dma_wait3A_321 : memref<57344x128xf32, #tpu.memory_space<hbm>>) dst(%dma_wait3A_311 : memref<128x128xf32, #tpu.memory_space<vmem>>)
            tpu.yield
          }) : () -> ()
          "tpu.trace_stop"() : () -> ()
          %ne3A_230 = arith.cmpi ne, %add3A_155, %add3A_173 : i32
          %or3A_231 = arith.constant false
          %or3A_232 = arith.ori %or3A_231, %ne3A_230 : i1
          %or3A_233 = arith.ori %or3A_232, %eq3A_154 : i1
          %convert_element_type3A_234 = arith.extui %or3A_233 : i1 to i32
          %cond3A_235 = arith.constant 0 : i32
          %cond3A_236 = arith.cmpi ne, %convert_element_type3A_234, %cond3A_235 : i32
          scf.if %cond3A_236 {
          } else {
          }
          %and3A_237 = arith.constant false
          %and3A_238 = arith.andi %or3A_233, %and3A_237 : i1
          %ne3A_239 = arith.cmpi ne, %add3A_155, %add3A_173 : i32
          %or3A_240 = arith.constant false
          %or3A_241 = arith.ori %or3A_240, %ne3A_239 : i1
          %or3A_242 = arith.constant false
          %or3A_243 = arith.ori %or3A_241, %or3A_242 : i1
          %or3A_244 = arith.ori %or3A_243, %eq3A_154 : i1
          %convert_element_type3A_245 = arith.extui %or3A_244 : i1 to i32
          %cond3A_246 = arith.constant 0 : i32
          %cond3A_247 = arith.cmpi ne, %convert_element_type3A_245, %cond3A_246 : i32
          scf.if %cond3A_247 {
            "tpu.trace_start"() <{level = 10 : i32, message = "ep_copy_out"}> : () -> ()
            %rem3A_294 = arith.constant 2 : i32
            %rem3A_295 = arith.remui %while3A_145, %rem3A_294 : i32
            %mul3A_296 = arith.constant 128 : i32
            %mul3A_297 = arith.muli %mul3A_296, %add3A_155 : i32
            %dma_start3A_298 = arith.constant 0 : i32
            %dma_start3A_299 = arith.constant 0 : i32
            %dma_start3A_300 = tpu.memref_slice %run_scoped3A_18[%rem3A_295, %dma_start3A_298, %dma_start3A_299] : memref<2x128x128xf32, #tpu.memory_space<vmem>> -> memref<1x128x128xf32, #tpu.memory_space<vmem>>
            %dma_start3A_301 = tpu.memref_squeeze %dma_start3A_300 : memref<1x128x128xf32, #tpu.memory_space<vmem>> -> memref<128x128xf32, #tpu.memory_space<vmem>>
            %dma_start3A_302 = arith.constant 0 : i32
            %dma_start3A_303 = tpu.memref_slice %arg4[%mul3A_297, %dma_start3A_302] : memref<2048x128xf32, #tpu.memory_space<hbm>> -> memref<128x128xf32, #tpu.memory_space<hbm>>
            %dma_start3A_304 = tpu.memref_slice %run_scoped3A_19[%rem3A_295] : memref<2x!tpu.dma_semaphore, #tpu.memory_space<semaphore_mem>> -> memref<1x!tpu.dma_semaphore, #tpu.memory_space<semaphore_mem>>
            %dma_start3A_305 = tpu.memref_squeeze %dma_start3A_304 : memref<1x!tpu.dma_semaphore, #tpu.memory_space<semaphore_mem>> -> memref<!tpu.dma_semaphore, #tpu.memory_space<semaphore_mem>>
            %dma_start3A_306 = arith.constant 0 : i32
            %dma_start3A_307 = tpu.memref_slice %arg4[%mul3A_297, %dma_start3A_306] : memref<2048x128xf32, #tpu.memory_space<hbm>> -> memref<128x128xf32, #tpu.memory_space<hbm>>
            %dma_start3A_308 = arith.constant 0 : i32
            %dma_start3A_309 = arith.constant 0 : i32
            %dma_start3A_310 = tpu.memref_slice %run_scoped3A_18[%rem3A_295, %dma_start3A_308, %dma_start3A_309] : memref<2x128x128xf32, #tpu.memory_space<vmem>> -> memref<1x128x128xf32, #tpu.memory_space<vmem>>
            %dma_start3A_311 = tpu.memref_squeeze %dma_start3A_310 : memref<1x128x128xf32, #tpu.memory_space<vmem>> -> memref<128x128xf32, #tpu.memory_space<vmem>>
            tpu.enqueue_dma source(%dma_start3A_311 : memref<128x128xf32, #tpu.memory_space<vmem>>) target(%dma_start3A_307 : memref<128x128xf32, #tpu.memory_space<hbm>>) target_semaphore(%dma_start3A_305 : memref<!tpu.dma_semaphore, #tpu.memory_space<semaphore_mem>>)
            "tpu.trace_stop"() : () -> ()
          } else {
          }
          %and3A_248 = arith.constant true
          %and3A_249 = arith.andi %or3A_244, %and3A_248 : i1
          %add3A_250 = arith.constant 1 : i32
          %add3A_251 = arith.addi %while3A_145, %add3A_250 : i32
          %select_n3A_252 = arith.select %and3A_249, %add3A_251, %while3A_145 : i32
          %ne3A_253 = arith.cmpi ne, %add3A_155, %add3A_165 : i32
          %or3A_254 = arith.constant false
          %or3A_255 = arith.ori %or3A_254, %ne3A_253 : i1
          %not3A_256 = arith.constant true
          %not3A_257 = arith.xori %eq3A_151, %not3A_256 : i1
          %and3A_258 = arith.andi %or3A_255, %not3A_257 : i1
          %convert_element_type3A_259 = arith.extui %and3A_258 : i1 to i32
          %cond3A_260 = arith.constant 0 : i32
          %cond3A_261 = arith.cmpi ne, %convert_element_type3A_259, %cond3A_260 : i32
          scf.if %cond3A_261 {
          } else {
          }
          %and3A_262 = arith.constant false
          %and3A_263 = arith.andi %and3A_258, %and3A_262 : i1
          %ne3A_264 = arith.cmpi ne, %add3A_155, %add3A_165 : i32
          %or3A_265 = arith.constant false
          %or3A_266 = arith.ori %or3A_265, %ne3A_264 : i1
          %or3A_267 = arith.constant false
          %or3A_268 = arith.ori %or3A_266, %or3A_267 : i1
          %not3A_269 = arith.constant true
          %not3A_270 = arith.xori %eq3A_151, %not3A_269 : i1
          %and3A_271 = arith.andi %or3A_268, %not3A_270 : i1
          %convert_element_type3A_272 = arith.extui %and3A_271 : i1 to i32
          %cond3A_273 = arith.constant 0 : i32
          %cond3A_274 = arith.cmpi ne, %convert_element_type3A_272, %cond3A_273 : i32
          scf.if %cond3A_274 {
            "tpu.trace_start"() <{level = 10 : i32, message = "ep_wait_out"}> : () -> ()
            %rem3A_294 = arith.constant 2 : i32
            %rem3A_295 = arith.remui %while3A_146, %rem3A_294 : i32
            %mul3A_296 = arith.constant 128 : i32
            %mul3A_297 = arith.muli %mul3A_296, %add3A_165 : i32
            %dma_wait3A = arith.constant 0 : i32
            %dma_wait3A_298 = arith.constant 0 : i32
            %dma_wait3A_299 = tpu.memref_slice %run_scoped3A_18[%rem3A_295, %dma_wait3A, %dma_wait3A_298] : memref<2x128x128xf32, #tpu.memory_space<vmem>> -> memref<1x128x128xf32, #tpu.memory_space<vmem>>
            %dma_wait3A_300 = tpu.memref_squeeze %dma_wait3A_299 : memref<1x128x128xf32, #tpu.memory_space<vmem>> -> memref<128x128xf32, #tpu.memory_space<vmem>>
            %dma_wait3A_301 = arith.constant 0 : i32
            %dma_wait3A_302 = tpu.memref_slice %arg4[%mul3A_297, %dma_wait3A_301] : memref<2048x128xf32, #tpu.memory_space<hbm>> -> memref<128x128xf32, #tpu.memory_space<hbm>>
            %dma_wait3A_303 = tpu.memref_slice %run_scoped3A_19[%rem3A_295] : memref<2x!tpu.dma_semaphore, #tpu.memory_space<semaphore_mem>> -> memref<1x!tpu.dma_semaphore, #tpu.memory_space<semaphore_mem>>
            %dma_wait3A_304 = tpu.memref_squeeze %dma_wait3A_303 : memref<1x!tpu.dma_semaphore, #tpu.memory_space<semaphore_mem>> -> memref<!tpu.dma_semaphore, #tpu.memory_space<semaphore_mem>>
            %dma_wait3A_305 = arith.constant 0 : i32
            %dma_wait3A_306 = tpu.memref_slice %arg4[%mul3A_297, %dma_wait3A_305] : memref<2048x128xf32, #tpu.memory_space<hbm>> -> memref<128x128xf32, #tpu.memory_space<hbm>>
            %dma_wait3A_307 = arith.constant 0 : i32
            %dma_wait3A_308 = arith.constant 0 : i32
            %dma_wait3A_309 = tpu.memref_slice %run_scoped3A_18[%rem3A_295, %dma_wait3A_307, %dma_wait3A_308] : memref<2x128x128xf32, #tpu.memory_space<vmem>> -> memref<1x128x128xf32, #tpu.memory_space<vmem>>
            %dma_wait3A_310 = tpu.memref_squeeze %dma_wait3A_309 : memref<1x128x128xf32, #tpu.memory_space<vmem>> -> memref<128x128xf32, #tpu.memory_space<vmem>>
            tpu.wait_dma2 semaphore(%dma_wait3A_304 : memref<!tpu.dma_semaphore, #tpu.memory_space<semaphore_mem>>) src(%dma_wait3A_310 : memref<128x128xf32, #tpu.memory_space<vmem>>) dst(%dma_wait3A_306 : memref<128x128xf32, #tpu.memory_space<hbm>>)
            "tpu.trace_stop"() : () -> ()
          } else {
          }
          %and3A_275 = arith.constant true
          %and3A_276 = arith.andi %and3A_271, %and3A_275 : i1
          %add3A_277 = arith.constant 1 : i32
          %add3A_278 = arith.addi %while3A_146, %add3A_277 : i32
          %select_n3A_279 = arith.select %and3A_276, %add3A_278, %while3A_146 : i32
          %ne3A_280 = arith.cmpi ne, %add3A_155, %add3A_173 : i32
          %or3A_281 = arith.constant false
          %or3A_282 = arith.ori %or3A_281, %ne3A_280 : i1
          %or3A_283 = arith.ori %or3A_282, %eq3A_154 : i1
          %add3A_284 = arith.constant 1 : i32
          %add3A_285 = arith.addi %while3A_144, %add3A_284 : i32
          %select_n3A_286 = arith.select %or3A_283, %add3A_285, %while3A_144 : i32
          %add3A_287 = arith.constant 1 : i32
          %add3A_288 = arith.addi %while3A_147, %add3A_287 : i32
          %select_n3A_289 = arith.constant true
          %select_n3A_290 = arith.select %select_n3A_289, %add3A_288, %while3A_147 : i32
          %eq3A_291 = arith.cmpi eq, %select_n3A_290, %select_n3A : i32
          %select_n3A_292 = arith.constant 0 : i32
          %select_n3A_293 = arith.select %eq3A_291, %select_n3A_292, %select_n3A_290 : i32
          scf.yield %select_n3A_195, %select_n3A_286, %select_n3A_252, %select_n3A_279, %select_n3A_293 : i32, i32, i32, i32, i32
        }
        %while3A_89 = arith.constant 1 : i32
        %while3A_90:5 = scf.for %while3A_142 = %while3A_86 to %while3A_82 step %while3A_89 iter_args(%while3A_143 = %while3A_88#0, %while3A_144 = %while3A_88#1, %while3A_145 = %while3A_88#2, %while3A_146 = %while3A_88#3, %while3A_147 = %while3A_88#4) -> (i32, i32, i32, i32, i32)  : i32 {
          %mul3A_148 = arith.constant 1 : i32
          %mul3A_149 = arith.muli %mul3A_148, %select_n3A : i32
          %eq3A_150 = arith.constant 0 : i32
          %eq3A_151 = arith.cmpi eq, %while3A_142, %eq3A_150 : i32
          %sub3A_152 = arith.constant 1 : i32
          %sub3A_153 = arith.subi %mul3A_149, %sub3A_152 : i32
          %eq3A_154 = arith.cmpi eq, %while3A_142, %sub3A_153 : i32
          %add3A_155 = arith.addi %while3A_147, %select_n3A_14 : i32
          %sub3A_156 = arith.constant 1 : i32
          %sub3A_157 = arith.subi %while3A_147, %sub3A_156 : i32
          %select_n3A_158 = arith.constant true
          %select_n3A_159 = arith.select %select_n3A_158, %sub3A_157, %while3A_147 : i32
          %eq3A_160 = arith.constant -1 : i32
          %eq3A_161 = arith.cmpi eq, %select_n3A_159, %eq3A_160 : i32
          %sub3A_162 = arith.constant 1 : i32
          %sub3A_163 = arith.subi %select_n3A, %sub3A_162 : i32
          %select_n3A_164 = arith.select %eq3A_161, %sub3A_163, %select_n3A_159 : i32
          %add3A_165 = arith.addi %select_n3A_164, %select_n3A_14 : i32
          %add3A_166 = arith.constant 1 : i32
          %add3A_167 = arith.addi %while3A_147, %add3A_166 : i32
          %select_n3A_168 = arith.constant true
          %select_n3A_169 = arith.select %select_n3A_168, %add3A_167, %while3A_147 : i32
          %eq3A_170 = arith.cmpi eq, %select_n3A_169, %select_n3A : i32
          %select_n3A_171 = arith.constant 0 : i32
          %select_n3A_172 = arith.select %eq3A_170, %select_n3A_171, %select_n3A_169 : i32
          %add3A_173 = arith.addi %select_n3A_172, %select_n3A_14 : i32
          %add3A_174 = arith.constant 1 : i32
          %add3A_175 = arith.addi %select_n3A_172, %add3A_174 : i32
          %select_n3A_176 = arith.constant true
          %select_n3A_177 = arith.select %select_n3A_176, %add3A_175, %select_n3A_172 : i32
          %eq3A_178 = arith.cmpi eq, %select_n3A_177, %select_n3A : i32
          %select_n3A_179 = arith.constant 0 : i32
          %select_n3A_180 = arith.select %eq3A_178, %select_n3A_179, %select_n3A_177 : i32
          %add3A_181 = arith.addi %select_n3A_180, %select_n3A_14 : i32
          %ne3A = arith.cmpi ne, %add3A_155, %add3A_173 : i32
          %or3A = arith.constant false
          %or3A_182 = arith.ori %or3A, %ne3A : i1
          %sub3A_183 = arith.constant 2 : i32
          %sub3A_184 = arith.subi %mul3A_149, %sub3A_183 : i32
          %add3A_185 = arith.constant 1 : i32
          %add3A_186 = arith.addi %sub3A_184, %add3A_185 : i32
          %ge3A = arith.cmpi sge, %while3A_142, %add3A_186 : i32
          %not3A = arith.constant true
          %not3A_187 = arith.xori %ge3A, %not3A : i1
          %and3A = arith.andi %or3A_182, %not3A_187 : i1
          %convert_element_type3A_188 = arith.extui %and3A : i1 to i32
          %cond3A_189 = arith.constant 0 : i32
          %cond3A_190 = arith.cmpi ne, %convert_element_type3A_188, %cond3A_189 : i32
          scf.if %cond3A_190 {
            "tpu.trace_start"() <{level = 10 : i32, message = "ep_copy_in"}> : () -> ()
            %rem3A_294 = arith.constant 2 : i32
            %rem3A_295 = arith.remui %while3A_143, %rem3A_294 : i32
            %mul3A_296 = arith.constant 128 : i32
            %mul3A_297 = arith.muli %mul3A_296, %add3A_173 : i32
            %dma_start3A_298 = arith.constant 0 : i32
            %dma_start3A_299 = arith.constant 0 : i32
            %dma_start3A_300 = tpu.memref_slice %run_scoped3A[%rem3A_295, %dma_start3A_298, %dma_start3A_299] : memref<2x1x128xi32, #tpu.memory_space<vmem>> -> memref<1x1x128xi32, #tpu.memory_space<vmem>>
            %dma_start3A_301 = tpu.memref_squeeze %dma_start3A_300 : memref<1x1x128xi32, #tpu.memory_space<vmem>> -> memref<1x128xi32, #tpu.memory_space<vmem>>
            %dma_start3A_302 = arith.constant 0 : i32
            %dma_start3A_303 = tpu.memref_slice %arg3[%dma_start3A_302, %mul3A_297] : memref<1x2048xi32, #tpu.memory_space<hbm>> -> memref<1x128xi32, #tpu.memory_space<hbm>>
            %dma_start3A_304 = tpu.memref_slice %run_scoped3A_17[%rem3A_295] : memref<2x!tpu.dma_semaphore, #tpu.memory_space<semaphore_mem>> -> memref<1x!tpu.dma_semaphore, #tpu.memory_space<semaphore_mem>>
            %dma_start3A_305 = tpu.memref_squeeze %dma_start3A_304 : memref<1x!tpu.dma_semaphore, #tpu.memory_space<semaphore_mem>> -> memref<!tpu.dma_semaphore, #tpu.memory_space<semaphore_mem>>
            %dma_start3A_306 = arith.constant 0 : i32
            %dma_start3A_307 = arith.constant 0 : i32
            %dma_start3A_308 = tpu.memref_slice %run_scoped3A[%rem3A_295, %dma_start3A_306, %dma_start3A_307] : memref<2x1x128xi32, #tpu.memory_space<vmem>> -> memref<1x1x128xi32, #tpu.memory_space<vmem>>
            %dma_start3A_309 = tpu.memref_squeeze %dma_start3A_308 : memref<1x1x128xi32, #tpu.memory_space<vmem>> -> memref<1x128xi32, #tpu.memory_space<vmem>>
            %dma_start3A_310 = arith.constant 0 : i32
            %dma_start3A_311 = tpu.memref_slice %arg3[%dma_start3A_310, %mul3A_297] : memref<1x2048xi32, #tpu.memory_space<hbm>> -> memref<1x128xi32, #tpu.memory_space<hbm>>
            tpu.enqueue_dma source(%dma_start3A_311 : memref<1x128xi32, #tpu.memory_space<hbm>>) target(%dma_start3A_309 : memref<1x128xi32, #tpu.memory_space<vmem>>) target_semaphore(%dma_start3A_305 : memref<!tpu.dma_semaphore, #tpu.memory_space<semaphore_mem>>)
            "tpu.trace_stop"() : () -> ()
          } else {
          }
          %and3A_191 = arith.constant true
          %and3A_192 = arith.andi %and3A, %and3A_191 : i1
          %add3A_193 = arith.constant 1 : i32
          %add3A_194 = arith.addi %while3A_143, %add3A_193 : i32
          %select_n3A_195 = arith.select %and3A_192, %add3A_194, %while3A_143 : i32
          %ne3A_196 = arith.cmpi ne, %add3A_155, %add3A_173 : i32
          %or3A_197 = arith.constant false
          %or3A_198 = arith.ori %or3A_197, %ne3A_196 : i1
          %or3A_199 = arith.constant false
          %or3A_200 = arith.ori %or3A_198, %or3A_199 : i1
          %sub3A_201 = arith.constant 2 : i32
          %sub3A_202 = arith.subi %mul3A_149, %sub3A_201 : i32
          %add3A_203 = arith.constant 1 : i32
          %add3A_204 = arith.addi %sub3A_202, %add3A_203 : i32
          %ge3A_205 = arith.cmpi sge, %while3A_142, %add3A_204 : i32
          %not3A_206 = arith.constant true
          %not3A_207 = arith.xori %ge3A_205, %not3A_206 : i1
          %and3A_208 = arith.andi %or3A_200, %not3A_207 : i1
          %ne3A_209 = arith.cmpi ne, %add3A_155, %add3A_165 : i32
          %or3A_210 = arith.constant false
          %or3A_211 = arith.ori %or3A_210, %ne3A_209 : i1
          %or3A_212 = arith.ori %or3A_211, %eq3A_151 : i1
          %convert_element_type3A_213 = arith.extui %or3A_212 : i1 to i32
          %cond3A_214 = arith.constant 0 : i32
          %cond3A_215 = arith.cmpi ne, %convert_element_type3A_213, %cond3A_214 : i32
          scf.if %cond3A_215 {
            "tpu.trace_start"() <{level = 10 : i32, message = "ep_wait_in"}> : () -> ()
            %mul3A_294 = arith.constant 128 : i32
            %mul3A_295 = arith.muli %mul3A_294, %add3A_155 : i32
            %rem3A_296 = arith.constant 2 : i32
            %rem3A_297 = arith.remui %while3A_144, %rem3A_296 : i32
            %dma_wait3A = arith.constant 0 : i32
            %dma_wait3A_298 = arith.constant 0 : i32
            %dma_wait3A_299 = tpu.memref_slice %run_scoped3A[%rem3A_297, %dma_wait3A, %dma_wait3A_298] : memref<2x1x128xi32, #tpu.memory_space<vmem>> -> memref<1x1x128xi32, #tpu.memory_space<vmem>>
            %dma_wait3A_300 = tpu.memref_squeeze %dma_wait3A_299 : memref<1x1x128xi32, #tpu.memory_space<vmem>> -> memref<1x128xi32, #tpu.memory_space<vmem>>
            %dma_wait3A_301 = arith.constant 0 : i32
            %dma_wait3A_302 = tpu.memref_slice %arg3[%dma_wait3A_301, %mul3A_295] : memref<1x2048xi32, #tpu.memory_space<hbm>> -> memref<1x128xi32, #tpu.memory_space<hbm>>
            %dma_wait3A_303 = tpu.memref_slice %run_scoped3A_17[%rem3A_297] : memref<2x!tpu.dma_semaphore, #tpu.memory_space<semaphore_mem>> -> memref<1x!tpu.dma_semaphore, #tpu.memory_space<semaphore_mem>>
            %dma_wait3A_304 = tpu.memref_squeeze %dma_wait3A_303 : memref<1x!tpu.dma_semaphore, #tpu.memory_space<semaphore_mem>> -> memref<!tpu.dma_semaphore, #tpu.memory_space<semaphore_mem>>
            %dma_wait3A_305 = arith.constant 0 : i32
            %dma_wait3A_306 = arith.constant 0 : i32
            %dma_wait3A_307 = tpu.memref_slice %run_scoped3A[%rem3A_297, %dma_wait3A_305, %dma_wait3A_306] : memref<2x1x128xi32, #tpu.memory_space<vmem>> -> memref<1x1x128xi32, #tpu.memory_space<vmem>>
            %dma_wait3A_308 = tpu.memref_squeeze %dma_wait3A_307 : memref<1x1x128xi32, #tpu.memory_space<vmem>> -> memref<1x128xi32, #tpu.memory_space<vmem>>
            %dma_wait3A_309 = arith.constant 0 : i32
            %dma_wait3A_310 = tpu.memref_slice %arg3[%dma_wait3A_309, %mul3A_295] : memref<1x2048xi32, #tpu.memory_space<hbm>> -> memref<1x128xi32, #tpu.memory_space<hbm>>
            tpu.wait_dma2 semaphore(%dma_wait3A_304 : memref<!tpu.dma_semaphore, #tpu.memory_space<semaphore_mem>>) src(%dma_wait3A_310 : memref<1x128xi32, #tpu.memory_space<hbm>>) dst(%dma_wait3A_308 : memref<1x128xi32, #tpu.memory_space<vmem>>)
            "tpu.trace_stop"() : () -> ()
          } else {
          }
          %ne3A_216 = arith.cmpi ne, %add3A_155, %add3A_165 : i32
          %or3A_217 = arith.constant false
          %or3A_218 = arith.ori %or3A_217, %ne3A_216 : i1
          %or3A_219 = arith.constant false
          %or3A_220 = arith.ori %or3A_218, %or3A_219 : i1
          %or3A_221 = arith.ori %or3A_220, %eq3A_151 : i1
          %convert_element_type3A_222 = arith.extui %or3A_221 : i1 to i32
          %cond3A_223 = arith.constant 0 : i32
          %cond3A_224 = arith.cmpi ne, %convert_element_type3A_222, %cond3A_223 : i32
          scf.if %cond3A_224 {
          } else {
          }
          %rem3A_225 = arith.constant 2 : i32
          %rem3A_226 = arith.remui %while3A_144, %rem3A_225 : i32
          %rem3A_227 = arith.constant 2 : i32
          %rem3A_228 = arith.remui %while3A_145, %rem3A_227 : i32
          %run_scoped3A_229 = arith.constant 0 : i32
          "tpu.trace_start"() <{level = 10 : i32, message = "ep_run_kernel"}> : () -> ()
          "tpu.region"() ({
            %run_scoped3A_294 = tpu.sem_alloc : memref<!tpu.dma_semaphore, #tpu.memory_space<semaphore_mem>>
            %dma_start3A_295 = arith.constant 0 : i32
            %dma_start3A_296 = arith.constant 0 : i32
            %dma_start3A_297 = tpu.memref_slice %run_scoped3A_18[%rem3A_228, %dma_start3A_295, %dma_start3A_296] : memref<2x128x128xf32, #tpu.memory_space<vmem>> -> memref<1x128x128xf32, #tpu.memory_space<vmem>>
            %dma_start3A_298 = tpu.memref_squeeze %dma_start3A_297 : memref<1x128x128xf32, #tpu.memory_space<vmem>> -> memref<128x128xf32, #tpu.memory_space<vmem>>
            %dma_start3A_299 = arith.constant 0 : i32
            %dma_start3A_300 = arith.constant 0 : i32
            %dma_start3A_301 = tpu.memref_slice %run_scoped3A[%rem3A_226, %dma_start3A_299, %dma_start3A_300] : memref<2x1x128xi32, #tpu.memory_space<vmem>> -> memref<1x1x128xi32, #tpu.memory_space<vmem>>
            %dma_start3A_302 = tpu.memref_squeeze %dma_start3A_301 : memref<1x1x128xi32, #tpu.memory_space<vmem>> -> memref<1x128xi32, #tpu.memory_space<vmem>>
            %dma_start3A_303 = arith.constant 0 : i32
            %dma_start3A_304 = tpu.memref_slice %dma_start3A_302[%run_scoped3A_229, %dma_start3A_303] : memref<1x128xi32, #tpu.memory_space<vmem>> -> memref<1x128xi32, #tpu.memory_space<vmem>>
            %dma_start3A_305 = tpu.memref_squeeze %dma_start3A_304 : memref<1x128xi32, #tpu.memory_space<vmem>> -> memref<128xi32, #tpu.memory_space<vmem>>
            %dma_start3A_306 = arith.constant 0 : i32
            %dma_start3A_307 = arith.constant 0 : i32
            %dma_start3A_308 = tpu.memref_slice %arg2[%dma_start3A_306, %dma_start3A_307] : memref<57344x128xf32, #tpu.memory_space<hbm>> -> memref<57344x128xf32, #tpu.memory_space<hbm>>
            tpu.enqueue_indirect_dma source(%dma_start3A_308 : memref<57344x128xf32, #tpu.memory_space<hbm>>) target(%dma_start3A_298 : memref<128x128xf32, #tpu.memory_space<vmem>>) offsets(%dma_start3A_305 : memref<128xi32, #tpu.memory_space<vmem>>) semaphore(%run_scoped3A_294 : memref<!tpu.dma_semaphore, #tpu.memory_space<semaphore_mem>>)
            %dma_wait3A = arith.constant 0 : i32
            %dma_wait3A_309 = arith.constant 0 : i32
            %dma_wait3A_310 = tpu.memref_slice %run_scoped3A_18[%rem3A_228, %dma_wait3A, %dma_wait3A_309] : memref<2x128x128xf32, #tpu.memory_space<vmem>> -> memref<1x128x128xf32, #tpu.memory_space<vmem>>
            %dma_wait3A_311 = tpu.memref_squeeze %dma_wait3A_310 : memref<1x128x128xf32, #tpu.memory_space<vmem>> -> memref<128x128xf32, #tpu.memory_space<vmem>>
            %dma_wait3A_312 = arith.constant 0 : i32
            %dma_wait3A_313 = arith.constant 0 : i32
            %dma_wait3A_314 = tpu.memref_slice %run_scoped3A[%rem3A_226, %dma_wait3A_312, %dma_wait3A_313] : memref<2x1x128xi32, #tpu.memory_space<vmem>> -> memref<1x1x128xi32, #tpu.memory_space<vmem>>
            %dma_wait3A_315 = tpu.memref_squeeze %dma_wait3A_314 : memref<1x1x128xi32, #tpu.memory_space<vmem>> -> memref<1x128xi32, #tpu.memory_space<vmem>>
            %dma_wait3A_316 = arith.constant 0 : i32
            %dma_wait3A_317 = tpu.memref_slice %dma_wait3A_315[%run_scoped3A_229, %dma_wait3A_316] : memref<1x128xi32, #tpu.memory_space<vmem>> -> memref<1x128xi32, #tpu.memory_space<vmem>>
            %dma_wait3A_318 = tpu.memref_squeeze %dma_wait3A_317 : memref<1x128xi32, #tpu.memory_space<vmem>> -> memref<128xi32, #tpu.memory_space<vmem>>
            %dma_wait3A_319 = arith.constant 0 : i32
            %dma_wait3A_320 = arith.constant 0 : i32
            %dma_wait3A_321 = tpu.memref_slice %arg2[%dma_wait3A_319, %dma_wait3A_320] : memref<57344x128xf32, #tpu.memory_space<hbm>> -> memref<57344x128xf32, #tpu.memory_space<hbm>>
            tpu.wait_indirect_dma semaphore(%run_scoped3A_294 : memref<!tpu.dma_semaphore, #tpu.memory_space<semaphore_mem>>) src(%dma_wait3A_321 : memref<57344x128xf32, #tpu.memory_space<hbm>>) dst(%dma_wait3A_311 : memref<128x128xf32, #tpu.memory_space<vmem>>)
            tpu.yield
          }) : () -> ()
          "tpu.trace_stop"() : () -> ()
          %ne3A_230 = arith.cmpi ne, %add3A_155, %add3A_173 : i32
          %or3A_231 = arith.constant false
          %or3A_232 = arith.ori %or3A_231, %ne3A_230 : i1
          %or3A_233 = arith.ori %or3A_232, %eq3A_154 : i1
          %convert_element_type3A_234 = arith.extui %or3A_233 : i1 to i32
          %cond3A_235 = arith.constant 0 : i32
          %cond3A_236 = arith.cmpi ne, %convert_element_type3A_234, %cond3A_235 : i32
          scf.if %cond3A_236 {
          } else {
          }
          %and3A_237 = arith.constant false
          %and3A_238 = arith.andi %or3A_233, %and3A_237 : i1
          %ne3A_239 = arith.cmpi ne, %add3A_155, %add3A_173 : i32
          %or3A_240 = arith.constant false
          %or3A_241 = arith.ori %or3A_240, %ne3A_239 : i1
          %or3A_242 = arith.constant false
          %or3A_243 = arith.ori %or3A_241, %or3A_242 : i1
          %or3A_244 = arith.ori %or3A_243, %eq3A_154 : i1
          %convert_element_type3A_245 = arith.extui %or3A_244 : i1 to i32
          %cond3A_246 = arith.constant 0 : i32
          %cond3A_247 = arith.cmpi ne, %convert_element_type3A_245, %cond3A_246 : i32
          scf.if %cond3A_247 {
            "tpu.trace_start"() <{level = 10 : i32, message = "ep_copy_out"}> : () -> ()
            %rem3A_294 = arith.constant 2 : i32
            %rem3A_295 = arith.remui %while3A_145, %rem3A_294 : i32
            %mul3A_296 = arith.constant 128 : i32
            %mul3A_297 = arith.muli %mul3A_296, %add3A_155 : i32
            %dma_start3A_298 = arith.constant 0 : i32
            %dma_start3A_299 = arith.constant 0 : i32
            %dma_start3A_300 = tpu.memref_slice %run_scoped3A_18[%rem3A_295, %dma_start3A_298, %dma_start3A_299] : memref<2x128x128xf32, #tpu.memory_space<vmem>> -> memref<1x128x128xf32, #tpu.memory_space<vmem>>
            %dma_start3A_301 = tpu.memref_squeeze %dma_start3A_300 : memref<1x128x128xf32, #tpu.memory_space<vmem>> -> memref<128x128xf32, #tpu.memory_space<vmem>>
            %dma_start3A_302 = arith.constant 0 : i32
            %dma_start3A_303 = tpu.memref_slice %arg4[%mul3A_297, %dma_start3A_302] : memref<2048x128xf32, #tpu.memory_space<hbm>> -> memref<128x128xf32, #tpu.memory_space<hbm>>
            %dma_start3A_304 = tpu.memref_slice %run_scoped3A_19[%rem3A_295] : memref<2x!tpu.dma_semaphore, #tpu.memory_space<semaphore_mem>> -> memref<1x!tpu.dma_semaphore, #tpu.memory_space<semaphore_mem>>
            %dma_start3A_305 = tpu.memref_squeeze %dma_start3A_304 : memref<1x!tpu.dma_semaphore, #tpu.memory_space<semaphore_mem>> -> memref<!tpu.dma_semaphore, #tpu.memory_space<semaphore_mem>>
            %dma_start3A_306 = arith.constant 0 : i32
            %dma_start3A_307 = tpu.memref_slice %arg4[%mul3A_297, %dma_start3A_306] : memref<2048x128xf32, #tpu.memory_space<hbm>> -> memref<128x128xf32, #tpu.memory_space<hbm>>
            %dma_start3A_308 = arith.constant 0 : i32
            %dma_start3A_309 = arith.constant 0 : i32
            %dma_start3A_310 = tpu.memref_slice %run_scoped3A_18[%rem3A_295, %dma_start3A_308, %dma_start3A_309] : memref<2x128x128xf32, #tpu.memory_space<vmem>> -> memref<1x128x128xf32, #tpu.memory_space<vmem>>
            %dma_start3A_311 = tpu.memref_squeeze %dma_start3A_310 : memref<1x128x128xf32, #tpu.memory_space<vmem>> -> memref<128x128xf32, #tpu.memory_space<vmem>>
            tpu.enqueue_dma source(%dma_start3A_311 : memref<128x128xf32, #tpu.memory_space<vmem>>) target(%dma_start3A_307 : memref<128x128xf32, #tpu.memory_space<hbm>>) target_semaphore(%dma_start3A_305 : memref<!tpu.dma_semaphore, #tpu.memory_space<semaphore_mem>>)
            "tpu.trace_stop"() : () -> ()
          } else {
          }
          %and3A_248 = arith.constant true
          %and3A_249 = arith.andi %or3A_244, %and3A_248 : i1
          %add3A_250 = arith.constant 1 : i32
          %add3A_251 = arith.addi %while3A_145, %add3A_250 : i32
          %select_n3A_252 = arith.select %and3A_249, %add3A_251, %while3A_145 : i32
          %ne3A_253 = arith.cmpi ne, %add3A_155, %add3A_165 : i32
          %or3A_254 = arith.constant false
          %or3A_255 = arith.ori %or3A_254, %ne3A_253 : i1
          %not3A_256 = arith.constant true
          %not3A_257 = arith.xori %eq3A_151, %not3A_256 : i1
          %and3A_258 = arith.andi %or3A_255, %not3A_257 : i1
          %convert_element_type3A_259 = arith.extui %and3A_258 : i1 to i32
          %cond3A_260 = arith.constant 0 : i32
          %cond3A_261 = arith.cmpi ne, %convert_element_type3A_259, %cond3A_260 : i32
          scf.if %cond3A_261 {
          } else {
          }
          %and3A_262 = arith.constant false
          %and3A_263 = arith.andi %and3A_258, %and3A_262 : i1
          %ne3A_264 = arith.cmpi ne, %add3A_155, %add3A_165 : i32
          %or3A_265 = arith.constant false
          %or3A_266 = arith.ori %or3A_265, %ne3A_264 : i1
          %or3A_267 = arith.constant false
          %or3A_268 = arith.ori %or3A_266, %or3A_267 : i1
          %not3A_269 = arith.constant true
          %not3A_270 = arith.xori %eq3A_151, %not3A_269 : i1
          %and3A_271 = arith.andi %or3A_268, %not3A_270 : i1
          %convert_element_type3A_272 = arith.extui %and3A_271 : i1 to i32
          %cond3A_273 = arith.constant 0 : i32
          %cond3A_274 = arith.cmpi ne, %convert_element_type3A_272, %cond3A_273 : i32
          scf.if %cond3A_274 {
            "tpu.trace_start"() <{level = 10 : i32, message = "ep_wait_out"}> : () -> ()
            %rem3A_294 = arith.constant 2 : i32
            %rem3A_295 = arith.remui %while3A_146, %rem3A_294 : i32
            %mul3A_296 = arith.constant 128 : i32
            %mul3A_297 = arith.muli %mul3A_296, %add3A_165 : i32
            %dma_wait3A = arith.constant 0 : i32
            %dma_wait3A_298 = arith.constant 0 : i32
            %dma_wait3A_299 = tpu.memref_slice %run_scoped3A_18[%rem3A_295, %dma_wait3A, %dma_wait3A_298] : memref<2x128x128xf32, #tpu.memory_space<vmem>> -> memref<1x128x128xf32, #tpu.memory_space<vmem>>
            %dma_wait3A_300 = tpu.memref_squeeze %dma_wait3A_299 : memref<1x128x128xf32, #tpu.memory_space<vmem>> -> memref<128x128xf32, #tpu.memory_space<vmem>>
            %dma_wait3A_301 = arith.constant 0 : i32
            %dma_wait3A_302 = tpu.memref_slice %arg4[%mul3A_297, %dma_wait3A_301] : memref<2048x128xf32, #tpu.memory_space<hbm>> -> memref<128x128xf32, #tpu.memory_space<hbm>>
            %dma_wait3A_303 = tpu.memref_slice %run_scoped3A_19[%rem3A_295] : memref<2x!tpu.dma_semaphore, #tpu.memory_space<semaphore_mem>> -> memref<1x!tpu.dma_semaphore, #tpu.memory_space<semaphore_mem>>
            %dma_wait3A_304 = tpu.memref_squeeze %dma_wait3A_303 : memref<1x!tpu.dma_semaphore, #tpu.memory_space<semaphore_mem>> -> memref<!tpu.dma_semaphore, #tpu.memory_space<semaphore_mem>>
            %dma_wait3A_305 = arith.constant 0 : i32
            %dma_wait3A_306 = tpu.memref_slice %arg4[%mul3A_297, %dma_wait3A_305] : memref<2048x128xf32, #tpu.memory_space<hbm>> -> memref<128x128xf32, #tpu.memory_space<hbm>>
            %dma_wait3A_307 = arith.constant 0 : i32
            %dma_wait3A_308 = arith.constant 0 : i32
            %dma_wait3A_309 = tpu.memref_slice %run_scoped3A_18[%rem3A_295, %dma_wait3A_307, %dma_wait3A_308] : memref<2x128x128xf32, #tpu.memory_space<vmem>> -> memref<1x128x128xf32, #tpu.memory_space<vmem>>
            %dma_wait3A_310 = tpu.memref_squeeze %dma_wait3A_309 : memref<1x128x128xf32, #tpu.memory_space<vmem>> -> memref<128x128xf32, #tpu.memory_space<vmem>>
            tpu.wait_dma2 semaphore(%dma_wait3A_304 : memref<!tpu.dma_semaphore, #tpu.memory_space<semaphore_mem>>) src(%dma_wait3A_310 : memref<128x128xf32, #tpu.memory_space<vmem>>) dst(%dma_wait3A_306 : memref<128x128xf32, #tpu.memory_space<hbm>>)
            "tpu.trace_stop"() : () -> ()
          } else {
          }
          %and3A_275 = arith.constant true
          %and3A_276 = arith.andi %and3A_271, %and3A_275 : i1
          %add3A_277 = arith.constant 1 : i32
          %add3A_278 = arith.addi %while3A_146, %add3A_277 : i32
          %select_n3A_279 = arith.select %and3A_276, %add3A_278, %while3A_146 : i32
          %ne3A_280 = arith.cmpi ne, %add3A_155, %add3A_173 : i32
          %or3A_281 = arith.constant false
          %or3A_282 = arith.ori %or3A_281, %ne3A_280 : i1
          %or3A_283 = arith.ori %or3A_282, %eq3A_154 : i1
          %add3A_284 = arith.constant 1 : i32
          %add3A_285 = arith.addi %while3A_144, %add3A_284 : i32
          %select_n3A_286 = arith.select %or3A_283, %add3A_285, %while3A_144 : i32
          %add3A_287 = arith.constant 1 : i32
          %add3A_288 = arith.addi %while3A_147, %add3A_287 : i32
          %select_n3A_289 = arith.constant true
          %select_n3A_290 = arith.select %select_n3A_289, %add3A_288, %while3A_147 : i32
          %eq3A_291 = arith.cmpi eq, %select_n3A_290, %select_n3A : i32
          %select_n3A_292 = arith.constant 0 : i32
          %select_n3A_293 = arith.select %eq3A_291, %select_n3A_292, %select_n3A_290 : i32
          scf.yield %select_n3A_195, %select_n3A_286, %select_n3A_252, %select_n3A_279, %select_n3A_293 : i32, i32, i32, i32, i32
        }
        %sub3A_91 = arith.constant 1 : i32
        %sub3A_92 = arith.subi %while3A_90#4, %sub3A_91 : i32
        %select_n3A_93 = arith.constant true
        %select_n3A_94 = arith.select %select_n3A_93, %sub3A_92, %while3A_90#4 : i32
        %eq3A_95 = arith.constant -1 : i32
        %eq3A_96 = arith.cmpi eq, %select_n3A_94, %eq3A_95 : i32
        %sub3A_97 = arith.constant 1 : i32
        %sub3A_98 = arith.subi %select_n3A, %sub3A_97 : i32
        %select_n3A_99 = arith.select %eq3A_96, %sub3A_98, %select_n3A_94 : i32
        %sub3A_100 = arith.constant 1 : i32
        %sub3A_101 = arith.subi %mul3A_16, %sub3A_100 : i32
        %mul3A_102 = arith.constant 1 : i32
        %mul3A_103 = arith.muli %mul3A_102, %select_n3A : i32
        %eq3A_104 = arith.constant 0 : i32
        %eq3A_105 = arith.cmpi eq, %sub3A_101, %eq3A_104 : i32
        %sub3A_106 = arith.constant 1 : i32
        %sub3A_107 = arith.subi %mul3A_103, %sub3A_106 : i32
        %eq3A_108 = arith.cmpi eq, %sub3A_101, %sub3A_107 : i32
        %add3A_109 = arith.addi %select_n3A_99, %select_n3A_14 : i32
        %sub3A_110 = arith.constant 1 : i32
        %sub3A_111 = arith.subi %select_n3A_99, %sub3A_110 : i32
        %select_n3A_112 = arith.constant true
        %select_n3A_113 = arith.select %select_n3A_112, %sub3A_111, %select_n3A_99 : i32
        %eq3A_114 = arith.constant -1 : i32
        %eq3A_115 = arith.cmpi eq, %select_n3A_113, %eq3A_114 : i32
        %sub3A_116 = arith.constant 1 : i32
        %sub3A_117 = arith.subi %select_n3A, %sub3A_116 : i32
        %select_n3A_118 = arith.select %eq3A_115, %sub3A_117, %select_n3A_113 : i32
        %add3A_119 = arith.addi %select_n3A_118, %select_n3A_14 : i32
        %add3A_120 = arith.constant 1 : i32
        %add3A_121 = arith.addi %select_n3A_99, %add3A_120 : i32
        %select_n3A_122 = arith.constant true
        %select_n3A_123 = arith.select %select_n3A_122, %add3A_121, %select_n3A_99 : i32
        %eq3A_124 = arith.cmpi eq, %select_n3A_123, %select_n3A : i32
        %select_n3A_125 = arith.constant 0 : i32
        %select_n3A_126 = arith.select %eq3A_124, %select_n3A_125, %select_n3A_123 : i32
        %add3A_127 = arith.addi %select_n3A_126, %select_n3A_14 : i32
        %add3A_128 = arith.constant 1 : i32
        %add3A_129 = arith.addi %select_n3A_126, %add3A_128 : i32
        %select_n3A_130 = arith.constant true
        %select_n3A_131 = arith.select %select_n3A_130, %add3A_129, %select_n3A_126 : i32
        %eq3A_132 = arith.cmpi eq, %select_n3A_131, %select_n3A : i32
        %select_n3A_133 = arith.constant 0 : i32
        %select_n3A_134 = arith.select %eq3A_132, %select_n3A_133, %select_n3A_131 : i32
        %add3A_135 = arith.addi %select_n3A_134, %select_n3A_14 : i32
        %convert_element_type3A_136 = arith.extui %eq3A_108 : i1 to i32
        %cond3A_137 = arith.constant 0 : i32
        %cond3A_138 = arith.cmpi ne, %convert_element_type3A_136, %cond3A_137 : i32
        scf.if %cond3A_138 {
        } else {
        }
        %convert_element_type3A_139 = arith.extui %eq3A_108 : i1 to i32
        %cond3A_140 = arith.constant 0 : i32
        %cond3A_141 = arith.cmpi ne, %convert_element_type3A_139, %cond3A_140 : i32
        scf.if %cond3A_141 {
          "tpu.trace_start"() <{level = 10 : i32, message = "ep_finalize"}> : () -> ()
          %rem3A_142 = arith.constant 2 : i32
          %rem3A_143 = arith.remui %while3A_90#3, %rem3A_142 : i32
          %mul3A_144 = arith.constant 128 : i32
          %mul3A_145 = arith.muli %mul3A_144, %add3A_109 : i32
          %dma_wait3A = arith.constant 0 : i32
          %dma_wait3A_146 = arith.constant 0 : i32
          %dma_wait3A_147 = tpu.memref_slice %run_scoped3A_18[%rem3A_143, %dma_wait3A, %dma_wait3A_146] : memref<2x128x128xf32, #tpu.memory_space<vmem>> -> memref<1x128x128xf32, #tpu.memory_space<vmem>>
          %dma_wait3A_148 = tpu.memref_squeeze %dma_wait3A_147 : memref<1x128x128xf32, #tpu.memory_space<vmem>> -> memref<128x128xf32, #tpu.memory_space<vmem>>
          %dma_wait3A_149 = arith.constant 0 : i32
          %dma_wait3A_150 = tpu.memref_slice %arg4[%mul3A_145, %dma_wait3A_149] : memref<2048x128xf32, #tpu.memory_space<hbm>> -> memref<128x128xf32, #tpu.memory_space<hbm>>
          %dma_wait3A_151 = tpu.memref_slice %run_scoped3A_19[%rem3A_143] : memref<2x!tpu.dma_semaphore, #tpu.memory_space<semaphore_mem>> -> memref<1x!tpu.dma_semaphore, #tpu.memory_space<semaphore_mem>>
          %dma_wait3A_152 = tpu.memref_squeeze %dma_wait3A_151 : memref<1x!tpu.dma_semaphore, #tpu.memory_space<semaphore_mem>> -> memref<!tpu.dma_semaphore, #tpu.memory_space<semaphore_mem>>
          %dma_wait3A_153 = arith.constant 0 : i32
          %dma_wait3A_154 = tpu.memref_slice %arg4[%mul3A_145, %dma_wait3A_153] : memref<2048x128xf32, #tpu.memory_space<hbm>> -> memref<128x128xf32, #tpu.memory_space<hbm>>
          %dma_wait3A_155 = arith.constant 0 : i32
          %dma_wait3A_156 = arith.constant 0 : i32
          %dma_wait3A_157 = tpu.memref_slice %run_scoped3A_18[%rem3A_143, %dma_wait3A_155, %dma_wait3A_156] : memref<2x128x128xf32, #tpu.memory_space<vmem>> -> memref<1x128x128xf32, #tpu.memory_space<vmem>>
          %dma_wait3A_158 = tpu.memref_squeeze %dma_wait3A_157 : memref<1x128x128xf32, #tpu.memory_space<vmem>> -> memref<128x128xf32, #tpu.memory_space<vmem>>
          tpu.wait_dma2 semaphore(%dma_wait3A_152 : memref<!tpu.dma_semaphore, #tpu.memory_space<semaphore_mem>>) src(%dma_wait3A_158 : memref<128x128xf32, #tpu.memory_space<vmem>>) dst(%dma_wait3A_154 : memref<128x128xf32, #tpu.memory_space<hbm>>)
          "tpu.trace_stop"() : () -> ()
        } else {
        }
      } else {
      }
      tpu.yield
    }) : () -> ()
    return
  }
}

module attributes {stable_mosaic.version = 14 : i64} {
  func.func @_pack_body(%arg0: i32, %arg1: memref<64x8192xf32, #tpu.memory_space<vmem>>, %arg2: memref<64x8192xf32, #tpu.memory_space<vmem>>, %arg3: memref<8192x128xf32, #tpu.memory_space<vmem>>) attributes {dimension_semantics = [#tpu.dimension_semantics<arbitrary>], iteration_bounds = array<i64: 7>, scalar_prefetch = 0 : i64, scratch_operands = 0 : i64, tpu.core_type = #tpu.core_type<tc>, window_params = [{transform_indices = @transform_0, window_bounds = array<i64: 64, 8192>}, {transform_indices = @transform_1, window_bounds = array<i64: 64, 8192>}, {transform_indices = @transform_2, window_bounds = array<i64: 8192, 128>}]} {
    %iota3A = tpu.iota {dimensions = array<i32: 0>} : vector<64x64xi32>
    %iota3A_0 = tpu.iota {dimensions = array<i32: 1>} : vector<64x64xi32>
    %eq3A = arith.cmpi eq, %iota3A, %iota3A_0 : vector<64x64xi32>
    %convert_element_type3A = arith.extui %eq3A : vector<64x64xi1> to vector<64x64xi32>
    %convert_element_type3A_1 = arith.sitofp %convert_element_type3A : vector<64x64xi32> to vector<64x64xf32>
    %convert_element_type3A_2 = arith.truncf %convert_element_type3A_1 : vector<64x64xf32> to vector<64x64xbf16>
    %get3A = arith.constant 0 : index
    %get3A_3 = arith.constant 0 : index
    %get3A_4 = vector.load %arg1[%get3A, %get3A_3] : memref<64x8192xf32, #tpu.memory_space<vmem>>, vector<64x8192xf32>
    %convert_element_type3A_5 = arith.truncf %get3A_4 : vector<64x8192xf32> to vector<64x8192xbf16>
    %dot_general3A = arith.constant dense<0.000000e+00> : vector<8192x64xf32>
    %dot_general3A_6 = tpu.matmul %convert_element_type3A_5, %convert_element_type3A_2, %dot_general3A {dimension_numbers = #tpu.dot_dimension_numbers<[0], [0], [1], [1], [0, 1, 1, 1], [], []>, transpose_lhs_hint = false} : vector<64x8192xbf16>, vector<64x64xbf16>, vector<8192x64xf32> -> vector<8192x64xf32>
    %swap3A = arith.constant 0 : index
    %swap3A_7 = arith.constant 0 : index
    %swap3A_8 = vector.load %arg3[%swap3A, %swap3A_7] : memref<8192x128xf32, #tpu.memory_space<vmem>>, vector<8192x64xf32>
    tpu.vector_store %arg3[%swap3A, %swap3A_7], %dot_general3A_6 {strides = array<i32>} : memref<8192x128xf32, #tpu.memory_space<vmem>>, vector<8192x64xf32>,
    %get3A_9 = arith.constant 0 : index
    %get3A_10 = arith.constant 0 : index
    %get3A_11 = vector.load %arg2[%get3A_9, %get3A_10] : memref<64x8192xf32, #tpu.memory_space<vmem>>, vector<64x8192xf32>
    %convert_element_type3A_12 = arith.truncf %get3A_11 : vector<64x8192xf32> to vector<64x8192xbf16>
    %dot_general3A_13 = arith.constant dense<0.000000e+00> : vector<8192x64xf32>
    %dot_general3A_14 = tpu.matmul %convert_element_type3A_12, %convert_element_type3A_2, %dot_general3A_13 {dimension_numbers = #tpu.dot_dimension_numbers<[0], [0], [1], [1], [0, 1, 1, 1], [], []>, transpose_lhs_hint = false} : vector<64x8192xbf16>, vector<64x64xbf16>, vector<8192x64xf32> -> vector<8192x64xf32>
    %swap3A_15 = arith.constant 0 : index
    %swap3A_16 = arith.constant 64 : index
    %swap3A_17 = vector.load %arg3[%swap3A_15, %swap3A_16] : memref<8192x128xf32, #tpu.memory_space<vmem>>, vector<8192x64xf32>
    tpu.vector_store %arg3[%swap3A_15, %swap3A_16], %dot_general3A_14 {strides = array<i32>} : memref<8192x128xf32, #tpu.memory_space<vmem>>, vector<8192x64xf32>,
    return
  }
  func.func @transform_0(%arg0: i32) -> (i32, i32) {
    %c0_i32 = arith.constant 0 : i32
    %c0_i32_0 = arith.constant 0 : i32
    return %c0_i32, %arg0 : i32, i32
  }
  func.func @transform_1(%arg0: i32) -> (i32, i32) {
    %add3A = arith.constant 7 : i32
    %add3A_0 = arith.addi %arg0, %add3A : i32
    %min3A = arith.constant 12 : i32
    %min3A_1 = arith.minsi %add3A_0, %min3A : i32
    %c0_i32 = arith.constant 0 : i32
    %c0_i32_2 = arith.constant 0 : i32
    return %c0_i32, %min3A_1 : i32, i32
  }
  func.func @transform_2(%arg0: i32) -> (i32, i32) {
    %c0_i32 = arith.constant 0 : i32
    %c0_i32_0 = arith.constant 0 : i32
    return %arg0, %c0_i32 : i32, i32
  }
}

module attributes {stable_mosaic.version = 14 : i64} {
  func.func @_tc_body(%arg0: i32, %arg1: memref<512x20xi32, #tpu.memory_space<vmem>>, %arg2: memref<512x9xi32, #tpu.memory_space<vmem>>, %arg3: memref<20x512x128xf32, #tpu.memory_space<vmem>>, %arg4: memref<512x128xf32, #tpu.memory_space<vmem>>, %arg5: memref<1x128xf32, #tpu.memory_space<vmem>>, %arg6: memref<32x32xf32, #tpu.memory_space<vmem>>, %arg7: memref<160x64xf32, #tpu.memory_space<vmem>>, %arg8: memref<1x64xf32, #tpu.memory_space<vmem>>, %arg9: memref<64x32xf32, #tpu.memory_space<vmem>>, %arg10: memref<1x32xf32, #tpu.memory_space<vmem>>, %arg11: memref<512x32xf32, #tpu.memory_space<vmem>>) attributes {dimension_semantics = [#tpu.dimension_semantics<arbitrary>], iteration_bounds = array<i64: 4>, scalar_prefetch = 0 : i64, scratch_operands = 0 : i64, tpu.core_type = #tpu.core_type<tc>, window_params = [{transform_indices = @transform_0, window_bounds = array<i64: 512, 20>}, {transform_indices = @transform_1, window_bounds = array<i64: 512, 9>}, {transform_indices = @transform_2, window_bounds = array<i64: 20, 512, 128>}, {transform_indices = @transform_3, window_bounds = array<i64: 512, 128>}, {pipeline_mode = #tpu.pipeline_mode<synchronous>, transform_indices = @transform_4, window_bounds = array<i64: 1, 128>}, {pipeline_mode = #tpu.pipeline_mode<synchronous>, transform_indices = @transform_5, window_bounds = array<i64: 32, 32>}, {pipeline_mode = #tpu.pipeline_mode<synchronous>, transform_indices = @transform_6, window_bounds = array<i64: 160, 64>}, {pipeline_mode = #tpu.pipeline_mode<synchronous>, transform_indices = @transform_7, window_bounds = array<i64: 1, 64>}, {pipeline_mode = #tpu.pipeline_mode<synchronous>, transform_indices = @transform_8, window_bounds = array<i64: 64, 32>}, {pipeline_mode = #tpu.pipeline_mode<synchronous>, transform_indices = @transform_9, window_bounds = array<i64: 1, 32>}, {transform_indices = @transform_10, window_bounds = array<i64: 512, 32>}]} {
    %get3A = arith.constant 0 : index
    %get3A_0 = arith.constant 0 : index
    %get3A_1 = vector.load %arg1[%get3A, %get3A_0] : memref<512x20xi32, #tpu.memory_space<vmem>>, vector<512x20xi32>
    %broadcast_in_dim3A = arith.constant 0.000000e+00 : f32
    %broadcast_in_dim3A_2 = vector.broadcast %broadcast_in_dim3A : f32 to vector<512x64xf32>
    %get3A_3 = arith.constant 0 : index
    %get3A_4 = arith.constant 0 : index
    %get3A_5 = arith.constant 0 : index
    %get3A_6 = vector.load %arg3[%get3A_3, %get3A_4, %get3A_5] : memref<20x512x128xf32, #tpu.memory_space<vmem>>, vector<1x512x128xf32>
    %get3A_7 = vector.shape_cast %get3A_6 : vector<1x512x128xf32> to vector<512x128xf32>
    %slice3A = vector.extract_strided_slice %get3A_1 {offsets = [0, 0], sizes = [512, 1], strides = [1, 1]} : vector<512x20xi32> to vector<512x1xi32>
    %ge3A = arith.constant 57344 : i32
    %ge3A_8 = vector.broadcast %ge3A : i32 to vector<512x1xi32>
    %ge3A_9 = arith.cmpi sge, %slice3A, %ge3A_8 : vector<512x1xi32>
    %slice3A_10 = vector.extract_strided_slice %get3A_7 {offsets = [0, 64], sizes = [512, 64], strides = [1, 1]} : vector<512x128xf32> to vector<512x64xf32>
    %slice3A_11 = vector.extract_strided_slice %get3A_7 {offsets = [0, 0], sizes = [512, 64], strides = [1, 1]} : vector<512x128xf32> to vector<512x64xf32>
    %broadcast_in_dim3A_12 = vector.shape_cast %ge3A_9 : vector<512x1xi1> to vector<512x1xi1>
    %broadcast_in_dim3A_13 = vector.broadcast %broadcast_in_dim3A_12 : vector<512x1xi1> to vector<512x64xi1>
    %select_n3A = arith.select %broadcast_in_dim3A_13, %slice3A_10, %slice3A_11 : vector<512x64xi1>, vector<512x64xf32>
    %add3A = arith.addf %broadcast_in_dim3A_2, %select_n3A : vector<512x64xf32>
    %get3A_14 = arith.constant 1 : index
    %get3A_15 = arith.constant 0 : index
    %get3A_16 = arith.constant 0 : index
    %get3A_17 = vector.load %arg3[%get3A_14, %get3A_15, %get3A_16] : memref<20x512x128xf32, #tpu.memory_space<vmem>>, vector<1x512x128xf32>
    %get3A_18 = vector.shape_cast %get3A_17 : vector<1x512x128xf32> to vector<512x128xf32>
    %slice3A_19 = vector.extract_strided_slice %get3A_1 {offsets = [0, 1], sizes = [512, 1], strides = [1, 1]} : vector<512x20xi32> to vector<512x1xi32>
    %ge3A_20 = arith.constant 57344 : i32
    %ge3A_21 = vector.broadcast %ge3A_20 : i32 to vector<512x1xi32>
    %ge3A_22 = arith.cmpi sge, %slice3A_19, %ge3A_21 : vector<512x1xi32>
    %slice3A_23 = vector.extract_strided_slice %get3A_18 {offsets = [0, 64], sizes = [512, 64], strides = [1, 1]} : vector<512x128xf32> to vector<512x64xf32>
    %slice3A_24 = vector.extract_strided_slice %get3A_18 {offsets = [0, 0], sizes = [512, 64], strides = [1, 1]} : vector<512x128xf32> to vector<512x64xf32>
    %broadcast_in_dim3A_25 = vector.shape_cast %ge3A_22 : vector<512x1xi1> to vector<512x1xi1>
    %broadcast_in_dim3A_26 = vector.broadcast %broadcast_in_dim3A_25 : vector<512x1xi1> to vector<512x64xi1>
    %select_n3A_27 = arith.select %broadcast_in_dim3A_26, %slice3A_23, %slice3A_24 : vector<512x64xi1>, vector<512x64xf32>
    %add3A_28 = arith.addf %add3A, %select_n3A_27 : vector<512x64xf32>
    %get3A_29 = arith.constant 2 : index
    %get3A_30 = arith.constant 0 : index
    %get3A_31 = arith.constant 0 : index
    %get3A_32 = vector.load %arg3[%get3A_29, %get3A_30, %get3A_31] : memref<20x512x128xf32, #tpu.memory_space<vmem>>, vector<1x512x128xf32>
    %get3A_33 = vector.shape_cast %get3A_32 : vector<1x512x128xf32> to vector<512x128xf32>
    %slice3A_34 = vector.extract_strided_slice %get3A_1 {offsets = [0, 2], sizes = [512, 1], strides = [1, 1]} : vector<512x20xi32> to vector<512x1xi32>
    %ge3A_35 = arith.constant 57344 : i32
    %ge3A_36 = vector.broadcast %ge3A_35 : i32 to vector<512x1xi32>
    %ge3A_37 = arith.cmpi sge, %slice3A_34, %ge3A_36 : vector<512x1xi32>
    %slice3A_38 = vector.extract_strided_slice %get3A_33 {offsets = [0, 64], sizes = [512, 64], strides = [1, 1]} : vector<512x128xf32> to vector<512x64xf32>
    %slice3A_39 = vector.extract_strided_slice %get3A_33 {offsets = [0, 0], sizes = [512, 64], strides = [1, 1]} : vector<512x128xf32> to vector<512x64xf32>
    %broadcast_in_dim3A_40 = vector.shape_cast %ge3A_37 : vector<512x1xi1> to vector<512x1xi1>
    %broadcast_in_dim3A_41 = vector.broadcast %broadcast_in_dim3A_40 : vector<512x1xi1> to vector<512x64xi1>
    %select_n3A_42 = arith.select %broadcast_in_dim3A_41, %slice3A_38, %slice3A_39 : vector<512x64xi1>, vector<512x64xf32>
    %add3A_43 = arith.addf %add3A_28, %select_n3A_42 : vector<512x64xf32>
    %get3A_44 = arith.constant 3 : index
    %get3A_45 = arith.constant 0 : index
    %get3A_46 = arith.constant 0 : index
    %get3A_47 = vector.load %arg3[%get3A_44, %get3A_45, %get3A_46] : memref<20x512x128xf32, #tpu.memory_space<vmem>>, vector<1x512x128xf32>
    %get3A_48 = vector.shape_cast %get3A_47 : vector<1x512x128xf32> to vector<512x128xf32>
    %slice3A_49 = vector.extract_strided_slice %get3A_1 {offsets = [0, 3], sizes = [512, 1], strides = [1, 1]} : vector<512x20xi32> to vector<512x1xi32>
    %ge3A_50 = arith.constant 57344 : i32
    %ge3A_51 = vector.broadcast %ge3A_50 : i32 to vector<512x1xi32>
    %ge3A_52 = arith.cmpi sge, %slice3A_49, %ge3A_51 : vector<512x1xi32>
    %slice3A_53 = vector.extract_strided_slice %get3A_48 {offsets = [0, 64], sizes = [512, 64], strides = [1, 1]} : vector<512x128xf32> to vector<512x64xf32>
    %slice3A_54 = vector.extract_strided_slice %get3A_48 {offsets = [0, 0], sizes = [512, 64], strides = [1, 1]} : vector<512x128xf32> to vector<512x64xf32>
    %broadcast_in_dim3A_55 = vector.shape_cast %ge3A_52 : vector<512x1xi1> to vector<512x1xi1>
    %broadcast_in_dim3A_56 = vector.broadcast %broadcast_in_dim3A_55 : vector<512x1xi1> to vector<512x64xi1>
    %select_n3A_57 = arith.select %broadcast_in_dim3A_56, %slice3A_53, %slice3A_54 : vector<512x64xi1>, vector<512x64xf32>
    %add3A_58 = arith.addf %add3A_43, %select_n3A_57 : vector<512x64xf32>
    %get3A_59 = arith.constant 4 : index
    %get3A_60 = arith.constant 0 : index
    %get3A_61 = arith.constant 0 : index
    %get3A_62 = vector.load %arg3[%get3A_59, %get3A_60, %get3A_61] : memref<20x512x128xf32, #tpu.memory_space<vmem>>, vector<1x512x128xf32>
    %get3A_63 = vector.shape_cast %get3A_62 : vector<1x512x128xf32> to vector<512x128xf32>
    %slice3A_64 = vector.extract_strided_slice %get3A_1 {offsets = [0, 4], sizes = [512, 1], strides = [1, 1]} : vector<512x20xi32> to vector<512x1xi32>
    %ge3A_65 = arith.constant 57344 : i32
    %ge3A_66 = vector.broadcast %ge3A_65 : i32 to vector<512x1xi32>
    %ge3A_67 = arith.cmpi sge, %slice3A_64, %ge3A_66 : vector<512x1xi32>
    %slice3A_68 = vector.extract_strided_slice %get3A_63 {offsets = [0, 64], sizes = [512, 64], strides = [1, 1]} : vector<512x128xf32> to vector<512x64xf32>
    %slice3A_69 = vector.extract_strided_slice %get3A_63 {offsets = [0, 0], sizes = [512, 64], strides = [1, 1]} : vector<512x128xf32> to vector<512x64xf32>
    %broadcast_in_dim3A_70 = vector.shape_cast %ge3A_67 : vector<512x1xi1> to vector<512x1xi1>
    %broadcast_in_dim3A_71 = vector.broadcast %broadcast_in_dim3A_70 : vector<512x1xi1> to vector<512x64xi1>
    %select_n3A_72 = arith.select %broadcast_in_dim3A_71, %slice3A_68, %slice3A_69 : vector<512x64xi1>, vector<512x64xf32>
    %add3A_73 = arith.addf %add3A_58, %select_n3A_72 : vector<512x64xf32>
    %get3A_74 = arith.constant 5 : index
    %get3A_75 = arith.constant 0 : index
    %get3A_76 = arith.constant 0 : index
    %get3A_77 = vector.load %arg3[%get3A_74, %get3A_75, %get3A_76] : memref<20x512x128xf32, #tpu.memory_space<vmem>>, vector<1x512x128xf32>
    %get3A_78 = vector.shape_cast %get3A_77 : vector<1x512x128xf32> to vector<512x128xf32>
    %slice3A_79 = vector.extract_strided_slice %get3A_1 {offsets = [0, 5], sizes = [512, 1], strides = [1, 1]} : vector<512x20xi32> to vector<512x1xi32>
    %ge3A_80 = arith.constant 57344 : i32
    %ge3A_81 = vector.broadcast %ge3A_80 : i32 to vector<512x1xi32>
    %ge3A_82 = arith.cmpi sge, %slice3A_79, %ge3A_81 : vector<512x1xi32>
    %slice3A_83 = vector.extract_strided_slice %get3A_78 {offsets = [0, 64], sizes = [512, 64], strides = [1, 1]} : vector<512x128xf32> to vector<512x64xf32>
    %slice3A_84 = vector.extract_strided_slice %get3A_78 {offsets = [0, 0], sizes = [512, 64], strides = [1, 1]} : vector<512x128xf32> to vector<512x64xf32>
    %broadcast_in_dim3A_85 = vector.shape_cast %ge3A_82 : vector<512x1xi1> to vector<512x1xi1>
    %broadcast_in_dim3A_86 = vector.broadcast %broadcast_in_dim3A_85 : vector<512x1xi1> to vector<512x64xi1>
    %select_n3A_87 = arith.select %broadcast_in_dim3A_86, %slice3A_83, %slice3A_84 : vector<512x64xi1>, vector<512x64xf32>
    %add3A_88 = arith.addf %add3A_73, %select_n3A_87 : vector<512x64xf32>
    %get3A_89 = arith.constant 6 : index
    %get3A_90 = arith.constant 0 : index
    %get3A_91 = arith.constant 0 : index
    %get3A_92 = vector.load %arg3[%get3A_89, %get3A_90, %get3A_91] : memref<20x512x128xf32, #tpu.memory_space<vmem>>, vector<1x512x128xf32>
    %get3A_93 = vector.shape_cast %get3A_92 : vector<1x512x128xf32> to vector<512x128xf32>
    %slice3A_94 = vector.extract_strided_slice %get3A_1 {offsets = [0, 6], sizes = [512, 1], strides = [1, 1]} : vector<512x20xi32> to vector<512x1xi32>
    %ge3A_95 = arith.constant 57344 : i32
    %ge3A_96 = vector.broadcast %ge3A_95 : i32 to vector<512x1xi32>
    %ge3A_97 = arith.cmpi sge, %slice3A_94, %ge3A_96 : vector<512x1xi32>
    %slice3A_98 = vector.extract_strided_slice %get3A_93 {offsets = [0, 64], sizes = [512, 64], strides = [1, 1]} : vector<512x128xf32> to vector<512x64xf32>
    %slice3A_99 = vector.extract_strided_slice %get3A_93 {offsets = [0, 0], sizes = [512, 64], strides = [1, 1]} : vector<512x128xf32> to vector<512x64xf32>
    %broadcast_in_dim3A_100 = vector.shape_cast %ge3A_97 : vector<512x1xi1> to vector<512x1xi1>
    %broadcast_in_dim3A_101 = vector.broadcast %broadcast_in_dim3A_100 : vector<512x1xi1> to vector<512x64xi1>
    %select_n3A_102 = arith.select %broadcast_in_dim3A_101, %slice3A_98, %slice3A_99 : vector<512x64xi1>, vector<512x64xf32>
    %add3A_103 = arith.addf %add3A_88, %select_n3A_102 : vector<512x64xf32>
    %get3A_104 = arith.constant 7 : index
    %get3A_105 = arith.constant 0 : index
    %get3A_106 = arith.constant 0 : index
    %get3A_107 = vector.load %arg3[%get3A_104, %get3A_105, %get3A_106] : memref<20x512x128xf32, #tpu.memory_space<vmem>>, vector<1x512x128xf32>
    %get3A_108 = vector.shape_cast %get3A_107 : vector<1x512x128xf32> to vector<512x128xf32>
    %slice3A_109 = vector.extract_strided_slice %get3A_1 {offsets = [0, 7], sizes = [512, 1], strides = [1, 1]} : vector<512x20xi32> to vector<512x1xi32>
    %ge3A_110 = arith.constant 57344 : i32
    %ge3A_111 = vector.broadcast %ge3A_110 : i32 to vector<512x1xi32>
    %ge3A_112 = arith.cmpi sge, %slice3A_109, %ge3A_111 : vector<512x1xi32>
    %slice3A_113 = vector.extract_strided_slice %get3A_108 {offsets = [0, 64], sizes = [512, 64], strides = [1, 1]} : vector<512x128xf32> to vector<512x64xf32>
    %slice3A_114 = vector.extract_strided_slice %get3A_108 {offsets = [0, 0], sizes = [512, 64], strides = [1, 1]} : vector<512x128xf32> to vector<512x64xf32>
    %broadcast_in_dim3A_115 = vector.shape_cast %ge3A_112 : vector<512x1xi1> to vector<512x1xi1>
    %broadcast_in_dim3A_116 = vector.broadcast %broadcast_in_dim3A_115 : vector<512x1xi1> to vector<512x64xi1>
    %select_n3A_117 = arith.select %broadcast_in_dim3A_116, %slice3A_113, %slice3A_114 : vector<512x64xi1>, vector<512x64xf32>
    %add3A_118 = arith.addf %add3A_103, %select_n3A_117 : vector<512x64xf32>
    %get3A_119 = arith.constant 8 : index
    %get3A_120 = arith.constant 0 : index
    %get3A_121 = arith.constant 0 : index
    %get3A_122 = vector.load %arg3[%get3A_119, %get3A_120, %get3A_121] : memref<20x512x128xf32, #tpu.memory_space<vmem>>, vector<1x512x128xf32>
    %get3A_123 = vector.shape_cast %get3A_122 : vector<1x512x128xf32> to vector<512x128xf32>
    %slice3A_124 = vector.extract_strided_slice %get3A_1 {offsets = [0, 8], sizes = [512, 1], strides = [1, 1]} : vector<512x20xi32> to vector<512x1xi32>
    %ge3A_125 = arith.constant 57344 : i32
    %ge3A_126 = vector.broadcast %ge3A_125 : i32 to vector<512x1xi32>
    %ge3A_127 = arith.cmpi sge, %slice3A_124, %ge3A_126 : vector<512x1xi32>
    %slice3A_128 = vector.extract_strided_slice %get3A_123 {offsets = [0, 64], sizes = [512, 64], strides = [1, 1]} : vector<512x128xf32> to vector<512x64xf32>
    %slice3A_129 = vector.extract_strided_slice %get3A_123 {offsets = [0, 0], sizes = [512, 64], strides = [1, 1]} : vector<512x128xf32> to vector<512x64xf32>
    %broadcast_in_dim3A_130 = vector.shape_cast %ge3A_127 : vector<512x1xi1> to vector<512x1xi1>
    %broadcast_in_dim3A_131 = vector.broadcast %broadcast_in_dim3A_130 : vector<512x1xi1> to vector<512x64xi1>
    %select_n3A_132 = arith.select %broadcast_in_dim3A_131, %slice3A_128, %slice3A_129 : vector<512x64xi1>, vector<512x64xf32>
    %add3A_133 = arith.addf %add3A_118, %select_n3A_132 : vector<512x64xf32>
    %get3A_134 = arith.constant 9 : index
    %get3A_135 = arith.constant 0 : index
    %get3A_136 = arith.constant 0 : index
    %get3A_137 = vector.load %arg3[%get3A_134, %get3A_135, %get3A_136] : memref<20x512x128xf32, #tpu.memory_space<vmem>>, vector<1x512x128xf32>
    %get3A_138 = vector.shape_cast %get3A_137 : vector<1x512x128xf32> to vector<512x128xf32>
    %slice3A_139 = vector.extract_strided_slice %get3A_1 {offsets = [0, 9], sizes = [512, 1], strides = [1, 1]} : vector<512x20xi32> to vector<512x1xi32>
    %ge3A_140 = arith.constant 57344 : i32
    %ge3A_141 = vector.broadcast %ge3A_140 : i32 to vector<512x1xi32>
    %ge3A_142 = arith.cmpi sge, %slice3A_139, %ge3A_141 : vector<512x1xi32>
    %slice3A_143 = vector.extract_strided_slice %get3A_138 {offsets = [0, 64], sizes = [512, 64], strides = [1, 1]} : vector<512x128xf32> to vector<512x64xf32>
    %slice3A_144 = vector.extract_strided_slice %get3A_138 {offsets = [0, 0], sizes = [512, 64], strides = [1, 1]} : vector<512x128xf32> to vector<512x64xf32>
    %broadcast_in_dim3A_145 = vector.shape_cast %ge3A_142 : vector<512x1xi1> to vector<512x1xi1>
    %broadcast_in_dim3A_146 = vector.broadcast %broadcast_in_dim3A_145 : vector<512x1xi1> to vector<512x64xi1>
    %select_n3A_147 = arith.select %broadcast_in_dim3A_146, %slice3A_143, %slice3A_144 : vector<512x64xi1>, vector<512x64xf32>
    %add3A_148 = arith.addf %add3A_133, %select_n3A_147 : vector<512x64xf32>
    %get3A_149 = arith.constant 10 : index
    %get3A_150 = arith.constant 0 : index
    %get3A_151 = arith.constant 0 : index
    %get3A_152 = vector.load %arg3[%get3A_149, %get3A_150, %get3A_151] : memref<20x512x128xf32, #tpu.memory_space<vmem>>, vector<1x512x128xf32>
    %get3A_153 = vector.shape_cast %get3A_152 : vector<1x512x128xf32> to vector<512x128xf32>
    %slice3A_154 = vector.extract_strided_slice %get3A_1 {offsets = [0, 10], sizes = [512, 1], strides = [1, 1]} : vector<512x20xi32> to vector<512x1xi32>
    %ge3A_155 = arith.constant 57344 : i32
    %ge3A_156 = vector.broadcast %ge3A_155 : i32 to vector<512x1xi32>
    %ge3A_157 = arith.cmpi sge, %slice3A_154, %ge3A_156 : vector<512x1xi32>
    %slice3A_158 = vector.extract_strided_slice %get3A_153 {offsets = [0, 64], sizes = [512, 64], strides = [1, 1]} : vector<512x128xf32> to vector<512x64xf32>
    %slice3A_159 = vector.extract_strided_slice %get3A_153 {offsets = [0, 0], sizes = [512, 64], strides = [1, 1]} : vector<512x128xf32> to vector<512x64xf32>
    %broadcast_in_dim3A_160 = vector.shape_cast %ge3A_157 : vector<512x1xi1> to vector<512x1xi1>
    %broadcast_in_dim3A_161 = vector.broadcast %broadcast_in_dim3A_160 : vector<512x1xi1> to vector<512x64xi1>
    %select_n3A_162 = arith.select %broadcast_in_dim3A_161, %slice3A_158, %slice3A_159 : vector<512x64xi1>, vector<512x64xf32>
    %add3A_163 = arith.addf %add3A_148, %select_n3A_162 : vector<512x64xf32>
    %get3A_164 = arith.constant 11 : index
    %get3A_165 = arith.constant 0 : index
    %get3A_166 = arith.constant 0 : index
    %get3A_167 = vector.load %arg3[%get3A_164, %get3A_165, %get3A_166] : memref<20x512x128xf32, #tpu.memory_space<vmem>>, vector<1x512x128xf32>
    %get3A_168 = vector.shape_cast %get3A_167 : vector<1x512x128xf32> to vector<512x128xf32>
    %slice3A_169 = vector.extract_strided_slice %get3A_1 {offsets = [0, 11], sizes = [512, 1], strides = [1, 1]} : vector<512x20xi32> to vector<512x1xi32>
    %ge3A_170 = arith.constant 57344 : i32
    %ge3A_171 = vector.broadcast %ge3A_170 : i32 to vector<512x1xi32>
    %ge3A_172 = arith.cmpi sge, %slice3A_169, %ge3A_171 : vector<512x1xi32>
    %slice3A_173 = vector.extract_strided_slice %get3A_168 {offsets = [0, 64], sizes = [512, 64], strides = [1, 1]} : vector<512x128xf32> to vector<512x64xf32>
    %slice3A_174 = vector.extract_strided_slice %get3A_168 {offsets = [0, 0], sizes = [512, 64], strides = [1, 1]} : vector<512x128xf32> to vector<512x64xf32>
    %broadcast_in_dim3A_175 = vector.shape_cast %ge3A_172 : vector<512x1xi1> to vector<512x1xi1>
    %broadcast_in_dim3A_176 = vector.broadcast %broadcast_in_dim3A_175 : vector<512x1xi1> to vector<512x64xi1>
    %select_n3A_177 = arith.select %broadcast_in_dim3A_176, %slice3A_173, %slice3A_174 : vector<512x64xi1>, vector<512x64xf32>
    %add3A_178 = arith.addf %add3A_163, %select_n3A_177 : vector<512x64xf32>
    %get3A_179 = arith.constant 12 : index
    %get3A_180 = arith.constant 0 : index
    %get3A_181 = arith.constant 0 : index
    %get3A_182 = vector.load %arg3[%get3A_179, %get3A_180, %get3A_181] : memref<20x512x128xf32, #tpu.memory_space<vmem>>, vector<1x512x128xf32>
    %get3A_183 = vector.shape_cast %get3A_182 : vector<1x512x128xf32> to vector<512x128xf32>
    %slice3A_184 = vector.extract_strided_slice %get3A_1 {offsets = [0, 12], sizes = [512, 1], strides = [1, 1]} : vector<512x20xi32> to vector<512x1xi32>
    %ge3A_185 = arith.constant 57344 : i32
    %ge3A_186 = vector.broadcast %ge3A_185 : i32 to vector<512x1xi32>
    %ge3A_187 = arith.cmpi sge, %slice3A_184, %ge3A_186 : vector<512x1xi32>
    %slice3A_188 = vector.extract_strided_slice %get3A_183 {offsets = [0, 64], sizes = [512, 64], strides = [1, 1]} : vector<512x128xf32> to vector<512x64xf32>
    %slice3A_189 = vector.extract_strided_slice %get3A_183 {offsets = [0, 0], sizes = [512, 64], strides = [1, 1]} : vector<512x128xf32> to vector<512x64xf32>
    %broadcast_in_dim3A_190 = vector.shape_cast %ge3A_187 : vector<512x1xi1> to vector<512x1xi1>
    %broadcast_in_dim3A_191 = vector.broadcast %broadcast_in_dim3A_190 : vector<512x1xi1> to vector<512x64xi1>
    %select_n3A_192 = arith.select %broadcast_in_dim3A_191, %slice3A_188, %slice3A_189 : vector<512x64xi1>, vector<512x64xf32>
    %add3A_193 = arith.addf %add3A_178, %select_n3A_192 : vector<512x64xf32>
    %get3A_194 = arith.constant 13 : index
    %get3A_195 = arith.constant 0 : index
    %get3A_196 = arith.constant 0 : index
    %get3A_197 = vector.load %arg3[%get3A_194, %get3A_195, %get3A_196] : memref<20x512x128xf32, #tpu.memory_space<vmem>>, vector<1x512x128xf32>
    %get3A_198 = vector.shape_cast %get3A_197 : vector<1x512x128xf32> to vector<512x128xf32>
    %slice3A_199 = vector.extract_strided_slice %get3A_1 {offsets = [0, 13], sizes = [512, 1], strides = [1, 1]} : vector<512x20xi32> to vector<512x1xi32>
    %ge3A_200 = arith.constant 57344 : i32
    %ge3A_201 = vector.broadcast %ge3A_200 : i32 to vector<512x1xi32>
    %ge3A_202 = arith.cmpi sge, %slice3A_199, %ge3A_201 : vector<512x1xi32>
    %slice3A_203 = vector.extract_strided_slice %get3A_198 {offsets = [0, 64], sizes = [512, 64], strides = [1, 1]} : vector<512x128xf32> to vector<512x64xf32>
    %slice3A_204 = vector.extract_strided_slice %get3A_198 {offsets = [0, 0], sizes = [512, 64], strides = [1, 1]} : vector<512x128xf32> to vector<512x64xf32>
    %broadcast_in_dim3A_205 = vector.shape_cast %ge3A_202 : vector<512x1xi1> to vector<512x1xi1>
    %broadcast_in_dim3A_206 = vector.broadcast %broadcast_in_dim3A_205 : vector<512x1xi1> to vector<512x64xi1>
    %select_n3A_207 = arith.select %broadcast_in_dim3A_206, %slice3A_203, %slice3A_204 : vector<512x64xi1>, vector<512x64xf32>
    %add3A_208 = arith.addf %add3A_193, %select_n3A_207 : vector<512x64xf32>
    %get3A_209 = arith.constant 14 : index
    %get3A_210 = arith.constant 0 : index
    %get3A_211 = arith.constant 0 : index
    %get3A_212 = vector.load %arg3[%get3A_209, %get3A_210, %get3A_211] : memref<20x512x128xf32, #tpu.memory_space<vmem>>, vector<1x512x128xf32>
    %get3A_213 = vector.shape_cast %get3A_212 : vector<1x512x128xf32> to vector<512x128xf32>
    %slice3A_214 = vector.extract_strided_slice %get3A_1 {offsets = [0, 14], sizes = [512, 1], strides = [1, 1]} : vector<512x20xi32> to vector<512x1xi32>
    %ge3A_215 = arith.constant 57344 : i32
    %ge3A_216 = vector.broadcast %ge3A_215 : i32 to vector<512x1xi32>
    %ge3A_217 = arith.cmpi sge, %slice3A_214, %ge3A_216 : vector<512x1xi32>
    %slice3A_218 = vector.extract_strided_slice %get3A_213 {offsets = [0, 64], sizes = [512, 64], strides = [1, 1]} : vector<512x128xf32> to vector<512x64xf32>
    %slice3A_219 = vector.extract_strided_slice %get3A_213 {offsets = [0, 0], sizes = [512, 64], strides = [1, 1]} : vector<512x128xf32> to vector<512x64xf32>
    %broadcast_in_dim3A_220 = vector.shape_cast %ge3A_217 : vector<512x1xi1> to vector<512x1xi1>
    %broadcast_in_dim3A_221 = vector.broadcast %broadcast_in_dim3A_220 : vector<512x1xi1> to vector<512x64xi1>
    %select_n3A_222 = arith.select %broadcast_in_dim3A_221, %slice3A_218, %slice3A_219 : vector<512x64xi1>, vector<512x64xf32>
    %add3A_223 = arith.addf %add3A_208, %select_n3A_222 : vector<512x64xf32>
    %get3A_224 = arith.constant 15 : index
    %get3A_225 = arith.constant 0 : index
    %get3A_226 = arith.constant 0 : index
    %get3A_227 = vector.load %arg3[%get3A_224, %get3A_225, %get3A_226] : memref<20x512x128xf32, #tpu.memory_space<vmem>>, vector<1x512x128xf32>
    %get3A_228 = vector.shape_cast %get3A_227 : vector<1x512x128xf32> to vector<512x128xf32>
    %slice3A_229 = vector.extract_strided_slice %get3A_1 {offsets = [0, 15], sizes = [512, 1], strides = [1, 1]} : vector<512x20xi32> to vector<512x1xi32>
    %ge3A_230 = arith.constant 57344 : i32
    %ge3A_231 = vector.broadcast %ge3A_230 : i32 to vector<512x1xi32>
    %ge3A_232 = arith.cmpi sge, %slice3A_229, %ge3A_231 : vector<512x1xi32>
    %slice3A_233 = vector.extract_strided_slice %get3A_228 {offsets = [0, 64], sizes = [512, 64], strides = [1, 1]} : vector<512x128xf32> to vector<512x64xf32>
    %slice3A_234 = vector.extract_strided_slice %get3A_228 {offsets = [0, 0], sizes = [512, 64], strides = [1, 1]} : vector<512x128xf32> to vector<512x64xf32>
    %broadcast_in_dim3A_235 = vector.shape_cast %ge3A_232 : vector<512x1xi1> to vector<512x1xi1>
    %broadcast_in_dim3A_236 = vector.broadcast %broadcast_in_dim3A_235 : vector<512x1xi1> to vector<512x64xi1>
    %select_n3A_237 = arith.select %broadcast_in_dim3A_236, %slice3A_233, %slice3A_234 : vector<512x64xi1>, vector<512x64xf32>
    %add3A_238 = arith.addf %add3A_223, %select_n3A_237 : vector<512x64xf32>
    %get3A_239 = arith.constant 16 : index
    %get3A_240 = arith.constant 0 : index
    %get3A_241 = arith.constant 0 : index
    %get3A_242 = vector.load %arg3[%get3A_239, %get3A_240, %get3A_241] : memref<20x512x128xf32, #tpu.memory_space<vmem>>, vector<1x512x128xf32>
    %get3A_243 = vector.shape_cast %get3A_242 : vector<1x512x128xf32> to vector<512x128xf32>
    %slice3A_244 = vector.extract_strided_slice %get3A_1 {offsets = [0, 16], sizes = [512, 1], strides = [1, 1]} : vector<512x20xi32> to vector<512x1xi32>
    %ge3A_245 = arith.constant 57344 : i32
    %ge3A_246 = vector.broadcast %ge3A_245 : i32 to vector<512x1xi32>
    %ge3A_247 = arith.cmpi sge, %slice3A_244, %ge3A_246 : vector<512x1xi32>
    %slice3A_248 = vector.extract_strided_slice %get3A_243 {offsets = [0, 64], sizes = [512, 64], strides = [1, 1]} : vector<512x128xf32> to vector<512x64xf32>
    %slice3A_249 = vector.extract_strided_slice %get3A_243 {offsets = [0, 0], sizes = [512, 64], strides = [1, 1]} : vector<512x128xf32> to vector<512x64xf32>
    %broadcast_in_dim3A_250 = vector.shape_cast %ge3A_247 : vector<512x1xi1> to vector<512x1xi1>
    %broadcast_in_dim3A_251 = vector.broadcast %broadcast_in_dim3A_250 : vector<512x1xi1> to vector<512x64xi1>
    %select_n3A_252 = arith.select %broadcast_in_dim3A_251, %slice3A_248, %slice3A_249 : vector<512x64xi1>, vector<512x64xf32>
    %add3A_253 = arith.addf %add3A_238, %select_n3A_252 : vector<512x64xf32>
    %get3A_254 = arith.constant 17 : index
    %get3A_255 = arith.constant 0 : index
    %get3A_256 = arith.constant 0 : index
    %get3A_257 = vector.load %arg3[%get3A_254, %get3A_255, %get3A_256] : memref<20x512x128xf32, #tpu.memory_space<vmem>>, vector<1x512x128xf32>
    %get3A_258 = vector.shape_cast %get3A_257 : vector<1x512x128xf32> to vector<512x128xf32>
    %slice3A_259 = vector.extract_strided_slice %get3A_1 {offsets = [0, 17], sizes = [512, 1], strides = [1, 1]} : vector<512x20xi32> to vector<512x1xi32>
    %ge3A_260 = arith.constant 57344 : i32
    %ge3A_261 = vector.broadcast %ge3A_260 : i32 to vector<512x1xi32>
    %ge3A_262 = arith.cmpi sge, %slice3A_259, %ge3A_261 : vector<512x1xi32>
    %slice3A_263 = vector.extract_strided_slice %get3A_258 {offsets = [0, 64], sizes = [512, 64], strides = [1, 1]} : vector<512x128xf32> to vector<512x64xf32>
    %slice3A_264 = vector.extract_strided_slice %get3A_258 {offsets = [0, 0], sizes = [512, 64], strides = [1, 1]} : vector<512x128xf32> to vector<512x64xf32>
    %broadcast_in_dim3A_265 = vector.shape_cast %ge3A_262 : vector<512x1xi1> to vector<512x1xi1>
    %broadcast_in_dim3A_266 = vector.broadcast %broadcast_in_dim3A_265 : vector<512x1xi1> to vector<512x64xi1>
    %select_n3A_267 = arith.select %broadcast_in_dim3A_266, %slice3A_263, %slice3A_264 : vector<512x64xi1>, vector<512x64xf32>
    %add3A_268 = arith.addf %add3A_253, %select_n3A_267 : vector<512x64xf32>
    %get3A_269 = arith.constant 18 : index
    %get3A_270 = arith.constant 0 : index
    %get3A_271 = arith.constant 0 : index
    %get3A_272 = vector.load %arg3[%get3A_269, %get3A_270, %get3A_271] : memref<20x512x128xf32, #tpu.memory_space<vmem>>, vector<1x512x128xf32>
    %get3A_273 = vector.shape_cast %get3A_272 : vector<1x512x128xf32> to vector<512x128xf32>
    %slice3A_274 = vector.extract_strided_slice %get3A_1 {offsets = [0, 18], sizes = [512, 1], strides = [1, 1]} : vector<512x20xi32> to vector<512x1xi32>
    %ge3A_275 = arith.constant 57344 : i32
    %ge3A_276 = vector.broadcast %ge3A_275 : i32 to vector<512x1xi32>
    %ge3A_277 = arith.cmpi sge, %slice3A_274, %ge3A_276 : vector<512x1xi32>
    %slice3A_278 = vector.extract_strided_slice %get3A_273 {offsets = [0, 64], sizes = [512, 64], strides = [1, 1]} : vector<512x128xf32> to vector<512x64xf32>
    %slice3A_279 = vector.extract_strided_slice %get3A_273 {offsets = [0, 0], sizes = [512, 64], strides = [1, 1]} : vector<512x128xf32> to vector<512x64xf32>
    %broadcast_in_dim3A_280 = vector.shape_cast %ge3A_277 : vector<512x1xi1> to vector<512x1xi1>
    %broadcast_in_dim3A_281 = vector.broadcast %broadcast_in_dim3A_280 : vector<512x1xi1> to vector<512x64xi1>
    %select_n3A_282 = arith.select %broadcast_in_dim3A_281, %slice3A_278, %slice3A_279 : vector<512x64xi1>, vector<512x64xf32>
    %add3A_283 = arith.addf %add3A_268, %select_n3A_282 : vector<512x64xf32>
    %get3A_284 = arith.constant 19 : index
    %get3A_285 = arith.constant 0 : index
    %get3A_286 = arith.constant 0 : index
    %get3A_287 = vector.load %arg3[%get3A_284, %get3A_285, %get3A_286] : memref<20x512x128xf32, #tpu.memory_space<vmem>>, vector<1x512x128xf32>
    %get3A_288 = vector.shape_cast %get3A_287 : vector<1x512x128xf32> to vector<512x128xf32>
    %slice3A_289 = vector.extract_strided_slice %get3A_1 {offsets = [0, 19], sizes = [512, 1], strides = [1, 1]} : vector<512x20xi32> to vector<512x1xi32>
    %ge3A_290 = arith.constant 57344 : i32
    %ge3A_291 = vector.broadcast %ge3A_290 : i32 to vector<512x1xi32>
    %ge3A_292 = arith.cmpi sge, %slice3A_289, %ge3A_291 : vector<512x1xi32>
    %slice3A_293 = vector.extract_strided_slice %get3A_288 {offsets = [0, 64], sizes = [512, 64], strides = [1, 1]} : vector<512x128xf32> to vector<512x64xf32>
    %slice3A_294 = vector.extract_strided_slice %get3A_288 {offsets = [0, 0], sizes = [512, 64], strides = [1, 1]} : vector<512x128xf32> to vector<512x64xf32>
    %broadcast_in_dim3A_295 = vector.shape_cast %ge3A_292 : vector<512x1xi1> to vector<512x1xi1>
    %broadcast_in_dim3A_296 = vector.broadcast %broadcast_in_dim3A_295 : vector<512x1xi1> to vector<512x64xi1>
    %select_n3A_297 = arith.select %broadcast_in_dim3A_296, %slice3A_293, %slice3A_294 : vector<512x64xi1>, vector<512x64xf32>
    %add3A_298 = arith.addf %add3A_283, %select_n3A_297 : vector<512x64xf32>
    %ne3A = arith.constant 0 : i32
    %ne3A_299 = vector.broadcast %ne3A : i32 to vector<512x20xi32>
    %ne3A_300 = arith.cmpi ne, %get3A_1, %ne3A_299 : vector<512x20xi32>
    %convert_element_type3A = arith.extui %ne3A_300 : vector<512x20xi1> to vector<512x20xi32>
    %convert_element_type3A_301 = arith.sitofp %convert_element_type3A : vector<512x20xi32> to vector<512x20xf32>
    %reduce_sum3A = arith.constant dense<0.000000e+00> : vector<512xf32>
    %reduce_sum3A_302 = vector.multi_reduction <add>, %convert_element_type3A_301, %reduce_sum3A [1] : vector<512x20xf32> to vector<512xf32>
    %sub3A = arith.constant 2.000000e+01 : f32
    %sub3A_303 = vector.broadcast %sub3A : f32 to vector<512xf32>
    %sub3A_304 = arith.subf %sub3A_303, %reduce_sum3A_302 : vector<512xf32>
    %get3A_305 = arith.constant 0 : index
    %get3A_306 = arith.constant 0 : index
    %get3A_307 = vector.load %arg5[%get3A_305, %get3A_306] : memref<1x128xf32, #tpu.memory_space<vmem>>, vector<1x64xf32>
    %broadcast_in_dim3A_308 = vector.shape_cast %sub3A_304 : vector<512xf32> to vector<512x1xf32>
    %mul3A = vector.broadcast %broadcast_in_dim3A_308 : vector<512x1xf32> to vector<512x64xf32>
    %mul3A_309 = vector.broadcast %get3A_307 : vector<1x64xf32> to vector<512x64xf32>
    %mul3A_310 = arith.mulf %mul3A, %mul3A_309 : vector<512x64xf32>
    %sub3A_311 = arith.subf %add3A_298, %mul3A_310 : vector<512x64xf32>
    %max3A = arith.constant 1.000000e+00 : f32
    %max3A_312 = vector.broadcast %max3A : f32 to vector<512xf32>
    %max3A_313 = arith.maximumf %reduce_sum3A_302, %max3A_312 : vector<512xf32>
    %broadcast_in_dim3A_314 = vector.shape_cast %max3A_313 : vector<512xf32> to vector<512x1xf32>
    %div3A = vector.broadcast %broadcast_in_dim3A_314 : vector<512x1xf32> to vector<512x64xf32>
    %div3A_315 = arith.divf %sub3A_311, %div3A : vector<512x64xf32>
    %get3A_316 = arith.constant 0 : index
    %get3A_317 = arith.constant 0 : index
    %get3A_318 = vector.load %arg4[%get3A_316, %get3A_317] : memref<512x128xf32, #tpu.memory_space<vmem>>, vector<512x128xf32>
    %get3A_319 = arith.constant 0 : index
    %get3A_320 = arith.constant 0 : index
    %get3A_321 = vector.load %arg2[%get3A_319, %get3A_320] : memref<512x9xi32, #tpu.memory_space<vmem>>, vector<512x9xi32>
    %slice3A_322 = vector.extract_strided_slice %get3A_321 {offsets = [0, 8], sizes = [512, 1], strides = [1, 1]} : vector<512x9xi32> to vector<512x1xi32>
    %ge3A_323 = arith.constant 57344 : i32
    %ge3A_324 = vector.broadcast %ge3A_323 : i32 to vector<512x1xi32>
    %ge3A_325 = arith.cmpi sge, %slice3A_322, %ge3A_324 : vector<512x1xi32>
    %slice3A_326 = vector.extract_strided_slice %get3A_318 {offsets = [0, 64], sizes = [512, 64], strides = [1, 1]} : vector<512x128xf32> to vector<512x64xf32>
    %slice3A_327 = vector.extract_strided_slice %get3A_318 {offsets = [0, 0], sizes = [512, 64], strides = [1, 1]} : vector<512x128xf32> to vector<512x64xf32>
    %broadcast_in_dim3A_328 = vector.shape_cast %ge3A_325 : vector<512x1xi1> to vector<512x1xi1>
    %broadcast_in_dim3A_329 = vector.broadcast %broadcast_in_dim3A_328 : vector<512x1xi1> to vector<512x64xi1>
    %select_n3A_330 = arith.select %broadcast_in_dim3A_329, %slice3A_326, %slice3A_327 : vector<512x64xi1>, vector<512x64xf32>
    %get3A_331 = arith.constant 0 : index
    %get3A_332 = arith.constant 0 : index
    %get3A_333 = vector.load %arg2[%get3A_331, %get3A_332] : memref<512x9xi32, #tpu.memory_space<vmem>>, vector<512x9xi32>
    %slice3A_334 = vector.extract_strided_slice %get3A_333 {offsets = [0, 0], sizes = [512, 8], strides = [1, 1]} : vector<512x9xi32> to vector<512x8xi32>
    %iota3A = tpu.iota {dimensions = array<i32: 2>} : vector<1x1x32xi32>
    %broadcast_in_dim3A_335 = vector.shape_cast %slice3A_334 : vector<512x8xi32> to vector<512x8x1xi32>
    %eq3A = vector.broadcast %broadcast_in_dim3A_335 : vector<512x8x1xi32> to vector<512x8x32xi32>
    %eq3A_336 = vector.broadcast %iota3A : vector<1x1x32xi32> to vector<512x8x32xi32>
    %eq3A_337 = arith.cmpi eq, %eq3A, %eq3A_336 : vector<512x8x32xi32>
    %broadcast_in_dim3A_338 = vector.shape_cast %slice3A_334 : vector<512x8xi32> to vector<512x8x1xi32>
    %ne3A_339 = arith.constant 0 : i32
    %ne3A_340 = vector.broadcast %ne3A_339 : i32 to vector<512x8x1xi32>
    %ne3A_341 = arith.cmpi ne, %broadcast_in_dim3A_338, %ne3A_340 : vector<512x8x1xi32>
    %and3A = vector.broadcast %ne3A_341 : vector<512x8x1xi1> to vector<512x8x32xi1>
    %and3A_342 = arith.andi %eq3A_337, %and3A : vector<512x8x32xi1>
    %convert_element_type3A_343 = arith.extui %and3A_342 : vector<512x8x32xi1> to vector<512x8x32xi32>
    %convert_element_type3A_344 = arith.sitofp %convert_element_type3A_343 : vector<512x8x32xi32> to vector<512x8x32xf32>
    %reduce_sum3A_345 = arith.constant dense<0.000000e+00> : vector<512x32xf32>
    %reduce_sum3A_346 = vector.multi_reduction <add>, %convert_element_type3A_344, %reduce_sum3A_345 [1] : vector<512x8x32xf32> to vector<512x32xf32>
    %ne3A_347 = arith.constant 0 : i32
    %ne3A_348 = vector.broadcast %ne3A_347 : i32 to vector<512x8xi32>
    %ne3A_349 = arith.cmpi ne, %slice3A_334, %ne3A_348 : vector<512x8xi32>
    %convert_element_type3A_350 = arith.extui %ne3A_349 : vector<512x8xi1> to vector<512x8xi32>
    %convert_element_type3A_351 = arith.sitofp %convert_element_type3A_350 : vector<512x8xi32> to vector<512x8xf32>
    %reduce_sum3A_352 = arith.constant dense<0.000000e+00> : vector<512xf32>
    %reduce_sum3A_353 = vector.multi_reduction <add>, %convert_element_type3A_351, %reduce_sum3A_352 [1] : vector<512x8xf32> to vector<512xf32>
    %get3A_354 = arith.constant 0 : index
    %get3A_355 = arith.constant 0 : index
    %get3A_356 = vector.load %arg6[%get3A_354, %get3A_355] : memref<32x32xf32, #tpu.memory_space<vmem>>, vector<32x32xf32>
    %dot_general3A = arith.constant dense<0.000000e+00> : vector<512x32xf32>
    %dot_general3A_357 = tpu.matmul %reduce_sum3A_346, %get3A_356, %dot_general3A {dimension_numbers = #tpu.dot_dimension_numbers<[1], [0], [0], [1], [0, 0, 1, 1], [], []>, transpose_lhs_hint = false} : vector<512x32xf32>, vector<32x32xf32>, vector<512x32xf32> -> vector<512x32xf32>
    %max3A_358 = arith.constant 1.000000e+00 : f32
    %max3A_359 = vector.broadcast %max3A_358 : f32 to vector<512xf32>
    %max3A_360 = arith.maximumf %reduce_sum3A_353, %max3A_359 : vector<512xf32>
    %broadcast_in_dim3A_361 = vector.shape_cast %max3A_360 : vector<512xf32> to vector<512x1xf32>
    %div3A_362 = vector.broadcast %broadcast_in_dim3A_361 : vector<512x1xf32> to vector<512x32xf32>
    %div3A_363 = arith.divf %dot_general3A_357, %div3A_362 : vector<512x32xf32>
    %get3A_364 = arith.constant 0 : index
    %get3A_365 = arith.constant 0 : index
    %get3A_366 = vector.load %arg7[%get3A_364, %get3A_365] : memref<160x64xf32, #tpu.memory_space<vmem>>, vector<160x64xf32>
    %slice3A_367 = vector.extract_strided_slice %get3A_366 {offsets = [0, 0], sizes = [64, 64], strides = [1, 1]} : vector<160x64xf32> to vector<64x64xf32>
    %dot_general3A_368 = arith.constant dense<0.000000e+00> : vector<512x64xf32>
    %dot_general3A_369 = tpu.matmul %div3A_315, %slice3A_367, %dot_general3A_368 {dimension_numbers = #tpu.dot_dimension_numbers<[1], [0], [0], [1], [0, 0, 1, 1], [], []>, transpose_lhs_hint = false} : vector<512x64xf32>, vector<64x64xf32>, vector<512x64xf32> -> vector<512x64xf32>
    %slice3A_370 = vector.extract_strided_slice %get3A_366 {offsets = [64, 0], sizes = [64, 64], strides = [1, 1]} : vector<160x64xf32> to vector<64x64xf32>
    %dot_general3A_371 = arith.constant dense<0.000000e+00> : vector<512x64xf32>
    %dot_general3A_372 = tpu.matmul %select_n3A_330, %slice3A_370, %dot_general3A_371 {dimension_numbers = #tpu.dot_dimension_numbers<[1], [0], [0], [1], [0, 0, 1, 1], [], []>, transpose_lhs_hint = false} : vector<512x64xf32>, vector<64x64xf32>, vector<512x64xf32> -> vector<512x64xf32>
    %add3A_373 = arith.addf %dot_general3A_369, %dot_general3A_372 : vector<512x64xf32>
    %slice3A_374 = vector.extract_strided_slice %get3A_366 {offsets = [128, 0], sizes = [32, 64], strides = [1, 1]} : vector<160x64xf32> to vector<32x64xf32>
    %dot_general3A_375 = arith.constant dense<0.000000e+00> : vector<512x64xf32>
    %dot_general3A_376 = tpu.matmul %div3A_363, %slice3A_374, %dot_general3A_375 {dimension_numbers = #tpu.dot_dimension_numbers<[1], [0], [0], [1], [0, 0, 1, 1], [], []>, transpose_lhs_hint = false} : vector<512x32xf32>, vector<32x64xf32>, vector<512x64xf32> -> vector<512x64xf32>
    %add3A_377 = arith.addf %add3A_373, %dot_general3A_376 : vector<512x64xf32>
    %get3A_378 = arith.constant 0 : index
    %get3A_379 = arith.constant 0 : index
    %get3A_380 = vector.load %arg8[%get3A_378, %get3A_379] : memref<1x64xf32, #tpu.memory_space<vmem>>, vector<1x64xf32>
    %add3A_381 = vector.broadcast %get3A_380 : vector<1x64xf32> to vector<512x64xf32>
    %add3A_382 = arith.addf %add3A_377, %add3A_381 : vector<512x64xf32>
    %max3A_383 = arith.constant 0.000000e+00 : f32
    %max3A_384 = vector.broadcast %max3A_383 : f32 to vector<512x64xf32>
    %max3A_385 = arith.maximumf %add3A_382, %max3A_384 : vector<512x64xf32>
    %get3A_386 = arith.constant 0 : index
    %get3A_387 = arith.constant 0 : index
    %get3A_388 = vector.load %arg9[%get3A_386, %get3A_387] : memref<64x32xf32, #tpu.memory_space<vmem>>, vector<64x32xf32>
    %dot_general3A_389 = arith.constant dense<0.000000e+00> : vector<512x32xf32>
    %dot_general3A_390 = tpu.matmul %max3A_385, %get3A_388, %dot_general3A_389 {dimension_numbers = #tpu.dot_dimension_numbers<[1], [0], [0], [1], [0, 0, 1, 1], [], []>, transpose_lhs_hint = false} : vector<512x64xf32>, vector<64x32xf32>, vector<512x32xf32> -> vector<512x32xf32>
    %get3A_391 = arith.constant 0 : index
    %get3A_392 = arith.constant 0 : index
    %get3A_393 = vector.load %arg10[%get3A_391, %get3A_392] : memref<1x32xf32, #tpu.memory_space<vmem>>, vector<1x32xf32>
    %add3A_394 = vector.broadcast %get3A_393 : vector<1x32xf32> to vector<512x32xf32>
    %add3A_395 = arith.addf %dot_general3A_390, %add3A_394 : vector<512x32xf32>
    %max3A_396 = arith.constant 0.000000e+00 : f32
    %max3A_397 = vector.broadcast %max3A_396 : f32 to vector<512x32xf32>
    %max3A_398 = arith.maximumf %add3A_395, %max3A_397 : vector<512x32xf32>
    %mul3A_399 = arith.mulf %max3A_398, %max3A_398 : vector<512x32xf32>
    %reduce_sum3A_400 = arith.constant dense<0.000000e+00> : vector<512xf32>
    %reduce_sum3A_401 = vector.multi_reduction <add>, %mul3A_399, %reduce_sum3A_400 [1] : vector<512x32xf32> to vector<512xf32>
    %broadcast_in_dim3A_402 = vector.shape_cast %reduce_sum3A_401 : vector<512xf32> to vector<512x1xf32>
    %max3A_403 = arith.constant 9.99999996E-13 : f32
    %max3A_404 = vector.broadcast %max3A_403 : f32 to vector<512x1xf32>
    %max3A_405 = arith.maximumf %broadcast_in_dim3A_402, %max3A_404 : vector<512x1xf32>
    %rsqrt3A = math.rsqrt %max3A_405 : vector<512x1xf32>
    %mul3A_406 = vector.broadcast %rsqrt3A : vector<512x1xf32> to vector<512x32xf32>
    %mul3A_407 = arith.mulf %max3A_398, %mul3A_406 : vector<512x32xf32>
    %swap3A = arith.constant 0 : index
    %swap3A_408 = arith.constant 0 : index
    %swap3A_409 = vector.load %arg11[%swap3A, %swap3A_408] : memref<512x32xf32, #tpu.memory_space<vmem>>, vector<512x32xf32>
    tpu.vector_store %arg11[%swap3A, %swap3A_408], %mul3A_407 {strides = array<i32>} : memref<512x32xf32, #tpu.memory_space<vmem>>, vector<512x32xf32>,
    return
  }
  func.func @transform_0(%arg0: i32) -> (i32, i32) {
    %add3A = arith.constant 4 : i32
    %add3A_0 = arith.addi %arg0, %add3A : i32
    %c0_i32 = arith.constant 0 : i32
    %c0_i32_1 = arith.constant 0 : i32
    return %add3A_0, %c0_i32 : i32, i32
  }
  func.func @transform_1(%arg0: i32) -> (i32, i32) {
    %add3A = arith.constant 4 : i32
    %add3A_0 = arith.addi %arg0, %add3A : i32
    %c0_i32 = arith.constant 0 : i32
    %c0_i32_1 = arith.constant 0 : i32
    return %add3A_0, %c0_i32 : i32, i32
  }
  func.func @transform_2(%arg0: i32) -> (i32, i32, i32) {
    %c0_i32 = arith.constant 0 : i32
    %c0_i32_0 = arith.constant 0 : i32
    %c0_i32_1 = arith.constant 0 : i32
    return %c0_i32, %arg0, %c0_i32_0 : i32, i32, i32
  }
  func.func @transform_3(%arg0: i32) -> (i32, i32) {
    %c0_i32 = arith.constant 0 : i32
    %c0_i32_0 = arith.constant 0 : i32
    return %arg0, %c0_i32 : i32, i32
  }
  func.func @transform_4(%arg0: i32) -> (i32, i32) {
    %c0_i32 = arith.constant 0 : i32
    %c0_i32_0 = arith.constant 0 : i32
    %c0_i32_1 = arith.constant 0 : i32
    return %c0_i32, %c0_i32_0 : i32, i32
  }
  func.func @transform_5(%arg0: i32) -> (i32, i32) {
    %c0_i32 = arith.constant 0 : i32
    %c0_i32_0 = arith.constant 0 : i32
    %c0_i32_1 = arith.constant 0 : i32
    return %c0_i32, %c0_i32_0 : i32, i32
  }
  func.func @transform_6(%arg0: i32) -> (i32, i32) {
    %c0_i32 = arith.constant 0 : i32
    %c0_i32_0 = arith.constant 0 : i32
    %c0_i32_1 = arith.constant 0 : i32
    return %c0_i32, %c0_i32_0 : i32, i32
  }
  func.func @transform_7(%arg0: i32) -> (i32, i32) {
    %c0_i32 = arith.constant 0 : i32
    %c0_i32_0 = arith.constant 0 : i32
    %c0_i32_1 = arith.constant 0 : i32
    return %c0_i32, %c0_i32_0 : i32, i32
  }
  func.func @transform_8(%arg0: i32) -> (i32, i32) {
    %c0_i32 = arith.constant 0 : i32
    %c0_i32_0 = arith.constant 0 : i32
    %c0_i32_1 = arith.constant 0 : i32
    return %c0_i32, %c0_i32_0 : i32, i32
  }
  func.func @transform_9(%arg0: i32) -> (i32, i32) {
    %c0_i32 = arith.constant 0 : i32
    %c0_i32_0 = arith.constant 0 : i32
    %c0_i32_1 = arith.constant 0 : i32
    return %c0_i32, %c0_i32_0 : i32, i32
  }
  func.func @transform_10(%arg0: i32) -> (i32, i32) {
    %c0_i32 = arith.constant 0 : i32
    %c0_i32_0 = arith.constant 0 : i32
    return %arg0, %c0_i32 : i32, i32
  }
}

module attributes {stable_mosaic.version = 14 : i64} {
  func.func @_tc_body(%arg0: i32, %arg1: memref<512x20xi32, #tpu.memory_space<vmem>>, %arg2: memref<512x9xi32, #tpu.memory_space<vmem>>, %arg3: memref<20x512x128xf32, #tpu.memory_space<vmem>>, %arg4: memref<512x128xf32, #tpu.memory_space<vmem>>, %arg5: memref<1x128xf32, #tpu.memory_space<vmem>>, %arg6: memref<32x32xf32, #tpu.memory_space<vmem>>, %arg7: memref<160x64xf32, #tpu.memory_space<vmem>>, %arg8: memref<1x64xf32, #tpu.memory_space<vmem>>, %arg9: memref<64x32xf32, #tpu.memory_space<vmem>>, %arg10: memref<1x32xf32, #tpu.memory_space<vmem>>, %arg11: memref<512x32xf32, #tpu.memory_space<vmem>>) attributes {dimension_semantics = [#tpu.dimension_semantics<arbitrary>], iteration_bounds = array<i64: 4>, scalar_prefetch = 0 : i64, scratch_operands = 0 : i64, tpu.core_type = #tpu.core_type<tc>, window_params = [{transform_indices = @transform_0, window_bounds = array<i64: 512, 20>}, {transform_indices = @transform_1, window_bounds = array<i64: 512, 9>}, {transform_indices = @transform_2, window_bounds = array<i64: 20, 512, 128>}, {transform_indices = @transform_3, window_bounds = array<i64: 512, 128>}, {pipeline_mode = #tpu.pipeline_mode<synchronous>, transform_indices = @transform_4, window_bounds = array<i64: 1, 128>}, {pipeline_mode = #tpu.pipeline_mode<synchronous>, transform_indices = @transform_5, window_bounds = array<i64: 32, 32>}, {pipeline_mode = #tpu.pipeline_mode<synchronous>, transform_indices = @transform_6, window_bounds = array<i64: 160, 64>}, {pipeline_mode = #tpu.pipeline_mode<synchronous>, transform_indices = @transform_7, window_bounds = array<i64: 1, 64>}, {pipeline_mode = #tpu.pipeline_mode<synchronous>, transform_indices = @transform_8, window_bounds = array<i64: 64, 32>}, {pipeline_mode = #tpu.pipeline_mode<synchronous>, transform_indices = @transform_9, window_bounds = array<i64: 1, 32>}, {transform_indices = @transform_10, window_bounds = array<i64: 512, 32>}]} {
    %get3A = arith.constant 0 : index
    %get3A_0 = arith.constant 0 : index
    %get3A_1 = vector.load %arg1[%get3A, %get3A_0] : memref<512x20xi32, #tpu.memory_space<vmem>>, vector<512x20xi32>
    %broadcast_in_dim3A = arith.constant 0.000000e+00 : f32
    %broadcast_in_dim3A_2 = vector.broadcast %broadcast_in_dim3A : f32 to vector<512x64xf32>
    %get3A_3 = arith.constant 0 : index
    %get3A_4 = arith.constant 0 : index
    %get3A_5 = arith.constant 0 : index
    %get3A_6 = vector.load %arg3[%get3A_3, %get3A_4, %get3A_5] : memref<20x512x128xf32, #tpu.memory_space<vmem>>, vector<1x512x128xf32>
    %get3A_7 = vector.shape_cast %get3A_6 : vector<1x512x128xf32> to vector<512x128xf32>
    %slice3A = vector.extract_strided_slice %get3A_1 {offsets = [0, 0], sizes = [512, 1], strides = [1, 1]} : vector<512x20xi32> to vector<512x1xi32>
    %ge3A = arith.constant 57344 : i32
    %ge3A_8 = vector.broadcast %ge3A : i32 to vector<512x1xi32>
    %ge3A_9 = arith.cmpi sge, %slice3A, %ge3A_8 : vector<512x1xi32>
    %slice3A_10 = vector.extract_strided_slice %get3A_7 {offsets = [0, 64], sizes = [512, 64], strides = [1, 1]} : vector<512x128xf32> to vector<512x64xf32>
    %slice3A_11 = vector.extract_strided_slice %get3A_7 {offsets = [0, 0], sizes = [512, 64], strides = [1, 1]} : vector<512x128xf32> to vector<512x64xf32>
    %broadcast_in_dim3A_12 = vector.shape_cast %ge3A_9 : vector<512x1xi1> to vector<512x1xi1>
    %broadcast_in_dim3A_13 = vector.broadcast %broadcast_in_dim3A_12 : vector<512x1xi1> to vector<512x64xi1>
    %select_n3A = arith.select %broadcast_in_dim3A_13, %slice3A_10, %slice3A_11 : vector<512x64xi1>, vector<512x64xf32>
    %add3A = arith.addf %broadcast_in_dim3A_2, %select_n3A : vector<512x64xf32>
    %get3A_14 = arith.constant 1 : index
    %get3A_15 = arith.constant 0 : index
    %get3A_16 = arith.constant 0 : index
    %get3A_17 = vector.load %arg3[%get3A_14, %get3A_15, %get3A_16] : memref<20x512x128xf32, #tpu.memory_space<vmem>>, vector<1x512x128xf32>
    %get3A_18 = vector.shape_cast %get3A_17 : vector<1x512x128xf32> to vector<512x128xf32>
    %slice3A_19 = vector.extract_strided_slice %get3A_1 {offsets = [0, 1], sizes = [512, 1], strides = [1, 1]} : vector<512x20xi32> to vector<512x1xi32>
    %ge3A_20 = arith.constant 57344 : i32
    %ge3A_21 = vector.broadcast %ge3A_20 : i32 to vector<512x1xi32>
    %ge3A_22 = arith.cmpi sge, %slice3A_19, %ge3A_21 : vector<512x1xi32>
    %slice3A_23 = vector.extract_strided_slice %get3A_18 {offsets = [0, 64], sizes = [512, 64], strides = [1, 1]} : vector<512x128xf32> to vector<512x64xf32>
    %slice3A_24 = vector.extract_strided_slice %get3A_18 {offsets = [0, 0], sizes = [512, 64], strides = [1, 1]} : vector<512x128xf32> to vector<512x64xf32>
    %broadcast_in_dim3A_25 = vector.shape_cast %ge3A_22 : vector<512x1xi1> to vector<512x1xi1>
    %broadcast_in_dim3A_26 = vector.broadcast %broadcast_in_dim3A_25 : vector<512x1xi1> to vector<512x64xi1>
    %select_n3A_27 = arith.select %broadcast_in_dim3A_26, %slice3A_23, %slice3A_24 : vector<512x64xi1>, vector<512x64xf32>
    %add3A_28 = arith.addf %add3A, %select_n3A_27 : vector<512x64xf32>
    %get3A_29 = arith.constant 2 : index
    %get3A_30 = arith.constant 0 : index
    %get3A_31 = arith.constant 0 : index
    %get3A_32 = vector.load %arg3[%get3A_29, %get3A_30, %get3A_31] : memref<20x512x128xf32, #tpu.memory_space<vmem>>, vector<1x512x128xf32>
    %get3A_33 = vector.shape_cast %get3A_32 : vector<1x512x128xf32> to vector<512x128xf32>
    %slice3A_34 = vector.extract_strided_slice %get3A_1 {offsets = [0, 2], sizes = [512, 1], strides = [1, 1]} : vector<512x20xi32> to vector<512x1xi32>
    %ge3A_35 = arith.constant 57344 : i32
    %ge3A_36 = vector.broadcast %ge3A_35 : i32 to vector<512x1xi32>
    %ge3A_37 = arith.cmpi sge, %slice3A_34, %ge3A_36 : vector<512x1xi32>
    %slice3A_38 = vector.extract_strided_slice %get3A_33 {offsets = [0, 64], sizes = [512, 64], strides = [1, 1]} : vector<512x128xf32> to vector<512x64xf32>
    %slice3A_39 = vector.extract_strided_slice %get3A_33 {offsets = [0, 0], sizes = [512, 64], strides = [1, 1]} : vector<512x128xf32> to vector<512x64xf32>
    %broadcast_in_dim3A_40 = vector.shape_cast %ge3A_37 : vector<512x1xi1> to vector<512x1xi1>
    %broadcast_in_dim3A_41 = vector.broadcast %broadcast_in_dim3A_40 : vector<512x1xi1> to vector<512x64xi1>
    %select_n3A_42 = arith.select %broadcast_in_dim3A_41, %slice3A_38, %slice3A_39 : vector<512x64xi1>, vector<512x64xf32>
    %add3A_43 = arith.addf %add3A_28, %select_n3A_42 : vector<512x64xf32>
    %get3A_44 = arith.constant 3 : index
    %get3A_45 = arith.constant 0 : index
    %get3A_46 = arith.constant 0 : index
    %get3A_47 = vector.load %arg3[%get3A_44, %get3A_45, %get3A_46] : memref<20x512x128xf32, #tpu.memory_space<vmem>>, vector<1x512x128xf32>
    %get3A_48 = vector.shape_cast %get3A_47 : vector<1x512x128xf32> to vector<512x128xf32>
    %slice3A_49 = vector.extract_strided_slice %get3A_1 {offsets = [0, 3], sizes = [512, 1], strides = [1, 1]} : vector<512x20xi32> to vector<512x1xi32>
    %ge3A_50 = arith.constant 57344 : i32
    %ge3A_51 = vector.broadcast %ge3A_50 : i32 to vector<512x1xi32>
    %ge3A_52 = arith.cmpi sge, %slice3A_49, %ge3A_51 : vector<512x1xi32>
    %slice3A_53 = vector.extract_strided_slice %get3A_48 {offsets = [0, 64], sizes = [512, 64], strides = [1, 1]} : vector<512x128xf32> to vector<512x64xf32>
    %slice3A_54 = vector.extract_strided_slice %get3A_48 {offsets = [0, 0], sizes = [512, 64], strides = [1, 1]} : vector<512x128xf32> to vector<512x64xf32>
    %broadcast_in_dim3A_55 = vector.shape_cast %ge3A_52 : vector<512x1xi1> to vector<512x1xi1>
    %broadcast_in_dim3A_56 = vector.broadcast %broadcast_in_dim3A_55 : vector<512x1xi1> to vector<512x64xi1>
    %select_n3A_57 = arith.select %broadcast_in_dim3A_56, %slice3A_53, %slice3A_54 : vector<512x64xi1>, vector<512x64xf32>
    %add3A_58 = arith.addf %add3A_43, %select_n3A_57 : vector<512x64xf32>
    %get3A_59 = arith.constant 4 : index
    %get3A_60 = arith.constant 0 : index
    %get3A_61 = arith.constant 0 : index
    %get3A_62 = vector.load %arg3[%get3A_59, %get3A_60, %get3A_61] : memref<20x512x128xf32, #tpu.memory_space<vmem>>, vector<1x512x128xf32>
    %get3A_63 = vector.shape_cast %get3A_62 : vector<1x512x128xf32> to vector<512x128xf32>
    %slice3A_64 = vector.extract_strided_slice %get3A_1 {offsets = [0, 4], sizes = [512, 1], strides = [1, 1]} : vector<512x20xi32> to vector<512x1xi32>
    %ge3A_65 = arith.constant 57344 : i32
    %ge3A_66 = vector.broadcast %ge3A_65 : i32 to vector<512x1xi32>
    %ge3A_67 = arith.cmpi sge, %slice3A_64, %ge3A_66 : vector<512x1xi32>
    %slice3A_68 = vector.extract_strided_slice %get3A_63 {offsets = [0, 64], sizes = [512, 64], strides = [1, 1]} : vector<512x128xf32> to vector<512x64xf32>
    %slice3A_69 = vector.extract_strided_slice %get3A_63 {offsets = [0, 0], sizes = [512, 64], strides = [1, 1]} : vector<512x128xf32> to vector<512x64xf32>
    %broadcast_in_dim3A_70 = vector.shape_cast %ge3A_67 : vector<512x1xi1> to vector<512x1xi1>
    %broadcast_in_dim3A_71 = vector.broadcast %broadcast_in_dim3A_70 : vector<512x1xi1> to vector<512x64xi1>
    %select_n3A_72 = arith.select %broadcast_in_dim3A_71, %slice3A_68, %slice3A_69 : vector<512x64xi1>, vector<512x64xf32>
    %add3A_73 = arith.addf %add3A_58, %select_n3A_72 : vector<512x64xf32>
    %get3A_74 = arith.constant 5 : index
    %get3A_75 = arith.constant 0 : index
    %get3A_76 = arith.constant 0 : index
    %get3A_77 = vector.load %arg3[%get3A_74, %get3A_75, %get3A_76] : memref<20x512x128xf32, #tpu.memory_space<vmem>>, vector<1x512x128xf32>
    %get3A_78 = vector.shape_cast %get3A_77 : vector<1x512x128xf32> to vector<512x128xf32>
    %slice3A_79 = vector.extract_strided_slice %get3A_1 {offsets = [0, 5], sizes = [512, 1], strides = [1, 1]} : vector<512x20xi32> to vector<512x1xi32>
    %ge3A_80 = arith.constant 57344 : i32
    %ge3A_81 = vector.broadcast %ge3A_80 : i32 to vector<512x1xi32>
    %ge3A_82 = arith.cmpi sge, %slice3A_79, %ge3A_81 : vector<512x1xi32>
    %slice3A_83 = vector.extract_strided_slice %get3A_78 {offsets = [0, 64], sizes = [512, 64], strides = [1, 1]} : vector<512x128xf32> to vector<512x64xf32>
    %slice3A_84 = vector.extract_strided_slice %get3A_78 {offsets = [0, 0], sizes = [512, 64], strides = [1, 1]} : vector<512x128xf32> to vector<512x64xf32>
    %broadcast_in_dim3A_85 = vector.shape_cast %ge3A_82 : vector<512x1xi1> to vector<512x1xi1>
    %broadcast_in_dim3A_86 = vector.broadcast %broadcast_in_dim3A_85 : vector<512x1xi1> to vector<512x64xi1>
    %select_n3A_87 = arith.select %broadcast_in_dim3A_86, %slice3A_83, %slice3A_84 : vector<512x64xi1>, vector<512x64xf32>
    %add3A_88 = arith.addf %add3A_73, %select_n3A_87 : vector<512x64xf32>
    %get3A_89 = arith.constant 6 : index
    %get3A_90 = arith.constant 0 : index
    %get3A_91 = arith.constant 0 : index
    %get3A_92 = vector.load %arg3[%get3A_89, %get3A_90, %get3A_91] : memref<20x512x128xf32, #tpu.memory_space<vmem>>, vector<1x512x128xf32>
    %get3A_93 = vector.shape_cast %get3A_92 : vector<1x512x128xf32> to vector<512x128xf32>
    %slice3A_94 = vector.extract_strided_slice %get3A_1 {offsets = [0, 6], sizes = [512, 1], strides = [1, 1]} : vector<512x20xi32> to vector<512x1xi32>
    %ge3A_95 = arith.constant 57344 : i32
    %ge3A_96 = vector.broadcast %ge3A_95 : i32 to vector<512x1xi32>
    %ge3A_97 = arith.cmpi sge, %slice3A_94, %ge3A_96 : vector<512x1xi32>
    %slice3A_98 = vector.extract_strided_slice %get3A_93 {offsets = [0, 64], sizes = [512, 64], strides = [1, 1]} : vector<512x128xf32> to vector<512x64xf32>
    %slice3A_99 = vector.extract_strided_slice %get3A_93 {offsets = [0, 0], sizes = [512, 64], strides = [1, 1]} : vector<512x128xf32> to vector<512x64xf32>
    %broadcast_in_dim3A_100 = vector.shape_cast %ge3A_97 : vector<512x1xi1> to vector<512x1xi1>
    %broadcast_in_dim3A_101 = vector.broadcast %broadcast_in_dim3A_100 : vector<512x1xi1> to vector<512x64xi1>
    %select_n3A_102 = arith.select %broadcast_in_dim3A_101, %slice3A_98, %slice3A_99 : vector<512x64xi1>, vector<512x64xf32>
    %add3A_103 = arith.addf %add3A_88, %select_n3A_102 : vector<512x64xf32>
    %get3A_104 = arith.constant 7 : index
    %get3A_105 = arith.constant 0 : index
    %get3A_106 = arith.constant 0 : index
    %get3A_107 = vector.load %arg3[%get3A_104, %get3A_105, %get3A_106] : memref<20x512x128xf32, #tpu.memory_space<vmem>>, vector<1x512x128xf32>
    %get3A_108 = vector.shape_cast %get3A_107 : vector<1x512x128xf32> to vector<512x128xf32>
    %slice3A_109 = vector.extract_strided_slice %get3A_1 {offsets = [0, 7], sizes = [512, 1], strides = [1, 1]} : vector<512x20xi32> to vector<512x1xi32>
    %ge3A_110 = arith.constant 57344 : i32
    %ge3A_111 = vector.broadcast %ge3A_110 : i32 to vector<512x1xi32>
    %ge3A_112 = arith.cmpi sge, %slice3A_109, %ge3A_111 : vector<512x1xi32>
    %slice3A_113 = vector.extract_strided_slice %get3A_108 {offsets = [0, 64], sizes = [512, 64], strides = [1, 1]} : vector<512x128xf32> to vector<512x64xf32>
    %slice3A_114 = vector.extract_strided_slice %get3A_108 {offsets = [0, 0], sizes = [512, 64], strides = [1, 1]} : vector<512x128xf32> to vector<512x64xf32>
    %broadcast_in_dim3A_115 = vector.shape_cast %ge3A_112 : vector<512x1xi1> to vector<512x1xi1>
    %broadcast_in_dim3A_116 = vector.broadcast %broadcast_in_dim3A_115 : vector<512x1xi1> to vector<512x64xi1>
    %select_n3A_117 = arith.select %broadcast_in_dim3A_116, %slice3A_113, %slice3A_114 : vector<512x64xi1>, vector<512x64xf32>
    %add3A_118 = arith.addf %add3A_103, %select_n3A_117 : vector<512x64xf32>
    %get3A_119 = arith.constant 8 : index
    %get3A_120 = arith.constant 0 : index
    %get3A_121 = arith.constant 0 : index
    %get3A_122 = vector.load %arg3[%get3A_119, %get3A_120, %get3A_121] : memref<20x512x128xf32, #tpu.memory_space<vmem>>, vector<1x512x128xf32>
    %get3A_123 = vector.shape_cast %get3A_122 : vector<1x512x128xf32> to vector<512x128xf32>
    %slice3A_124 = vector.extract_strided_slice %get3A_1 {offsets = [0, 8], sizes = [512, 1], strides = [1, 1]} : vector<512x20xi32> to vector<512x1xi32>
    %ge3A_125 = arith.constant 57344 : i32
    %ge3A_126 = vector.broadcast %ge3A_125 : i32 to vector<512x1xi32>
    %ge3A_127 = arith.cmpi sge, %slice3A_124, %ge3A_126 : vector<512x1xi32>
    %slice3A_128 = vector.extract_strided_slice %get3A_123 {offsets = [0, 64], sizes = [512, 64], strides = [1, 1]} : vector<512x128xf32> to vector<512x64xf32>
    %slice3A_129 = vector.extract_strided_slice %get3A_123 {offsets = [0, 0], sizes = [512, 64], strides = [1, 1]} : vector<512x128xf32> to vector<512x64xf32>
    %broadcast_in_dim3A_130 = vector.shape_cast %ge3A_127 : vector<512x1xi1> to vector<512x1xi1>
    %broadcast_in_dim3A_131 = vector.broadcast %broadcast_in_dim3A_130 : vector<512x1xi1> to vector<512x64xi1>
    %select_n3A_132 = arith.select %broadcast_in_dim3A_131, %slice3A_128, %slice3A_129 : vector<512x64xi1>, vector<512x64xf32>
    %add3A_133 = arith.addf %add3A_118, %select_n3A_132 : vector<512x64xf32>
    %get3A_134 = arith.constant 9 : index
    %get3A_135 = arith.constant 0 : index
    %get3A_136 = arith.constant 0 : index
    %get3A_137 = vector.load %arg3[%get3A_134, %get3A_135, %get3A_136] : memref<20x512x128xf32, #tpu.memory_space<vmem>>, vector<1x512x128xf32>
    %get3A_138 = vector.shape_cast %get3A_137 : vector<1x512x128xf32> to vector<512x128xf32>
    %slice3A_139 = vector.extract_strided_slice %get3A_1 {offsets = [0, 9], sizes = [512, 1], strides = [1, 1]} : vector<512x20xi32> to vector<512x1xi32>
    %ge3A_140 = arith.constant 57344 : i32
    %ge3A_141 = vector.broadcast %ge3A_140 : i32 to vector<512x1xi32>
    %ge3A_142 = arith.cmpi sge, %slice3A_139, %ge3A_141 : vector<512x1xi32>
    %slice3A_143 = vector.extract_strided_slice %get3A_138 {offsets = [0, 64], sizes = [512, 64], strides = [1, 1]} : vector<512x128xf32> to vector<512x64xf32>
    %slice3A_144 = vector.extract_strided_slice %get3A_138 {offsets = [0, 0], sizes = [512, 64], strides = [1, 1]} : vector<512x128xf32> to vector<512x64xf32>
    %broadcast_in_dim3A_145 = vector.shape_cast %ge3A_142 : vector<512x1xi1> to vector<512x1xi1>
    %broadcast_in_dim3A_146 = vector.broadcast %broadcast_in_dim3A_145 : vector<512x1xi1> to vector<512x64xi1>
    %select_n3A_147 = arith.select %broadcast_in_dim3A_146, %slice3A_143, %slice3A_144 : vector<512x64xi1>, vector<512x64xf32>
    %add3A_148 = arith.addf %add3A_133, %select_n3A_147 : vector<512x64xf32>
    %get3A_149 = arith.constant 10 : index
    %get3A_150 = arith.constant 0 : index
    %get3A_151 = arith.constant 0 : index
    %get3A_152 = vector.load %arg3[%get3A_149, %get3A_150, %get3A_151] : memref<20x512x128xf32, #tpu.memory_space<vmem>>, vector<1x512x128xf32>
    %get3A_153 = vector.shape_cast %get3A_152 : vector<1x512x128xf32> to vector<512x128xf32>
    %slice3A_154 = vector.extract_strided_slice %get3A_1 {offsets = [0, 10], sizes = [512, 1], strides = [1, 1]} : vector<512x20xi32> to vector<512x1xi32>
    %ge3A_155 = arith.constant 57344 : i32
    %ge3A_156 = vector.broadcast %ge3A_155 : i32 to vector<512x1xi32>
    %ge3A_157 = arith.cmpi sge, %slice3A_154, %ge3A_156 : vector<512x1xi32>
    %slice3A_158 = vector.extract_strided_slice %get3A_153 {offsets = [0, 64], sizes = [512, 64], strides = [1, 1]} : vector<512x128xf32> to vector<512x64xf32>
    %slice3A_159 = vector.extract_strided_slice %get3A_153 {offsets = [0, 0], sizes = [512, 64], strides = [1, 1]} : vector<512x128xf32> to vector<512x64xf32>
    %broadcast_in_dim3A_160 = vector.shape_cast %ge3A_157 : vector<512x1xi1> to vector<512x1xi1>
    %broadcast_in_dim3A_161 = vector.broadcast %broadcast_in_dim3A_160 : vector<512x1xi1> to vector<512x64xi1>
    %select_n3A_162 = arith.select %broadcast_in_dim3A_161, %slice3A_158, %slice3A_159 : vector<512x64xi1>, vector<512x64xf32>
    %add3A_163 = arith.addf %add3A_148, %select_n3A_162 : vector<512x64xf32>
    %get3A_164 = arith.constant 11 : index
    %get3A_165 = arith.constant 0 : index
    %get3A_166 = arith.constant 0 : index
    %get3A_167 = vector.load %arg3[%get3A_164, %get3A_165, %get3A_166] : memref<20x512x128xf32, #tpu.memory_space<vmem>>, vector<1x512x128xf32>
    %get3A_168 = vector.shape_cast %get3A_167 : vector<1x512x128xf32> to vector<512x128xf32>
    %slice3A_169 = vector.extract_strided_slice %get3A_1 {offsets = [0, 11], sizes = [512, 1], strides = [1, 1]} : vector<512x20xi32> to vector<512x1xi32>
    %ge3A_170 = arith.constant 57344 : i32
    %ge3A_171 = vector.broadcast %ge3A_170 : i32 to vector<512x1xi32>
    %ge3A_172 = arith.cmpi sge, %slice3A_169, %ge3A_171 : vector<512x1xi32>
    %slice3A_173 = vector.extract_strided_slice %get3A_168 {offsets = [0, 64], sizes = [512, 64], strides = [1, 1]} : vector<512x128xf32> to vector<512x64xf32>
    %slice3A_174 = vector.extract_strided_slice %get3A_168 {offsets = [0, 0], sizes = [512, 64], strides = [1, 1]} : vector<512x128xf32> to vector<512x64xf32>
    %broadcast_in_dim3A_175 = vector.shape_cast %ge3A_172 : vector<512x1xi1> to vector<512x1xi1>
    %broadcast_in_dim3A_176 = vector.broadcast %broadcast_in_dim3A_175 : vector<512x1xi1> to vector<512x64xi1>
    %select_n3A_177 = arith.select %broadcast_in_dim3A_176, %slice3A_173, %slice3A_174 : vector<512x64xi1>, vector<512x64xf32>
    %add3A_178 = arith.addf %add3A_163, %select_n3A_177 : vector<512x64xf32>
    %get3A_179 = arith.constant 12 : index
    %get3A_180 = arith.constant 0 : index
    %get3A_181 = arith.constant 0 : index
    %get3A_182 = vector.load %arg3[%get3A_179, %get3A_180, %get3A_181] : memref<20x512x128xf32, #tpu.memory_space<vmem>>, vector<1x512x128xf32>
    %get3A_183 = vector.shape_cast %get3A_182 : vector<1x512x128xf32> to vector<512x128xf32>
    %slice3A_184 = vector.extract_strided_slice %get3A_1 {offsets = [0, 12], sizes = [512, 1], strides = [1, 1]} : vector<512x20xi32> to vector<512x1xi32>
    %ge3A_185 = arith.constant 57344 : i32
    %ge3A_186 = vector.broadcast %ge3A_185 : i32 to vector<512x1xi32>
    %ge3A_187 = arith.cmpi sge, %slice3A_184, %ge3A_186 : vector<512x1xi32>
    %slice3A_188 = vector.extract_strided_slice %get3A_183 {offsets = [0, 64], sizes = [512, 64], strides = [1, 1]} : vector<512x128xf32> to vector<512x64xf32>
    %slice3A_189 = vector.extract_strided_slice %get3A_183 {offsets = [0, 0], sizes = [512, 64], strides = [1, 1]} : vector<512x128xf32> to vector<512x64xf32>
    %broadcast_in_dim3A_190 = vector.shape_cast %ge3A_187 : vector<512x1xi1> to vector<512x1xi1>
    %broadcast_in_dim3A_191 = vector.broadcast %broadcast_in_dim3A_190 : vector<512x1xi1> to vector<512x64xi1>
    %select_n3A_192 = arith.select %broadcast_in_dim3A_191, %slice3A_188, %slice3A_189 : vector<512x64xi1>, vector<512x64xf32>
    %add3A_193 = arith.addf %add3A_178, %select_n3A_192 : vector<512x64xf32>
    %get3A_194 = arith.constant 13 : index
    %get3A_195 = arith.constant 0 : index
    %get3A_196 = arith.constant 0 : index
    %get3A_197 = vector.load %arg3[%get3A_194, %get3A_195, %get3A_196] : memref<20x512x128xf32, #tpu.memory_space<vmem>>, vector<1x512x128xf32>
    %get3A_198 = vector.shape_cast %get3A_197 : vector<1x512x128xf32> to vector<512x128xf32>
    %slice3A_199 = vector.extract_strided_slice %get3A_1 {offsets = [0, 13], sizes = [512, 1], strides = [1, 1]} : vector<512x20xi32> to vector<512x1xi32>
    %ge3A_200 = arith.constant 57344 : i32
    %ge3A_201 = vector.broadcast %ge3A_200 : i32 to vector<512x1xi32>
    %ge3A_202 = arith.cmpi sge, %slice3A_199, %ge3A_201 : vector<512x1xi32>
    %slice3A_203 = vector.extract_strided_slice %get3A_198 {offsets = [0, 64], sizes = [512, 64], strides = [1, 1]} : vector<512x128xf32> to vector<512x64xf32>
    %slice3A_204 = vector.extract_strided_slice %get3A_198 {offsets = [0, 0], sizes = [512, 64], strides = [1, 1]} : vector<512x128xf32> to vector<512x64xf32>
    %broadcast_in_dim3A_205 = vector.shape_cast %ge3A_202 : vector<512x1xi1> to vector<512x1xi1>
    %broadcast_in_dim3A_206 = vector.broadcast %broadcast_in_dim3A_205 : vector<512x1xi1> to vector<512x64xi1>
    %select_n3A_207 = arith.select %broadcast_in_dim3A_206, %slice3A_203, %slice3A_204 : vector<512x64xi1>, vector<512x64xf32>
    %add3A_208 = arith.addf %add3A_193, %select_n3A_207 : vector<512x64xf32>
    %get3A_209 = arith.constant 14 : index
    %get3A_210 = arith.constant 0 : index
    %get3A_211 = arith.constant 0 : index
    %get3A_212 = vector.load %arg3[%get3A_209, %get3A_210, %get3A_211] : memref<20x512x128xf32, #tpu.memory_space<vmem>>, vector<1x512x128xf32>
    %get3A_213 = vector.shape_cast %get3A_212 : vector<1x512x128xf32> to vector<512x128xf32>
    %slice3A_214 = vector.extract_strided_slice %get3A_1 {offsets = [0, 14], sizes = [512, 1], strides = [1, 1]} : vector<512x20xi32> to vector<512x1xi32>
    %ge3A_215 = arith.constant 57344 : i32
    %ge3A_216 = vector.broadcast %ge3A_215 : i32 to vector<512x1xi32>
    %ge3A_217 = arith.cmpi sge, %slice3A_214, %ge3A_216 : vector<512x1xi32>
    %slice3A_218 = vector.extract_strided_slice %get3A_213 {offsets = [0, 64], sizes = [512, 64], strides = [1, 1]} : vector<512x128xf32> to vector<512x64xf32>
    %slice3A_219 = vector.extract_strided_slice %get3A_213 {offsets = [0, 0], sizes = [512, 64], strides = [1, 1]} : vector<512x128xf32> to vector<512x64xf32>
    %broadcast_in_dim3A_220 = vector.shape_cast %ge3A_217 : vector<512x1xi1> to vector<512x1xi1>
    %broadcast_in_dim3A_221 = vector.broadcast %broadcast_in_dim3A_220 : vector<512x1xi1> to vector<512x64xi1>
    %select_n3A_222 = arith.select %broadcast_in_dim3A_221, %slice3A_218, %slice3A_219 : vector<512x64xi1>, vector<512x64xf32>
    %add3A_223 = arith.addf %add3A_208, %select_n3A_222 : vector<512x64xf32>
    %get3A_224 = arith.constant 15 : index
    %get3A_225 = arith.constant 0 : index
    %get3A_226 = arith.constant 0 : index
    %get3A_227 = vector.load %arg3[%get3A_224, %get3A_225, %get3A_226] : memref<20x512x128xf32, #tpu.memory_space<vmem>>, vector<1x512x128xf32>
    %get3A_228 = vector.shape_cast %get3A_227 : vector<1x512x128xf32> to vector<512x128xf32>
    %slice3A_229 = vector.extract_strided_slice %get3A_1 {offsets = [0, 15], sizes = [512, 1], strides = [1, 1]} : vector<512x20xi32> to vector<512x1xi32>
    %ge3A_230 = arith.constant 57344 : i32
    %ge3A_231 = vector.broadcast %ge3A_230 : i32 to vector<512x1xi32>
    %ge3A_232 = arith.cmpi sge, %slice3A_229, %ge3A_231 : vector<512x1xi32>
    %slice3A_233 = vector.extract_strided_slice %get3A_228 {offsets = [0, 64], sizes = [512, 64], strides = [1, 1]} : vector<512x128xf32> to vector<512x64xf32>
    %slice3A_234 = vector.extract_strided_slice %get3A_228 {offsets = [0, 0], sizes = [512, 64], strides = [1, 1]} : vector<512x128xf32> to vector<512x64xf32>
    %broadcast_in_dim3A_235 = vector.shape_cast %ge3A_232 : vector<512x1xi1> to vector<512x1xi1>
    %broadcast_in_dim3A_236 = vector.broadcast %broadcast_in_dim3A_235 : vector<512x1xi1> to vector<512x64xi1>
    %select_n3A_237 = arith.select %broadcast_in_dim3A_236, %slice3A_233, %slice3A_234 : vector<512x64xi1>, vector<512x64xf32>
    %add3A_238 = arith.addf %add3A_223, %select_n3A_237 : vector<512x64xf32>
    %get3A_239 = arith.constant 16 : index
    %get3A_240 = arith.constant 0 : index
    %get3A_241 = arith.constant 0 : index
    %get3A_242 = vector.load %arg3[%get3A_239, %get3A_240, %get3A_241] : memref<20x512x128xf32, #tpu.memory_space<vmem>>, vector<1x512x128xf32>
    %get3A_243 = vector.shape_cast %get3A_242 : vector<1x512x128xf32> to vector<512x128xf32>
    %slice3A_244 = vector.extract_strided_slice %get3A_1 {offsets = [0, 16], sizes = [512, 1], strides = [1, 1]} : vector<512x20xi32> to vector<512x1xi32>
    %ge3A_245 = arith.constant 57344 : i32
    %ge3A_246 = vector.broadcast %ge3A_245 : i32 to vector<512x1xi32>
    %ge3A_247 = arith.cmpi sge, %slice3A_244, %ge3A_246 : vector<512x1xi32>
    %slice3A_248 = vector.extract_strided_slice %get3A_243 {offsets = [0, 64], sizes = [512, 64], strides = [1, 1]} : vector<512x128xf32> to vector<512x64xf32>
    %slice3A_249 = vector.extract_strided_slice %get3A_243 {offsets = [0, 0], sizes = [512, 64], strides = [1, 1]} : vector<512x128xf32> to vector<512x64xf32>
    %broadcast_in_dim3A_250 = vector.shape_cast %ge3A_247 : vector<512x1xi1> to vector<512x1xi1>
    %broadcast_in_dim3A_251 = vector.broadcast %broadcast_in_dim3A_250 : vector<512x1xi1> to vector<512x64xi1>
    %select_n3A_252 = arith.select %broadcast_in_dim3A_251, %slice3A_248, %slice3A_249 : vector<512x64xi1>, vector<512x64xf32>
    %add3A_253 = arith.addf %add3A_238, %select_n3A_252 : vector<512x64xf32>
    %get3A_254 = arith.constant 17 : index
    %get3A_255 = arith.constant 0 : index
    %get3A_256 = arith.constant 0 : index
    %get3A_257 = vector.load %arg3[%get3A_254, %get3A_255, %get3A_256] : memref<20x512x128xf32, #tpu.memory_space<vmem>>, vector<1x512x128xf32>
    %get3A_258 = vector.shape_cast %get3A_257 : vector<1x512x128xf32> to vector<512x128xf32>
    %slice3A_259 = vector.extract_strided_slice %get3A_1 {offsets = [0, 17], sizes = [512, 1], strides = [1, 1]} : vector<512x20xi32> to vector<512x1xi32>
    %ge3A_260 = arith.constant 57344 : i32
    %ge3A_261 = vector.broadcast %ge3A_260 : i32 to vector<512x1xi32>
    %ge3A_262 = arith.cmpi sge, %slice3A_259, %ge3A_261 : vector<512x1xi32>
    %slice3A_263 = vector.extract_strided_slice %get3A_258 {offsets = [0, 64], sizes = [512, 64], strides = [1, 1]} : vector<512x128xf32> to vector<512x64xf32>
    %slice3A_264 = vector.extract_strided_slice %get3A_258 {offsets = [0, 0], sizes = [512, 64], strides = [1, 1]} : vector<512x128xf32> to vector<512x64xf32>
    %broadcast_in_dim3A_265 = vector.shape_cast %ge3A_262 : vector<512x1xi1> to vector<512x1xi1>
    %broadcast_in_dim3A_266 = vector.broadcast %broadcast_in_dim3A_265 : vector<512x1xi1> to vector<512x64xi1>
    %select_n3A_267 = arith.select %broadcast_in_dim3A_266, %slice3A_263, %slice3A_264 : vector<512x64xi1>, vector<512x64xf32>
    %add3A_268 = arith.addf %add3A_253, %select_n3A_267 : vector<512x64xf32>
    %get3A_269 = arith.constant 18 : index
    %get3A_270 = arith.constant 0 : index
    %get3A_271 = arith.constant 0 : index
    %get3A_272 = vector.load %arg3[%get3A_269, %get3A_270, %get3A_271] : memref<20x512x128xf32, #tpu.memory_space<vmem>>, vector<1x512x128xf32>
    %get3A_273 = vector.shape_cast %get3A_272 : vector<1x512x128xf32> to vector<512x128xf32>
    %slice3A_274 = vector.extract_strided_slice %get3A_1 {offsets = [0, 18], sizes = [512, 1], strides = [1, 1]} : vector<512x20xi32> to vector<512x1xi32>
    %ge3A_275 = arith.constant 57344 : i32
    %ge3A_276 = vector.broadcast %ge3A_275 : i32 to vector<512x1xi32>
    %ge3A_277 = arith.cmpi sge, %slice3A_274, %ge3A_276 : vector<512x1xi32>
    %slice3A_278 = vector.extract_strided_slice %get3A_273 {offsets = [0, 64], sizes = [512, 64], strides = [1, 1]} : vector<512x128xf32> to vector<512x64xf32>
    %slice3A_279 = vector.extract_strided_slice %get3A_273 {offsets = [0, 0], sizes = [512, 64], strides = [1, 1]} : vector<512x128xf32> to vector<512x64xf32>
    %broadcast_in_dim3A_280 = vector.shape_cast %ge3A_277 : vector<512x1xi1> to vector<512x1xi1>
    %broadcast_in_dim3A_281 = vector.broadcast %broadcast_in_dim3A_280 : vector<512x1xi1> to vector<512x64xi1>
    %select_n3A_282 = arith.select %broadcast_in_dim3A_281, %slice3A_278, %slice3A_279 : vector<512x64xi1>, vector<512x64xf32>
    %add3A_283 = arith.addf %add3A_268, %select_n3A_282 : vector<512x64xf32>
    %get3A_284 = arith.constant 19 : index
    %get3A_285 = arith.constant 0 : index
    %get3A_286 = arith.constant 0 : index
    %get3A_287 = vector.load %arg3[%get3A_284, %get3A_285, %get3A_286] : memref<20x512x128xf32, #tpu.memory_space<vmem>>, vector<1x512x128xf32>
    %get3A_288 = vector.shape_cast %get3A_287 : vector<1x512x128xf32> to vector<512x128xf32>
    %slice3A_289 = vector.extract_strided_slice %get3A_1 {offsets = [0, 19], sizes = [512, 1], strides = [1, 1]} : vector<512x20xi32> to vector<512x1xi32>
    %ge3A_290 = arith.constant 57344 : i32
    %ge3A_291 = vector.broadcast %ge3A_290 : i32 to vector<512x1xi32>
    %ge3A_292 = arith.cmpi sge, %slice3A_289, %ge3A_291 : vector<512x1xi32>
    %slice3A_293 = vector.extract_strided_slice %get3A_288 {offsets = [0, 64], sizes = [512, 64], strides = [1, 1]} : vector<512x128xf32> to vector<512x64xf32>
    %slice3A_294 = vector.extract_strided_slice %get3A_288 {offsets = [0, 0], sizes = [512, 64], strides = [1, 1]} : vector<512x128xf32> to vector<512x64xf32>
    %broadcast_in_dim3A_295 = vector.shape_cast %ge3A_292 : vector<512x1xi1> to vector<512x1xi1>
    %broadcast_in_dim3A_296 = vector.broadcast %broadcast_in_dim3A_295 : vector<512x1xi1> to vector<512x64xi1>
    %select_n3A_297 = arith.select %broadcast_in_dim3A_296, %slice3A_293, %slice3A_294 : vector<512x64xi1>, vector<512x64xf32>
    %add3A_298 = arith.addf %add3A_283, %select_n3A_297 : vector<512x64xf32>
    %ne3A = arith.constant 0 : i32
    %ne3A_299 = vector.broadcast %ne3A : i32 to vector<512x20xi32>
    %ne3A_300 = arith.cmpi ne, %get3A_1, %ne3A_299 : vector<512x20xi32>
    %convert_element_type3A = arith.extui %ne3A_300 : vector<512x20xi1> to vector<512x20xi32>
    %convert_element_type3A_301 = arith.sitofp %convert_element_type3A : vector<512x20xi32> to vector<512x20xf32>
    %reduce_sum3A = arith.constant dense<0.000000e+00> : vector<512xf32>
    %reduce_sum3A_302 = vector.multi_reduction <add>, %convert_element_type3A_301, %reduce_sum3A [1] : vector<512x20xf32> to vector<512xf32>
    %sub3A = arith.constant 2.000000e+01 : f32
    %sub3A_303 = vector.broadcast %sub3A : f32 to vector<512xf32>
    %sub3A_304 = arith.subf %sub3A_303, %reduce_sum3A_302 : vector<512xf32>
    %get3A_305 = arith.constant 0 : index
    %get3A_306 = arith.constant 0 : index
    %get3A_307 = vector.load %arg5[%get3A_305, %get3A_306] : memref<1x128xf32, #tpu.memory_space<vmem>>, vector<1x64xf32>
    %broadcast_in_dim3A_308 = vector.shape_cast %sub3A_304 : vector<512xf32> to vector<512x1xf32>
    %mul3A = vector.broadcast %broadcast_in_dim3A_308 : vector<512x1xf32> to vector<512x64xf32>
    %mul3A_309 = vector.broadcast %get3A_307 : vector<1x64xf32> to vector<512x64xf32>
    %mul3A_310 = arith.mulf %mul3A, %mul3A_309 : vector<512x64xf32>
    %sub3A_311 = arith.subf %add3A_298, %mul3A_310 : vector<512x64xf32>
    %max3A = arith.constant 1.000000e+00 : f32
    %max3A_312 = vector.broadcast %max3A : f32 to vector<512xf32>
    %max3A_313 = arith.maximumf %reduce_sum3A_302, %max3A_312 : vector<512xf32>
    %broadcast_in_dim3A_314 = vector.shape_cast %max3A_313 : vector<512xf32> to vector<512x1xf32>
    %div3A = vector.broadcast %broadcast_in_dim3A_314 : vector<512x1xf32> to vector<512x64xf32>
    %div3A_315 = arith.divf %sub3A_311, %div3A : vector<512x64xf32>
    %get3A_316 = arith.constant 0 : index
    %get3A_317 = arith.constant 0 : index
    %get3A_318 = vector.load %arg4[%get3A_316, %get3A_317] : memref<512x128xf32, #tpu.memory_space<vmem>>, vector<512x128xf32>
    %get3A_319 = arith.constant 0 : index
    %get3A_320 = arith.constant 0 : index
    %get3A_321 = vector.load %arg2[%get3A_319, %get3A_320] : memref<512x9xi32, #tpu.memory_space<vmem>>, vector<512x9xi32>
    %slice3A_322 = vector.extract_strided_slice %get3A_321 {offsets = [0, 8], sizes = [512, 1], strides = [1, 1]} : vector<512x9xi32> to vector<512x1xi32>
    %ge3A_323 = arith.constant 57344 : i32
    %ge3A_324 = vector.broadcast %ge3A_323 : i32 to vector<512x1xi32>
    %ge3A_325 = arith.cmpi sge, %slice3A_322, %ge3A_324 : vector<512x1xi32>
    %slice3A_326 = vector.extract_strided_slice %get3A_318 {offsets = [0, 64], sizes = [512, 64], strides = [1, 1]} : vector<512x128xf32> to vector<512x64xf32>
    %slice3A_327 = vector.extract_strided_slice %get3A_318 {offsets = [0, 0], sizes = [512, 64], strides = [1, 1]} : vector<512x128xf32> to vector<512x64xf32>
    %broadcast_in_dim3A_328 = vector.shape_cast %ge3A_325 : vector<512x1xi1> to vector<512x1xi1>
    %broadcast_in_dim3A_329 = vector.broadcast %broadcast_in_dim3A_328 : vector<512x1xi1> to vector<512x64xi1>
    %select_n3A_330 = arith.select %broadcast_in_dim3A_329, %slice3A_326, %slice3A_327 : vector<512x64xi1>, vector<512x64xf32>
    %get3A_331 = arith.constant 0 : index
    %get3A_332 = arith.constant 0 : index
    %get3A_333 = vector.load %arg2[%get3A_331, %get3A_332] : memref<512x9xi32, #tpu.memory_space<vmem>>, vector<512x9xi32>
    %slice3A_334 = vector.extract_strided_slice %get3A_333 {offsets = [0, 0], sizes = [512, 8], strides = [1, 1]} : vector<512x9xi32> to vector<512x8xi32>
    %iota3A = tpu.iota {dimensions = array<i32: 2>} : vector<1x1x32xi32>
    %broadcast_in_dim3A_335 = vector.shape_cast %slice3A_334 : vector<512x8xi32> to vector<512x8x1xi32>
    %eq3A = vector.broadcast %broadcast_in_dim3A_335 : vector<512x8x1xi32> to vector<512x8x32xi32>
    %eq3A_336 = vector.broadcast %iota3A : vector<1x1x32xi32> to vector<512x8x32xi32>
    %eq3A_337 = arith.cmpi eq, %eq3A, %eq3A_336 : vector<512x8x32xi32>
    %broadcast_in_dim3A_338 = vector.shape_cast %slice3A_334 : vector<512x8xi32> to vector<512x8x1xi32>
    %ne3A_339 = arith.constant 0 : i32
    %ne3A_340 = vector.broadcast %ne3A_339 : i32 to vector<512x8x1xi32>
    %ne3A_341 = arith.cmpi ne, %broadcast_in_dim3A_338, %ne3A_340 : vector<512x8x1xi32>
    %and3A = vector.broadcast %ne3A_341 : vector<512x8x1xi1> to vector<512x8x32xi1>
    %and3A_342 = arith.andi %eq3A_337, %and3A : vector<512x8x32xi1>
    %convert_element_type3A_343 = arith.extui %and3A_342 : vector<512x8x32xi1> to vector<512x8x32xi32>
    %convert_element_type3A_344 = arith.sitofp %convert_element_type3A_343 : vector<512x8x32xi32> to vector<512x8x32xf32>
    %reduce_sum3A_345 = arith.constant dense<0.000000e+00> : vector<512x32xf32>
    %reduce_sum3A_346 = vector.multi_reduction <add>, %convert_element_type3A_344, %reduce_sum3A_345 [1] : vector<512x8x32xf32> to vector<512x32xf32>
    %ne3A_347 = arith.constant 0 : i32
    %ne3A_348 = vector.broadcast %ne3A_347 : i32 to vector<512x8xi32>
    %ne3A_349 = arith.cmpi ne, %slice3A_334, %ne3A_348 : vector<512x8xi32>
    %convert_element_type3A_350 = arith.extui %ne3A_349 : vector<512x8xi1> to vector<512x8xi32>
    %convert_element_type3A_351 = arith.sitofp %convert_element_type3A_350 : vector<512x8xi32> to vector<512x8xf32>
    %reduce_sum3A_352 = arith.constant dense<0.000000e+00> : vector<512xf32>
    %reduce_sum3A_353 = vector.multi_reduction <add>, %convert_element_type3A_351, %reduce_sum3A_352 [1] : vector<512x8xf32> to vector<512xf32>
    %get3A_354 = arith.constant 0 : index
    %get3A_355 = arith.constant 0 : index
    %get3A_356 = vector.load %arg6[%get3A_354, %get3A_355] : memref<32x32xf32, #tpu.memory_space<vmem>>, vector<32x32xf32>
    %dot_general3A = arith.constant dense<0.000000e+00> : vector<512x32xf32>
    %dot_general3A_357 = tpu.matmul %reduce_sum3A_346, %get3A_356, %dot_general3A {dimension_numbers = #tpu.dot_dimension_numbers<[1], [0], [0], [1], [0, 0, 1, 1], [], []>, transpose_lhs_hint = false} : vector<512x32xf32>, vector<32x32xf32>, vector<512x32xf32> -> vector<512x32xf32>
    %max3A_358 = arith.constant 1.000000e+00 : f32
    %max3A_359 = vector.broadcast %max3A_358 : f32 to vector<512xf32>
    %max3A_360 = arith.maximumf %reduce_sum3A_353, %max3A_359 : vector<512xf32>
    %broadcast_in_dim3A_361 = vector.shape_cast %max3A_360 : vector<512xf32> to vector<512x1xf32>
    %div3A_362 = vector.broadcast %broadcast_in_dim3A_361 : vector<512x1xf32> to vector<512x32xf32>
    %div3A_363 = arith.divf %dot_general3A_357, %div3A_362 : vector<512x32xf32>
    %get3A_364 = arith.constant 0 : index
    %get3A_365 = arith.constant 0 : index
    %get3A_366 = vector.load %arg7[%get3A_364, %get3A_365] : memref<160x64xf32, #tpu.memory_space<vmem>>, vector<160x64xf32>
    %slice3A_367 = vector.extract_strided_slice %get3A_366 {offsets = [0, 0], sizes = [64, 64], strides = [1, 1]} : vector<160x64xf32> to vector<64x64xf32>
    %dot_general3A_368 = arith.constant dense<0.000000e+00> : vector<512x64xf32>
    %dot_general3A_369 = tpu.matmul %div3A_315, %slice3A_367, %dot_general3A_368 {dimension_numbers = #tpu.dot_dimension_numbers<[1], [0], [0], [1], [0, 0, 1, 1], [], []>, transpose_lhs_hint = false} : vector<512x64xf32>, vector<64x64xf32>, vector<512x64xf32> -> vector<512x64xf32>
    %slice3A_370 = vector.extract_strided_slice %get3A_366 {offsets = [64, 0], sizes = [64, 64], strides = [1, 1]} : vector<160x64xf32> to vector<64x64xf32>
    %dot_general3A_371 = arith.constant dense<0.000000e+00> : vector<512x64xf32>
    %dot_general3A_372 = tpu.matmul %select_n3A_330, %slice3A_370, %dot_general3A_371 {dimension_numbers = #tpu.dot_dimension_numbers<[1], [0], [0], [1], [0, 0, 1, 1], [], []>, transpose_lhs_hint = false} : vector<512x64xf32>, vector<64x64xf32>, vector<512x64xf32> -> vector<512x64xf32>
    %add3A_373 = arith.addf %dot_general3A_369, %dot_general3A_372 : vector<512x64xf32>
    %slice3A_374 = vector.extract_strided_slice %get3A_366 {offsets = [128, 0], sizes = [32, 64], strides = [1, 1]} : vector<160x64xf32> to vector<32x64xf32>
    %dot_general3A_375 = arith.constant dense<0.000000e+00> : vector<512x64xf32>
    %dot_general3A_376 = tpu.matmul %div3A_363, %slice3A_374, %dot_general3A_375 {dimension_numbers = #tpu.dot_dimension_numbers<[1], [0], [0], [1], [0, 0, 1, 1], [], []>, transpose_lhs_hint = false} : vector<512x32xf32>, vector<32x64xf32>, vector<512x64xf32> -> vector<512x64xf32>
    %add3A_377 = arith.addf %add3A_373, %dot_general3A_376 : vector<512x64xf32>
    %get3A_378 = arith.constant 0 : index
    %get3A_379 = arith.constant 0 : index
    %get3A_380 = vector.load %arg8[%get3A_378, %get3A_379] : memref<1x64xf32, #tpu.memory_space<vmem>>, vector<1x64xf32>
    %add3A_381 = vector.broadcast %get3A_380 : vector<1x64xf32> to vector<512x64xf32>
    %add3A_382 = arith.addf %add3A_377, %add3A_381 : vector<512x64xf32>
    %max3A_383 = arith.constant 0.000000e+00 : f32
    %max3A_384 = vector.broadcast %max3A_383 : f32 to vector<512x64xf32>
    %max3A_385 = arith.maximumf %add3A_382, %max3A_384 : vector<512x64xf32>
    %get3A_386 = arith.constant 0 : index
    %get3A_387 = arith.constant 0 : index
    %get3A_388 = vector.load %arg9[%get3A_386, %get3A_387] : memref<64x32xf32, #tpu.memory_space<vmem>>, vector<64x32xf32>
    %dot_general3A_389 = arith.constant dense<0.000000e+00> : vector<512x32xf32>
    %dot_general3A_390 = tpu.matmul %max3A_385, %get3A_388, %dot_general3A_389 {dimension_numbers = #tpu.dot_dimension_numbers<[1], [0], [0], [1], [0, 0, 1, 1], [], []>, transpose_lhs_hint = false} : vector<512x64xf32>, vector<64x32xf32>, vector<512x32xf32> -> vector<512x32xf32>
    %get3A_391 = arith.constant 0 : index
    %get3A_392 = arith.constant 0 : index
    %get3A_393 = vector.load %arg10[%get3A_391, %get3A_392] : memref<1x32xf32, #tpu.memory_space<vmem>>, vector<1x32xf32>
    %add3A_394 = vector.broadcast %get3A_393 : vector<1x32xf32> to vector<512x32xf32>
    %add3A_395 = arith.addf %dot_general3A_390, %add3A_394 : vector<512x32xf32>
    %max3A_396 = arith.constant 0.000000e+00 : f32
    %max3A_397 = vector.broadcast %max3A_396 : f32 to vector<512x32xf32>
    %max3A_398 = arith.maximumf %add3A_395, %max3A_397 : vector<512x32xf32>
    %mul3A_399 = arith.mulf %max3A_398, %max3A_398 : vector<512x32xf32>
    %reduce_sum3A_400 = arith.constant dense<0.000000e+00> : vector<512xf32>
    %reduce_sum3A_401 = vector.multi_reduction <add>, %mul3A_399, %reduce_sum3A_400 [1] : vector<512x32xf32> to vector<512xf32>
    %broadcast_in_dim3A_402 = vector.shape_cast %reduce_sum3A_401 : vector<512xf32> to vector<512x1xf32>
    %max3A_403 = arith.constant 9.99999996E-13 : f32
    %max3A_404 = vector.broadcast %max3A_403 : f32 to vector<512x1xf32>
    %max3A_405 = arith.maximumf %broadcast_in_dim3A_402, %max3A_404 : vector<512x1xf32>
    %rsqrt3A = math.rsqrt %max3A_405 : vector<512x1xf32>
    %mul3A_406 = vector.broadcast %rsqrt3A : vector<512x1xf32> to vector<512x32xf32>
    %mul3A_407 = arith.mulf %max3A_398, %mul3A_406 : vector<512x32xf32>
    %swap3A = arith.constant 0 : index
    %swap3A_408 = arith.constant 0 : index
    %swap3A_409 = vector.load %arg11[%swap3A, %swap3A_408] : memref<512x32xf32, #tpu.memory_space<vmem>>, vector<512x32xf32>
    tpu.vector_store %arg11[%swap3A, %swap3A_408], %mul3A_407 {strides = array<i32>} : memref<512x32xf32, #tpu.memory_space<vmem>>, vector<512x32xf32>,
    return
  }
  func.func @transform_0(%arg0: i32) -> (i32, i32) {
    %add3A = arith.constant 0 : i32
    %add3A_0 = arith.addi %arg0, %add3A : i32
    %c0_i32 = arith.constant 0 : i32
    %c0_i32_1 = arith.constant 0 : i32
    return %add3A_0, %c0_i32 : i32, i32
  }
  func.func @transform_1(%arg0: i32) -> (i32, i32) {
    %add3A = arith.constant 0 : i32
    %add3A_0 = arith.addi %arg0, %add3A : i32
    %c0_i32 = arith.constant 0 : i32
    %c0_i32_1 = arith.constant 0 : i32
    return %add3A_0, %c0_i32 : i32, i32
  }
  func.func @transform_2(%arg0: i32) -> (i32, i32, i32) {
    %c0_i32 = arith.constant 0 : i32
    %c0_i32_0 = arith.constant 0 : i32
    %c0_i32_1 = arith.constant 0 : i32
    return %c0_i32, %arg0, %c0_i32_0 : i32, i32, i32
  }
  func.func @transform_3(%arg0: i32) -> (i32, i32) {
    %c0_i32 = arith.constant 0 : i32
    %c0_i32_0 = arith.constant 0 : i32
    return %arg0, %c0_i32 : i32, i32
  }
  func.func @transform_4(%arg0: i32) -> (i32, i32) {
    %c0_i32 = arith.constant 0 : i32
    %c0_i32_0 = arith.constant 0 : i32
    %c0_i32_1 = arith.constant 0 : i32
    return %c0_i32, %c0_i32_0 : i32, i32
  }
  func.func @transform_5(%arg0: i32) -> (i32, i32) {
    %c0_i32 = arith.constant 0 : i32
    %c0_i32_0 = arith.constant 0 : i32
    %c0_i32_1 = arith.constant 0 : i32
    return %c0_i32, %c0_i32_0 : i32, i32
  }
  func.func @transform_6(%arg0: i32) -> (i32, i32) {
    %c0_i32 = arith.constant 0 : i32
    %c0_i32_0 = arith.constant 0 : i32
    %c0_i32_1 = arith.constant 0 : i32
    return %c0_i32, %c0_i32_0 : i32, i32
  }
  func.func @transform_7(%arg0: i32) -> (i32, i32) {
    %c0_i32 = arith.constant 0 : i32
    %c0_i32_0 = arith.constant 0 : i32
    %c0_i32_1 = arith.constant 0 : i32
    return %c0_i32, %c0_i32_0 : i32, i32
  }
  func.func @transform_8(%arg0: i32) -> (i32, i32) {
    %c0_i32 = arith.constant 0 : i32
    %c0_i32_0 = arith.constant 0 : i32
    %c0_i32_1 = arith.constant 0 : i32
    return %c0_i32, %c0_i32_0 : i32, i32
  }
  func.func @transform_9(%arg0: i32) -> (i32, i32) {
    %c0_i32 = arith.constant 0 : i32
    %c0_i32_0 = arith.constant 0 : i32
    %c0_i32_1 = arith.constant 0 : i32
    return %c0_i32, %c0_i32_0 : i32, i32
  }
  func.func @transform_10(%arg0: i32) -> (i32, i32) {
    %c0_i32 = arith.constant 0 : i32
    %c0_i32_0 = arith.constant 0 : i32
    return %arg0, %c0_i32 : i32, i32
  }
}

</mosaic_0001>

<sc_bundles>
// kernel: kernel.10.cloned.1.call-start
scs
__scs_entry_jumppad:
0x0: {  	(pc) =	sbr.rel $0x88, $3  }
0x1: {  	(tag) =	ssettag $0x0;
	lr =	simm.s32 $0x1  }
0x2: {  	[smem:$0x3F97] =	sst lr;
	_ =	strace $0xD0000000  }
0x3: {  	_ = 	snop  }
0x4: {  	_ = 	snop  }
0x5: {  	_ = 	snop  }
0x6: {  	_ = 	snop  }
0x7: {  	_ = 	snop  }
__scs_overlays_trampoline_lowered:
0x8: {  	[smem:$0x3FA6] =	sst s0  }
0x9: {  	[smem:$0x3FA7] =	sst s1  }
0xa: {  	[smem:$0x3FA8] =	sst s2  }
0xb: {  	[smem:$0x3FA9] =	sst s3  }
0xc: {  	[smem:$0x3FAA] =	sst s4  }
0xd: {  	[smem:$0x3FAB] =	sst s5  }
0xe: {  	[smem:$0x3FAC] =	sst s6  }
0xf: {  	[smem:$0x3FAD] =	sst s7  }
0x10: {  	[smem:$0x3FAE] =	sst s8  }
0x11: {  	[smem:$0x3FAF] =	sst s9;
	s0 =	simm.s32 @!p0 $0x0  }
0x12: {  	s1 =	sld [smem:$0x3F95];
	s0 =	simm.s32 @p0 $0x1  }
0x13: {  	[smem:$0x3FB0] =	sst s0;
	s0 =	simm.s32 @!p1 $0x0  }
0x14: {  	s2 =	sld [smem:$0x3F94];
	s0 =	simm.s32 @p1 $0x1  }
0x15: {  	[smem:$0x3FB1] =	sst s0;
	s0 =	simm.s32 @!p2 $0x0  }
0x16: {  	s3 =	sld [smem:$0x3FDB];
	s0 =	simm.s32 @p2 $0x1  }
0x17: {  	s4 =	simm.s32 $0x1BF5;
	[smem:$0x3FB3] =	sst s0  }
0x18: {  	s0 =	sld [smem:$0x3F96];
	_ =	swait.ge [sflag:s4], $0x0  }
0x19: {  	s7 =	sld [smem:$0x3F97]  }
0x1a: {  	s8 =	sadd.s32 $0xFFFFE003, lr  }
0x1b: {  	s9 =	sadd.s32 $0xFFFFFEF7, lr;
	s5 =	simm.s32 $0xFFFFFFFF;
	p2 =	slt.u32 s8, $0xFFFFF086  }
0x1c: {  	p1 =	slt.u32 s9, $0xF7A;
	s5 =	simm.s32 @!p2 $0x0  }
0x1d: {  	s5 =	simm.s32 @p1 $0x1;
	p0 =	seq.s32 s7, s2  }
0x1e: {  	s7 =	smul.u32 @!p0 $0xF7A, s2;
	p2 =	seq.s32 @!p0 s5, $0x0  }
0x1f: {  	s9 =	smul.u32 $0xF7A, s1;
	s8 =	simm.s32 @!p0 $0x1BF5;
	p2 =	por !p2, p0  }
0x20: {  	[sflag:s8] =	ssyncset.s32 @!p0 $0xFFFFF086;
	s6 =	sadd.s32 @!p0 s3, s7;
	s7 =	simm.s32 @!p0 $0x108  }
0x21: {  	s3 =	sadd.s32 s3, s9;
	s6 =	sadd.s32 @!p0 $0x88, s6;
	s7 =	simm.s32 @p2 $0x1082  }
0x22: {  	[simem:s7], [sflag:s8] =	dma.local @!p0 [hbm:s6], $0xF7A  }
0x23: {  	s9 =	sor.u32 $0xD0000000, s2;
	s6 =	simm.s32 $0x108;
	_ =	swait.ge @!p0 [sflag:s8], $0x0  }
0x24: {  	s3 =	sadd.s32 $0x88, s3;
	s6 =	simm.s32 @!p1 $0x1082;
	[sflag:s4] =	ssyncset.s32 $0xFFFFF086  }
0x25: {  	[simem:s6], [sflag:s4] =	dma.local [hbm:s3], $0xF7A  }
0x26: {  	[smem:$0x3F97] =	sst s1;
	(tag) =	ssettag s2;
	_ =	strace s9  }
0x27: {  	s1 =	sld [smem:$0x3FA7]  }
0x28: {  	s2 =	sld [smem:$0x3FA8]  }
0x29: {  	s4 =	sld [smem:$0x3FAA]  }
0x2a: {  	p0 =	seq.s32 s5, $0x0;
	s5 =	sld [smem:$0x3FAB]  }
0x2b: {  	s6 =	sld [smem:$0x3FAC]  }
0x2c: {  	s7 =	sld [smem:$0x3FAD]  }
0x2d: {  	s3 =	simm.s32 $0x108;
	s8 =	sld [smem:$0x3FAE]  }
0x2e: {  	s3 =	simm.s32 @!p0 $0x1082;
	s9 =	sld [smem:$0x3FAF]  }
0x2f: {  	lr =	sadd.s32 s0, s3;
	s0 =	sld [smem:$0x3FA6]  }
0x30: {  	s3 =	sld [smem:$0x3FA9]  }
0x31: {  	[smem:$0x3FB2] =	sst s10  }
0x32: {  	s10 =	sld [smem:$0x3FB0];
	_ =	sdelay $0x3  }
0x33: {  	p0 =	seq.s32 s10, $0x1;
	s10 =	sld [smem:$0x3FB2];
	_ =	sdelay $0x3  }
0x34: {  	[smem:$0x3FB2] =	sst s10  }
0x35: {  	s10 =	sld [smem:$0x3FB1];
	_ =	sdelay $0x3  }
0x36: {  	p1 =	seq.s32 s10, $0x1;
	s10 =	sld [smem:$0x3FB2];
	_ =	sdelay $0x3  }
0x37: {  	[smem:$0x3FB2] =	sst s10  }
0x38: {  	s10 =	sld [smem:$0x3FB3]  }
0x39: {  	_ = 	snop;
	(pc) =	sbr.ind lr, $3  }
0x3a: {  	_ = 	snop  }
0x3b: {  	_ = 	snop  }
0x3c: {  	p2 =	seq.s32 s10, $0x1;
	s10 =	sld [smem:$0x3FB2]  }
0x3d: {  	_ =	shalt  }
0x3e: {  	_ =	shalt  }
0x3f: {  	_ =	shalt  }
0x40: {  	_ =	shalt  }
0x41: {  	_ =	shalt  }
0x42: {  	_ =	shalt  }
0x43: {  	_ =	shalt  }
0x44: {  	_ =	shalt  }
0x45: {  	_ =	shalt  }
0x46: {  	_ =	shalt  }
0x47: {  	_ =	shalt  }
0x48: {  	_ =	shalt  }
0x49: {  	_ =	shalt  }
0x4a: {  	_ =	shalt  }
0x4b: {  	_ =	shalt  }
0x4c: {  	_ =	shalt  }
0x4d: {  	_ =	shalt  }
0x4e: {  	_ =	shalt  }
0x4f: {  	_ =	shalt  }
0x50: {  	_ =	shalt  }
0x51: {  	_ =	shalt  }
0x52: {  	_ =	shalt  }
0x53: {  	_ =	shalt  }
0x54: {  	_ =	shalt  }
0x55: {  	_ =	shalt  }
0x56: {  	_ =	shalt  }
0x57: {  	_ =	shalt  }
0x58: {  	_ =	shalt  }
0x59: {  	_ =	shalt  }
0x5a: {  	_ =	shalt  }
0x5b: {  	_ =	shalt  }
0x5c: {  	_ =	shalt  }
0x5d: {  	_ =	shalt  }
0x5e: {  	_ =	shalt  }
0x5f: {  	_ =	shalt  }
0x60: {  	_ =	shalt  }
0x61: {  	_ =	shalt  }
0x62: {  	_ =	shalt  }
0x63: {  	_ =	shalt  }
0x64: {  	_ =	shalt  }
0x65: {  	_ =	shalt  }
0x66: {  	_ =	shalt  }
0x67: {  	_ =	shalt  }
0x68: {  	_ =	shalt  }
0x69: {  	_ =	shalt  }
0x6a: {  	_ =	shalt  }
0x6b: {  	_ =	shalt  }
0x6c: {  	_ =	shalt  }
0x6d: {  	_ =	shalt  }
0x6e: {  	_ =	shalt  }
0x6f: {  	_ =	shalt  }
0x70: {  	_ =	shalt  }
0x71: {  	_ =	shalt  }
0x72: {  	_ =	shalt  }
0x73: {  	_ =	shalt  }
0x74: {  	_ =	shalt  }
0x75: {  	_ =	shalt  }
0x76: {  	_ =	shalt  }
0x77: {  	_ =	shalt  }
0x78: {  	_ =	shalt  }
0x79: {  	_ =	shalt  }
0x7a: {  	_ =	shalt  }
0x7b: {  	_ =	shalt  }
0x7c: {  	_ =	shalt  }
0x7d: {  	_ =	shalt  }
0x7e: {  	_ =	shalt  }
0x7f: {  	_ =	shalt  }
0x80: {  	_ =	shalt  }
0x81: {  	_ =	shalt  }
0x82: {  	_ =	shalt  }
0x83: {  	_ =	shalt  }
0x84: {  	_ =	shalt  }
0x85: {  	_ =	shalt  }
0x86: {  	_ =	shalt  }
0x87: {  	_ =	shalt  }
.Lfunc_end0:
.L_simem_size_0:
called_computation_lowered:
.L_overlay_start_0:
0x88: {  	s2 =	sld [smem:$0x3FD9]  }
0x89: {  	s3 =	sld [smem:$0x3FFE];
	_ =	sdelay $0x1  }
0x8a: {  	s1 =	srdreg.scid  }
0x8b: {  	s0 =	sand.u32 $0x1, s1  }
0x8c: {  	s17 =	sshll.u32 s0, $0xA;
	s2 =	sadd.s32 s3, s2  }
0x8d: {  	s2 =	sadd.s32 s2, s17  }
0x8e: {  	[smem:$0x3FBE] =	sst s2  }
0x8f: {  	_ = 	snop  }
0x90: {  	(tm) =	ssettm $0x1  }
0x91: {  	s18 =	sld [smem:$0x3FFB];
	_ =	sdelay $0x3  }
0x92: {  	_ =	strace s18  }
0x93: {  	s2 =	sld [smem:$0x3FFC];
	_ =	sdelay $0x3  }
0x94: {  	_ =	strace s2  }
0x95: {  	s2 =	sld [smem:$0x3FFD];
	_ =	sdelay $0x3  }
0x96: {  	_ =	strace s2  }
0x97: {  	_ =	strace $0x8FFFFFFF  }
0x98: {  	s19 =	sld [smem:$0x3FDB];
	_ =	sdelay $0x1  }
0x99: {  	s20 =	simm.s32 $_scs_section_size  }
0x9a: {  	s4 =	simm.s32 $_size__tile_overlayer_lowered;
	s5 =	simm.s32 $_tile_overlayer_lowered  }
0x9b: {  	s6 =	simm.s32 $0x1BFF;
	s21 =	sshll.u32 s5, $0x1;
	s3 =	sadd.s32 s20, s19  }
0x9c: {  	s22 =	simm.s32 $0x0;
	s4 =	sshll.u32 s4, $0x1;
	s5 =	sadd.s32 s21, s3  }
0x9d: {  	[timem:s22], [sflag:s6] =	dma.local [hbm:s5], s4  }
0x9e: {  	_ =	swait.ge [sflag:s6], s4  }
0x9f: {  	s4 =	ssub.s32 $0x0, s4;
	[sflag:s6] =	ssyncset.done $0x0  }
0xa0: {  	[sflag:s6] =	ssyncadd.s32 s4;
	_ =	sdelay $0x1  }
0xa1: {  	s23 =	simm.s32 $0x1B8B  }
0xa2: {  	_ =	swait.ge [sflag:s23], $0x1  }
0xa3: {  	[sflag:s23] =	ssyncset.done $0x0  }
0xa4: {  	[sflag:s23] =	ssyncadd.s32 $0xFFFFFFFF  }
0xa5: {  	s4 =	sld [smem:$0x0]  }
0xa6: {  	s5 =	sand.u32 $0xFFFFFFFE, s1  }
0xa7: {  	p0 =	sne.s32 s1, s5  }
0xa8: {  	s5 =	sshll.u32 @p0 s5, $0xE  }
0xa9: {  	s5 =	sadd.s32 @p0 $0x11B8D, s5;
	s6 =	sshll.u32 @p0 s4, $0x11  }
0xaa: {  	s5 =	sor.u32 @p0 s6, s5  }
0xab: {  	[sflag:s5] =	ssyncadd.remote.s32 @p0 $0x1;
	_ =	sdelay $0x1  }
0xac: {  	s5 =	simm.s32 @p0 $0x1B8D  }
0xad: {  	_ =	swait.eq @p0 [sflag:s5], $0x1  }
0xae: {  	[sflag:s5] =	ssyncadd.s32 @p0 $0xFFFFFFFF  }
0xaf: {  	s6 =	sshll.u32 @!p0 s1, $0xE  }
0xb0: {  	s6 =	sor.u32 @!p0 $0x4000, s6;
	s5 =	simm.s32 @!p0 $0x1B8D  }
0xb1: {  	s4 =	sshll.u32 @!p0 s4, $0x11;
	s6 =	sadd.s32 @!p0 $0x11B8D, s6;
	_ =	swait.eq @!p0 [sflag:s5], $0x1  }
0xb2: {  	s4 =	sor.u32 @!p0 s4, s6;
	[sflag:s5] =	ssyncadd.s32 @!p0 $0xFFFFFFFF  }
0xb3: {  	s25 =	simm.s32 $0x1B8E;
	s24 =	sld [smem:$0x3FFE];
	[sflag:s4] =	ssyncadd.remote.s32 @!p0 $0x1  }
0xb4: {  	s26 =	simm.s32 $execute0_lowered;
	[smem:$0x3FD2] =	sst s25  }
0xb5: {  	s5 =	sshll.u32 s26, $0x1;
	_ =	strace $0x8000005A;
	[dreg:$0x1] =	wrdreg $0xFFFFFFFF  }
0xb6: {  	s28 =	simm.s32 $_size_execute0_lowered;
	s3 =	sadd.s32 s3, s5;
	[dreg:$0x0] =	wrdreg $0x0  }
0xb7: {  	s5 =	sshll.u32 s28, $0x1;
	[dreg:$0x2] =	wrdreg s3  }
0xb8: {  	[dreg:$0x3] =	wrdreg s5  }
0xb9: {  	[dreg:$0x4] =	wrdreg $0xC0  }
0xba: {  	_ =	task [dreg:s22], $0x5FFFF  }
0xbb: {  	[dreg:$0x1] =	wrdreg $0xFFFFFFFF  }
0xbc: {  	[dreg:$0x0] =	wrdreg $0x60  }
0xbd: {  	[dreg:$0x2] =	wrdreg s24  }
0xbe: {  	[dreg:$0x3] =	wrdreg $0x9  }
0xbf: {  	_ =	task.clear_ibuf [dreg:s22], $0x4FFFF;
	_ =	strace $0x9000005A  }
0xc0: {  	s29 =	simm.s32 $0x9;
	_ =	strace $0x80000063  }
0xc1: {  	_ =	swait.ge [sflag:s29], $0x1  }
0xc2: {  	[sflag:s29] =	ssyncadd.s32 $0xFFFFFFFF  }
0xc3: {  	_ =	strace $0x90000063  }
0xc4: {  	_ =	sfence  }
0xc5: {  	s30 =	sld [smem:$0x0];
	_ =	sdelay $0x2  }
0xc6: {  	s31 =	sshll.u32 s1, $0xD;
	s1 =	sshrl.u32 s1, $0x2  }
0xc7: {  	s4 =	sand.u32 $0x4000, s31;
	s1 =	sadd.s32 s1, s30  }
0xc8: {  	s0 =	sor.u32 s4, s0;
	s1 =	sshll.u32 s1, $0x11  }
0xc9: {  	s0 =	sor.u32 s1, s0  }
0xca: {  	s0 =	sadd.s32 $0x8F2B, s0  }
0xcb: {  	[sflag:s0] =	ssyncadd.remote.s32 $0x1  }
0xcc: {  	_ =	sfence.sel $0xFFFF  }
0xcd: {  	[dreg:$0x0] =	wrdreg $0xFFFFFFFF;
	(pc) =	sbr.abs _section_cstart, $3  }
0xce: {  	[dreg:$0x1] =	wrdreg $0xFFFFFFFF  }
0xcf: {  	_ =	task.clear_ibuf [dreg:s22], $0x2FFFF;
	_ =	strace $0x9FFFFFFF  }
0xd0: {  	(tm) =	ssettm $0x7FFFFFFF  }
0xd1: {  	_ =	shalt  }
tec
execute0_lowered:
.L_overlay_start_1:
0x0: {  	(tag) =	ssettag $0x1  }
0x1: {  	s3 =	rddreg [dreg:$0x0]  }
0x2: {  	s0 =	rddreg [dreg:$0x1];
	s1 =	simm.s32 $0x0;
	s2 =	srdreg.scid  }
0x3: {  	s31 =	simm.s32 $0x80;
	s9 =	simm.s32 $0x4;
	s10 =	simm.s32 $0x0  }
0x4: {  	[smem:$0x7FF] =	sst s1;
	s4 =	sand.u32 $0x1, s2;
	s5 =	sadd.s32 $0x2800, s3  }
0x5: {  	s2 =	stileid.u32;
	s29 =	sadd.s32 $0x26C000, s3;
	s3 =	sadd.s32 $0x26AC00, s3  }
0x6: {  	_ =	strace $0x8000005B;
	s6 =	sshll.u32 s4, $0x4;
	[dreg:$0x2] =	wrdreg s5  }
0x7: {  	s4 =	ssub.s32 $0x2, s4;
	[dreg:$0x4] =	wrdreg s29;
	s28 =	sor.u32 s2, s6  }
0x8: {  	[dreg:$0x3] =	wrdreg s31;
	s7 =	sshrl.u32 s4, $0x1;
	s8 =	smul.u32 $0xA0, s28  }
0x9: {  	s30 =	ssub.s32 s4, s7;
	s4 =	smul.u32 $0xA, s28;
	s7 =	simm.s32 $0x1  }
0xa: {  	s6 =	smax.u32 s30, $0x1;
	s5 =	sadd.s32 s3, s8;
	s8 =	simm.s32 $0x5  }
.LBB2_1:
0xb: {  	_ =	strace $0x8000005C;
	s11 =	simm.s32 $0x1;
	p0 =	por $0x0, $0x0  }
0xc: {  	[tilespmem:s1], [sflag:$0x1] =	stream.linear.gather [hbm4b:s5+s1], $0x80, $0x200038;
	[tilespmem:$0x8100] =	vst v63  }
0xd: {  	s11 =	simm.s32 @p0 $0x0  }
0xe: {  	p4 =	por $0x1, $0x1;
	s20 =	sand.u32 $0x1, s1;
	p1 =	sne.s32 s11, $0x0  }
0xf: {  	p2 =	por $0x1, $0x1;
	s18 =	simm.s32 $0x8;
	p0 =	por !p4, !p1  }
0x10: {  	s16 =	simm.s32 $0x0;
	p5 =	por $0x0, $0x0;
	p0 =	por !p0, !p0  }
0x11: {  	s23 =	sadd.s32 $0x0, s4;
	s30 =	sadd.s32 $0x1, s20;
	s12 =	sadd.s32 @p0 s4, s11  }
0x12: {  	_ =	strace $0x9000005C;
	s13 =	sand.u32 @p0 $0x1, s7;
	s12 =	sshll.u32 @p0 s12, $0x4  }
0x13: {  	_ =	strace @p0 $0x8000005D;
	s15 =	simm.s32 @p0 $0x0;
	s12 =	sand.u32 @p0 $0x1FFFFFF0, s12  }
0x14: {  	s14 =	sshll.u32 @p0 s13, $0x7;
	s13 =	sadd.s32 @p0 $0x1, s13;
	s12 =	sadd.s32 @p0 s3, s12  }
0x15: {  	[tilespmem:s14], [sflag:s13] =	stream.linear.gather @p0 [hbm4b:s12+s15], $0x80, $0x200038;
	[tilespmem:$0x8100] =	vst v63  }
0x16: {  	p3 =	por p2, p2;
	s21 =	sshll.u32 s20, $0xE;
	_ =	strace @p0 $0x9000005D  }
0x17: {  	s16 =	sand.u32 $0x80, s16;
	p2 =	por p5, p5;
	_ =	strace $0x8000005E  }
0x18: {  	s17 =	sadd.s32 $0x1, s11;
	s22 =	sor.u32 $0x100, s21;
	_ =	swait.ge [sflag:s30], $0x80  }
0x19: {  	s21 =	simm.s32 $0x1;
	p6 =	por p1, p1;
	[sflag:s30] =	ssyncset.done $0x0  }
0x1a: {  	p1 =	por p3, p3;
	p4 =	por $0x1, $0x1;
	[sflag:s30] =	ssyncadd.s32 $0xFFFFFF80  }
0x1b: {  	s12 =	simm.s32 $0x9;
	s15 =	sand.u32 @!p3 $0x1, s1;
	_ =	strace $0x9000005E  }
0x1c: {  	s13 =	simm.s32 $0x1;
	p3 =	seq.s32 s17, $0xA;
	_ =	strace $0x8000005F  }
0x1d: {  	s13 =	simm.s32 @!p0 $0x0;
	s17 =	simm.s32 @p3 $0x0;
	s19 =	rddreg [dreg:$0x3]  }
0x1e: {  	p0 =	por $0x0, $0x0;
	s14 =	sadd.s32 $0x1, s13;
	s31 =	rddreg [dreg:$0x2]  }
0x1f: {  	[tilespmem:s22], [sflag:$0x5] =	stream.indirect.gather [hbm4b:s31+s19], $0x80, s16, s19, $0x2000b8;
	[tilespmem:$0x8100] =	vst v63  }
0x20: {  	p3 =	sne.s32 s11, s17;
	s21 =	simm.s32 @!p0 $0x0;
	_ =	swait.ge [sflag:s8], $0x4000  }
0x21: {  	p5 =	por !p4, !p3;
	p4 =	por $0x0, $0x0;
	[sflag:s8] =	ssyncset.done $0x0  }
0x22: {  	s13 =	simm.s32 $0x0;
	p6 =	por p4, p6;
	[sflag:s8] =	ssyncadd.s32 $0xFFFFC000  }
0x23: {  	s16 =	simm.s32 $0x0;
	s19 =	simm.s32 $0x0;
	_ =	strace $0x9000005F  }
.LBB2_2:
0x24: {  	_ =	strace @p6 $0x80000060;
	s13 =	sadd.s32 s21, s13;
	s21 =	smov.u32 s12  }
0x25: {  	s12 =	smov.u32 s18;
	s18 =	sadd.s32 $0xFFFFFFFF, s18;
	p0 =	por p3, p3  }
0x26: {  	s28 =	sshll.u32 @p6 s23, $0xB;
	s20 =	sadd.s32 @p6 $0x3, s20;
	s24 =	simm.s32 @!p0 $0x0  }
0x27: {  	s25 =	rddreg [dreg:$0x4];
	s28 =	sand.u32 @p6 $0x1FFFF800, s28;
	s24 =	simm.s32 @p0 $0x1  }
0x28: {  	s25 =	sadd.s32 @p6 s25, s28;
	s28 =	simm.s32 @p6 $0x0;
	p0 =	sne.s32 s18, $0x0  }
0x29: {  	[hbm4b:s25+s28] =	stream.linear.scatter @p6 [tilespmem:s22], [sflag:s20], $0x4000, $0x200038;
	[tilespmem:$0x8100] =	vst v63  }
0x2a: {  	s20 =	sadd.s32 @!p1 $0x3, s15;
	s15 =	simm.s32 @!p0 $0x0  }
0x2b: {  	s26 =	simm.s32 $0x1;
	[smem:$0x7FC] =	sst s24;
	s15 =	simm.s32 @p0 $0x1  }
0x2c: {  	s26 =	simm.s32 @!p6 $0x0;
	_ =	strace @p6 $0x90000060;
	[smem:$0x7FD] =	sst s15  }
0x2d: {  	p5 =	por !p5, !p5;
	s19 =	sadd.s32 s26, s19;
	_ =	strace @!p1 $0x80000061  }
0x2e: {  	s24 =	sand.u32 @!p2 $0x1, s13;
	s22 =	sand.u32 @p5 $0x1, s14;
	_ =	swait.ge @!p1 [sflag:s20], $0x4000  }
0x2f: {  	s15 =	smov.u32 s24;
	s24 =	sadd.s32 @p5 s4, s17;
	[sflag:s20] =	ssyncset.done @!p1 $0x0  }
0x30: {  	s25 =	sshll.u32 @p5 s22, $0x7;
	s24 =	sshll.u32 @p5 s24, $0x4;
	[sflag:s20] =	ssyncadd.s32 @!p1 $0xFFFFC000  }
0x31: {  	s20 =	sadd.s32 @p5 $0x1, s22;
	s22 =	sand.u32 @p5 $0x1FFFFFF0, s24;
	_ =	strace @!p1 $0x90000061  }
0x32: {  	s24 =	simm.s32 @p5 $0x0;
	s22 =	sadd.s32 @p5 s3, s22;
	_ =	strace @p5 $0x8000005D  }
0x33: {  	[tilespmem:s25], [sflag:s20] =	stream.linear.gather @p5 [hbm4b:s22+s24], $0x80, $0x200038;
	[tilespmem:$0x8100] =	vst v63  }
0x34: {  	s16 =	sadd.s32 s26, s16;
	s26 =	sand.u32 $0x1, s19;
	_ =	strace @p5 $0x9000005D  }
0x35: {  	s24 =	sadd.s32 $0x1, s26;
	_ =	strace $0x8000005E  }
0x36: {  	_ =	swait.ge [sflag:s24], $0x80  }
0x37: {  	[sflag:s24] =	ssyncset.done $0x0  }
0x38: {  	s20 =	simm.s32 $0x1;
	[sflag:s24] =	ssyncadd.s32 $0xFFFFFF80  }
0x39: {  	s20 =	simm.s32 @!p5 $0x0;
	_ =	strace $0x9000005E  }
0x3a: {  	s14 =	sadd.s32 s20, s14;
	s20 =	sand.u32 $0x1, s16;
	_ =	strace $0x8000005F  }
0x3b: {  	s29 =	sshll.u32 s19, $0x7;
	s25 =	sshll.u32 s20, $0xE;
	s26 =	rddreg [dreg:$0x3]  }
0x3c: {  	s29 =	sand.u32 $0x80, s29;
	s22 =	sor.u32 $0x100, s25;
	s30 =	rddreg [dreg:$0x2]  }
0x3d: {  	[tilespmem:s22], [sflag:$0x5] =	stream.indirect.gather [hbm4b:s30+s26], $0x80, s29, s26, $0x2000b8;
	[tilespmem:$0x8100] =	vst v63  }
0x3e: {  	_ =	swait.ge [sflag:s8], $0x4000  }
0x3f: {  	s31 =	sadd.s32 $0x1, s17;
	[sflag:s8] =	ssyncset.done $0x0  }
0x40: {  	s23 =	sadd.s32 s4, s11;
	s11 =	smov.u32 s17;
	[sflag:s8] =	ssyncadd.s32 $0xFFFFC000  }
0x41: {  	p3 =	seq.s32 s31, $0xA;
	s17 =	smov.u32 s31;
	_ =	strace $0x9000005F  }
0x42: {  	s17 =	simm.s32 @p3 $0x0;
	s31 =	sld [smem:$0x7FD]  }
0x43: {  	p6 =	sne.s32 s12, $0x1;
	p0 =	sne.s32 s21, $0xA;
	p3 =	sne.s32 s11, s17  }
0x44: {  	p5 =	por !p6, !p3;
	p6 =	seq.s32 s21, $0x1;
	s21 =	simm.s32 $0x1  }
0x45: {  	s21 =	simm.s32 @!p0 $0x0;
	p0 =	seq.s32 s31, $0x1  }
.Ltmp0:
0x46: {  	s30 =	sld [smem:$0x7FC];
	(pc) =	sbr.rel @p0 .LBB2_2-.Ltmp0, $4  }
0x47: {  	_ = 	snop  }
0x48: {  	p4 =	seq.s32 s12, $0xA  }
0x49: {  	p1 =	por p2, p2;
	p2 =	por p4, p4;
	p4 =	seq.s32 s30, $0x1  }
0x4a: {  	p6 =	por p6, p4  }
0x4b: {  	_ =	strace @p6 $0x80000060;
	s23 =	sshll.u32 @p6 s23, $0xB  }
0x4c: {  	s18 =	rddreg [dreg:$0x4];
	s23 =	sand.u32 @p6 $0x1FFFF800, s23  }
0x4d: {  	s20 =	sadd.s32 @p6 $0x3, s20;
	s18 =	sadd.s32 @p6 s18, s23;
	s23 =	simm.s32 @p6 $0x0  }
0x4e: {  	[hbm4b:s18+s23] =	stream.linear.scatter @p6 [tilespmem:s22], [sflag:s20], $0x4000, $0x200038;
	[tilespmem:$0x8100] =	vst v63  }
0x4f: {  	p0 =	por !p5, !p5;
	_ =	strace @p6 $0x90000060  }
0x50: {  	s15 =	sadd.s32 @!p1 $0x3, s15;
	s17 =	sadd.s32 @p0 s4, s17;
	_ =	strace @!p1 $0x80000061  }
0x51: {  	s14 =	sand.u32 @p0 $0x1, s14;
	s17 =	sshll.u32 @p0 s17, $0x4;
	_ =	swait.ge @!p1 [sflag:s15], $0x4000  }
0x52: {  	s18 =	simm.s32 $0x1;
	s20 =	sshll.u32 @p0 s14, $0x7;
	[sflag:s15] =	ssyncset.done @!p1 $0x0  }
0x53: {  	s14 =	sadd.s32 @p0 $0x1, s14;
	s18 =	simm.s32 @!p6 $0x0;
	[sflag:s15] =	ssyncadd.s32 @!p1 $0xFFFFC000  }
0x54: {  	s19 =	sadd.s32 s18, s19;
	s15 =	sand.u32 @p0 $0x1FFFFFF0, s17;
	_ =	strace @!p1 $0x90000061  }
0x55: {  	s17 =	simm.s32 @p0 $0x0;
	s15 =	sadd.s32 @p0 s3, s15;
	_ =	strace @p0 $0x8000005D  }
0x56: {  	[tilespmem:s20], [sflag:s14] =	stream.linear.gather @p0 [hbm4b:s15+s17], $0x80, $0x200038;
	[tilespmem:$0x8100] =	vst v63  }
0x57: {  	s25 =	sand.u32 $0x1, s19;
	_ =	strace @p0 $0x9000005D  }
0x58: {  	s14 =	sadd.s32 $0x1, s25;
	_ =	strace $0x8000005E  }
0x59: {  	_ =	swait.ge [sflag:s14], $0x80  }
0x5a: {  	[sflag:s14] =	ssyncset.done $0x0  }
0x5b: {  	[sflag:s14] =	ssyncadd.s32 $0xFFFFFF80  }
0x5c: {  	s26 =	sadd.s32 s18, s16;
	_ =	strace $0x9000005E  }
0x5d: {  	s14 =	sand.u32 $0x1, s26;
	_ =	strace $0x8000005F  }
0x5e: {  	s30 =	sshll.u32 s19, $0x7;
	s31 =	sshll.u32 s14, $0xE;
	s28 =	rddreg [dreg:$0x3]  }
0x5f: {  	s17 =	sand.u32 $0x80, s30;
	s18 =	sor.u32 $0x100, s31;
	s29 =	rddreg [dreg:$0x2]  }
0x60: {  	[tilespmem:s18], [sflag:$0x5] =	stream.indirect.gather [hbm4b:s29+s28], $0x80, s17, s28, $0x2000b8;
	[tilespmem:$0x8100] =	vst v63  }
0x61: {  	_ =	swait.ge [sflag:s8], $0x4000  }
0x62: {  	[sflag:s8] =	ssyncset.done $0x0  }
0x63: {  	p5 =	por p3, p3;
	p6 =	seq.s32 s12, $0x1;
	[sflag:s8] =	ssyncadd.s32 $0xFFFFC000  }
0x64: {  	s11 =	sadd.s32 s4, s11;
	p0 =	por p6, p5;
	_ =	strace $0x9000005F  }
0x65: {  	s11 =	sshll.u32 @p0 s11, $0xB;
	_ =	strace @p0 $0x80000060  }
0x66: {  	s13 =	sadd.s32 s21, s13;
	s11 =	sand.u32 @p0 $0x1FFFF800, s11;
	s12 =	rddreg [dreg:$0x4]  }
0x67: {  	s14 =	sadd.s32 @p0 $0x3, s14;
	s11 =	sadd.s32 @p0 s12, s11;
	s12 =	simm.s32 @p0 $0x0  }
0x68: {  	[hbm4b:s11+s12] =	stream.linear.scatter @p0 [tilespmem:s18], [sflag:s14], $0x4000, $0x200038;
	[tilespmem:$0x8100] =	vst v63  }
0x69: {  	p1 =	por p2, p2;
	s11 =	sand.u32 @!p2 $0x1, s13;
	_ =	strace @p0 $0x90000060  }
0x6a: {  	s11 =	sadd.s32 @!p1 $0x3, s11;
	_ =	strace @!p1 $0x80000061  }
0x6b: {  	_ =	swait.ge @!p1 [sflag:s11], $0x4000  }
0x6c: {  	[sflag:s11] =	ssyncset.done @!p1 $0x0  }
0x6d: {  	s10 =	sadd.s32 $0x1, s10;
	[sflag:s11] =	ssyncadd.s32 @!p1 $0xFFFFC000  }
0x6e: {  	p0 =	sne.s32 s10, s6;
	_ =	strace @!p1 $0x90000061  }
.Ltmp1:
0x6f: {  	_ =	strace $0x80000062;
	(pc) =	sbr.rel @p0 .LBB2_1-.Ltmp1, $4  }
0x70: {  	_ =	swait.ge [sflag:s9], $0x4000  }
0x71: {  	[sflag:s9] =	ssyncset.done $0x0  }
0x72: {  	[sflag:s9] =	ssyncadd.s32 $0xFFFFC000  }
0x73: {  	_ =	strace $0x90000062  }
0x74: {  	_ =	sfence.sel $0x180000  }
0x75: {  	[bflag:$0x0] =	sbarrier.arrive $0xFFFF  }
0x76: {  	p0 =	sne.s32 s2, $0x0;
	_ =	strace $0x9000005B  }
0x77: {  	s0 =	sadd.s32 @!p0 $0x100000, s0;
	[bflag:$0x2] =	sbarrier.arrive $0xFFFF  }
0x78: {  	[sflag:s0] =	ssyncadd.tile.s32 @!p0 $0x1;
	_ =	shalt  }
.Lfunc_end2:
_tile_overlayer_lowered:
.L_overlay_start_2:
0x79: {  	(tag) =	ssettag $0x2  }
0x7a: {  	s0 =	rddreg [dreg:$0x0];
	s2 =	stileid.u32  }
0x7b: {  	s1 =	rddreg [dreg:$0x1];
	p0 =	sne.s32 s2, $0x0  }
0x7c: {  	s3 =	rddreg [dreg:$0x2];
	[bflag:$0x3] =	sbarrier.arrive $0xFFFF;
	s2 =	simm.s32 @!p0 $0x1C01  }
0x7d: {  	[timem:s3], [sflag:s2] =	dma.local @!p0 [hbm:s0], s1  }
0x7e: {  	s0 =	simm.s32 @!p0 $0x1  }
0x7f: {  	_ =	swait.ge @!p0 [sflag:s0], s1  }
0x80: {  	s1 =	ssub.s32 @!p0 $0x0, s1;
	[sflag:s0] =	ssyncset.done @!p0 $0x0  }
0x81: {  	[sflag:s0] =	ssyncadd.s32 @!p0 s1  }
0x82: {  	[bflag:$0x3] =	sbarrier.arrive $0xFFFF  }
0x83: {  	_ =	shalt  }

// kernel: kernel.13.cloned.1.call-start
scs
__scs_entry_jumppad:
0x0: {  	(pc) =	sbr.rel $0x88, $3  }
0x1: {  	(tag) =	ssettag $0x0;
	lr =	simm.s32 $0x1  }
0x2: {  	[smem:$0x3F97] =	sst lr;
	_ =	strace $0xD0000000  }
0x3: {  	_ = 	snop  }
0x4: {  	_ = 	snop  }
0x5: {  	_ = 	snop  }
0x6: {  	_ = 	snop  }
0x7: {  	_ = 	snop  }
__scs_overlays_trampoline_lowered:
0x8: {  	[smem:$0x3FA6] =	sst s0  }
0x9: {  	[smem:$0x3FA7] =	sst s1  }
0xa: {  	[smem:$0x3FA8] =	sst s2  }
0xb: {  	[smem:$0x3FA9] =	sst s3  }
0xc: {  	[smem:$0x3FAA] =	sst s4  }
0xd: {  	[smem:$0x3FAB] =	sst s5  }
0xe: {  	[smem:$0x3FAC] =	sst s6  }
0xf: {  	[smem:$0x3FAD] =	sst s7  }
0x10: {  	[smem:$0x3FAE] =	sst s8  }
0x11: {  	[smem:$0x3FAF] =	sst s9;
	s0 =	simm.s32 @!p0 $0x0  }
0x12: {  	s1 =	sld [smem:$0x3F95];
	s0 =	simm.s32 @p0 $0x1  }
0x13: {  	[smem:$0x3FB0] =	sst s0;
	s0 =	simm.s32 @!p1 $0x0  }
0x14: {  	s2 =	sld [smem:$0x3F94];
	s0 =	simm.s32 @p1 $0x1  }
0x15: {  	[smem:$0x3FB1] =	sst s0;
	s0 =	simm.s32 @!p2 $0x0  }
0x16: {  	s3 =	sld [smem:$0x3FDB];
	s0 =	simm.s32 @p2 $0x1  }
0x17: {  	s4 =	simm.s32 $0x1BF5;
	[smem:$0x3FB3] =	sst s0  }
0x18: {  	s0 =	sld [smem:$0x3F96];
	_ =	swait.ge [sflag:s4], $0x0  }
0x19: {  	s7 =	sld [smem:$0x3F97]  }
0x1a: {  	s8 =	sadd.s32 $0xFFFFE003, lr  }
0x1b: {  	s9 =	sadd.s32 $0xFFFFFEF7, lr;
	s5 =	simm.s32 $0xFFFFFFFF;
	p2 =	slt.u32 s8, $0xFFFFF086  }
0x1c: {  	p1 =	slt.u32 s9, $0xF7A;
	s5 =	simm.s32 @!p2 $0x0  }
0x1d: {  	s5 =	simm.s32 @p1 $0x1;
	p0 =	seq.s32 s7, s2  }
0x1e: {  	s7 =	smul.u32 @!p0 $0xF7A, s2;
	p2 =	seq.s32 @!p0 s5, $0x0  }
0x1f: {  	s9 =	smul.u32 $0xF7A, s1;
	s8 =	simm.s32 @!p0 $0x1BF5;
	p2 =	por !p2, p0  }
0x20: {  	[sflag:s8] =	ssyncset.s32 @!p0 $0xFFFFF086;
	s6 =	sadd.s32 @!p0 s3, s7;
	s7 =	simm.s32 @!p0 $0x108  }
0x21: {  	s3 =	sadd.s32 s3, s9;
	s6 =	sadd.s32 @!p0 $0x88, s6;
	s7 =	simm.s32 @p2 $0x1082  }
0x22: {  	[simem:s7], [sflag:s8] =	dma.local @!p0 [hbm:s6], $0xF7A  }
0x23: {  	s9 =	sor.u32 $0xD0000000, s2;
	s6 =	simm.s32 $0x108;
	_ =	swait.ge @!p0 [sflag:s8], $0x0  }
0x24: {  	s3 =	sadd.s32 $0x88, s3;
	s6 =	simm.s32 @!p1 $0x1082;
	[sflag:s4] =	ssyncset.s32 $0xFFFFF086  }
0x25: {  	[simem:s6], [sflag:s4] =	dma.local [hbm:s3], $0xF7A  }
0x26: {  	[smem:$0x3F97] =	sst s1;
	(tag) =	ssettag s2;
	_ =	strace s9  }
0x27: {  	s1 =	sld [smem:$0x3FA7]  }
0x28: {  	s2 =	sld [smem:$0x3FA8]  }
0x29: {  	s4 =	sld [smem:$0x3FAA]  }
0x2a: {  	p0 =	seq.s32 s5, $0x0;
	s5 =	sld [smem:$0x3FAB]  }
0x2b: {  	s6 =	sld [smem:$0x3FAC]  }
0x2c: {  	s7 =	sld [smem:$0x3FAD]  }
0x2d: {  	s3 =	simm.s32 $0x108;
	s8 =	sld [smem:$0x3FAE]  }
0x2e: {  	s3 =	simm.s32 @!p0 $0x1082;
	s9 =	sld [smem:$0x3FAF]  }
0x2f: {  	lr =	sadd.s32 s0, s3;
	s0 =	sld [smem:$0x3FA6]  }
0x30: {  	s3 =	sld [smem:$0x3FA9]  }
0x31: {  	[smem:$0x3FB2] =	sst s10  }
0x32: {  	s10 =	sld [smem:$0x3FB0];
	_ =	sdelay $0x3  }
0x33: {  	p0 =	seq.s32 s10, $0x1;
	s10 =	sld [smem:$0x3FB2];
	_ =	sdelay $0x3  }
0x34: {  	[smem:$0x3FB2] =	sst s10  }
0x35: {  	s10 =	sld [smem:$0x3FB1];
	_ =	sdelay $0x3  }
0x36: {  	p1 =	seq.s32 s10, $0x1;
	s10 =	sld [smem:$0x3FB2];
	_ =	sdelay $0x3  }
0x37: {  	[smem:$0x3FB2] =	sst s10  }
0x38: {  	s10 =	sld [smem:$0x3FB3]  }
0x39: {  	_ = 	snop;
	(pc) =	sbr.ind lr, $3  }
0x3a: {  	_ = 	snop  }
0x3b: {  	_ = 	snop  }
0x3c: {  	p2 =	seq.s32 s10, $0x1;
	s10 =	sld [smem:$0x3FB2]  }
0x3d: {  	_ =	shalt  }
0x3e: {  	_ =	shalt  }
0x3f: {  	_ =	shalt  }
0x40: {  	_ =	shalt  }
0x41: {  	_ =	shalt  }
0x42: {  	_ =	shalt  }
0x43: {  	_ =	shalt  }
0x44: {  	_ =	shalt  }
0x45: {  	_ =	shalt  }
0x46: {  	_ =	shalt  }
0x47: {  	_ =	shalt  }
0x48: {  	_ =	shalt  }
0x49: {  	_ =	shalt  }
0x4a: {  	_ =	shalt  }
0x4b: {  	_ =	shalt  }
0x4c: {  	_ =	shalt  }
0x4d: {  	_ =	shalt  }
0x4e: {  	_ =	shalt  }
0x4f: {  	_ =	shalt  }
0x50: {  	_ =	shalt  }
0x51: {  	_ =	shalt  }
0x52: {  	_ =	shalt  }
0x53: {  	_ =	shalt  }
0x54: {  	_ =	shalt  }
0x55: {  	_ =	shalt  }
0x56: {  	_ =	shalt  }
0x57: {  	_ =	shalt  }
0x58: {  	_ =	shalt  }
0x59: {  	_ =	shalt  }
0x5a: {  	_ =	shalt  }
0x5b: {  	_ =	shalt  }
0x5c: {  	_ =	shalt  }
0x5d: {  	_ =	shalt  }
0x5e: {  	_ =	shalt  }
0x5f: {  	_ =	shalt  }
0x60: {  	_ =	shalt  }
0x61: {  	_ =	shalt  }
0x62: {  	_ =	shalt  }
0x63: {  	_ =	shalt  }
0x64: {  	_ =	shalt  }
0x65: {  	_ =	shalt  }
0x66: {  	_ =	shalt  }
0x67: {  	_ =	shalt  }
0x68: {  	_ =	shalt  }
0x69: {  	_ =	shalt  }
0x6a: {  	_ =	shalt  }
0x6b: {  	_ =	shalt  }
0x6c: {  	_ =	shalt  }
0x6d: {  	_ =	shalt  }
0x6e: {  	_ =	shalt  }
0x6f: {  	_ =	shalt  }
0x70: {  	_ =	shalt  }
0x71: {  	_ =	shalt  }
0x72: {  	_ =	shalt  }
0x73: {  	_ =	shalt  }
0x74: {  	_ =	shalt  }
0x75: {  	_ =	shalt  }
0x76: {  	_ =	shalt  }
0x77: {  	_ =	shalt  }
0x78: {  	_ =	shalt  }
0x79: {  	_ =	shalt  }
0x7a: {  	_ =	shalt  }
0x7b: {  	_ =	shalt  }
0x7c: {  	_ =	shalt  }
0x7d: {  	_ =	shalt  }
0x7e: {  	_ =	shalt  }
0x7f: {  	_ =	shalt  }
0x80: {  	_ =	shalt  }
0x81: {  	_ =	shalt  }
0x82: {  	_ =	shalt  }
0x83: {  	_ =	shalt  }
0x84: {  	_ =	shalt  }
0x85: {  	_ =	shalt  }
0x86: {  	_ =	shalt  }
0x87: {  	_ =	shalt  }
.Lfunc_end0:
.L_simem_size_0:
called_computation.1_lowered:
.L_overlay_start_0:
0x88: {  	s2 =	sld [smem:$0x3FD9]  }
0x89: {  	s3 =	sld [smem:$0x3FFE];
	_ =	sdelay $0x1  }
0x8a: {  	s1 =	srdreg.scid  }
0x8b: {  	s0 =	sand.u32 $0x1, s1  }
0x8c: {  	s17 =	sshll.u32 s0, $0xA;
	s2 =	sadd.s32 s3, s2  }
0x8d: {  	s2 =	sadd.s32 s2, s17  }
0x8e: {  	[smem:$0x3FBE] =	sst s2  }
0x8f: {  	_ = 	snop  }
0x90: {  	(tm) =	ssettm $0x1  }
0x91: {  	s18 =	sld [smem:$0x3FFB];
	_ =	sdelay $0x3  }
0x92: {  	_ =	strace s18  }
0x93: {  	s2 =	sld [smem:$0x3FFC];
	_ =	sdelay $0x3  }
0x94: {  	_ =	strace s2  }
0x95: {  	s2 =	sld [smem:$0x3FFD];
	_ =	sdelay $0x3  }
0x96: {  	_ =	strace s2  }
0x97: {  	_ =	strace $0x8FFFFFFF  }
0x98: {  	s19 =	sld [smem:$0x3FDB];
	_ =	sdelay $0x1  }
0x99: {  	s20 =	simm.s32 $_scs_section_size  }
0x9a: {  	s4 =	simm.s32 $_size__tile_overlayer_lowered;
	s5 =	simm.s32 $_tile_overlayer_lowered  }
0x9b: {  	s6 =	simm.s32 $0x1BFF;
	s21 =	sshll.u32 s5, $0x1;
	s3 =	sadd.s32 s20, s19  }
0x9c: {  	s22 =	simm.s32 $0x0;
	s4 =	sshll.u32 s4, $0x1;
	s5 =	sadd.s32 s21, s3  }
0x9d: {  	[timem:s22], [sflag:s6] =	dma.local [hbm:s5], s4  }
0x9e: {  	_ =	swait.ge [sflag:s6], s4  }
0x9f: {  	s4 =	ssub.s32 $0x0, s4;
	[sflag:s6] =	ssyncset.done $0x0  }
0xa0: {  	[sflag:s6] =	ssyncadd.s32 s4;
	_ =	sdelay $0x1  }
0xa1: {  	s23 =	simm.s32 $0x1B8B  }
0xa2: {  	_ =	swait.ge [sflag:s23], $0x1  }
0xa3: {  	[sflag:s23] =	ssyncset.done $0x0  }
0xa4: {  	[sflag:s23] =	ssyncadd.s32 $0xFFFFFFFF  }
0xa5: {  	s4 =	sld [smem:$0x0]  }
0xa6: {  	s5 =	sand.u32 $0xFFFFFFFE, s1  }
0xa7: {  	p0 =	sne.s32 s1, s5  }
0xa8: {  	s5 =	sshll.u32 @p0 s5, $0xE  }
0xa9: {  	s5 =	sadd.s32 @p0 $0x11B8D, s5;
	s6 =	sshll.u32 @p0 s4, $0x11  }
0xaa: {  	s5 =	sor.u32 @p0 s6, s5  }
0xab: {  	[sflag:s5] =	ssyncadd.remote.s32 @p0 $0x1;
	_ =	sdelay $0x1  }
0xac: {  	s5 =	simm.s32 @p0 $0x1B8D  }
0xad: {  	_ =	swait.eq @p0 [sflag:s5], $0x1  }
0xae: {  	[sflag:s5] =	ssyncadd.s32 @p0 $0xFFFFFFFF  }
0xaf: {  	s6 =	sshll.u32 @!p0 s1, $0xE  }
0xb0: {  	s6 =	sor.u32 @!p0 $0x4000, s6;
	s5 =	simm.s32 @!p0 $0x1B8D  }
0xb1: {  	s4 =	sshll.u32 @!p0 s4, $0x11;
	s6 =	sadd.s32 @!p0 $0x11B8D, s6;
	_ =	swait.eq @!p0 [sflag:s5], $0x1  }
0xb2: {  	s4 =	sor.u32 @!p0 s4, s6;
	[sflag:s5] =	ssyncadd.s32 @!p0 $0xFFFFFFFF  }
0xb3: {  	s25 =	simm.s32 $0x1B8E;
	s24 =	sld [smem:$0x3FFE];
	[sflag:s4] =	ssyncadd.remote.s32 @!p0 $0x1  }
0xb4: {  	s26 =	simm.s32 $execute0_lowered;
	[smem:$0x3FD2] =	sst s25  }
0xb5: {  	s5 =	sshll.u32 s26, $0x1;
	_ =	strace $0x80000064;
	[dreg:$0x1] =	wrdreg $0xFFFFFFFF  }
0xb6: {  	s28 =	simm.s32 $_size_execute0_lowered;
	s3 =	sadd.s32 s3, s5;
	[dreg:$0x0] =	wrdreg $0x0  }
0xb7: {  	s5 =	sshll.u32 s28, $0x1;
	[dreg:$0x2] =	wrdreg s3  }
0xb8: {  	[dreg:$0x3] =	wrdreg s5  }
0xb9: {  	[dreg:$0x4] =	wrdreg $0xC0  }
0xba: {  	_ =	task [dreg:s22], $0x5FFFF  }
0xbb: {  	[dreg:$0x1] =	wrdreg $0xFFFFFFFF  }
0xbc: {  	[dreg:$0x0] =	wrdreg $0x60  }
0xbd: {  	[dreg:$0x2] =	wrdreg s24  }
0xbe: {  	[dreg:$0x3] =	wrdreg $0xA  }
0xbf: {  	_ =	task.clear_ibuf [dreg:s22], $0x4FFFF;
	_ =	strace $0x90000064  }
0xc0: {  	s29 =	simm.s32 $0xA;
	_ =	strace $0x8000006D  }
0xc1: {  	_ =	swait.ge [sflag:s29], $0x1  }
0xc2: {  	[sflag:s29] =	ssyncadd.s32 $0xFFFFFFFF  }
0xc3: {  	_ =	strace $0x9000006D  }
0xc4: {  	_ =	sfence  }
0xc5: {  	s30 =	sld [smem:$0x0];
	_ =	sdelay $0x2  }
0xc6: {  	s31 =	sshll.u32 s1, $0xD;
	s1 =	sshrl.u32 s1, $0x2  }
0xc7: {  	s4 =	sand.u32 $0x4000, s31;
	s1 =	sadd.s32 s1, s30  }
0xc8: {  	s0 =	sor.u32 s4, s0;
	s1 =	sshll.u32 s1, $0x11  }
0xc9: {  	s0 =	sor.u32 s1, s0  }
0xca: {  	s0 =	sadd.s32 $0x8F2B, s0  }
0xcb: {  	[sflag:s0] =	ssyncadd.remote.s32 $0x1  }
0xcc: {  	_ =	sfence.sel $0xFFFF  }
0xcd: {  	[dreg:$0x0] =	wrdreg $0xFFFFFFFF;
	(pc) =	sbr.abs _section_cstart, $3  }
0xce: {  	[dreg:$0x1] =	wrdreg $0xFFFFFFFF  }
0xcf: {  	_ =	task.clear_ibuf [dreg:s22], $0x2FFFF;
	_ =	strace $0x9FFFFFFF  }
0xd0: {  	(tm) =	ssettm $0x7FFFFFFF  }
0xd1: {  	_ =	shalt  }
tec
execute0_lowered:
.L_overlay_start_1:
0x0: {  	(tag) =	ssettag $0x1  }
0x1: {  	s0 =	rddreg [dreg:$0x0];
	s1 =	srdreg.scid  }
0x2: {  	s2 =	rddreg [dreg:$0x1];
	s3 =	simm.s32 $0x0;
	s1 =	sand.u32 $0x1, s1  }
0x3: {  	[smem:$0x7FF] =	sst s3;
	s3 =	stileid.u32;
	p0 =	seq.s32 s1, $0x1  }
0x4: {  	_ =	strace $0x80000065;
	s1 =	sadd.s32 $0x262A00, s0;
	s4 =	sshll.u32 @!p0 s3, $0x4  }
0x5: {  	_ =	strace @!p0 $0x80000066;
	s1 =	sadd.s32 @!p0 s1, s4;
	s4 =	simm.s32 @!p0 $0x0  }
0x6: {  	[tilespmem:s4], [sflag:$0x1] =	stream.linear.gather @!p0 [hbm4b:s1+s4], $0x80, $0x200038;
	[tilespmem:$0x8100] =	vst v63  }
0x7: {  	_ =	strace @!p0 $0x90000066  }
0x8: {  	s1 =	simm.s32 @!p0 $0x1;
	_ =	strace @!p0 $0x80000068  }
0x9: {  	_ =	swait.ge @!p0 [sflag:s1], $0x80  }
0xa: {  	[sflag:s1] =	ssyncset.done @!p0 $0x0  }
0xb: {  	[sflag:s1] =	ssyncadd.s32 @!p0 $0xFFFFFF80  }
0xc: {  	s5 =	simm.s32 @!p0 $0x80;
	_ =	strace @!p0 $0x90000068  }
0xd: {  	s6 =	simm.s32 @!p0 $0x100;
	s1 =	sadd.s32 $0x182800, s0;
	_ =	strace @!p0 $0x80000069  }
0xe: {  	[tilespmem:s6], [sflag:$0x5] =	stream.indirect.gather @!p0 [hbm4b:s1+s5], $0x80, s4, s5, $0x2000b8;
	[tilespmem:$0x8100] =	vst v63  }
0xf: {  	s1 =	simm.s32 @!p0 $0x5  }
0x10: {  	_ =	swait.ge @!p0 [sflag:s1], $0x4000  }
0x11: {  	[sflag:s1] =	ssyncset.done @!p0 $0x0  }
0x12: {  	[sflag:s1] =	ssyncadd.s32 @!p0 $0xFFFFC000  }
0x13: {  	s0 =	sadd.s32 $0x30C000, s0;
	s1 =	sshll.u32 @!p0 s3, $0xB;
	_ =	strace @!p0 $0x90000069  }
0x14: {  	s0 =	sadd.s32 @!p0 s0, s1;
	_ =	strace @!p0 $0x8000006A  }
0x15: {  	[hbm4b:s0+s4] =	stream.linear.scatter @!p0 [tilespmem:s6], [sflag:$0x3], $0x4000, $0x200038;
	[tilespmem:$0x8100] =	vst v63  }
0x16: {  	_ =	strace @!p0 $0x9000006A  }
0x17: {  	s0 =	simm.s32 @!p0 $0x3;
	_ =	strace @!p0 $0x8000006C  }
0x18: {  	_ =	swait.ge @!p0 [sflag:s0], $0x4000  }
0x19: {  	[sflag:s0] =	ssyncset.done @!p0 $0x0  }
0x1a: {  	[sflag:s0] =	ssyncadd.s32 @!p0 $0xFFFFC000  }
0x1b: {  	_ =	strace @!p0 $0x9000006C  }
0x1c: {  	_ =	sfence.sel $0x180000  }
0x1d: {  	[bflag:$0x0] =	sbarrier.arrive $0xFFFF  }
0x1e: {  	p0 =	sne.s32 s3, $0x0;
	_ =	strace $0x90000065  }
0x1f: {  	s0 =	sadd.s32 @!p0 $0x100000, s2;
	[bflag:$0x2] =	sbarrier.arrive $0xFFFF  }
0x20: {  	[sflag:s0] =	ssyncadd.tile.s32 @!p0 $0x1;
	_ =	shalt  }
.Lfunc_end2:
_tile_overlayer_lowered:
.L_overlay_start_2:
0x21: {  	(tag) =	ssettag $0x2  }
0x22: {  	s0 =	rddreg [dreg:$0x0];
	s2 =	stileid.u32  }
0x23: {  	s1 =	rddreg [dreg:$0x1];
	p0 =	sne.s32 s2, $0x0  }
0x24: {  	s3 =	rddreg [dreg:$0x2];
	[bflag:$0x3] =	sbarrier.arrive $0xFFFF;
	s2 =	simm.s32 @!p0 $0x1C01  }
0x25: {  	[timem:s3], [sflag:s2] =	dma.local @!p0 [hbm:s0], s1  }
0x26: {  	s0 =	simm.s32 @!p0 $0x1  }
0x27: {  	_ =	swait.ge @!p0 [sflag:s0], s1  }
0x28: {  	s1 =	ssub.s32 @!p0 $0x0, s1;
	[sflag:s0] =	ssyncset.done @!p0 $0x0  }
0x29: {  	[sflag:s0] =	ssyncadd.s32 @!p0 s1  }
0x2a: {  	[bflag:$0x3] =	sbarrier.arrive $0xFFFF  }
0x2b: {  	_ =	shalt  }

// kernel: kernel.16.cloned.1.call-start
scs
__scs_entry_jumppad:
0x0: {  	(pc) =	sbr.rel $0x88, $3  }
0x1: {  	(tag) =	ssettag $0x0;
	lr =	simm.s32 $0x1  }
0x2: {  	[smem:$0x3F97] =	sst lr;
	_ =	strace $0xD0000000  }
0x3: {  	_ = 	snop  }
0x4: {  	_ = 	snop  }
0x5: {  	_ = 	snop  }
0x6: {  	_ = 	snop  }
0x7: {  	_ = 	snop  }
__scs_overlays_trampoline_lowered:
0x8: {  	[smem:$0x3FA6] =	sst s0  }
0x9: {  	[smem:$0x3FA7] =	sst s1  }
0xa: {  	[smem:$0x3FA8] =	sst s2  }
0xb: {  	[smem:$0x3FA9] =	sst s3  }
0xc: {  	[smem:$0x3FAA] =	sst s4  }
0xd: {  	[smem:$0x3FAB] =	sst s5  }
0xe: {  	[smem:$0x3FAC] =	sst s6  }
0xf: {  	[smem:$0x3FAD] =	sst s7  }
0x10: {  	[smem:$0x3FAE] =	sst s8  }
0x11: {  	[smem:$0x3FAF] =	sst s9;
	s0 =	simm.s32 @!p0 $0x0  }
0x12: {  	s1 =	sld [smem:$0x3F95];
	s0 =	simm.s32 @p0 $0x1  }
0x13: {  	[smem:$0x3FB0] =	sst s0;
	s0 =	simm.s32 @!p1 $0x0  }
0x14: {  	s2 =	sld [smem:$0x3F94];
	s0 =	simm.s32 @p1 $0x1  }
0x15: {  	[smem:$0x3FB1] =	sst s0;
	s0 =	simm.s32 @!p2 $0x0  }
0x16: {  	s3 =	sld [smem:$0x3FDB];
	s0 =	simm.s32 @p2 $0x1  }
0x17: {  	s4 =	simm.s32 $0x1BF5;
	[smem:$0x3FB3] =	sst s0  }
0x18: {  	s0 =	sld [smem:$0x3F96];
	_ =	swait.ge [sflag:s4], $0x0  }
0x19: {  	s7 =	sld [smem:$0x3F97]  }
0x1a: {  	s8 =	sadd.s32 $0xFFFFE003, lr  }
0x1b: {  	s9 =	sadd.s32 $0xFFFFFEF7, lr;
	s5 =	simm.s32 $0xFFFFFFFF;
	p2 =	slt.u32 s8, $0xFFFFF086  }
0x1c: {  	p1 =	slt.u32 s9, $0xF7A;
	s5 =	simm.s32 @!p2 $0x0  }
0x1d: {  	s5 =	simm.s32 @p1 $0x1;
	p0 =	seq.s32 s7, s2  }
0x1e: {  	s7 =	smul.u32 @!p0 $0xF7A, s2;
	p2 =	seq.s32 @!p0 s5, $0x0  }
0x1f: {  	s9 =	smul.u32 $0xF7A, s1;
	s8 =	simm.s32 @!p0 $0x1BF5;
	p2 =	por !p2, p0  }
0x20: {  	[sflag:s8] =	ssyncset.s32 @!p0 $0xFFFFF086;
	s6 =	sadd.s32 @!p0 s3, s7;
	s7 =	simm.s32 @!p0 $0x108  }
0x21: {  	s3 =	sadd.s32 s3, s9;
	s6 =	sadd.s32 @!p0 $0x88, s6;
	s7 =	simm.s32 @p2 $0x1082  }
0x22: {  	[simem:s7], [sflag:s8] =	dma.local @!p0 [hbm:s6], $0xF7A  }
0x23: {  	s9 =	sor.u32 $0xD0000000, s2;
	s6 =	simm.s32 $0x108;
	_ =	swait.ge @!p0 [sflag:s8], $0x0  }
0x24: {  	s3 =	sadd.s32 $0x88, s3;
	s6 =	simm.s32 @!p1 $0x1082;
	[sflag:s4] =	ssyncset.s32 $0xFFFFF086  }
0x25: {  	[simem:s6], [sflag:s4] =	dma.local [hbm:s3], $0xF7A  }
0x26: {  	[smem:$0x3F97] =	sst s1;
	(tag) =	ssettag s2;
	_ =	strace s9  }
0x27: {  	s1 =	sld [smem:$0x3FA7]  }
0x28: {  	s2 =	sld [smem:$0x3FA8]  }
0x29: {  	s4 =	sld [smem:$0x3FAA]  }
0x2a: {  	p0 =	seq.s32 s5, $0x0;
	s5 =	sld [smem:$0x3FAB]  }
0x2b: {  	s6 =	sld [smem:$0x3FAC]  }
0x2c: {  	s7 =	sld [smem:$0x3FAD]  }
0x2d: {  	s3 =	simm.s32 $0x108;
	s8 =	sld [smem:$0x3FAE]  }
0x2e: {  	s3 =	simm.s32 @!p0 $0x1082;
	s9 =	sld [smem:$0x3FAF]  }
0x2f: {  	lr =	sadd.s32 s0, s3;
	s0 =	sld [smem:$0x3FA6]  }
0x30: {  	s3 =	sld [smem:$0x3FA9]  }
0x31: {  	[smem:$0x3FB2] =	sst s10  }
0x32: {  	s10 =	sld [smem:$0x3FB0];
	_ =	sdelay $0x3  }
0x33: {  	p0 =	seq.s32 s10, $0x1;
	s10 =	sld [smem:$0x3FB2];
	_ =	sdelay $0x3  }
0x34: {  	[smem:$0x3FB2] =	sst s10  }
0x35: {  	s10 =	sld [smem:$0x3FB1];
	_ =	sdelay $0x3  }
0x36: {  	p1 =	seq.s32 s10, $0x1;
	s10 =	sld [smem:$0x3FB2];
	_ =	sdelay $0x3  }
0x37: {  	[smem:$0x3FB2] =	sst s10  }
0x38: {  	s10 =	sld [smem:$0x3FB3]  }
0x39: {  	_ = 	snop;
	(pc) =	sbr.ind lr, $3  }
0x3a: {  	_ = 	snop  }
0x3b: {  	_ = 	snop  }
0x3c: {  	p2 =	seq.s32 s10, $0x1;
	s10 =	sld [smem:$0x3FB2]  }
0x3d: {  	_ =	shalt  }
0x3e: {  	_ =	shalt  }
0x3f: {  	_ =	shalt  }
0x40: {  	_ =	shalt  }
0x41: {  	_ =	shalt  }
0x42: {  	_ =	shalt  }
0x43: {  	_ =	shalt  }
0x44: {  	_ =	shalt  }
0x45: {  	_ =	shalt  }
0x46: {  	_ =	shalt  }
0x47: {  	_ =	shalt  }
0x48: {  	_ =	shalt  }
0x49: {  	_ =	shalt  }
0x4a: {  	_ =	shalt  }
0x4b: {  	_ =	shalt  }
0x4c: {  	_ =	shalt  }
0x4d: {  	_ =	shalt  }
0x4e: {  	_ =	shalt  }
0x4f: {  	_ =	shalt  }
0x50: {  	_ =	shalt  }
0x51: {  	_ =	shalt  }
0x52: {  	_ =	shalt  }
0x53: {  	_ =	shalt  }
0x54: {  	_ =	shalt  }
0x55: {  	_ =	shalt  }
0x56: {  	_ =	shalt  }
0x57: {  	_ =	shalt  }
0x58: {  	_ =	shalt  }
0x59: {  	_ =	shalt  }
0x5a: {  	_ =	shalt  }
0x5b: {  	_ =	shalt  }
0x5c: {  	_ =	shalt  }
0x5d: {  	_ =	shalt  }
0x5e: {  	_ =	shalt  }
0x5f: {  	_ =	shalt  }
0x60: {  	_ =	shalt  }
0x61: {  	_ =	shalt  }
0x62: {  	_ =	shalt  }
0x63: {  	_ =	shalt  }
0x64: {  	_ =	shalt  }
0x65: {  	_ =	shalt  }
0x66: {  	_ =	shalt  }
0x67: {  	_ =	shalt  }
0x68: {  	_ =	shalt  }
0x69: {  	_ =	shalt  }
0x6a: {  	_ =	shalt  }
0x6b: {  	_ =	shalt  }
0x6c: {  	_ =	shalt  }
0x6d: {  	_ =	shalt  }
0x6e: {  	_ =	shalt  }
0x6f: {  	_ =	shalt  }
0x70: {  	_ =	shalt  }
0x71: {  	_ =	shalt  }
0x72: {  	_ =	shalt  }
0x73: {  	_ =	shalt  }
0x74: {  	_ =	shalt  }
0x75: {  	_ =	shalt  }
0x76: {  	_ =	shalt  }
0x77: {  	_ =	shalt  }
0x78: {  	_ =	shalt  }
0x79: {  	_ =	shalt  }
0x7a: {  	_ =	shalt  }
0x7b: {  	_ =	shalt  }
0x7c: {  	_ =	shalt  }
0x7d: {  	_ =	shalt  }
0x7e: {  	_ =	shalt  }
0x7f: {  	_ =	shalt  }
0x80: {  	_ =	shalt  }
0x81: {  	_ =	shalt  }
0x82: {  	_ =	shalt  }
0x83: {  	_ =	shalt  }
0x84: {  	_ =	shalt  }
0x85: {  	_ =	shalt  }
0x86: {  	_ =	shalt  }
0x87: {  	_ =	shalt  }
.Lfunc_end0:
.L_simem_size_0:
called_computation.2_lowered:
.L_overlay_start_0:
0x88: {  	s2 =	sld [smem:$0x3FD9]  }
0x89: {  	s3 =	sld [smem:$0x3FFE];
	_ =	sdelay $0x1  }
0x8a: {  	s1 =	srdreg.scid  }
0x8b: {  	s0 =	sand.u32 $0x1, s1  }
0x8c: {  	s17 =	sshll.u32 s0, $0xA;
	s2 =	sadd.s32 s3, s2  }
0x8d: {  	s2 =	sadd.s32 s2, s17  }
0x8e: {  	[smem:$0x3FBE] =	sst s2  }
0x8f: {  	_ = 	snop  }
0x90: {  	s2 =	sld [smem:$0x3FD0];
	(tm) =	ssettm $0x1  }
0x91: {  	s18 =	sld [smem:$0x3FFB];
	_ =	sdelay $0x3  }
0x92: {  	_ =	strace s18  }
0x93: {  	s3 =	sld [smem:$0x3FFC];
	_ =	sdelay $0x3  }
0x94: {  	_ =	strace s3  }
0x95: {  	s3 =	sld [smem:$0x3FFD];
	_ =	sdelay $0x3  }
0x96: {  	_ =	strace s3  }
0x97: {  	_ =	strace $0x8FFFFFFF  }
0x98: {  	s19 =	sld [smem:$0x3FDB];
	_ =	sdelay $0x1  }
0x99: {  	s4 =	simm.s32 $_scs_section_size  }
0x9a: {  	s5 =	simm.s32 $_size__tile_overlayer_lowered;
	s6 =	simm.s32 $_tile_overlayer_lowered  }
0x9b: {  	s22 =	simm.s32 $0x1BFF;
	s21 =	sshll.u32 s6, $0x1;
	s3 =	sadd.s32 s4, s19  }
0x9c: {  	s7 =	simm.s32 $0x0;
	s20 =	sshll.u32 s5, $0x1;
	s5 =	sadd.s32 s21, s3  }
0x9d: {  	[timem:s7], [sflag:s22] =	dma.local [hbm:s5], s20  }
0x9e: {  	_ =	swait.ge [sflag:s22], s20  }
0x9f: {  	s4 =	ssub.s32 $0x0, s20;
	[sflag:s22] =	ssyncset.done $0x0  }
0xa0: {  	[sflag:s22] =	ssyncadd.s32 s4;
	_ =	sdelay $0x1  }
0xa1: {  	s23 =	simm.s32 $0x1B8B  }
0xa2: {  	_ =	swait.ge [sflag:s23], $0x1  }
0xa3: {  	[sflag:s23] =	ssyncset.done $0x0  }
0xa4: {  	s25 =	simm.s32 $0x1B8E;
	s24 =	sld [smem:$0x3FFE];
	[sflag:s23] =	ssyncadd.s32 $0xFFFFFFFF  }
0xa5: {  	s26 =	simm.s32 $execute0_lowered;
	[smem:$0x3FD2] =	sst s25  }
0xa6: {  	s5 =	sshll.u32 s26, $0x1;
	_ =	strace $0x80000046;
	[dreg:$0x1] =	wrdreg $0xFFFFFFFF  }
0xa7: {  	s28 =	simm.s32 $_size_execute0_lowered;
	s3 =	sadd.s32 s3, s5;
	[dreg:$0x0] =	wrdreg $0x0  }
0xa8: {  	s5 =	sshll.u32 s28, $0x1;
	[dreg:$0x2] =	wrdreg s3  }
0xa9: {  	[dreg:$0x3] =	wrdreg s5  }
0xaa: {  	[dreg:$0x4] =	wrdreg $0xC0  }
0xab: {  	_ =	task [dreg:s7], $0x5FFFF  }
0xac: {  	[dreg:$0x1] =	wrdreg $0xFFFFFFFF  }
0xad: {  	[dreg:$0x0] =	wrdreg $0x60  }
0xae: {  	[dreg:$0x2] =	wrdreg s24  }
0xaf: {  	[dreg:$0x3] =	wrdreg s2  }
0xb0: {  	[dreg:$0x4] =	wrdreg $0xB  }
0xb1: {  	_ =	task.clear_ibuf [dreg:s7], $0x5FFFF;
	_ =	strace $0x90000046  }
0xb2: {  	s29 =	simm.s32 $0xB;
	_ =	strace $0x8000004F  }
0xb3: {  	_ =	swait.ge [sflag:s29], $0x1  }
0xb4: {  	[sflag:s29] =	ssyncadd.s32 $0xFFFFFFFF  }
0xb5: {  	_ =	strace $0x9000004F  }
0xb6: {  	_ =	sfence  }
0xb7: {  	s30 =	sld [smem:$0x0];
	_ =	sdelay $0x2  }
0xb8: {  	s31 =	sshll.u32 s1, $0xD;
	s1 =	sshrl.u32 s1, $0x2  }
0xb9: {  	s3 =	sand.u32 $0x4000, s31;
	s1 =	sadd.s32 s1, s30  }
0xba: {  	s0 =	sor.u32 s3, s0;
	s1 =	sshll.u32 s1, $0x11  }
0xbb: {  	s0 =	sor.u32 s1, s0  }
0xbc: {  	s0 =	sadd.s32 $0x8F2B, s0  }
0xbd: {  	[sflag:s0] =	ssyncadd.remote.s32 $0x1  }
0xbe: {  	_ =	sfence.sel $0xFFFF  }
0xbf: {  	[dreg:$0x0] =	wrdreg $0xFFFFFFFF;
	(pc) =	sbr.abs _section_cstart, $3  }
0xc0: {  	[dreg:$0x1] =	wrdreg $0xFFFFFFFF  }
0xc1: {  	_ =	task.clear_ibuf [dreg:s7], $0x2FFFF;
	_ =	strace $0x9FFFFFFF  }
0xc2: {  	(tm) =	ssettm $0x7FFFFFFF  }
0xc3: {  	_ =	shalt  }
tec
execute0_lowered:
.L_overlay_start_1:
0x0: {  	(tag) =	ssettag $0x1  }
0x1: {  	s4 =	rddreg [dreg:$0x0]  }
0x2: {  	s1 =	rddreg [dreg:$0x1]  }
0x3: {  	s0 =	rddreg [dreg:$0x2];
	s2 =	simm.s32 $0x0  }
0x4: {  	s3 =	srdreg.scid;
	s31 =	simm.s32 $0x80;
	s9 =	simm.s32 $0x4  }
0x5: {  	s10 =	simm.s32 $0x0;
	[smem:$0x7FF] =	sst s2;
	s5 =	sand.u32 $0x1, s3  }
0x6: {  	s6 =	sadd.s32 $0x2800, s4;
	s3 =	stileid.u32;
	s4 =	sadd.s32 $0xE2800, s4  }
0x7: {  	_ =	strace $0x80000047;
	s7 =	sshll.u32 s5, $0x4;
	s5 =	ssub.s32 $0x2, s5  }
0x8: {  	[dreg:$0x3] =	wrdreg s6;
	s29 =	sor.u32 s3, s7;
	s30 =	sshrl.u32 s5, $0x1  }
0x9: {  	[dreg:$0x5] =	wrdreg s4;
	s8 =	smul.u32 $0xA0, s29;
	s7 =	ssub.s32 s5, s30  }
0xa: {  	[dreg:$0x4] =	wrdreg s31;
	s4 =	smul.u32 $0xA, s29;
	s6 =	smax.u32 s7, $0x1  }
0xb: {  	s7 =	simm.s32 $0x1;
	s5 =	sadd.s32 s1, s8;
	s8 =	simm.s32 $0x5  }
.LBB2_1:
0xc: {  	_ =	strace $0x80000048;
	s11 =	simm.s32 $0x1;
	p0 =	por $0x0, $0x0  }
0xd: {  	[tilespmem:s2], [sflag:$0x1] =	stream.linear.gather [hbm4b:s5+s2], $0x80, $0x200038;
	[tilespmem:$0x8100] =	vst v63  }
0xe: {  	s11 =	simm.s32 @p0 $0x0  }
0xf: {  	p4 =	por $0x1, $0x1;
	s20 =	sand.u32 $0x1, s2;
	p1 =	sne.s32 s11, $0x0  }
0x10: {  	p2 =	por $0x1, $0x1;
	s18 =	simm.s32 $0x8;
	p0 =	por !p4, !p1  }
0x11: {  	s16 =	simm.s32 $0x0;
	p5 =	por $0x0, $0x0;
	p0 =	por !p0, !p0  }
0x12: {  	s23 =	sadd.s32 $0x0, s4;
	s30 =	sadd.s32 $0x1, s20;
	s12 =	sadd.s32 @p0 s4, s11  }
0x13: {  	_ =	strace $0x90000048;
	s13 =	sand.u32 @p0 $0x1, s7;
	s12 =	sshll.u32 @p0 s12, $0x4  }
0x14: {  	_ =	strace @p0 $0x80000049;
	s15 =	simm.s32 @p0 $0x0;
	s12 =	sand.u32 @p0 $0x1FFFFFF0, s12  }
0x15: {  	s14 =	sshll.u32 @p0 s13, $0x7;
	s13 =	sadd.s32 @p0 $0x1, s13;
	s12 =	sadd.s32 @p0 s1, s12  }
0x16: {  	[tilespmem:s14], [sflag:s13] =	stream.linear.gather @p0 [hbm4b:s12+s15], $0x80, $0x200038;
	[tilespmem:$0x8100] =	vst v63  }
0x17: {  	p3 =	por p2, p2;
	s21 =	sshll.u32 s20, $0xE;
	_ =	strace @p0 $0x90000049  }
0x18: {  	s16 =	sand.u32 $0x80, s16;
	p2 =	por p5, p5;
	_ =	strace $0x8000004A  }
0x19: {  	s17 =	sadd.s32 $0x1, s11;
	s22 =	sor.u32 $0x100, s21;
	_ =	swait.ge [sflag:s30], $0x80  }
0x1a: {  	s21 =	simm.s32 $0x1;
	p6 =	por p1, p1;
	[sflag:s30] =	ssyncset.done $0x0  }
0x1b: {  	p1 =	por p3, p3;
	p4 =	por $0x1, $0x1;
	[sflag:s30] =	ssyncadd.s32 $0xFFFFFF80  }
0x1c: {  	s12 =	simm.s32 $0x9;
	s15 =	sand.u32 @!p3 $0x1, s2;
	_ =	strace $0x9000004A  }
0x1d: {  	s13 =	simm.s32 $0x1;
	p3 =	seq.s32 s17, $0xA;
	_ =	strace $0x8000004B  }
0x1e: {  	s13 =	simm.s32 @!p0 $0x0;
	s17 =	simm.s32 @p3 $0x0;
	s19 =	rddreg [dreg:$0x4]  }
0x1f: {  	p0 =	por $0x0, $0x0;
	s14 =	sadd.s32 $0x1, s13;
	s31 =	rddreg [dreg:$0x3]  }
0x20: {  	[tilespmem:s22], [sflag:$0x5] =	stream.indirect.gather [hbm4b:s31+s19], $0x80, s16, s19, $0x2000b8;
	[tilespmem:$0x8100] =	vst v63  }
0x21: {  	p3 =	sne.s32 s11, s17;
	s21 =	simm.s32 @!p0 $0x0;
	_ =	swait.ge [sflag:s8], $0x4000  }
0x22: {  	p5 =	por !p4, !p3;
	p4 =	por $0x0, $0x0;
	[sflag:s8] =	ssyncset.done $0x0  }
0x23: {  	s13 =	simm.s32 $0x0;
	p6 =	por p4, p6;
	[sflag:s8] =	ssyncadd.s32 $0xFFFFC000  }
0x24: {  	s16 =	simm.s32 $0x0;
	s19 =	simm.s32 $0x0;
	_ =	strace $0x9000004B  }
.LBB2_2:
0x25: {  	_ =	strace @p6 $0x8000004C;
	s13 =	sadd.s32 s21, s13;
	s21 =	smov.u32 s12  }
0x26: {  	s12 =	smov.u32 s18;
	s18 =	sadd.s32 $0xFFFFFFFF, s18;
	p0 =	por p3, p3  }
0x27: {  	s28 =	sshll.u32 @p6 s23, $0xB;
	s20 =	sadd.s32 @p6 $0x3, s20;
	s24 =	simm.s32 @!p0 $0x0  }
0x28: {  	s25 =	rddreg [dreg:$0x5];
	s28 =	sand.u32 @p6 $0x1FFFF800, s28;
	s24 =	simm.s32 @p0 $0x1  }
0x29: {  	s25 =	sadd.s32 @p6 s25, s28;
	s28 =	simm.s32 @p6 $0x0;
	p0 =	sne.s32 s18, $0x0  }
0x2a: {  	[hbm4b:s25+s28] =	stream.linear.scatter @p6 [tilespmem:s22], [sflag:s20], $0x4000, $0x200038;
	[tilespmem:$0x8100] =	vst v63  }
0x2b: {  	s20 =	sadd.s32 @!p1 $0x3, s15;
	s15 =	simm.s32 @!p0 $0x0  }
0x2c: {  	s26 =	simm.s32 $0x1;
	[smem:$0x7FC] =	sst s24;
	s15 =	simm.s32 @p0 $0x1  }
0x2d: {  	s26 =	simm.s32 @!p6 $0x0;
	_ =	strace @p6 $0x9000004C;
	[smem:$0x7FD] =	sst s15  }
0x2e: {  	p5 =	por !p5, !p5;
	s19 =	sadd.s32 s26, s19;
	_ =	strace @!p1 $0x8000004D  }
0x2f: {  	s24 =	sand.u32 @!p2 $0x1, s13;
	s22 =	sand.u32 @p5 $0x1, s14;
	_ =	swait.ge @!p1 [sflag:s20], $0x4000  }
0x30: {  	s15 =	smov.u32 s24;
	s24 =	sadd.s32 @p5 s4, s17;
	[sflag:s20] =	ssyncset.done @!p1 $0x0  }
0x31: {  	s25 =	sshll.u32 @p5 s22, $0x7;
	s24 =	sshll.u32 @p5 s24, $0x4;
	[sflag:s20] =	ssyncadd.s32 @!p1 $0xFFFFC000  }
0x32: {  	s20 =	sadd.s32 @p5 $0x1, s22;
	s22 =	sand.u32 @p5 $0x1FFFFFF0, s24;
	_ =	strace @!p1 $0x9000004D  }
0x33: {  	s24 =	simm.s32 @p5 $0x0;
	s22 =	sadd.s32 @p5 s1, s22;
	_ =	strace @p5 $0x80000049  }
0x34: {  	[tilespmem:s25], [sflag:s20] =	stream.linear.gather @p5 [hbm4b:s22+s24], $0x80, $0x200038;
	[tilespmem:$0x8100] =	vst v63  }
0x35: {  	s16 =	sadd.s32 s26, s16;
	s26 =	sand.u32 $0x1, s19;
	_ =	strace @p5 $0x90000049  }
0x36: {  	s24 =	sadd.s32 $0x1, s26;
	_ =	strace $0x8000004A  }
0x37: {  	_ =	swait.ge [sflag:s24], $0x80  }
0x38: {  	[sflag:s24] =	ssyncset.done $0x0  }
0x39: {  	s20 =	simm.s32 $0x1;
	[sflag:s24] =	ssyncadd.s32 $0xFFFFFF80  }
0x3a: {  	s20 =	simm.s32 @!p5 $0x0;
	_ =	strace $0x9000004A  }
0x3b: {  	s14 =	sadd.s32 s20, s14;
	s20 =	sand.u32 $0x1, s16;
	_ =	strace $0x8000004B  }
0x3c: {  	s29 =	sshll.u32 s19, $0x7;
	s25 =	sshll.u32 s20, $0xE;
	s26 =	rddreg [dreg:$0x4]  }
0x3d: {  	s29 =	sand.u32 $0x80, s29;
	s22 =	sor.u32 $0x100, s25;
	s30 =	rddreg [dreg:$0x3]  }
0x3e: {  	[tilespmem:s22], [sflag:$0x5] =	stream.indirect.gather [hbm4b:s30+s26], $0x80, s29, s26, $0x2000b8;
	[tilespmem:$0x8100] =	vst v63  }
0x3f: {  	_ =	swait.ge [sflag:s8], $0x4000  }
0x40: {  	s31 =	sadd.s32 $0x1, s17;
	[sflag:s8] =	ssyncset.done $0x0  }
0x41: {  	s23 =	sadd.s32 s4, s11;
	s11 =	smov.u32 s17;
	[sflag:s8] =	ssyncadd.s32 $0xFFFFC000  }
0x42: {  	p3 =	seq.s32 s31, $0xA;
	s17 =	smov.u32 s31;
	_ =	strace $0x9000004B  }
0x43: {  	s17 =	simm.s32 @p3 $0x0;
	s31 =	sld [smem:$0x7FD]  }
0x44: {  	p6 =	sne.s32 s12, $0x1;
	p0 =	sne.s32 s21, $0xA;
	p3 =	sne.s32 s11, s17  }
0x45: {  	p5 =	por !p6, !p3;
	p6 =	seq.s32 s21, $0x1;
	s21 =	simm.s32 $0x1  }
0x46: {  	s21 =	simm.s32 @!p0 $0x0;
	p0 =	seq.s32 s31, $0x1  }
.Ltmp0:
0x47: {  	s30 =	sld [smem:$0x7FC];
	(pc) =	sbr.rel @p0 .LBB2_2-.Ltmp0, $4  }
0x48: {  	_ = 	snop  }
0x49: {  	p4 =	seq.s32 s12, $0xA  }
0x4a: {  	p1 =	por p2, p2;
	p2 =	por p4, p4;
	p4 =	seq.s32 s30, $0x1  }
0x4b: {  	p6 =	por p6, p4  }
0x4c: {  	_ =	strace @p6 $0x8000004C;
	s23 =	sshll.u32 @p6 s23, $0xB  }
0x4d: {  	s18 =	rddreg [dreg:$0x5];
	s23 =	sand.u32 @p6 $0x1FFFF800, s23  }
0x4e: {  	s20 =	sadd.s32 @p6 $0x3, s20;
	s18 =	sadd.s32 @p6 s18, s23;
	s23 =	simm.s32 @p6 $0x0  }
0x4f: {  	[hbm4b:s18+s23] =	stream.linear.scatter @p6 [tilespmem:s22], [sflag:s20], $0x4000, $0x200038;
	[tilespmem:$0x8100] =	vst v63  }
0x50: {  	p0 =	por !p5, !p5;
	_ =	strace @p6 $0x9000004C  }
0x51: {  	s15 =	sadd.s32 @!p1 $0x3, s15;
	s17 =	sadd.s32 @p0 s4, s17;
	_ =	strace @!p1 $0x8000004D  }
0x52: {  	s14 =	sand.u32 @p0 $0x1, s14;
	s17 =	sshll.u32 @p0 s17, $0x4;
	_ =	swait.ge @!p1 [sflag:s15], $0x4000  }
0x53: {  	s18 =	simm.s32 $0x1;
	s20 =	sshll.u32 @p0 s14, $0x7;
	[sflag:s15] =	ssyncset.done @!p1 $0x0  }
0x54: {  	s14 =	sadd.s32 @p0 $0x1, s14;
	s18 =	simm.s32 @!p6 $0x0;
	[sflag:s15] =	ssyncadd.s32 @!p1 $0xFFFFC000  }
0x55: {  	s19 =	sadd.s32 s18, s19;
	s15 =	sand.u32 @p0 $0x1FFFFFF0, s17;
	_ =	strace @!p1 $0x9000004D  }
0x56: {  	s17 =	simm.s32 @p0 $0x0;
	s15 =	sadd.s32 @p0 s1, s15;
	_ =	strace @p0 $0x80000049  }
0x57: {  	[tilespmem:s20], [sflag:s14] =	stream.linear.gather @p0 [hbm4b:s15+s17], $0x80, $0x200038;
	[tilespmem:$0x8100] =	vst v63  }
0x58: {  	s25 =	sand.u32 $0x1, s19;
	_ =	strace @p0 $0x90000049  }
0x59: {  	s14 =	sadd.s32 $0x1, s25;
	_ =	strace $0x8000004A  }
0x5a: {  	_ =	swait.ge [sflag:s14], $0x80  }
0x5b: {  	[sflag:s14] =	ssyncset.done $0x0  }
0x5c: {  	[sflag:s14] =	ssyncadd.s32 $0xFFFFFF80  }
0x5d: {  	s26 =	sadd.s32 s18, s16;
	_ =	strace $0x9000004A  }
0x5e: {  	s14 =	sand.u32 $0x1, s26;
	_ =	strace $0x8000004B  }
0x5f: {  	s30 =	sshll.u32 s19, $0x7;
	s31 =	sshll.u32 s14, $0xE;
	s28 =	rddreg [dreg:$0x4]  }
0x60: {  	s17 =	sand.u32 $0x80, s30;
	s18 =	sor.u32 $0x100, s31;
	s29 =	rddreg [dreg:$0x3]  }
0x61: {  	[tilespmem:s18], [sflag:$0x5] =	stream.indirect.gather [hbm4b:s29+s28], $0x80, s17, s28, $0x2000b8;
	[tilespmem:$0x8100] =	vst v63  }
0x62: {  	_ =	swait.ge [sflag:s8], $0x4000  }
0x63: {  	[sflag:s8] =	ssyncset.done $0x0  }
0x64: {  	p5 =	por p3, p3;
	p6 =	seq.s32 s12, $0x1;
	[sflag:s8] =	ssyncadd.s32 $0xFFFFC000  }
0x65: {  	s11 =	sadd.s32 s4, s11;
	p0 =	por p6, p5;
	_ =	strace $0x9000004B  }
0x66: {  	s11 =	sshll.u32 @p0 s11, $0xB;
	_ =	strace @p0 $0x8000004C  }
0x67: {  	s13 =	sadd.s32 s21, s13;
	s11 =	sand.u32 @p0 $0x1FFFF800, s11;
	s12 =	rddreg [dreg:$0x5]  }
0x68: {  	s14 =	sadd.s32 @p0 $0x3, s14;
	s11 =	sadd.s32 @p0 s12, s11;
	s12 =	simm.s32 @p0 $0x0  }
0x69: {  	[hbm4b:s11+s12] =	stream.linear.scatter @p0 [tilespmem:s18], [sflag:s14], $0x4000, $0x200038;
	[tilespmem:$0x8100] =	vst v63  }
0x6a: {  	p1 =	por p2, p2;
	s11 =	sand.u32 @!p2 $0x1, s13;
	_ =	strace @p0 $0x9000004C  }
0x6b: {  	s11 =	sadd.s32 @!p1 $0x3, s11;
	_ =	strace @!p1 $0x8000004D  }
0x6c: {  	_ =	swait.ge @!p1 [sflag:s11], $0x4000  }
0x6d: {  	[sflag:s11] =	ssyncset.done @!p1 $0x0  }
0x6e: {  	s10 =	sadd.s32 $0x1, s10;
	[sflag:s11] =	ssyncadd.s32 @!p1 $0xFFFFC000  }
0x6f: {  	p0 =	sne.s32 s10, s6;
	_ =	strace @!p1 $0x9000004D  }
.Ltmp1:
0x70: {  	_ =	strace $0x8000004E;
	(pc) =	sbr.rel @p0 .LBB2_1-.Ltmp1, $4  }
0x71: {  	_ =	swait.ge [sflag:s9], $0x4000  }
0x72: {  	[sflag:s9] =	ssyncset.done $0x0  }
0x73: {  	[sflag:s9] =	ssyncadd.s32 $0xFFFFC000  }
0x74: {  	_ =	strace $0x9000004E  }
0x75: {  	_ =	sfence.sel $0x180000  }
0x76: {  	[bflag:$0x0] =	sbarrier.arrive $0xFFFF  }
0x77: {  	p0 =	sne.s32 s3, $0x0;
	_ =	strace $0x90000047  }
0x78: {  	s0 =	sadd.s32 @!p0 $0x100000, s0;
	[bflag:$0x2] =	sbarrier.arrive $0xFFFF  }
0x79: {  	[sflag:s0] =	ssyncadd.tile.s32 @!p0 $0x1;
	_ =	shalt  }
.Lfunc_end2:
_tile_overlayer_lowered:
.L_overlay_start_2:
0x7a: {  	(tag) =	ssettag $0x2  }
0x7b: {  	s0 =	rddreg [dreg:$0x0];
	s2 =	stileid.u32  }
0x7c: {  	s1 =	rddreg [dreg:$0x1];
	p0 =	sne.s32 s2, $0x0  }
0x7d: {  	s3 =	rddreg [dreg:$0x2];
	[bflag:$0x3] =	sbarrier.arrive $0xFFFF;
	s2 =	simm.s32 @!p0 $0x1C01  }
0x7e: {  	[timem:s3], [sflag:s2] =	dma.local @!p0 [hbm:s0], s1  }
0x7f: {  	s0 =	simm.s32 @!p0 $0x1  }
0x80: {  	_ =	swait.ge @!p0 [sflag:s0], s1  }
0x81: {  	s1 =	ssub.s32 @!p0 $0x0, s1;
	[sflag:s0] =	ssyncset.done @!p0 $0x0  }
0x82: {  	[sflag:s0] =	ssyncadd.s32 @!p0 s1  }
0x83: {  	[bflag:$0x3] =	sbarrier.arrive $0xFFFF  }
0x84: {  	_ =	shalt  }

// kernel: kernel.19.cloned.1.call-start
scs
__scs_entry_jumppad:
0x0: {  	(pc) =	sbr.rel $0x88, $3  }
0x1: {  	(tag) =	ssettag $0x0;
	lr =	simm.s32 $0x1  }
0x2: {  	[smem:$0x3F97] =	sst lr;
	_ =	strace $0xD0000000  }
0x3: {  	_ = 	snop  }
0x4: {  	_ = 	snop  }
0x5: {  	_ = 	snop  }
0x6: {  	_ = 	snop  }
0x7: {  	_ = 	snop  }
__scs_overlays_trampoline_lowered:
0x8: {  	[smem:$0x3FA6] =	sst s0  }
0x9: {  	[smem:$0x3FA7] =	sst s1  }
0xa: {  	[smem:$0x3FA8] =	sst s2  }
0xb: {  	[smem:$0x3FA9] =	sst s3  }
0xc: {  	[smem:$0x3FAA] =	sst s4  }
0xd: {  	[smem:$0x3FAB] =	sst s5  }
0xe: {  	[smem:$0x3FAC] =	sst s6  }
0xf: {  	[smem:$0x3FAD] =	sst s7  }
0x10: {  	[smem:$0x3FAE] =	sst s8  }
0x11: {  	[smem:$0x3FAF] =	sst s9;
	s0 =	simm.s32 @!p0 $0x0  }
0x12: {  	s1 =	sld [smem:$0x3F95];
	s0 =	simm.s32 @p0 $0x1  }
0x13: {  	[smem:$0x3FB0] =	sst s0;
	s0 =	simm.s32 @!p1 $0x0  }
0x14: {  	s2 =	sld [smem:$0x3F94];
	s0 =	simm.s32 @p1 $0x1  }
0x15: {  	[smem:$0x3FB1] =	sst s0;
	s0 =	simm.s32 @!p2 $0x0  }
0x16: {  	s3 =	sld [smem:$0x3FDB];
	s0 =	simm.s32 @p2 $0x1  }
0x17: {  	s4 =	simm.s32 $0x1BF5;
	[smem:$0x3FB3] =	sst s0  }
0x18: {  	s0 =	sld [smem:$0x3F96];
	_ =	swait.ge [sflag:s4], $0x0  }
0x19: {  	s7 =	sld [smem:$0x3F97]  }
0x1a: {  	s8 =	sadd.s32 $0xFFFFE003, lr  }
0x1b: {  	s9 =	sadd.s32 $0xFFFFFEF7, lr;
	s5 =	simm.s32 $0xFFFFFFFF;
	p2 =	slt.u32 s8, $0xFFFFF086  }
0x1c: {  	p1 =	slt.u32 s9, $0xF7A;
	s5 =	simm.s32 @!p2 $0x0  }
0x1d: {  	s5 =	simm.s32 @p1 $0x1;
	p0 =	seq.s32 s7, s2  }
0x1e: {  	s7 =	smul.u32 @!p0 $0xF7A, s2;
	p2 =	seq.s32 @!p0 s5, $0x0  }
0x1f: {  	s9 =	smul.u32 $0xF7A, s1;
	s8 =	simm.s32 @!p0 $0x1BF5;
	p2 =	por !p2, p0  }
0x20: {  	[sflag:s8] =	ssyncset.s32 @!p0 $0xFFFFF086;
	s6 =	sadd.s32 @!p0 s3, s7;
	s7 =	simm.s32 @!p0 $0x108  }
0x21: {  	s3 =	sadd.s32 s3, s9;
	s6 =	sadd.s32 @!p0 $0x88, s6;
	s7 =	simm.s32 @p2 $0x1082  }
0x22: {  	[simem:s7], [sflag:s8] =	dma.local @!p0 [hbm:s6], $0xF7A  }
0x23: {  	s9 =	sor.u32 $0xD0000000, s2;
	s6 =	simm.s32 $0x108;
	_ =	swait.ge @!p0 [sflag:s8], $0x0  }
0x24: {  	s3 =	sadd.s32 $0x88, s3;
	s6 =	simm.s32 @!p1 $0x1082;
	[sflag:s4] =	ssyncset.s32 $0xFFFFF086  }
0x25: {  	[simem:s6], [sflag:s4] =	dma.local [hbm:s3], $0xF7A  }
0x26: {  	[smem:$0x3F97] =	sst s1;
	(tag) =	ssettag s2;
	_ =	strace s9  }
0x27: {  	s1 =	sld [smem:$0x3FA7]  }
0x28: {  	s2 =	sld [smem:$0x3FA8]  }
0x29: {  	s4 =	sld [smem:$0x3FAA]  }
0x2a: {  	p0 =	seq.s32 s5, $0x0;
	s5 =	sld [smem:$0x3FAB]  }
0x2b: {  	s6 =	sld [smem:$0x3FAC]  }
0x2c: {  	s7 =	sld [smem:$0x3FAD]  }
0x2d: {  	s3 =	simm.s32 $0x108;
	s8 =	sld [smem:$0x3FAE]  }
0x2e: {  	s3 =	simm.s32 @!p0 $0x1082;
	s9 =	sld [smem:$0x3FAF]  }
0x2f: {  	lr =	sadd.s32 s0, s3;
	s0 =	sld [smem:$0x3FA6]  }
0x30: {  	s3 =	sld [smem:$0x3FA9]  }
0x31: {  	[smem:$0x3FB2] =	sst s10  }
0x32: {  	s10 =	sld [smem:$0x3FB0];
	_ =	sdelay $0x3  }
0x33: {  	p0 =	seq.s32 s10, $0x1;
	s10 =	sld [smem:$0x3FB2];
	_ =	sdelay $0x3  }
0x34: {  	[smem:$0x3FB2] =	sst s10  }
0x35: {  	s10 =	sld [smem:$0x3FB1];
	_ =	sdelay $0x3  }
0x36: {  	p1 =	seq.s32 s10, $0x1;
	s10 =	sld [smem:$0x3FB2];
	_ =	sdelay $0x3  }
0x37: {  	[smem:$0x3FB2] =	sst s10  }
0x38: {  	s10 =	sld [smem:$0x3FB3]  }
0x39: {  	_ = 	snop;
	(pc) =	sbr.ind lr, $3  }
0x3a: {  	_ = 	snop  }
0x3b: {  	_ = 	snop  }
0x3c: {  	p2 =	seq.s32 s10, $0x1;
	s10 =	sld [smem:$0x3FB2]  }
0x3d: {  	_ =	shalt  }
0x3e: {  	_ =	shalt  }
0x3f: {  	_ =	shalt  }
0x40: {  	_ =	shalt  }
0x41: {  	_ =	shalt  }
0x42: {  	_ =	shalt  }
0x43: {  	_ =	shalt  }
0x44: {  	_ =	shalt  }
0x45: {  	_ =	shalt  }
0x46: {  	_ =	shalt  }
0x47: {  	_ =	shalt  }
0x48: {  	_ =	shalt  }
0x49: {  	_ =	shalt  }
0x4a: {  	_ =	shalt  }
0x4b: {  	_ =	shalt  }
0x4c: {  	_ =	shalt  }
0x4d: {  	_ =	shalt  }
0x4e: {  	_ =	shalt  }
0x4f: {  	_ =	shalt  }
0x50: {  	_ =	shalt  }
0x51: {  	_ =	shalt  }
0x52: {  	_ =	shalt  }
0x53: {  	_ =	shalt  }
0x54: {  	_ =	shalt  }
0x55: {  	_ =	shalt  }
0x56: {  	_ =	shalt  }
0x57: {  	_ =	shalt  }
0x58: {  	_ =	shalt  }
0x59: {  	_ =	shalt  }
0x5a: {  	_ =	shalt  }
0x5b: {  	_ =	shalt  }
0x5c: {  	_ =	shalt  }
0x5d: {  	_ =	shalt  }
0x5e: {  	_ =	shalt  }
0x5f: {  	_ =	shalt  }
0x60: {  	_ =	shalt  }
0x61: {  	_ =	shalt  }
0x62: {  	_ =	shalt  }
0x63: {  	_ =	shalt  }
0x64: {  	_ =	shalt  }
0x65: {  	_ =	shalt  }
0x66: {  	_ =	shalt  }
0x67: {  	_ =	shalt  }
0x68: {  	_ =	shalt  }
0x69: {  	_ =	shalt  }
0x6a: {  	_ =	shalt  }
0x6b: {  	_ =	shalt  }
0x6c: {  	_ =	shalt  }
0x6d: {  	_ =	shalt  }
0x6e: {  	_ =	shalt  }
0x6f: {  	_ =	shalt  }
0x70: {  	_ =	shalt  }
0x71: {  	_ =	shalt  }
0x72: {  	_ =	shalt  }
0x73: {  	_ =	shalt  }
0x74: {  	_ =	shalt  }
0x75: {  	_ =	shalt  }
0x76: {  	_ =	shalt  }
0x77: {  	_ =	shalt  }
0x78: {  	_ =	shalt  }
0x79: {  	_ =	shalt  }
0x7a: {  	_ =	shalt  }
0x7b: {  	_ =	shalt  }
0x7c: {  	_ =	shalt  }
0x7d: {  	_ =	shalt  }
0x7e: {  	_ =	shalt  }
0x7f: {  	_ =	shalt  }
0x80: {  	_ =	shalt  }
0x81: {  	_ =	shalt  }
0x82: {  	_ =	shalt  }
0x83: {  	_ =	shalt  }
0x84: {  	_ =	shalt  }
0x85: {  	_ =	shalt  }
0x86: {  	_ =	shalt  }
0x87: {  	_ =	shalt  }
.Lfunc_end0:
.L_simem_size_0:
called_computation.3_lowered:
.L_overlay_start_0:
0x88: {  	s2 =	sld [smem:$0x3FD9]  }
0x89: {  	s3 =	sld [smem:$0x3FFE];
	_ =	sdelay $0x1  }
0x8a: {  	s1 =	srdreg.scid  }
0x8b: {  	s0 =	sand.u32 $0x1, s1  }
0x8c: {  	s17 =	sshll.u32 s0, $0xA;
	s2 =	sadd.s32 s3, s2  }
0x8d: {  	s2 =	sadd.s32 s2, s17  }
0x8e: {  	[smem:$0x3FBE] =	sst s2  }
0x8f: {  	_ = 	snop  }
0x90: {  	(tm) =	ssettm $0x1  }
0x91: {  	s18 =	sld [smem:$0x3FFB];
	_ =	sdelay $0x3  }
0x92: {  	_ =	strace s18  }
0x93: {  	s2 =	sld [smem:$0x3FFC];
	_ =	sdelay $0x3  }
0x94: {  	_ =	strace s2  }
0x95: {  	s2 =	sld [smem:$0x3FFD];
	_ =	sdelay $0x3  }
0x96: {  	_ =	strace s2  }
0x97: {  	_ =	strace $0x8FFFFFFF  }
0x98: {  	s19 =	sld [smem:$0x3FDB];
	_ =	sdelay $0x1  }
0x99: {  	s20 =	simm.s32 $_scs_section_size  }
0x9a: {  	s4 =	simm.s32 $_size__tile_overlayer_lowered;
	s5 =	simm.s32 $_tile_overlayer_lowered  }
0x9b: {  	s6 =	simm.s32 $0x1BFF;
	s21 =	sshll.u32 s5, $0x1;
	s3 =	sadd.s32 s20, s19  }
0x9c: {  	s22 =	simm.s32 $0x0;
	s4 =	sshll.u32 s4, $0x1;
	s5 =	sadd.s32 s21, s3  }
0x9d: {  	[timem:s22], [sflag:s6] =	dma.local [hbm:s5], s4  }
0x9e: {  	_ =	swait.ge [sflag:s6], s4  }
0x9f: {  	s4 =	ssub.s32 $0x0, s4;
	[sflag:s6] =	ssyncset.done $0x0  }
0xa0: {  	[sflag:s6] =	ssyncadd.s32 s4;
	_ =	sdelay $0x1  }
0xa1: {  	s23 =	simm.s32 $0x1B8B  }
0xa2: {  	_ =	swait.ge [sflag:s23], $0x1  }
0xa3: {  	[sflag:s23] =	ssyncset.done $0x0  }
0xa4: {  	[sflag:s23] =	ssyncadd.s32 $0xFFFFFFFF  }
0xa5: {  	s4 =	sld [smem:$0x0]  }
0xa6: {  	s5 =	sand.u32 $0xFFFFFFFE, s1  }
0xa7: {  	p0 =	sne.s32 s1, s5  }
0xa8: {  	s5 =	sshll.u32 @p0 s5, $0xE  }
0xa9: {  	s5 =	sadd.s32 @p0 $0x11B8D, s5;
	s6 =	sshll.u32 @p0 s4, $0x11  }
0xaa: {  	s5 =	sor.u32 @p0 s6, s5  }
0xab: {  	[sflag:s5] =	ssyncadd.remote.s32 @p0 $0x1;
	_ =	sdelay $0x1  }
0xac: {  	s5 =	simm.s32 @p0 $0x1B8D  }
0xad: {  	_ =	swait.eq @p0 [sflag:s5], $0x1  }
0xae: {  	[sflag:s5] =	ssyncadd.s32 @p0 $0xFFFFFFFF  }
0xaf: {  	s6 =	sshll.u32 @!p0 s1, $0xE  }
0xb0: {  	s6 =	sor.u32 @!p0 $0x4000, s6;
	s5 =	simm.s32 @!p0 $0x1B8D  }
0xb1: {  	s4 =	sshll.u32 @!p0 s4, $0x11;
	s6 =	sadd.s32 @!p0 $0x11B8D, s6;
	_ =	swait.eq @!p0 [sflag:s5], $0x1  }
0xb2: {  	s4 =	sor.u32 @!p0 s4, s6;
	[sflag:s5] =	ssyncadd.s32 @!p0 $0xFFFFFFFF  }
0xb3: {  	s25 =	simm.s32 $0x1B8E;
	s24 =	sld [smem:$0x3FFE];
	[sflag:s4] =	ssyncadd.remote.s32 @!p0 $0x1  }
0xb4: {  	s26 =	simm.s32 $execute0_lowered;
	[smem:$0x3FD2] =	sst s25  }
0xb5: {  	s5 =	sshll.u32 s26, $0x1;
	_ =	strace $0x80000050;
	[dreg:$0x1] =	wrdreg $0xFFFFFFFF  }
0xb6: {  	s28 =	simm.s32 $_size_execute0_lowered;
	s3 =	sadd.s32 s3, s5;
	[dreg:$0x0] =	wrdreg $0x0  }
0xb7: {  	s5 =	sshll.u32 s28, $0x1;
	[dreg:$0x2] =	wrdreg s3  }
0xb8: {  	[dreg:$0x3] =	wrdreg s5  }
0xb9: {  	[dreg:$0x4] =	wrdreg $0xC0  }
0xba: {  	_ =	task [dreg:s22], $0x5FFFF  }
0xbb: {  	[dreg:$0x1] =	wrdreg $0xFFFFFFFF  }
0xbc: {  	[dreg:$0x0] =	wrdreg $0x60  }
0xbd: {  	[dreg:$0x2] =	wrdreg s24  }
0xbe: {  	[dreg:$0x3] =	wrdreg $0xC  }
0xbf: {  	_ =	task.clear_ibuf [dreg:s22], $0x4FFFF;
	_ =	strace $0x90000050  }
0xc0: {  	s29 =	simm.s32 $0xC;
	_ =	strace $0x80000059  }
0xc1: {  	_ =	swait.ge [sflag:s29], $0x1  }
0xc2: {  	[sflag:s29] =	ssyncadd.s32 $0xFFFFFFFF  }
0xc3: {  	_ =	strace $0x90000059  }
0xc4: {  	_ =	sfence  }
0xc5: {  	s30 =	sld [smem:$0x0];
	_ =	sdelay $0x2  }
0xc6: {  	s31 =	sshll.u32 s1, $0xD;
	s1 =	sshrl.u32 s1, $0x2  }
0xc7: {  	s4 =	sand.u32 $0x4000, s31;
	s1 =	sadd.s32 s1, s30  }
0xc8: {  	s0 =	sor.u32 s4, s0;
	s1 =	sshll.u32 s1, $0x11  }
0xc9: {  	s0 =	sor.u32 s1, s0  }
0xca: {  	s0 =	sadd.s32 $0x8F2B, s0  }
0xcb: {  	[sflag:s0] =	ssyncadd.remote.s32 $0x1  }
0xcc: {  	_ =	sfence.sel $0xFFFF  }
0xcd: {  	[dreg:$0x0] =	wrdreg $0xFFFFFFFF;
	(pc) =	sbr.abs _section_cstart, $3  }
0xce: {  	[dreg:$0x1] =	wrdreg $0xFFFFFFFF  }
0xcf: {  	_ =	task.clear_ibuf [dreg:s22], $0x2FFFF;
	_ =	strace $0x9FFFFFFF  }
0xd0: {  	(tm) =	ssettm $0x7FFFFFFF  }
0xd1: {  	_ =	shalt  }
tec
execute0_lowered:
.L_overlay_start_1:
0x0: {  	(tag) =	ssettag $0x1  }
0x1: {  	s0 =	rddreg [dreg:$0x0];
	s1 =	srdreg.scid  }
0x2: {  	s2 =	rddreg [dreg:$0x1];
	s3 =	simm.s32 $0x0;
	s1 =	sand.u32 $0x1, s1  }
0x3: {  	[smem:$0x7FF] =	sst s3;
	s3 =	stileid.u32;
	p0 =	seq.s32 s1, $0x1  }
0x4: {  	_ =	strace $0x80000051;
	s1 =	sadd.s32 $0x262800, s0;
	s4 =	sshll.u32 @!p0 s3, $0x4  }
0x5: {  	_ =	strace @!p0 $0x80000052;
	s1 =	sadd.s32 @!p0 s1, s4;
	s4 =	simm.s32 @!p0 $0x0  }
0x6: {  	[tilespmem:s4], [sflag:$0x1] =	stream.linear.gather @!p0 [hbm4b:s1+s4], $0x80, $0x200038;
	[tilespmem:$0x8100] =	vst v63  }
0x7: {  	_ =	strace @!p0 $0x90000052  }
0x8: {  	s1 =	simm.s32 @!p0 $0x1;
	_ =	strace @!p0 $0x80000054  }
0x9: {  	_ =	swait.ge @!p0 [sflag:s1], $0x80  }
0xa: {  	[sflag:s1] =	ssyncset.done @!p0 $0x0  }
0xb: {  	[sflag:s1] =	ssyncadd.s32 @!p0 $0xFFFFFF80  }
0xc: {  	s5 =	simm.s32 @!p0 $0x80;
	_ =	strace @!p0 $0x90000054  }
0xd: {  	s6 =	simm.s32 @!p0 $0x100;
	s1 =	sadd.s32 $0x182800, s0;
	_ =	strace @!p0 $0x80000055  }
0xe: {  	[tilespmem:s6], [sflag:$0x5] =	stream.indirect.gather @!p0 [hbm4b:s1+s5], $0x80, s4, s5, $0x2000b8;
	[tilespmem:$0x8100] =	vst v63  }
0xf: {  	s1 =	simm.s32 @!p0 $0x5  }
0x10: {  	_ =	swait.ge @!p0 [sflag:s1], $0x4000  }
0x11: {  	[sflag:s1] =	ssyncset.done @!p0 $0x0  }
0x12: {  	s0 =	sadd.s32 $0x262C00, s0;
	[sflag:s1] =	ssyncadd.s32 @!p0 $0xFFFFC000  }
0x13: {  	s1 =	sshll.u32 @!p0 s3, $0xB;
	_ =	strace @!p0 $0x90000055  }
0x14: {  	s0 =	sadd.s32 @!p0 s0, s1;
	_ =	strace @!p0 $0x80000056  }
0x15: {  	[hbm4b:s0+s4] =	stream.linear.scatter @!p0 [tilespmem:s6], [sflag:$0x3], $0x4000, $0x200038;
	[tilespmem:$0x8100] =	vst v63  }
0x16: {  	_ =	strace @!p0 $0x90000056  }
0x17: {  	s0 =	simm.s32 @!p0 $0x3;
	_ =	strace @!p0 $0x80000058  }
0x18: {  	_ =	swait.ge @!p0 [sflag:s0], $0x4000  }
0x19: {  	[sflag:s0] =	ssyncset.done @!p0 $0x0  }
0x1a: {  	[sflag:s0] =	ssyncadd.s32 @!p0 $0xFFFFC000  }
0x1b: {  	_ =	strace @!p0 $0x90000058  }
0x1c: {  	_ =	sfence.sel $0x180000  }
0x1d: {  	[bflag:$0x0] =	sbarrier.arrive $0xFFFF  }
0x1e: {  	p0 =	sne.s32 s3, $0x0;
	_ =	strace $0x90000051  }
0x1f: {  	s0 =	sadd.s32 @!p0 $0x100000, s2;
	[bflag:$0x2] =	sbarrier.arrive $0xFFFF  }
0x20: {  	[sflag:s0] =	ssyncadd.tile.s32 @!p0 $0x1;
	_ =	shalt  }
.Lfunc_end2:
_tile_overlayer_lowered:
.L_overlay_start_2:
0x21: {  	(tag) =	ssettag $0x2  }
0x22: {  	s0 =	rddreg [dreg:$0x0];
	s2 =	stileid.u32  }
0x23: {  	s1 =	rddreg [dreg:$0x1];
	p0 =	sne.s32 s2, $0x0  }
0x24: {  	s3 =	rddreg [dreg:$0x2];
	[bflag:$0x3] =	sbarrier.arrive $0xFFFF;
	s2 =	simm.s32 @!p0 $0x1C01  }
0x25: {  	[timem:s3], [sflag:s2] =	dma.local @!p0 [hbm:s0], s1  }
0x26: {  	s0 =	simm.s32 @!p0 $0x1  }
0x27: {  	_ =	swait.ge @!p0 [sflag:s0], s1  }
0x28: {  	s1 =	ssub.s32 @!p0 $0x0, s1;
	[sflag:s0] =	ssyncset.done @!p0 $0x0  }
0x29: {  	[sflag:s0] =	ssyncadd.s32 @!p0 s1  }
0x2a: {  	[bflag:$0x3] =	sbarrier.arrive $0xFFFF  }
0x2b: {  	_ =	shalt  }

</sc_bundles>
